<compile_context>
chip_gen: v7x
topology: tpu7x:2x2x1
jax: 0.10.2.dev20260603
libtpu: 0.0.44.dev20260713+nightly
codegen_flags: <defaults>
</compile_context>

<pallas_src>
import functools

import jax
import jax.numpy as jnp
from jax import lax
from jax.experimental import pallas as pl
from jax.experimental.pallas import tpu as pltpu
from jax.experimental.pallas import tpu_sc as plsc

T = 2048
C = 1024
E = 8
H = 4096
BLK = 256
NBLK = 24
NPAD = NBLK * BLK
NPF = NPAD - 2 * T
NH = 4
HT = H // NH
NC, NS = 2, 16
NW = NC * NS
PER = NPAD // NW
WCH = 32
NCH = PER // WCH
WLN = 128


def _gating_body(x_ref, gw_ref, gb_ref, dest_ref, wrep_ref, blk_ref):
    logits = lax.dot_general(
        x_ref[...].astype(jnp.bfloat16), gw_ref[...].astype(jnp.bfloat16),
        (((1,), (0,)), ((), ())),
        preferred_element_type=jnp.float32) + gb_ref[...]

    it8 = lax.broadcasted_iota(jnp.int32, (T, E), 1)
    m1 = jnp.max(logits, axis=1, keepdims=True)
    i1 = jnp.min(jnp.where(logits == m1, it8, E), axis=1, keepdims=True)
    l2 = jnp.where(it8 == i1, -jnp.inf, logits)
    m2 = jnp.max(l2, axis=1, keepdims=True)
    i2 = jnp.min(jnp.where(l2 == m2, it8, E), axis=1, keepdims=True)

    t = jnp.exp(m2 - m1)
    nw0 = 1.0 / (1.0 + t)
    nw1 = t / (1.0 + t)

    oh0 = (it8 == i1).astype(jnp.float32)
    oh1 = (it8 == i2).astype(jnp.float32)

    r_io = lax.broadcasted_iota(jnp.int32, (T, T), 0)
    c_io = lax.broadcasted_iota(jnp.int32, (T, T), 1)
    tri = (r_io > c_io).astype(jnp.float32)
    dots = (((1,), (0,)), ((), ()))
    pos0 = lax.dot_general(tri, oh0, dots, preferred_element_type=jnp.float32)
    pos1 = lax.dot_general(tri, oh1, dots, preferred_element_type=jnp.float32)

    c0 = jnp.sum(oh0, axis=0, keepdims=True)
    c1 = jnp.sum(oh1, axis=0, keepdims=True)
    cnt = c0 + c1
    pad = jnp.ceil(cnt / BLK) * BLK

    e_r = lax.broadcasted_iota(jnp.int32, (E, E), 0)
    e_c = lax.broadcasted_iota(jnp.int32, (E, E), 1)
    upper = (e_r < e_c).astype(jnp.float32)
    off = lax.dot_general(pad, upper, dots, preferred_element_type=jnp.float32)

    dest0 = jnp.sum(oh0 * (off + pos0), axis=1, keepdims=True)
    dest1 = jnp.sum(oh1 * (off + c0 + pos1), axis=1, keepdims=True)

    q = pad - cnt
    qx = lax.dot_general(q, upper, dots, preferred_element_type=jnp.float32)
    q8 = jnp.sum(q, axis=1, keepdims=True)
    j = lax.broadcasted_iota(jnp.int32, (T, 1), 0).astype(jnp.float32)
    in_e = ((j >= qx) & (j < qx + q)).astype(jnp.float32)
    dp_in = jnp.sum(in_e * (off + cnt + j - qx), axis=1, keepdims=True)
    dest_pad = jnp.where(j < q8, dp_in, float(2 * T) + j)

    dest_ref[...] = jnp.concatenate(
        [dest0, dest1, dest_pad], axis=1).astype(jnp.int32)
    wrep_ref[0:T, :] = jnp.broadcast_to(nw0, (T, WLN))
    wrep_ref[T:2 * T, :] = jnp.broadcast_to(nw1, (T, WLN))
    wrep_ref[2 * T:, :] = jnp.zeros((NPF, WLN), jnp.float32)

    sb = lax.broadcasted_iota(jnp.int32, (NBLK, 1), 0).astype(jnp.float32) * BLK
    blk = jnp.sum((sb >= off).astype(jnp.int32), axis=1, keepdims=True) - 1
    blk_ref[...] = jnp.clip(blk, 0, E - 1)


def _gating(x_flat, gate_w, gate_b):
    return pl.pallas_call(
        _gating_body,
        out_shape=(
            jax.ShapeDtypeStruct((T, 3), jnp.int32),
            jax.ShapeDtypeStruct((NPAD, WLN), jnp.float32),
            jax.ShapeDtypeStruct((NBLK, 1), jnp.int32),
        ),
    )(x_flat, gate_w, gate_b.reshape(1, E))


def _dispatch(xb3, dest3, destf, tok3, w_rep):
    mesh = plsc.VectorSubcoreMesh(core_axis_name="c", subcore_axis_name="s")

    @functools.partial(
        pl.kernel, mesh=mesh,
        out_type=(jax.ShapeDtypeStruct((NPAD, C), jnp.float32),
                  jax.ShapeDtypeStruct((NPAD, WLN), jnp.float32)),
        scratch_types=[pltpu.VMEM((NCH, WCH), jnp.int32),
                       pltpu.VMEM((NCH, WCH), jnp.int32),
                       pltpu.VMEM((PER,), jnp.int32),
                       pltpu.VMEM((WCH, C), jnp.float32),
                       pltpu.VMEM((WCH, C), jnp.float32),
                       pltpu.VMEM((PER, WLN), jnp.float32),
                       pltpu.SemaphoreType.DMA,
                       pltpu.SemaphoreType.DMA,
                       pltpu.SemaphoreType.DMA,
                       pltpu.SemaphoreType.DMA,
                       pltpu.SemaphoreType.DMA])
    def k(x_hbm, dest_hbm, destf_hbm, tok_hbm, w_hbm, xs_hbm, sw_hbm,
          tid_v, did_v, dif_v, buf_a, buf_b, wbuf, ga, gb, sa, sb_, ws):
        wid = lax.axis_index("s") * NC + lax.axis_index("c")
        pltpu.sync_copy(tok_hbm.at[wid], tid_v)
        pltpu.sync_copy(dest_hbm.at[wid], did_v)
        pltpu.sync_copy(destf_hbm.at[wid], dif_v)
        pltpu.sync_copy(w_hbm.at[wid], wbuf)
        wsc = pltpu.async_copy(wbuf, sw_hbm.at[dif_v], ws)

        bufs = (buf_a, buf_b)
        gsem = (ga, gb)
        ssem = (sa, sb_)
        gh = [None] * NCH
        sh = [None] * NCH
        gh[0] = pltpu.async_copy(x_hbm.at[tid_v.at[0]], bufs[0], gsem[0])
        for kk in range(NCH):
            cur = kk % 2
            gh[kk].wait()
            if kk + 1 < NCH:
                nxt = (kk + 1) % 2
                if kk >= 1:
                    sh[kk - 1].wait()
                gh[kk + 1] = pltpu.async_copy(
                    x_hbm.at[tid_v.at[kk + 1]], bufs[nxt], gsem[nxt])
            sh[kk] = pltpu.async_copy(bufs[cur], xs_hbm.at[did_v.at[kk]],
                                      ssem[cur])
        sh[NCH - 2].wait()
        sh[NCH - 1].wait()
        wsc.wait()

    return k(xb3, dest3, destf, tok3, w_rep)


_GA1, _GA2, _GA3 = 0.254829592, -0.284496736, 1.421413741
_GA4, _GA5, _GP = -1.453152027, 1.061405429, 0.3275911


def _erf(z):
    s = jnp.sign(z)
    az = jnp.abs(z)
    t = 1.0 / (1.0 + _GP * az)
    poly = ((((_GA5 * t + _GA4) * t + _GA3) * t + _GA2) * t + _GA1) * t
    return s * (1.0 - poly * jnp.exp(-az * az))


def _ffn_body(blk_ref, xs_ref, sw_ref, w1_ref, b1_ref, w2_ref, b2_ref,
              ys_ref):
    h_idx = pl.program_id(1)
    hb = (lax.dot_general(
        xs_ref[...].astype(jnp.bfloat16), w1_ref[0], (((1,), (0,)), ((), ())),
        preferred_element_type=jnp.float32) + b1_ref[0, 0]
          ).astype(jnp.bfloat16)
    half = jnp.bfloat16(0.5)
    one = jnp.bfloat16(1.0)
    act = half * hb * (one + _erf(hb * jnp.bfloat16(0.7071067811865476)))
    part = lax.dot_general(
        act, w2_ref[0], (((1,), (0,)), ((), ())),
        preferred_element_type=jnp.float32)

    @pl.when(h_idx == 0)
    def _():
        ys_ref[...] = part + b2_ref[0]

    @pl.when(h_idx > 0)
    def _():
        ys_ref[...] += part

    @pl.when(h_idx == NH - 1)
    def _():
        ys_ref[...] *= sw_ref[...][:, :1]


def _ffn(blk_e, xs, sw, w1b, b1, w2b, b2):
    grid_spec = pltpu.PrefetchScalarGridSpec(
        num_scalar_prefetch=1,
        grid=(NBLK, NH),
        in_specs=[
            pl.BlockSpec((BLK, C), lambda b, h, be: (b, 0)),
            pl.BlockSpec((BLK, WLN), lambda b, h, be: (b, 0)),
            pl.BlockSpec((1, C, HT), lambda b, h, be: (be[b], 0, h)),
            pl.BlockSpec((1, 1, 1, HT), lambda b, h, be: (be[b], h, 0, 0)),
            pl.BlockSpec((1, HT, C), lambda b, h, be: (be[b], h, 0)),
            pl.BlockSpec((1, 1, C), lambda b, h, be: (be[b], 0, 0)),
        ],
        out_specs=pl.BlockSpec((BLK, C), lambda b, h, be: (b, 0)),
    )
    return pl.pallas_call(
        _ffn_body,
        grid_spec=grid_spec,
        out_shape=jax.ShapeDtypeStruct((NPAD, C), jnp.float32),
    )(blk_e, xs, sw, w1b, b1.reshape(E, NH, 1, HT), w2b, b2.reshape(E, 1, C))


def _combine(ys, d0, d1):
    mesh = plsc.VectorSubcoreMesh(core_axis_name="c", subcore_axis_name="s")

    @functools.partial(
        pl.kernel, mesh=mesh,
        out_type=jax.ShapeDtypeStruct((T, C), jnp.float32),
        scratch_types=[pltpu.VMEM((WCH,), jnp.int32),
                       pltpu.VMEM((WCH,), jnp.int32),
                       pltpu.VMEM((WCH, C), jnp.float32),
                       pltpu.VMEM((WCH, C), jnp.float32),
                       pltpu.SemaphoreType.DMA])
    def k(ys_hbm, d0_hbm, d1_hbm, out_hbm, i0_v, i1_v, g0, g1, sem):
        wid = lax.axis_index("s") * NC + lax.axis_index("c")
        per = T // NW
        for kk in range(per // WCH):
            base = wid * per + kk * WCH
            pltpu.sync_copy(d0_hbm.at[0, pl.ds(base, WCH)], i0_v)
            pltpu.sync_copy(d1_hbm.at[0, pl.ds(base, WCH)], i1_v)
            pltpu.async_copy(ys_hbm.at[i0_v], g0, sem).wait()
            pltpu.async_copy(ys_hbm.at[i1_v], g1, sem).wait()

            @pl.loop(0, WCH)
            def _(r):
                for cc in range(0, C, 16):
                    g0[r, pl.ds(cc, 16)] = (g0[r, pl.ds(cc, 16)]
                                            + g1[r, pl.ds(cc, 16)])

            pltpu.sync_copy(g0, out_hbm.at[pl.ds(base, WCH)])

    return k(ys, d0, d1)


def kernel(x, gate_w, gate_b, w1, b1, w2, b2):
    B, Tb, Cb = x.shape
    x_flat = x.reshape(T, C)

    dest_out, w_rep, blk_e = _gating(x_flat, gate_w, gate_b)

    dest_flat = jnp.concatenate(
        [dest_out[:, 0], dest_out[:, 1], dest_out[:NPF, 2]])
    tok = jnp.arange(T, dtype=jnp.int32)
    tok_flat = jnp.concatenate([tok, tok, jnp.zeros((NPF,), jnp.int32)])

    xs, sw = _dispatch(x_flat,
                       dest_flat.reshape(NW, NCH, WCH),
                       dest_flat.reshape(NW, PER),
                       tok_flat.reshape(NW, NCH, WCH),
                       w_rep.reshape(NW, PER, WLN))

    ys = _ffn(blk_e.reshape(NBLK), xs, sw,
              w1.astype(jnp.bfloat16), b1, w2.astype(jnp.bfloat16), b2)

    d0 = dest_out[:, 0].reshape(1, T)
    d1 = dest_out[:, 1].reshape(1, T)
    out = _combine(ys, d0, d1)
    return out.reshape(B, Tb, Cb)

# --- scband reference (transcript-rebuilt; emitter-appended) ---
"""Pipeline reference for scband-sparse-expert-layer-36790689858310 (READ-ONLY COPY).

The authoritative reference and input builder live on the scoring server;
editing this copy changes nothing except your own understanding.
"""

import jax, jax.numpy as jnp
import numpy as np

N_EMBD = 1024
NUM_EXPERTS = 8
NUM_ACTIVE = 2


def setup_inputs(seed: int = 0) -> dict:
    key = jax.random.key(seed)
    ks = jax.random.split(key, 8)
    B, T, C = 1, 2048, N_EMBD
    x = jax.random.normal(ks[0], (B, T, C), dtype=jnp.float32)
    gate_w = jax.random.normal(ks[1], (C, NUM_EXPERTS), dtype=jnp.float32) * 0.02
    gate_b = jnp.zeros((NUM_EXPERTS,), dtype=jnp.float32)
    w1 = jax.random.normal(ks[2], (NUM_EXPERTS, C, 4 * C), dtype=jnp.float32) * 0.02
    b1 = jnp.zeros((NUM_EXPERTS, 4 * C), dtype=jnp.float32)
    w2 = jax.random.normal(ks[3], (NUM_EXPERTS, 4 * C, C), dtype=jnp.float32) * 0.02
    b2 = jnp.zeros((NUM_EXPERTS, C), dtype=jnp.float32)
    return {"x": x, "gate_w": gate_w, "gate_b": gate_b, "w1": w1, "b1": b1, "w2": w2, "b2": b2}


def reference(x, gate_w, gate_b, w1, b1, w2, b2):
    B, T, C = x.shape
    x_flat = x.reshape(-1, C)
    # gating
    gate_logits = x_flat @ gate_w + gate_b
    gates = jax.nn.softmax(gate_logits, axis=-1)
    expert_weights, expert_indices = jax.lax.top_k(gates, NUM_ACTIVE)
    expert_weights = expert_weights / jnp.sum(expert_weights, axis=-1, keepdims=True)
    final_output = jnp.zeros_like(x_flat)
    # dense-masked equivalent of torch boolean-mask routing:
    # per-token weight for expert e is the normalized top-k gate value if
    # e is among the token's top-k experts, else 0 (top_k indices are unique,
    # so the sum picks exactly the matching slot's weight).
    for e in range(NUM_EXPERTS):
        w = jnp.sum(expert_weights * (expert_indices == e).astype(x_flat.dtype), axis=-1)
        h = jax.nn.gelu(x_flat @ w1[e] + b1[e], approximate=False)
        y = h @ w2[e] + b2[e]
        final_output = final_output + y * w[:, None]
    # dropout is identity in eval mode
    return final_output.reshape(B, T, C)

if __name__ == "__main__":
    import jax
    _d = setup_inputs()
    print(jax.jit(kernel)(*tuple(_d.values())))

</pallas_src>

<mosaic_0001>
#map = affine_map<(d0, d1) -> (0, 0)>
#map1 = affine_map<(d0, d1) -> (0, 0, 0)>
module attributes {stable_mosaic.version = 14 : i64} {
  func.func @k(%arg0: i32, %arg1: i32, %arg2: memref<2048x1024xf32, #tpu.memory_space<hbm>>, %arg3: memref<32x6x32xi32, #tpu.memory_space<hbm>>, %arg4: memref<32x192xi32, #tpu.memory_space<hbm>>, %arg5: memref<32x6x32xi32, #tpu.memory_space<hbm>>, %arg6: memref<32x192x128xf32, #tpu.memory_space<hbm>>, %arg7: memref<6144x1024xf32, #tpu.memory_space<hbm>>, %arg8: memref<6144x128xf32, #tpu.memory_space<hbm>>, %arg9: memref<6x32xi32, #tpu.memory_space<vmem>>, %arg10: memref<6x32xi32, #tpu.memory_space<vmem>>, %arg11: memref<192xi32, #tpu.memory_space<vmem>>, %arg12: memref<32x1024xf32, #tpu.memory_space<vmem>>, %arg13: memref<32x1024xf32, #tpu.memory_space<vmem>>, %arg14: memref<192x128xf32, #tpu.memory_space<vmem>>, %arg15: memref<!tpu.dma_semaphore, #tpu.memory_space<semaphore_mem>>, %arg16: memref<!tpu.dma_semaphore, #tpu.memory_space<semaphore_mem>>, %arg17: memref<!tpu.dma_semaphore, #tpu.memory_space<semaphore_mem>>, %arg18: memref<!tpu.dma_semaphore, #tpu.memory_space<semaphore_mem>>, %arg19: memref<!tpu.dma_semaphore, #tpu.memory_space<semaphore_mem>>) attributes {dimension_semantics = [#tpu.dimension_semantics<core_parallel>, #tpu.dimension_semantics<subcore_parallel>], iteration_bounds = array<i64: 2, 16>, scalar_prefetch = 0 : i64, scratch_operands = 11 : i64, tpu.core_type = #tpu.core_type<sc_vector_subcore>, window_params = [{transform_indices = #map}, {transform_indices = #map1}, {transform_indices = #map}, {transform_indices = #map1}, {transform_indices = #map1}, {transform_indices = #map}, {transform_indices = #map}]} {
    %mul3A = arith.constant 2 : i32
    %mul3A_0 = arith.muli %arg1, %mul3A : i32
    %add3A = arith.addi %mul3A_0, %arg0 : i32
    "tpu.region"() ({
      %run_scoped3A = tpu.sem_alloc : memref<!tpu.dma_semaphore, #tpu.memory_space<semaphore_mem>>
      %dma_start3A_173 = arith.constant 0 : i32
      %dma_start3A_174 = arith.constant 0 : i32
      %dma_start3A_175 = tpu.memref_slice %arg5[%add3A, %dma_start3A_173, %dma_start3A_174] : memref<32x6x32xi32, #tpu.memory_space<hbm>> -> memref<1x6x32xi32, #tpu.memory_space<hbm>>
      %dma_start3A_176 = tpu.memref_squeeze %dma_start3A_175 : memref<1x6x32xi32, #tpu.memory_space<hbm>> -> memref<6x32xi32, #tpu.memory_space<hbm>>
      %dma_start3A_177 = arith.constant 0 : i32
      %dma_start3A_178 = arith.constant 0 : i32
      %dma_start3A_179 = tpu.memref_slice %arg5[%add3A, %dma_start3A_177, %dma_start3A_178] : memref<32x6x32xi32, #tpu.memory_space<hbm>> -> memref<1x6x32xi32, #tpu.memory_space<hbm>>
      %dma_start3A_180 = tpu.memref_squeeze %dma_start3A_179 : memref<1x6x32xi32, #tpu.memory_space<hbm>> -> memref<6x32xi32, #tpu.memory_space<hbm>>
      tpu.enqueue_dma source(%dma_start3A_180 : memref<6x32xi32, #tpu.memory_space<hbm>>) target(%arg9 : memref<6x32xi32, #tpu.memory_space<vmem>>) target_semaphore(%run_scoped3A : memref<!tpu.dma_semaphore, #tpu.memory_space<semaphore_mem>>)
      %dma_wait3A_181 = arith.constant 0 : i32
      %dma_wait3A_182 = arith.constant 0 : i32
      %dma_wait3A_183 = tpu.memref_slice %arg5[%add3A, %dma_wait3A_181, %dma_wait3A_182] : memref<32x6x32xi32, #tpu.memory_space<hbm>> -> memref<1x6x32xi32, #tpu.memory_space<hbm>>
      %dma_wait3A_184 = tpu.memref_squeeze %dma_wait3A_183 : memref<1x6x32xi32, #tpu.memory_space<hbm>> -> memref<6x32xi32, #tpu.memory_space<hbm>>
      %dma_wait3A_185 = arith.constant 0 : i32
      %dma_wait3A_186 = arith.constant 0 : i32
      %dma_wait3A_187 = tpu.memref_slice %arg5[%add3A, %dma_wait3A_185, %dma_wait3A_186] : memref<32x6x32xi32, #tpu.memory_space<hbm>> -> memref<1x6x32xi32, #tpu.memory_space<hbm>>
      %dma_wait3A_188 = tpu.memref_squeeze %dma_wait3A_187 : memref<1x6x32xi32, #tpu.memory_space<hbm>> -> memref<6x32xi32, #tpu.memory_space<hbm>>
      tpu.wait_dma2 semaphore(%run_scoped3A : memref<!tpu.dma_semaphore, #tpu.memory_space<semaphore_mem>>) src(%dma_wait3A_188 : memref<6x32xi32, #tpu.memory_space<hbm>>) dst(%arg9 : memref<6x32xi32, #tpu.memory_space<vmem>>)
      tpu.yield
    }) : () -> ()
    "tpu.region"() ({
      %run_scoped3A = tpu.sem_alloc : memref<!tpu.dma_semaphore, #tpu.memory_space<semaphore_mem>>
      %dma_start3A_173 = arith.constant 0 : i32
      %dma_start3A_174 = arith.constant 0 : i32
      %dma_start3A_175 = tpu.memref_slice %arg3[%add3A, %dma_start3A_173, %dma_start3A_174] : memref<32x6x32xi32, #tpu.memory_space<hbm>> -> memref<1x6x32xi32, #tpu.memory_space<hbm>>
      %dma_start3A_176 = tpu.memref_squeeze %dma_start3A_175 : memref<1x6x32xi32, #tpu.memory_space<hbm>> -> memref<6x32xi32, #tpu.memory_space<hbm>>
      %dma_start3A_177 = arith.constant 0 : i32
      %dma_start3A_178 = arith.constant 0 : i32
      %dma_start3A_179 = tpu.memref_slice %arg3[%add3A, %dma_start3A_177, %dma_start3A_178] : memref<32x6x32xi32, #tpu.memory_space<hbm>> -> memref<1x6x32xi32, #tpu.memory_space<hbm>>
      %dma_start3A_180 = tpu.memref_squeeze %dma_start3A_179 : memref<1x6x32xi32, #tpu.memory_space<hbm>> -> memref<6x32xi32, #tpu.memory_space<hbm>>
      tpu.enqueue_dma source(%dma_start3A_180 : memref<6x32xi32, #tpu.memory_space<hbm>>) target(%arg10 : memref<6x32xi32, #tpu.memory_space<vmem>>) target_semaphore(%run_scoped3A : memref<!tpu.dma_semaphore, #tpu.memory_space<semaphore_mem>>)
      %dma_wait3A_181 = arith.constant 0 : i32
      %dma_wait3A_182 = arith.constant 0 : i32
      %dma_wait3A_183 = tpu.memref_slice %arg3[%add3A, %dma_wait3A_181, %dma_wait3A_182] : memref<32x6x32xi32, #tpu.memory_space<hbm>> -> memref<1x6x32xi32, #tpu.memory_space<hbm>>
      %dma_wait3A_184 = tpu.memref_squeeze %dma_wait3A_183 : memref<1x6x32xi32, #tpu.memory_space<hbm>> -> memref<6x32xi32, #tpu.memory_space<hbm>>
      %dma_wait3A_185 = arith.constant 0 : i32
      %dma_wait3A_186 = arith.constant 0 : i32
      %dma_wait3A_187 = tpu.memref_slice %arg3[%add3A, %dma_wait3A_185, %dma_wait3A_186] : memref<32x6x32xi32, #tpu.memory_space<hbm>> -> memref<1x6x32xi32, #tpu.memory_space<hbm>>
      %dma_wait3A_188 = tpu.memref_squeeze %dma_wait3A_187 : memref<1x6x32xi32, #tpu.memory_space<hbm>> -> memref<6x32xi32, #tpu.memory_space<hbm>>
      tpu.wait_dma2 semaphore(%run_scoped3A : memref<!tpu.dma_semaphore, #tpu.memory_space<semaphore_mem>>) src(%dma_wait3A_188 : memref<6x32xi32, #tpu.memory_space<hbm>>) dst(%arg10 : memref<6x32xi32, #tpu.memory_space<vmem>>)
      tpu.yield
    }) : () -> ()
    "tpu.region"() ({
      %run_scoped3A = tpu.sem_alloc : memref<!tpu.dma_semaphore, #tpu.memory_space<semaphore_mem>>
      %dma_start3A_173 = arith.constant 0 : i32
      %dma_start3A_174 = tpu.memref_slice %arg4[%add3A, %dma_start3A_173] : memref<32x192xi32, #tpu.memory_space<hbm>> -> memref<1x192xi32, #tpu.memory_space<hbm>>
      %dma_start3A_175 = tpu.memref_squeeze %dma_start3A_174 : memref<1x192xi32, #tpu.memory_space<hbm>> -> memref<192xi32, #tpu.memory_space<hbm>>
      %dma_start3A_176 = arith.constant 0 : i32
      %dma_start3A_177 = tpu.memref_slice %arg4[%add3A, %dma_start3A_176] : memref<32x192xi32, #tpu.memory_space<hbm>> -> memref<1x192xi32, #tpu.memory_space<hbm>>
      %dma_start3A_178 = tpu.memref_squeeze %dma_start3A_177 : memref<1x192xi32, #tpu.memory_space<hbm>> -> memref<192xi32, #tpu.memory_space<hbm>>
      tpu.enqueue_dma source(%dma_start3A_178 : memref<192xi32, #tpu.memory_space<hbm>>) target(%arg11 : memref<192xi32, #tpu.memory_space<vmem>>) target_semaphore(%run_scoped3A : memref<!tpu.dma_semaphore, #tpu.memory_space<semaphore_mem>>)
      %dma_wait3A_179 = arith.constant 0 : i32
      %dma_wait3A_180 = tpu.memref_slice %arg4[%add3A, %dma_wait3A_179] : memref<32x192xi32, #tpu.memory_space<hbm>> -> memref<1x192xi32, #tpu.memory_space<hbm>>
      %dma_wait3A_181 = tpu.memref_squeeze %dma_wait3A_180 : memref<1x192xi32, #tpu.memory_space<hbm>> -> memref<192xi32, #tpu.memory_space<hbm>>
      %dma_wait3A_182 = arith.constant 0 : i32
      %dma_wait3A_183 = tpu.memref_slice %arg4[%add3A, %dma_wait3A_182] : memref<32x192xi32, #tpu.memory_space<hbm>> -> memref<1x192xi32, #tpu.memory_space<hbm>>
      %dma_wait3A_184 = tpu.memref_squeeze %dma_wait3A_183 : memref<1x192xi32, #tpu.memory_space<hbm>> -> memref<192xi32, #tpu.memory_space<hbm>>
      tpu.wait_dma2 semaphore(%run_scoped3A : memref<!tpu.dma_semaphore, #tpu.memory_space<semaphore_mem>>) src(%dma_wait3A_184 : memref<192xi32, #tpu.memory_space<hbm>>) dst(%arg11 : memref<192xi32, #tpu.memory_space<vmem>>)
      tpu.yield
    }) : () -> ()
    "tpu.region"() ({
      %run_scoped3A = tpu.sem_alloc : memref<!tpu.dma_semaphore, #tpu.memory_space<semaphore_mem>>
      %dma_start3A_173 = arith.constant 0 : i32
      %dma_start3A_174 = arith.constant 0 : i32
      %dma_start3A_175 = tpu.memref_slice %arg6[%add3A, %dma_start3A_173, %dma_start3A_174] : memref<32x192x128xf32, #tpu.memory_space<hbm>> -> memref<1x192x128xf32, #tpu.memory_space<hbm>>
      %dma_start3A_176 = tpu.memref_squeeze %dma_start3A_175 : memref<1x192x128xf32, #tpu.memory_space<hbm>> -> memref<192x128xf32, #tpu.memory_space<hbm>>
      %dma_start3A_177 = arith.constant 0 : i32
      %dma_start3A_178 = arith.constant 0 : i32
      %dma_start3A_179 = tpu.memref_slice %arg6[%add3A, %dma_start3A_177, %dma_start3A_178] : memref<32x192x128xf32, #tpu.memory_space<hbm>> -> memref<1x192x128xf32, #tpu.memory_space<hbm>>
      %dma_start3A_180 = tpu.memref_squeeze %dma_start3A_179 : memref<1x192x128xf32, #tpu.memory_space<hbm>> -> memref<192x128xf32, #tpu.memory_space<hbm>>
      tpu.enqueue_dma source(%dma_start3A_180 : memref<192x128xf32, #tpu.memory_space<hbm>>) target(%arg14 : memref<192x128xf32, #tpu.memory_space<vmem>>) target_semaphore(%run_scoped3A : memref<!tpu.dma_semaphore, #tpu.memory_space<semaphore_mem>>)
      %dma_wait3A_181 = arith.constant 0 : i32
      %dma_wait3A_182 = arith.constant 0 : i32
      %dma_wait3A_183 = tpu.memref_slice %arg6[%add3A, %dma_wait3A_181, %dma_wait3A_182] : memref<32x192x128xf32, #tpu.memory_space<hbm>> -> memref<1x192x128xf32, #tpu.memory_space<hbm>>
      %dma_wait3A_184 = tpu.memref_squeeze %dma_wait3A_183 : memref<1x192x128xf32, #tpu.memory_space<hbm>> -> memref<192x128xf32, #tpu.memory_space<hbm>>
      %dma_wait3A_185 = arith.constant 0 : i32
      %dma_wait3A_186 = arith.constant 0 : i32
      %dma_wait3A_187 = tpu.memref_slice %arg6[%add3A, %dma_wait3A_185, %dma_wait3A_186] : memref<32x192x128xf32, #tpu.memory_space<hbm>> -> memref<1x192x128xf32, #tpu.memory_space<hbm>>
      %dma_wait3A_188 = tpu.memref_squeeze %dma_wait3A_187 : memref<1x192x128xf32, #tpu.memory_space<hbm>> -> memref<192x128xf32, #tpu.memory_space<hbm>>
      tpu.wait_dma2 semaphore(%run_scoped3A : memref<!tpu.dma_semaphore, #tpu.memory_space<semaphore_mem>>) src(%dma_wait3A_188 : memref<192x128xf32, #tpu.memory_space<hbm>>) dst(%arg14 : memref<192x128xf32, #tpu.memory_space<vmem>>)
      tpu.yield
    }) : () -> ()
    %dma_start3A = arith.constant 0 : i32
    %dma_start3A_1 = arith.constant 0 : i32
    %dma_start3A_2 = tpu.memref_slice %arg8[%dma_start3A, %dma_start3A_1] : memref<6144x128xf32, #tpu.memory_space<hbm>> -> memref<6144x128xf32, #tpu.memory_space<hbm>>
    tpu.enqueue_indirect_dma source(%arg14 : memref<192x128xf32, #tpu.memory_space<vmem>>) target(%dma_start3A_2 : memref<6144x128xf32, #tpu.memory_space<hbm>>) offsets(%arg11 : memref<192xi32, #tpu.memory_space<vmem>>) semaphore(%arg19 : memref<!tpu.dma_semaphore, #tpu.memory_space<semaphore_mem>>)
    %dma_start3A_3 = arith.constant 0 : i32
    %dma_start3A_4 = arith.constant 0 : i32
    %dma_start3A_5 = tpu.memref_slice %arg9[%dma_start3A_3, %dma_start3A_4] : memref<6x32xi32, #tpu.memory_space<vmem>> -> memref<1x32xi32, #tpu.memory_space<vmem>>
    %dma_start3A_6 = tpu.memref_squeeze %dma_start3A_5 : memref<1x32xi32, #tpu.memory_space<vmem>> -> memref<32xi32, #tpu.memory_space<vmem>>
    %dma_start3A_7 = arith.constant 0 : i32
    %dma_start3A_8 = arith.constant 0 : i32
    %dma_start3A_9 = tpu.memref_slice %arg2[%dma_start3A_7, %dma_start3A_8] : memref<2048x1024xf32, #tpu.memory_space<hbm>> -> memref<2048x1024xf32, #tpu.memory_space<hbm>>
    tpu.enqueue_indirect_dma source(%dma_start3A_9 : memref<2048x1024xf32, #tpu.memory_space<hbm>>) target(%arg12 : memref<32x1024xf32, #tpu.memory_space<vmem>>) offsets(%dma_start3A_6 : memref<32xi32, #tpu.memory_space<vmem>>) semaphore(%arg15 : memref<!tpu.dma_semaphore, #tpu.memory_space<semaphore_mem>>)
    %dma_wait3A = arith.constant 0 : i32
    %dma_wait3A_10 = arith.constant 0 : i32
    %dma_wait3A_11 = tpu.memref_slice %arg9[%dma_wait3A, %dma_wait3A_10] : memref<6x32xi32, #tpu.memory_space<vmem>> -> memref<1x32xi32, #tpu.memory_space<vmem>>
    %dma_wait3A_12 = tpu.memref_squeeze %dma_wait3A_11 : memref<1x32xi32, #tpu.memory_space<vmem>> -> memref<32xi32, #tpu.memory_space<vmem>>
    %dma_wait3A_13 = arith.constant 0 : i32
    %dma_wait3A_14 = arith.constant 0 : i32
    %dma_wait3A_15 = tpu.memref_slice %arg2[%dma_wait3A_13, %dma_wait3A_14] : memref<2048x1024xf32, #tpu.memory_space<hbm>> -> memref<2048x1024xf32, #tpu.memory_space<hbm>>
    tpu.wait_indirect_dma semaphore(%arg15 : memref<!tpu.dma_semaphore, #tpu.memory_space<semaphore_mem>>) src(%dma_wait3A_15 : memref<2048x1024xf32, #tpu.memory_space<hbm>>) dst(%arg12 : memref<32x1024xf32, #tpu.memory_space<vmem>>)
    %dma_start3A_16 = arith.constant 1 : i32
    %dma_start3A_17 = arith.constant 0 : i32
    %dma_start3A_18 = tpu.memref_slice %arg9[%dma_start3A_16, %dma_start3A_17] : memref<6x32xi32, #tpu.memory_space<vmem>> -> memref<1x32xi32, #tpu.memory_space<vmem>>
    %dma_start3A_19 = tpu.memref_squeeze %dma_start3A_18 : memref<1x32xi32, #tpu.memory_space<vmem>> -> memref<32xi32, #tpu.memory_space<vmem>>
    %dma_start3A_20 = arith.constant 0 : i32
    %dma_start3A_21 = arith.constant 0 : i32
    %dma_start3A_22 = tpu.memref_slice %arg2[%dma_start3A_20, %dma_start3A_21] : memref<2048x1024xf32, #tpu.memory_space<hbm>> -> memref<2048x1024xf32, #tpu.memory_space<hbm>>
    tpu.enqueue_indirect_dma source(%dma_start3A_22 : memref<2048x1024xf32, #tpu.memory_space<hbm>>) target(%arg13 : memref<32x1024xf32, #tpu.memory_space<vmem>>) offsets(%dma_start3A_19 : memref<32xi32, #tpu.memory_space<vmem>>) semaphore(%arg16 : memref<!tpu.dma_semaphore, #tpu.memory_space<semaphore_mem>>)
    %dma_start3A_23 = arith.constant 0 : i32
    %dma_start3A_24 = arith.constant 0 : i32
    %dma_start3A_25 = tpu.memref_slice %arg10[%dma_start3A_23, %dma_start3A_24] : memref<6x32xi32, #tpu.memory_space<vmem>> -> memref<1x32xi32, #tpu.memory_space<vmem>>
    %dma_start3A_26 = tpu.memref_squeeze %dma_start3A_25 : memref<1x32xi32, #tpu.memory_space<vmem>> -> memref<32xi32, #tpu.memory_space<vmem>>
    %dma_start3A_27 = arith.constant 0 : i32
    %dma_start3A_28 = arith.constant 0 : i32
    %dma_start3A_29 = tpu.memref_slice %arg7[%dma_start3A_27, %dma_start3A_28] : memref<6144x1024xf32, #tpu.memory_space<hbm>> -> memref<6144x1024xf32, #tpu.memory_space<hbm>>
    tpu.enqueue_indirect_dma source(%arg12 : memref<32x1024xf32, #tpu.memory_space<vmem>>) target(%dma_start3A_29 : memref<6144x1024xf32, #tpu.memory_space<hbm>>) offsets(%dma_start3A_26 : memref<32xi32, #tpu.memory_space<vmem>>) semaphore(%arg17 : memref<!tpu.dma_semaphore, #tpu.memory_space<semaphore_mem>>)
    %dma_wait3A_30 = arith.constant 1 : i32
    %dma_wait3A_31 = arith.constant 0 : i32
    %dma_wait3A_32 = tpu.memref_slice %arg9[%dma_wait3A_30, %dma_wait3A_31] : memref<6x32xi32, #tpu.memory_space<vmem>> -> memref<1x32xi32, #tpu.memory_space<vmem>>
    %dma_wait3A_33 = tpu.memref_squeeze %dma_wait3A_32 : memref<1x32xi32, #tpu.memory_space<vmem>> -> memref<32xi32, #tpu.memory_space<vmem>>
    %dma_wait3A_34 = arith.constant 0 : i32
    %dma_wait3A_35 = arith.constant 0 : i32
    %dma_wait3A_36 = tpu.memref_slice %arg2[%dma_wait3A_34, %dma_wait3A_35] : memref<2048x1024xf32, #tpu.memory_space<hbm>> -> memref<2048x1024xf32, #tpu.memory_space<hbm>>
    tpu.wait_indirect_dma semaphore(%arg16 : memref<!tpu.dma_semaphore, #tpu.memory_space<semaphore_mem>>) src(%dma_wait3A_36 : memref<2048x1024xf32, #tpu.memory_space<hbm>>) dst(%arg13 : memref<32x1024xf32, #tpu.memory_space<vmem>>)
    %dma_wait3A_37 = arith.constant 0 : i32
    %dma_wait3A_38 = arith.constant 0 : i32
    %dma_wait3A_39 = tpu.memref_slice %arg10[%dma_wait3A_37, %dma_wait3A_38] : memref<6x32xi32, #tpu.memory_space<vmem>> -> memref<1x32xi32, #tpu.memory_space<vmem>>
    %dma_wait3A_40 = tpu.memref_squeeze %dma_wait3A_39 : memref<1x32xi32, #tpu.memory_space<vmem>> -> memref<32xi32, #tpu.memory_space<vmem>>
    %dma_wait3A_41 = arith.constant 0 : i32
    %dma_wait3A_42 = arith.constant 0 : i32
    %dma_wait3A_43 = tpu.memref_slice %arg7[%dma_wait3A_41, %dma_wait3A_42] : memref<6144x1024xf32, #tpu.memory_space<hbm>> -> memref<6144x1024xf32, #tpu.memory_space<hbm>>
    tpu.wait_indirect_dma semaphore(%arg17 : memref<!tpu.dma_semaphore, #tpu.memory_space<semaphore_mem>>) src(%arg12 : memref<32x1024xf32, #tpu.memory_space<vmem>>) dst(%dma_wait3A_43 : memref<6144x1024xf32, #tpu.memory_space<hbm>>)
    %dma_start3A_44 = arith.constant 2 : i32
    %dma_start3A_45 = arith.constant 0 : i32
    %dma_start3A_46 = tpu.memref_slice %arg9[%dma_start3A_44, %dma_start3A_45] : memref<6x32xi32, #tpu.memory_space<vmem>> -> memref<1x32xi32, #tpu.memory_space<vmem>>
    %dma_start3A_47 = tpu.memref_squeeze %dma_start3A_46 : memref<1x32xi32, #tpu.memory_space<vmem>> -> memref<32xi32, #tpu.memory_space<vmem>>
    %dma_start3A_48 = arith.constant 0 : i32
    %dma_start3A_49 = arith.constant 0 : i32
    %dma_start3A_50 = tpu.memref_slice %arg2[%dma_start3A_48, %dma_start3A_49] : memref<2048x1024xf32, #tpu.memory_space<hbm>> -> memref<2048x1024xf32, #tpu.memory_space<hbm>>
    tpu.enqueue_indirect_dma source(%dma_start3A_50 : memref<2048x1024xf32, #tpu.memory_space<hbm>>) target(%arg12 : memref<32x1024xf32, #tpu.memory_space<vmem>>) offsets(%dma_start3A_47 : memref<32xi32, #tpu.memory_space<vmem>>) semaphore(%arg15 : memref<!tpu.dma_semaphore, #tpu.memory_space<semaphore_mem>>)
    %dma_start3A_51 = arith.constant 1 : i32
    %dma_start3A_52 = arith.constant 0 : i32
    %dma_start3A_53 = tpu.memref_slice %arg10[%dma_start3A_51, %dma_start3A_52] : memref<6x32xi32, #tpu.memory_space<vmem>> -> memref<1x32xi32, #tpu.memory_space<vmem>>
    %dma_start3A_54 = tpu.memref_squeeze %dma_start3A_53 : memref<1x32xi32, #tpu.memory_space<vmem>> -> memref<32xi32, #tpu.memory_space<vmem>>
    %dma_start3A_55 = arith.constant 0 : i32
    %dma_start3A_56 = arith.constant 0 : i32
    %dma_start3A_57 = tpu.memref_slice %arg7[%dma_start3A_55, %dma_start3A_56] : memref<6144x1024xf32, #tpu.memory_space<hbm>> -> memref<6144x1024xf32, #tpu.memory_space<hbm>>
    tpu.enqueue_indirect_dma source(%arg13 : memref<32x1024xf32, #tpu.memory_space<vmem>>) target(%dma_start3A_57 : memref<6144x1024xf32, #tpu.memory_space<hbm>>) offsets(%dma_start3A_54 : memref<32xi32, #tpu.memory_space<vmem>>) semaphore(%arg18 : memref<!tpu.dma_semaphore, #tpu.memory_space<semaphore_mem>>)
    %dma_wait3A_58 = arith.constant 2 : i32
    %dma_wait3A_59 = arith.constant 0 : i32
    %dma_wait3A_60 = tpu.memref_slice %arg9[%dma_wait3A_58, %dma_wait3A_59] : memref<6x32xi32, #tpu.memory_space<vmem>> -> memref<1x32xi32, #tpu.memory_space<vmem>>
    %dma_wait3A_61 = tpu.memref_squeeze %dma_wait3A_60 : memref<1x32xi32, #tpu.memory_space<vmem>> -> memref<32xi32, #tpu.memory_space<vmem>>
    %dma_wait3A_62 = arith.constant 0 : i32
    %dma_wait3A_63 = arith.constant 0 : i32
    %dma_wait3A_64 = tpu.memref_slice %arg2[%dma_wait3A_62, %dma_wait3A_63] : memref<2048x1024xf32, #tpu.memory_space<hbm>> -> memref<2048x1024xf32, #tpu.memory_space<hbm>>
    tpu.wait_indirect_dma semaphore(%arg15 : memref<!tpu.dma_semaphore, #tpu.memory_space<semaphore_mem>>) src(%dma_wait3A_64 : memref<2048x1024xf32, #tpu.memory_space<hbm>>) dst(%arg12 : memref<32x1024xf32, #tpu.memory_space<vmem>>)
    %dma_wait3A_65 = arith.constant 1 : i32
    %dma_wait3A_66 = arith.constant 0 : i32
    %dma_wait3A_67 = tpu.memref_slice %arg10[%dma_wait3A_65, %dma_wait3A_66] : memref<6x32xi32, #tpu.memory_space<vmem>> -> memref<1x32xi32, #tpu.memory_space<vmem>>
    %dma_wait3A_68 = tpu.memref_squeeze %dma_wait3A_67 : memref<1x32xi32, #tpu.memory_space<vmem>> -> memref<32xi32, #tpu.memory_space<vmem>>
    %dma_wait3A_69 = arith.constant 0 : i32
    %dma_wait3A_70 = arith.constant 0 : i32
    %dma_wait3A_71 = tpu.memref_slice %arg7[%dma_wait3A_69, %dma_wait3A_70] : memref<6144x1024xf32, #tpu.memory_space<hbm>> -> memref<6144x1024xf32, #tpu.memory_space<hbm>>
    tpu.wait_indirect_dma semaphore(%arg18 : memref<!tpu.dma_semaphore, #tpu.memory_space<semaphore_mem>>) src(%arg13 : memref<32x1024xf32, #tpu.memory_space<vmem>>) dst(%dma_wait3A_71 : memref<6144x1024xf32, #tpu.memory_space<hbm>>)
    %dma_start3A_72 = arith.constant 3 : i32
    %dma_start3A_73 = arith.constant 0 : i32
    %dma_start3A_74 = tpu.memref_slice %arg9[%dma_start3A_72, %dma_start3A_73] : memref<6x32xi32, #tpu.memory_space<vmem>> -> memref<1x32xi32, #tpu.memory_space<vmem>>
    %dma_start3A_75 = tpu.memref_squeeze %dma_start3A_74 : memref<1x32xi32, #tpu.memory_space<vmem>> -> memref<32xi32, #tpu.memory_space<vmem>>
    %dma_start3A_76 = arith.constant 0 : i32
    %dma_start3A_77 = arith.constant 0 : i32
    %dma_start3A_78 = tpu.memref_slice %arg2[%dma_start3A_76, %dma_start3A_77] : memref<2048x1024xf32, #tpu.memory_space<hbm>> -> memref<2048x1024xf32, #tpu.memory_space<hbm>>
    tpu.enqueue_indirect_dma source(%dma_start3A_78 : memref<2048x1024xf32, #tpu.memory_space<hbm>>) target(%arg13 : memref<32x1024xf32, #tpu.memory_space<vmem>>) offsets(%dma_start3A_75 : memref<32xi32, #tpu.memory_space<vmem>>) semaphore(%arg16 : memref<!tpu.dma_semaphore, #tpu.memory_space<semaphore_mem>>)
    %dma_start3A_79 = arith.constant 2 : i32
    %dma_start3A_80 = arith.constant 0 : i32
    %dma_start3A_81 = tpu.memref_slice %arg10[%dma_start3A_79, %dma_start3A_80] : memref<6x32xi32, #tpu.memory_space<vmem>> -> memref<1x32xi32, #tpu.memory_space<vmem>>
    %dma_start3A_82 = tpu.memref_squeeze %dma_start3A_81 : memref<1x32xi32, #tpu.memory_space<vmem>> -> memref<32xi32, #tpu.memory_space<vmem>>
    %dma_start3A_83 = arith.constant 0 : i32
    %dma_start3A_84 = arith.constant 0 : i32
    %dma_start3A_85 = tpu.memref_slice %arg7[%dma_start3A_83, %dma_start3A_84] : memref<6144x1024xf32, #tpu.memory_space<hbm>> -> memref<6144x1024xf32, #tpu.memory_space<hbm>>
    tpu.enqueue_indirect_dma source(%arg12 : memref<32x1024xf32, #tpu.memory_space<vmem>>) target(%dma_start3A_85 : memref<6144x1024xf32, #tpu.memory_space<hbm>>) offsets(%dma_start3A_82 : memref<32xi32, #tpu.memory_space<vmem>>) semaphore(%arg17 : memref<!tpu.dma_semaphore, #tpu.memory_space<semaphore_mem>>)
    %dma_wait3A_86 = arith.constant 3 : i32
    %dma_wait3A_87 = arith.constant 0 : i32
    %dma_wait3A_88 = tpu.memref_slice %arg9[%dma_wait3A_86, %dma_wait3A_87] : memref<6x32xi32, #tpu.memory_space<vmem>> -> memref<1x32xi32, #tpu.memory_space<vmem>>
    %dma_wait3A_89 = tpu.memref_squeeze %dma_wait3A_88 : memref<1x32xi32, #tpu.memory_space<vmem>> -> memref<32xi32, #tpu.memory_space<vmem>>
    %dma_wait3A_90 = arith.constant 0 : i32
    %dma_wait3A_91 = arith.constant 0 : i32
    %dma_wait3A_92 = tpu.memref_slice %arg2[%dma_wait3A_90, %dma_wait3A_91] : memref<2048x1024xf32, #tpu.memory_space<hbm>> -> memref<2048x1024xf32, #tpu.memory_space<hbm>>
    tpu.wait_indirect_dma semaphore(%arg16 : memref<!tpu.dma_semaphore, #tpu.memory_space<semaphore_mem>>) src(%dma_wait3A_92 : memref<2048x1024xf32, #tpu.memory_space<hbm>>) dst(%arg13 : memref<32x1024xf32, #tpu.memory_space<vmem>>)
    %dma_wait3A_93 = arith.constant 2 : i32
    %dma_wait3A_94 = arith.constant 0 : i32
    %dma_wait3A_95 = tpu.memref_slice %arg10[%dma_wait3A_93, %dma_wait3A_94] : memref<6x32xi32, #tpu.memory_space<vmem>> -> memref<1x32xi32, #tpu.memory_space<vmem>>
    %dma_wait3A_96 = tpu.memref_squeeze %dma_wait3A_95 : memref<1x32xi32, #tpu.memory_space<vmem>> -> memref<32xi32, #tpu.memory_space<vmem>>
    %dma_wait3A_97 = arith.constant 0 : i32
    %dma_wait3A_98 = arith.constant 0 : i32
    %dma_wait3A_99 = tpu.memref_slice %arg7[%dma_wait3A_97, %dma_wait3A_98] : memref<6144x1024xf32, #tpu.memory_space<hbm>> -> memref<6144x1024xf32, #tpu.memory_space<hbm>>
    tpu.wait_indirect_dma semaphore(%arg17 : memref<!tpu.dma_semaphore, #tpu.memory_space<semaphore_mem>>) src(%arg12 : memref<32x1024xf32, #tpu.memory_space<vmem>>) dst(%dma_wait3A_99 : memref<6144x1024xf32, #tpu.memory_space<hbm>>)
    %dma_start3A_100 = arith.constant 4 : i32
    %dma_start3A_101 = arith.constant 0 : i32
    %dma_start3A_102 = tpu.memref_slice %arg9[%dma_start3A_100, %dma_start3A_101] : memref<6x32xi32, #tpu.memory_space<vmem>> -> memref<1x32xi32, #tpu.memory_space<vmem>>
    %dma_start3A_103 = tpu.memref_squeeze %dma_start3A_102 : memref<1x32xi32, #tpu.memory_space<vmem>> -> memref<32xi32, #tpu.memory_space<vmem>>
    %dma_start3A_104 = arith.constant 0 : i32
    %dma_start3A_105 = arith.constant 0 : i32
    %dma_start3A_106 = tpu.memref_slice %arg2[%dma_start3A_104, %dma_start3A_105] : memref<2048x1024xf32, #tpu.memory_space<hbm>> -> memref<2048x1024xf32, #tpu.memory_space<hbm>>
    tpu.enqueue_indirect_dma source(%dma_start3A_106 : memref<2048x1024xf32, #tpu.memory_space<hbm>>) target(%arg12 : memref<32x1024xf32, #tpu.memory_space<vmem>>) offsets(%dma_start3A_103 : memref<32xi32, #tpu.memory_space<vmem>>) semaphore(%arg15 : memref<!tpu.dma_semaphore, #tpu.memory_space<semaphore_mem>>)
    %dma_start3A_107 = arith.constant 3 : i32
    %dma_start3A_108 = arith.constant 0 : i32
    %dma_start3A_109 = tpu.memref_slice %arg10[%dma_start3A_107, %dma_start3A_108] : memref<6x32xi32, #tpu.memory_space<vmem>> -> memref<1x32xi32, #tpu.memory_space<vmem>>
    %dma_start3A_110 = tpu.memref_squeeze %dma_start3A_109 : memref<1x32xi32, #tpu.memory_space<vmem>> -> memref<32xi32, #tpu.memory_space<vmem>>
    %dma_start3A_111 = arith.constant 0 : i32
    %dma_start3A_112 = arith.constant 0 : i32
    %dma_start3A_113 = tpu.memref_slice %arg7[%dma_start3A_111, %dma_start3A_112] : memref<6144x1024xf32, #tpu.memory_space<hbm>> -> memref<6144x1024xf32, #tpu.memory_space<hbm>>
    tpu.enqueue_indirect_dma source(%arg13 : memref<32x1024xf32, #tpu.memory_space<vmem>>) target(%dma_start3A_113 : memref<6144x1024xf32, #tpu.memory_space<hbm>>) offsets(%dma_start3A_110 : memref<32xi32, #tpu.memory_space<vmem>>) semaphore(%arg18 : memref<!tpu.dma_semaphore, #tpu.memory_space<semaphore_mem>>)
    %dma_wait3A_114 = arith.constant 4 : i32
    %dma_wait3A_115 = arith.constant 0 : i32
    %dma_wait3A_116 = tpu.memref_slice %arg9[%dma_wait3A_114, %dma_wait3A_115] : memref<6x32xi32, #tpu.memory_space<vmem>> -> memref<1x32xi32, #tpu.memory_space<vmem>>
    %dma_wait3A_117 = tpu.memref_squeeze %dma_wait3A_116 : memref<1x32xi32, #tpu.memory_space<vmem>> -> memref<32xi32, #tpu.memory_space<vmem>>
    %dma_wait3A_118 = arith.constant 0 : i32
    %dma_wait3A_119 = arith.constant 0 : i32
    %dma_wait3A_120 = tpu.memref_slice %arg2[%dma_wait3A_118, %dma_wait3A_119] : memref<2048x1024xf32, #tpu.memory_space<hbm>> -> memref<2048x1024xf32, #tpu.memory_space<hbm>>
    tpu.wait_indirect_dma semaphore(%arg15 : memref<!tpu.dma_semaphore, #tpu.memory_space<semaphore_mem>>) src(%dma_wait3A_120 : memref<2048x1024xf32, #tpu.memory_space<hbm>>) dst(%arg12 : memref<32x1024xf32, #tpu.memory_space<vmem>>)
    %dma_wait3A_121 = arith.constant 3 : i32
    %dma_wait3A_122 = arith.constant 0 : i32
    %dma_wait3A_123 = tpu.memref_slice %arg10[%dma_wait3A_121, %dma_wait3A_122] : memref<6x32xi32, #tpu.memory_space<vmem>> -> memref<1x32xi32, #tpu.memory_space<vmem>>
    %dma_wait3A_124 = tpu.memref_squeeze %dma_wait3A_123 : memref<1x32xi32, #tpu.memory_space<vmem>> -> memref<32xi32, #tpu.memory_space<vmem>>
    %dma_wait3A_125 = arith.constant 0 : i32
    %dma_wait3A_126 = arith.constant 0 : i32
    %dma_wait3A_127 = tpu.memref_slice %arg7[%dma_wait3A_125, %dma_wait3A_126] : memref<6144x1024xf32, #tpu.memory_space<hbm>> -> memref<6144x1024xf32, #tpu.memory_space<hbm>>
    tpu.wait_indirect_dma semaphore(%arg18 : memref<!tpu.dma_semaphore, #tpu.memory_space<semaphore_mem>>) src(%arg13 : memref<32x1024xf32, #tpu.memory_space<vmem>>) dst(%dma_wait3A_127 : memref<6144x1024xf32, #tpu.memory_space<hbm>>)
    %dma_start3A_128 = arith.constant 5 : i32
    %dma_start3A_129 = arith.constant 0 : i32
    %dma_start3A_130 = tpu.memref_slice %arg9[%dma_start3A_128, %dma_start3A_129] : memref<6x32xi32, #tpu.memory_space<vmem>> -> memref<1x32xi32, #tpu.memory_space<vmem>>
    %dma_start3A_131 = tpu.memref_squeeze %dma_start3A_130 : memref<1x32xi32, #tpu.memory_space<vmem>> -> memref<32xi32, #tpu.memory_space<vmem>>
    %dma_start3A_132 = arith.constant 0 : i32
    %dma_start3A_133 = arith.constant 0 : i32
    %dma_start3A_134 = tpu.memref_slice %arg2[%dma_start3A_132, %dma_start3A_133] : memref<2048x1024xf32, #tpu.memory_space<hbm>> -> memref<2048x1024xf32, #tpu.memory_space<hbm>>
    tpu.enqueue_indirect_dma source(%dma_start3A_134 : memref<2048x1024xf32, #tpu.memory_space<hbm>>) target(%arg13 : memref<32x1024xf32, #tpu.memory_space<vmem>>) offsets(%dma_start3A_131 : memref<32xi32, #tpu.memory_space<vmem>>) semaphore(%arg16 : memref<!tpu.dma_semaphore, #tpu.memory_space<semaphore_mem>>)
    %dma_start3A_135 = arith.constant 4 : i32
    %dma_start3A_136 = arith.constant 0 : i32
    %dma_start3A_137 = tpu.memref_slice %arg10[%dma_start3A_135, %dma_start3A_136] : memref<6x32xi32, #tpu.memory_space<vmem>> -> memref<1x32xi32, #tpu.memory_space<vmem>>
    %dma_start3A_138 = tpu.memref_squeeze %dma_start3A_137 : memref<1x32xi32, #tpu.memory_space<vmem>> -> memref<32xi32, #tpu.memory_space<vmem>>
    %dma_start3A_139 = arith.constant 0 : i32
    %dma_start3A_140 = arith.constant 0 : i32
    %dma_start3A_141 = tpu.memref_slice %arg7[%dma_start3A_139, %dma_start3A_140] : memref<6144x1024xf32, #tpu.memory_space<hbm>> -> memref<6144x1024xf32, #tpu.memory_space<hbm>>
    tpu.enqueue_indirect_dma source(%arg12 : memref<32x1024xf32, #tpu.memory_space<vmem>>) target(%dma_start3A_141 : memref<6144x1024xf32, #tpu.memory_space<hbm>>) offsets(%dma_start3A_138 : memref<32xi32, #tpu.memory_space<vmem>>) semaphore(%arg17 : memref<!tpu.dma_semaphore, #tpu.memory_space<semaphore_mem>>)
    %dma_wait3A_142 = arith.constant 5 : i32
    %dma_wait3A_143 = arith.constant 0 : i32
    %dma_wait3A_144 = tpu.memref_slice %arg9[%dma_wait3A_142, %dma_wait3A_143] : memref<6x32xi32, #tpu.memory_space<vmem>> -> memref<1x32xi32, #tpu.memory_space<vmem>>
    %dma_wait3A_145 = tpu.memref_squeeze %dma_wait3A_144 : memref<1x32xi32, #tpu.memory_space<vmem>> -> memref<32xi32, #tpu.memory_space<vmem>>
    %dma_wait3A_146 = arith.constant 0 : i32
    %dma_wait3A_147 = arith.constant 0 : i32
    %dma_wait3A_148 = tpu.memref_slice %arg2[%dma_wait3A_146, %dma_wait3A_147] : memref<2048x1024xf32, #tpu.memory_space<hbm>> -> memref<2048x1024xf32, #tpu.memory_space<hbm>>
    tpu.wait_indirect_dma semaphore(%arg16 : memref<!tpu.dma_semaphore, #tpu.memory_space<semaphore_mem>>) src(%dma_wait3A_148 : memref<2048x1024xf32, #tpu.memory_space<hbm>>) dst(%arg13 : memref<32x1024xf32, #tpu.memory_space<vmem>>)
    %dma_start3A_149 = arith.constant 5 : i32
    %dma_start3A_150 = arith.constant 0 : i32
    %dma_start3A_151 = tpu.memref_slice %arg10[%dma_start3A_149, %dma_start3A_150] : memref<6x32xi32, #tpu.memory_space<vmem>> -> memref<1x32xi32, #tpu.memory_space<vmem>>
    %dma_start3A_152 = tpu.memref_squeeze %dma_start3A_151 : memref<1x32xi32, #tpu.memory_space<vmem>> -> memref<32xi32, #tpu.memory_space<vmem>>
    %dma_start3A_153 = arith.constant 0 : i32
    %dma_start3A_154 = arith.constant 0 : i32
    %dma_start3A_155 = tpu.memref_slice %arg7[%dma_start3A_153, %dma_start3A_154] : memref<6144x1024xf32, #tpu.memory_space<hbm>> -> memref<6144x1024xf32, #tpu.memory_space<hbm>>
    tpu.enqueue_indirect_dma source(%arg13 : memref<32x1024xf32, #tpu.memory_space<vmem>>) target(%dma_start3A_155 : memref<6144x1024xf32, #tpu.memory_space<hbm>>) offsets(%dma_start3A_152 : memref<32xi32, #tpu.memory_space<vmem>>) semaphore(%arg18 : memref<!tpu.dma_semaphore, #tpu.memory_space<semaphore_mem>>)
    %dma_wait3A_156 = arith.constant 4 : i32
    %dma_wait3A_157 = arith.constant 0 : i32
    %dma_wait3A_158 = tpu.memref_slice %arg10[%dma_wait3A_156, %dma_wait3A_157] : memref<6x32xi32, #tpu.memory_space<vmem>> -> memref<1x32xi32, #tpu.memory_space<vmem>>
    %dma_wait3A_159 = tpu.memref_squeeze %dma_wait3A_158 : memref<1x32xi32, #tpu.memory_space<vmem>> -> memref<32xi32, #tpu.memory_space<vmem>>
    %dma_wait3A_160 = arith.constant 0 : i32
    %dma_wait3A_161 = arith.constant 0 : i32
    %dma_wait3A_162 = tpu.memref_slice %arg7[%dma_wait3A_160, %dma_wait3A_161] : memref<6144x1024xf32, #tpu.memory_space<hbm>> -> memref<6144x1024xf32, #tpu.memory_space<hbm>>
    tpu.wait_indirect_dma semaphore(%arg17 : memref<!tpu.dma_semaphore, #tpu.memory_space<semaphore_mem>>) src(%arg12 : memref<32x1024xf32, #tpu.memory_space<vmem>>) dst(%dma_wait3A_162 : memref<6144x1024xf32, #tpu.memory_space<hbm>>)
    %dma_wait3A_163 = arith.constant 5 : i32
    %dma_wait3A_164 = arith.constant 0 : i32
    %dma_wait3A_165 = tpu.memref_slice %arg10[%dma_wait3A_163, %dma_wait3A_164] : memref<6x32xi32, #tpu.memory_space<vmem>> -> memref<1x32xi32, #tpu.memory_space<vmem>>
    %dma_wait3A_166 = tpu.memref_squeeze %dma_wait3A_165 : memref<1x32xi32, #tpu.memory_space<vmem>> -> memref<32xi32, #tpu.memory_space<vmem>>
    %dma_wait3A_167 = arith.constant 0 : i32
    %dma_wait3A_168 = arith.constant 0 : i32
    %dma_wait3A_169 = tpu.memref_slice %arg7[%dma_wait3A_167, %dma_wait3A_168] : memref<6144x1024xf32, #tpu.memory_space<hbm>> -> memref<6144x1024xf32, #tpu.memory_space<hbm>>
    tpu.wait_indirect_dma semaphore(%arg18 : memref<!tpu.dma_semaphore, #tpu.memory_space<semaphore_mem>>) src(%arg13 : memref<32x1024xf32, #tpu.memory_space<vmem>>) dst(%dma_wait3A_169 : memref<6144x1024xf32, #tpu.memory_space<hbm>>)
    %dma_wait3A_170 = arith.constant 0 : i32
    %dma_wait3A_171 = arith.constant 0 : i32
    %dma_wait3A_172 = tpu.memref_slice %arg8[%dma_wait3A_170, %dma_wait3A_171] : memref<6144x128xf32, #tpu.memory_space<hbm>> -> memref<6144x128xf32, #tpu.memory_space<hbm>>
    tpu.wait_indirect_dma semaphore(%arg19 : memref<!tpu.dma_semaphore, #tpu.memory_space<semaphore_mem>>) src(%arg14 : memref<192x128xf32, #tpu.memory_space<vmem>>) dst(%dma_wait3A_172 : memref<6144x128xf32, #tpu.memory_space<hbm>>)
    return
  }
}

#map = affine_map<(d0, d1) -> (0, 0)>
module attributes {stable_mosaic.version = 14 : i64} {
  func.func @k(%arg0: i32, %arg1: i32, %arg2: memref<6144x1024xf32, #tpu.memory_space<hbm>>, %arg3: memref<1x2048xi32, #tpu.memory_space<hbm>>, %arg4: memref<1x2048xi32, #tpu.memory_space<hbm>>, %arg5: memref<2048x1024xf32, #tpu.memory_space<hbm>>, %arg6: memref<32xi32, #tpu.memory_space<vmem>>, %arg7: memref<32xi32, #tpu.memory_space<vmem>>, %arg8: memref<32x1024xf32, #tpu.memory_space<vmem>>, %arg9: memref<32x1024xf32, #tpu.memory_space<vmem>>, %arg10: memref<!tpu.dma_semaphore, #tpu.memory_space<semaphore_mem>>) attributes {dimension_semantics = [#tpu.dimension_semantics<core_parallel>, #tpu.dimension_semantics<subcore_parallel>], iteration_bounds = array<i64: 2, 16>, scalar_prefetch = 0 : i64, scratch_operands = 5 : i64, tpu.core_type = #tpu.core_type<sc_vector_subcore>, window_params = [{transform_indices = #map}, {transform_indices = #map}, {transform_indices = #map}, {transform_indices = #map}]} {
    %mul3A = arith.constant 2 : i32
    %mul3A_0 = arith.muli %arg1, %mul3A : i32
    %add3A = arith.addi %mul3A_0, %arg0 : i32
    %mul3A_1 = arith.constant 64 : i32
    %mul3A_2 = arith.muli %add3A, %mul3A_1 : i32
    %add3A_3 = arith.constant 0 : i32
    %add3A_4 = arith.addi %mul3A_2, %add3A_3 : i32
    %run_scoped3A = arith.constant 0 : i32
    "tpu.region"() ({
      %run_scoped3A_43 = tpu.sem_alloc : memref<!tpu.dma_semaphore, #tpu.memory_space<semaphore_mem>>
      %dma_start3A_44 = tpu.memref_slice %arg3[%run_scoped3A, %add3A_4] : memref<1x2048xi32, #tpu.memory_space<hbm>> -> memref<1x32xi32, #tpu.memory_space<hbm>>
      %dma_start3A_45 = tpu.memref_squeeze %dma_start3A_44 : memref<1x32xi32, #tpu.memory_space<hbm>> -> memref<32xi32, #tpu.memory_space<hbm>>
      %dma_start3A_46 = tpu.memref_slice %arg3[%run_scoped3A, %add3A_4] : memref<1x2048xi32, #tpu.memory_space<hbm>> -> memref<1x32xi32, #tpu.memory_space<hbm>>
      %dma_start3A_47 = tpu.memref_squeeze %dma_start3A_46 : memref<1x32xi32, #tpu.memory_space<hbm>> -> memref<32xi32, #tpu.memory_space<hbm>>
      tpu.enqueue_dma source(%dma_start3A_47 : memref<32xi32, #tpu.memory_space<hbm>>) target(%arg6 : memref<32xi32, #tpu.memory_space<vmem>>) target_semaphore(%run_scoped3A_43 : memref<!tpu.dma_semaphore, #tpu.memory_space<semaphore_mem>>)
      %dma_wait3A_48 = tpu.memref_slice %arg3[%run_scoped3A, %add3A_4] : memref<1x2048xi32, #tpu.memory_space<hbm>> -> memref<1x32xi32, #tpu.memory_space<hbm>>
      %dma_wait3A_49 = tpu.memref_squeeze %dma_wait3A_48 : memref<1x32xi32, #tpu.memory_space<hbm>> -> memref<32xi32, #tpu.memory_space<hbm>>
      %dma_wait3A_50 = tpu.memref_slice %arg3[%run_scoped3A, %add3A_4] : memref<1x2048xi32, #tpu.memory_space<hbm>> -> memref<1x32xi32, #tpu.memory_space<hbm>>
      %dma_wait3A_51 = tpu.memref_squeeze %dma_wait3A_50 : memref<1x32xi32, #tpu.memory_space<hbm>> -> memref<32xi32, #tpu.memory_space<hbm>>
      tpu.wait_dma2 semaphore(%run_scoped3A_43 : memref<!tpu.dma_semaphore, #tpu.memory_space<semaphore_mem>>) src(%dma_wait3A_51 : memref<32xi32, #tpu.memory_space<hbm>>) dst(%arg6 : memref<32xi32, #tpu.memory_space<vmem>>)
      tpu.yield
    }) : () -> ()
    %run_scoped3A_5 = arith.constant 0 : i32
    "tpu.region"() ({
      %run_scoped3A_43 = tpu.sem_alloc : memref<!tpu.dma_semaphore, #tpu.memory_space<semaphore_mem>>
      %dma_start3A_44 = tpu.memref_slice %arg4[%run_scoped3A_5, %add3A_4] : memref<1x2048xi32, #tpu.memory_space<hbm>> -> memref<1x32xi32, #tpu.memory_space<hbm>>
      %dma_start3A_45 = tpu.memref_squeeze %dma_start3A_44 : memref<1x32xi32, #tpu.memory_space<hbm>> -> memref<32xi32, #tpu.memory_space<hbm>>
      %dma_start3A_46 = tpu.memref_slice %arg4[%run_scoped3A_5, %add3A_4] : memref<1x2048xi32, #tpu.memory_space<hbm>> -> memref<1x32xi32, #tpu.memory_space<hbm>>
      %dma_start3A_47 = tpu.memref_squeeze %dma_start3A_46 : memref<1x32xi32, #tpu.memory_space<hbm>> -> memref<32xi32, #tpu.memory_space<hbm>>
      tpu.enqueue_dma source(%dma_start3A_47 : memref<32xi32, #tpu.memory_space<hbm>>) target(%arg7 : memref<32xi32, #tpu.memory_space<vmem>>) target_semaphore(%run_scoped3A_43 : memref<!tpu.dma_semaphore, #tpu.memory_space<semaphore_mem>>)
      %dma_wait3A_48 = tpu.memref_slice %arg4[%run_scoped3A_5, %add3A_4] : memref<1x2048xi32, #tpu.memory_space<hbm>> -> memref<1x32xi32, #tpu.memory_space<hbm>>
      %dma_wait3A_49 = tpu.memref_squeeze %dma_wait3A_48 : memref<1x32xi32, #tpu.memory_space<hbm>> -> memref<32xi32, #tpu.memory_space<hbm>>
      %dma_wait3A_50 = tpu.memref_slice %arg4[%run_scoped3A_5, %add3A_4] : memref<1x2048xi32, #tpu.memory_space<hbm>> -> memref<1x32xi32, #tpu.memory_space<hbm>>
      %dma_wait3A_51 = tpu.memref_squeeze %dma_wait3A_50 : memref<1x32xi32, #tpu.memory_space<hbm>> -> memref<32xi32, #tpu.memory_space<hbm>>
      tpu.wait_dma2 semaphore(%run_scoped3A_43 : memref<!tpu.dma_semaphore, #tpu.memory_space<semaphore_mem>>) src(%dma_wait3A_51 : memref<32xi32, #tpu.memory_space<hbm>>) dst(%arg7 : memref<32xi32, #tpu.memory_space<vmem>>)
      tpu.yield
    }) : () -> ()
    %dma_start3A = arith.constant 0 : i32
    %dma_start3A_6 = arith.constant 0 : i32
    %dma_start3A_7 = tpu.memref_slice %arg2[%dma_start3A, %dma_start3A_6] : memref<6144x1024xf32, #tpu.memory_space<hbm>> -> memref<6144x1024xf32, #tpu.memory_space<hbm>>
    tpu.enqueue_indirect_dma source(%dma_start3A_7 : memref<6144x1024xf32, #tpu.memory_space<hbm>>) target(%arg8 : memref<32x1024xf32, #tpu.memory_space<vmem>>) offsets(%arg6 : memref<32xi32, #tpu.memory_space<vmem>>) semaphore(%arg10 : memref<!tpu.dma_semaphore, #tpu.memory_space<semaphore_mem>>)
    %dma_wait3A = arith.constant 0 : i32
    %dma_wait3A_8 = arith.constant 0 : i32
    %dma_wait3A_9 = tpu.memref_slice %arg2[%dma_wait3A, %dma_wait3A_8] : memref<6144x1024xf32, #tpu.memory_space<hbm>> -> memref<6144x1024xf32, #tpu.memory_space<hbm>>
    tpu.wait_indirect_dma semaphore(%arg10 : memref<!tpu.dma_semaphore, #tpu.memory_space<semaphore_mem>>) src(%dma_wait3A_9 : memref<6144x1024xf32, #tpu.memory_space<hbm>>) dst(%arg8 : memref<32x1024xf32, #tpu.memory_space<vmem>>)
    %dma_start3A_10 = arith.constant 0 : i32
    %dma_start3A_11 = arith.constant 0 : i32
    %dma_start3A_12 = tpu.memref_slice %arg2[%dma_start3A_10, %dma_start3A_11] : memref<6144x1024xf32, #tpu.memory_space<hbm>> -> memref<6144x1024xf32, #tpu.memory_space<hbm>>
    tpu.enqueue_indirect_dma source(%dma_start3A_12 : memref<6144x1024xf32, #tpu.memory_space<hbm>>) target(%arg9 : memref<32x1024xf32, #tpu.memory_space<vmem>>) offsets(%arg7 : memref<32xi32, #tpu.memory_space<vmem>>) semaphore(%arg10 : memref<!tpu.dma_semaphore, #tpu.memory_space<semaphore_mem>>)
    %dma_wait3A_13 = arith.constant 0 : i32
    %dma_wait3A_14 = arith.constant 0 : i32
    %dma_wait3A_15 = tpu.memref_slice %arg2[%dma_wait3A_13, %dma_wait3A_14] : memref<6144x1024xf32, #tpu.memory_space<hbm>> -> memref<6144x1024xf32, #tpu.memory_space<hbm>>
    tpu.wait_indirect_dma semaphore(%arg10 : memref<!tpu.dma_semaphore, #tpu.memory_space<semaphore_mem>>) src(%dma_wait3A_15 : memref<6144x1024xf32, #tpu.memory_space<hbm>>) dst(%arg9 : memref<32x1024xf32, #tpu.memory_space<vmem>>)
    %scan3A = arith.constant 0 : i32
    %scan3A_16 = arith.constant 32 : i32
    %scan3A_17 = arith.addi %scan3A, %scan3A_16 : i32
    %scan3A_18 = arith.constant 1 : i32
    scf.for %scan3A_43 = %scan3A to %scan3A_17 step %scan3A_18  : i32 {
      %mul3A_44 = arith.constant 1 : i32
      %mul3A_45 = arith.muli %scan3A_43, %mul3A_44 : i32
      %add3A_46 = arith.constant 0 : i32
      %add3A_47 = arith.addi %add3A_46, %mul3A_45 : i32
      %get3A = arith.index_cast %add3A_47 : i32 to index
      %get3A_48 = arith.constant 0 : index
      %get3A_49 = tpu.vector_load %arg8[%get3A, %get3A_48] {strides = array<i32>} : memref<32x1024xf32, #tpu.memory_space<vmem>>, vector<1x16xf32>,
      %get3A_50 = vector.shape_cast %get3A_49 : vector<1x16xf32> to vector<16xf32>
      %get3A_51 = arith.index_cast %add3A_47 : i32 to index
      %get3A_52 = arith.constant 0 : index
      %get3A_53 = tpu.vector_load %arg9[%get3A_51, %get3A_52] {strides = array<i32>} : memref<32x1024xf32, #tpu.memory_space<vmem>>, vector<1x16xf32>,
      %get3A_54 = vector.shape_cast %get3A_53 : vector<1x16xf32> to vector<16xf32>
      %add3A_55 = arith.addf %get3A_50, %get3A_54 : vector<16xf32>
      %swap3A = arith.index_cast %add3A_47 : i32 to index
      %swap3A_56 = arith.constant 0 : index
      %swap3A_57 = tpu.vector_load %arg8[%swap3A, %swap3A_56] {strides = array<i32>} : memref<32x1024xf32, #tpu.memory_space<vmem>>, vector<1x16xf32>,
      %swap3A_58 = vector.shape_cast %swap3A_57 : vector<1x16xf32> to vector<16xf32>
      %swap3A_59 = vector.shape_cast %add3A_55 : vector<16xf32> to vector<1x16xf32>
      tpu.vector_store %arg8[%swap3A, %swap3A_56], %swap3A_59 {strides = array<i32>} : memref<32x1024xf32, #tpu.memory_space<vmem>>, vector<1x16xf32>,
      %get3A_60 = arith.index_cast %add3A_47 : i32 to index
      %get3A_61 = arith.constant 16 : index
      %get3A_62 = tpu.vector_load %arg8[%get3A_60, %get3A_61] {strides = array<i32>} : memref<32x1024xf32, #tpu.memory_space<vmem>>, vector<1x16xf32>,
      %get3A_63 = vector.shape_cast %get3A_62 : vector<1x16xf32> to vector<16xf32>
      %get3A_64 = arith.index_cast %add3A_47 : i32 to index
      %get3A_65 = arith.constant 16 : index
      %get3A_66 = tpu.vector_load %arg9[%get3A_64, %get3A_65] {strides = array<i32>} : memref<32x1024xf32, #tpu.memory_space<vmem>>, vector<1x16xf32>,
      %get3A_67 = vector.shape_cast %get3A_66 : vector<1x16xf32> to vector<16xf32>
      %add3A_68 = arith.addf %get3A_63, %get3A_67 : vector<16xf32>
      %swap3A_69 = arith.index_cast %add3A_47 : i32 to index
      %swap3A_70 = arith.constant 16 : index
      %swap3A_71 = tpu.vector_load %arg8[%swap3A_69, %swap3A_70] {strides = array<i32>} : memref<32x1024xf32, #tpu.memory_space<vmem>>, vector<1x16xf32>,
      %swap3A_72 = vector.shape_cast %swap3A_71 : vector<1x16xf32> to vector<16xf32>
      %swap3A_73 = vector.shape_cast %add3A_68 : vector<16xf32> to vector<1x16xf32>
      tpu.vector_store %arg8[%swap3A_69, %swap3A_70], %swap3A_73 {strides = array<i32>} : memref<32x1024xf32, #tpu.memory_space<vmem>>, vector<1x16xf32>,
      %get3A_74 = arith.index_cast %add3A_47 : i32 to index
      %get3A_75 = arith.constant 32 : index
      %get3A_76 = tpu.vector_load %arg8[%get3A_74, %get3A_75] {strides = array<i32>} : memref<32x1024xf32, #tpu.memory_space<vmem>>, vector<1x16xf32>,
      %get3A_77 = vector.shape_cast %get3A_76 : vector<1x16xf32> to vector<16xf32>
      %get3A_78 = arith.index_cast %add3A_47 : i32 to index
      %get3A_79 = arith.constant 32 : index
      %get3A_80 = tpu.vector_load %arg9[%get3A_78, %get3A_79] {strides = array<i32>} : memref<32x1024xf32, #tpu.memory_space<vmem>>, vector<1x16xf32>,
      %get3A_81 = vector.shape_cast %get3A_80 : vector<1x16xf32> to vector<16xf32>
      %add3A_82 = arith.addf %get3A_77, %get3A_81 : vector<16xf32>
      %swap3A_83 = arith.index_cast %add3A_47 : i32 to index
      %swap3A_84 = arith.constant 32 : index
      %swap3A_85 = tpu.vector_load %arg8[%swap3A_83, %swap3A_84] {strides = array<i32>} : memref<32x1024xf32, #tpu.memory_space<vmem>>, vector<1x16xf32>,
      %swap3A_86 = vector.shape_cast %swap3A_85 : vector<1x16xf32> to vector<16xf32>
      %swap3A_87 = vector.shape_cast %add3A_82 : vector<16xf32> to vector<1x16xf32>
      tpu.vector_store %arg8[%swap3A_83, %swap3A_84], %swap3A_87 {strides = array<i32>} : memref<32x1024xf32, #tpu.memory_space<vmem>>, vector<1x16xf32>,
      %get3A_88 = arith.index_cast %add3A_47 : i32 to index
      %get3A_89 = arith.constant 48 : index
      %get3A_90 = tpu.vector_load %arg8[%get3A_88, %get3A_89] {strides = array<i32>} : memref<32x1024xf32, #tpu.memory_space<vmem>>, vector<1x16xf32>,
      %get3A_91 = vector.shape_cast %get3A_90 : vector<1x16xf32> to vector<16xf32>
      %get3A_92 = arith.index_cast %add3A_47 : i32 to index
      %get3A_93 = arith.constant 48 : index
      %get3A_94 = tpu.vector_load %arg9[%get3A_92, %get3A_93] {strides = array<i32>} : memref<32x1024xf32, #tpu.memory_space<vmem>>, vector<1x16xf32>,
      %get3A_95 = vector.shape_cast %get3A_94 : vector<1x16xf32> to vector<16xf32>
      %add3A_96 = arith.addf %get3A_91, %get3A_95 : vector<16xf32>
      %swap3A_97 = arith.index_cast %add3A_47 : i32 to index
      %swap3A_98 = arith.constant 48 : index
      %swap3A_99 = tpu.vector_load %arg8[%swap3A_97, %swap3A_98] {strides = array<i32>} : memref<32x1024xf32, #tpu.memory_space<vmem>>, vector<1x16xf32>,
      %swap3A_100 = vector.shape_cast %swap3A_99 : vector<1x16xf32> to vector<16xf32>
      %swap3A_101 = vector.shape_cast %add3A_96 : vector<16xf32> to vector<1x16xf32>
      tpu.vector_store %arg8[%swap3A_97, %swap3A_98], %swap3A_101 {strides = array<i32>} : memref<32x1024xf32, #tpu.memory_space<vmem>>, vector<1x16xf32>,
      %get3A_102 = arith.index_cast %add3A_47 : i32 to index
      %get3A_103 = arith.constant 64 : index
      %get3A_104 = tpu.vector_load %arg8[%get3A_102, %get3A_103] {strides = array<i32>} : memref<32x1024xf32, #tpu.memory_space<vmem>>, vector<1x16xf32>,
      %get3A_105 = vector.shape_cast %get3A_104 : vector<1x16xf32> to vector<16xf32>
      %get3A_106 = arith.index_cast %add3A_47 : i32 to index
      %get3A_107 = arith.constant 64 : index
      %get3A_108 = tpu.vector_load %arg9[%get3A_106, %get3A_107] {strides = array<i32>} : memref<32x1024xf32, #tpu.memory_space<vmem>>, vector<1x16xf32>,
      %get3A_109 = vector.shape_cast %get3A_108 : vector<1x16xf32> to vector<16xf32>
      %add3A_110 = arith.addf %get3A_105, %get3A_109 : vector<16xf32>
      %swap3A_111 = arith.index_cast %add3A_47 : i32 to index
      %swap3A_112 = arith.constant 64 : index
      %swap3A_113 = tpu.vector_load %arg8[%swap3A_111, %swap3A_112] {strides = array<i32>} : memref<32x1024xf32, #tpu.memory_space<vmem>>, vector<1x16xf32>,
      %swap3A_114 = vector.shape_cast %swap3A_113 : vector<1x16xf32> to vector<16xf32>
      %swap3A_115 = vector.shape_cast %add3A_110 : vector<16xf32> to vector<1x16xf32>
      tpu.vector_store %arg8[%swap3A_111, %swap3A_112], %swap3A_115 {strides = array<i32>} : memref<32x1024xf32, #tpu.memory_space<vmem>>, vector<1x16xf32>,
      %get3A_116 = arith.index_cast %add3A_47 : i32 to index
      %get3A_117 = arith.constant 80 : index
      %get3A_118 = tpu.vector_load %arg8[%get3A_116, %get3A_117] {strides = array<i32>} : memref<32x1024xf32, #tpu.memory_space<vmem>>, vector<1x16xf32>,
      %get3A_119 = vector.shape_cast %get3A_118 : vector<1x16xf32> to vector<16xf32>
      %get3A_120 = arith.index_cast %add3A_47 : i32 to index
      %get3A_121 = arith.constant 80 : index
      %get3A_122 = tpu.vector_load %arg9[%get3A_120, %get3A_121] {strides = array<i32>} : memref<32x1024xf32, #tpu.memory_space<vmem>>, vector<1x16xf32>,
      %get3A_123 = vector.shape_cast %get3A_122 : vector<1x16xf32> to vector<16xf32>
      %add3A_124 = arith.addf %get3A_119, %get3A_123 : vector<16xf32>
      %swap3A_125 = arith.index_cast %add3A_47 : i32 to index
      %swap3A_126 = arith.constant 80 : index
      %swap3A_127 = tpu.vector_load %arg8[%swap3A_125, %swap3A_126] {strides = array<i32>} : memref<32x1024xf32, #tpu.memory_space<vmem>>, vector<1x16xf32>,
      %swap3A_128 = vector.shape_cast %swap3A_127 : vector<1x16xf32> to vector<16xf32>
      %swap3A_129 = vector.shape_cast %add3A_124 : vector<16xf32> to vector<1x16xf32>
      tpu.vector_store %arg8[%swap3A_125, %swap3A_126], %swap3A_129 {strides = array<i32>} : memref<32x1024xf32, #tpu.memory_space<vmem>>, vector<1x16xf32>,
      %get3A_130 = arith.index_cast %add3A_47 : i32 to index
      %get3A_131 = arith.constant 96 : index
      %get3A_132 = tpu.vector_load %arg8[%get3A_130, %get3A_131] {strides = array<i32>} : memref<32x1024xf32, #tpu.memory_space<vmem>>, vector<1x16xf32>,
      %get3A_133 = vector.shape_cast %get3A_132 : vector<1x16xf32> to vector<16xf32>
      %get3A_134 = arith.index_cast %add3A_47 : i32 to index
      %get3A_135 = arith.constant 96 : index
      %get3A_136 = tpu.vector_load %arg9[%get3A_134, %get3A_135] {strides = array<i32>} : memref<32x1024xf32, #tpu.memory_space<vmem>>, vector<1x16xf32>,
      %get3A_137 = vector.shape_cast %get3A_136 : vector<1x16xf32> to vector<16xf32>
      %add3A_138 = arith.addf %get3A_133, %get3A_137 : vector<16xf32>
      %swap3A_139 = arith.index_cast %add3A_47 : i32 to index
      %swap3A_140 = arith.constant 96 : index
      %swap3A_141 = tpu.vector_load %arg8[%swap3A_139, %swap3A_140] {strides = array<i32>} : memref<32x1024xf32, #tpu.memory_space<vmem>>, vector<1x16xf32>,
      %swap3A_142 = vector.shape_cast %swap3A_141 : vector<1x16xf32> to vector<16xf32>
      %swap3A_143 = vector.shape_cast %add3A_138 : vector<16xf32> to vector<1x16xf32>
      tpu.vector_store %arg8[%swap3A_139, %swap3A_140], %swap3A_143 {strides = array<i32>} : memref<32x1024xf32, #tpu.memory_space<vmem>>, vector<1x16xf32>,
      %get3A_144 = arith.index_cast %add3A_47 : i32 to index
      %get3A_145 = arith.constant 112 : index
      %get3A_146 = tpu.vector_load %arg8[%get3A_144, %get3A_145] {strides = array<i32>} : memref<32x1024xf32, #tpu.memory_space<vmem>>, vector<1x16xf32>,
      %get3A_147 = vector.shape_cast %get3A_146 : vector<1x16xf32> to vector<16xf32>
      %get3A_148 = arith.index_cast %add3A_47 : i32 to index
      %get3A_149 = arith.constant 112 : index
      %get3A_150 = tpu.vector_load %arg9[%get3A_148, %get3A_149] {strides = array<i32>} : memref<32x1024xf32, #tpu.memory_space<vmem>>, vector<1x16xf32>,
      %get3A_151 = vector.shape_cast %get3A_150 : vector<1x16xf32> to vector<16xf32>
      %add3A_152 = arith.addf %get3A_147, %get3A_151 : vector<16xf32>
      %swap3A_153 = arith.index_cast %add3A_47 : i32 to index
      %swap3A_154 = arith.constant 112 : index
      %swap3A_155 = tpu.vector_load %arg8[%swap3A_153, %swap3A_154] {strides = array<i32>} : memref<32x1024xf32, #tpu.memory_space<vmem>>, vector<1x16xf32>,
      %swap3A_156 = vector.shape_cast %swap3A_155 : vector<1x16xf32> to vector<16xf32>
      %swap3A_157 = vector.shape_cast %add3A_152 : vector<16xf32> to vector<1x16xf32>
      tpu.vector_store %arg8[%swap3A_153, %swap3A_154], %swap3A_157 {strides = array<i32>} : memref<32x1024xf32, #tpu.memory_space<vmem>>, vector<1x16xf32>,
      %get3A_158 = arith.index_cast %add3A_47 : i32 to index
      %get3A_159 = arith.constant 128 : index
      %get3A_160 = tpu.vector_load %arg8[%get3A_158, %get3A_159] {strides = array<i32>} : memref<32x1024xf32, #tpu.memory_space<vmem>>, vector<1x16xf32>,
      %get3A_161 = vector.shape_cast %get3A_160 : vector<1x16xf32> to vector<16xf32>
      %get3A_162 = arith.index_cast %add3A_47 : i32 to index
      %get3A_163 = arith.constant 128 : index
      %get3A_164 = tpu.vector_load %arg9[%get3A_162, %get3A_163] {strides = array<i32>} : memref<32x1024xf32, #tpu.memory_space<vmem>>, vector<1x16xf32>,
      %get3A_165 = vector.shape_cast %get3A_164 : vector<1x16xf32> to vector<16xf32>
      %add3A_166 = arith.addf %get3A_161, %get3A_165 : vector<16xf32>
      %swap3A_167 = arith.index_cast %add3A_47 : i32 to index
      %swap3A_168 = arith.constant 128 : index
      %swap3A_169 = tpu.vector_load %arg8[%swap3A_167, %swap3A_168] {strides = array<i32>} : memref<32x1024xf32, #tpu.memory_space<vmem>>, vector<1x16xf32>,
      %swap3A_170 = vector.shape_cast %swap3A_169 : vector<1x16xf32> to vector<16xf32>
      %swap3A_171 = vector.shape_cast %add3A_166 : vector<16xf32> to vector<1x16xf32>
      tpu.vector_store %arg8[%swap3A_167, %swap3A_168], %swap3A_171 {strides = array<i32>} : memref<32x1024xf32, #tpu.memory_space<vmem>>, vector<1x16xf32>,
      %get3A_172 = arith.index_cast %add3A_47 : i32 to index
      %get3A_173 = arith.constant 144 : index
      %get3A_174 = tpu.vector_load %arg8[%get3A_172, %get3A_173] {strides = array<i32>} : memref<32x1024xf32, #tpu.memory_space<vmem>>, vector<1x16xf32>,
      %get3A_175 = vector.shape_cast %get3A_174 : vector<1x16xf32> to vector<16xf32>
      %get3A_176 = arith.index_cast %add3A_47 : i32 to index
      %get3A_177 = arith.constant 144 : index
      %get3A_178 = tpu.vector_load %arg9[%get3A_176, %get3A_177] {strides = array<i32>} : memref<32x1024xf32, #tpu.memory_space<vmem>>, vector<1x16xf32>,
      %get3A_179 = vector.shape_cast %get3A_178 : vector<1x16xf32> to vector<16xf32>
      %add3A_180 = arith.addf %get3A_175, %get3A_179 : vector<16xf32>
      %swap3A_181 = arith.index_cast %add3A_47 : i32 to index
      %swap3A_182 = arith.constant 144 : index
      %swap3A_183 = tpu.vector_load %arg8[%swap3A_181, %swap3A_182] {strides = array<i32>} : memref<32x1024xf32, #tpu.memory_space<vmem>>, vector<1x16xf32>,
      %swap3A_184 = vector.shape_cast %swap3A_183 : vector<1x16xf32> to vector<16xf32>
      %swap3A_185 = vector.shape_cast %add3A_180 : vector<16xf32> to vector<1x16xf32>
      tpu.vector_store %arg8[%swap3A_181, %swap3A_182], %swap3A_185 {strides = array<i32>} : memref<32x1024xf32, #tpu.memory_space<vmem>>, vector<1x16xf32>,
      %get3A_186 = arith.index_cast %add3A_47 : i32 to index
      %get3A_187 = arith.constant 160 : index
      %get3A_188 = tpu.vector_load %arg8[%get3A_186, %get3A_187] {strides = array<i32>} : memref<32x1024xf32, #tpu.memory_space<vmem>>, vector<1x16xf32>,
      %get3A_189 = vector.shape_cast %get3A_188 : vector<1x16xf32> to vector<16xf32>
      %get3A_190 = arith.index_cast %add3A_47 : i32 to index
      %get3A_191 = arith.constant 160 : index
      %get3A_192 = tpu.vector_load %arg9[%get3A_190, %get3A_191] {strides = array<i32>} : memref<32x1024xf32, #tpu.memory_space<vmem>>, vector<1x16xf32>,
      %get3A_193 = vector.shape_cast %get3A_192 : vector<1x16xf32> to vector<16xf32>
      %add3A_194 = arith.addf %get3A_189, %get3A_193 : vector<16xf32>
      %swap3A_195 = arith.index_cast %add3A_47 : i32 to index
      %swap3A_196 = arith.constant 160 : index
      %swap3A_197 = tpu.vector_load %arg8[%swap3A_195, %swap3A_196] {strides = array<i32>} : memref<32x1024xf32, #tpu.memory_space<vmem>>, vector<1x16xf32>,
      %swap3A_198 = vector.shape_cast %swap3A_197 : vector<1x16xf32> to vector<16xf32>
      %swap3A_199 = vector.shape_cast %add3A_194 : vector<16xf32> to vector<1x16xf32>
      tpu.vector_store %arg8[%swap3A_195, %swap3A_196], %swap3A_199 {strides = array<i32>} : memref<32x1024xf32, #tpu.memory_space<vmem>>, vector<1x16xf32>,
      %get3A_200 = arith.index_cast %add3A_47 : i32 to index
      %get3A_201 = arith.constant 176 : index
      %get3A_202 = tpu.vector_load %arg8[%get3A_200, %get3A_201] {strides = array<i32>} : memref<32x1024xf32, #tpu.memory_space<vmem>>, vector<1x16xf32>,
      %get3A_203 = vector.shape_cast %get3A_202 : vector<1x16xf32> to vector<16xf32>
      %get3A_204 = arith.index_cast %add3A_47 : i32 to index
      %get3A_205 = arith.constant 176 : index
      %get3A_206 = tpu.vector_load %arg9[%get3A_204, %get3A_205] {strides = array<i32>} : memref<32x1024xf32, #tpu.memory_space<vmem>>, vector<1x16xf32>,
      %get3A_207 = vector.shape_cast %get3A_206 : vector<1x16xf32> to vector<16xf32>
      %add3A_208 = arith.addf %get3A_203, %get3A_207 : vector<16xf32>
      %swap3A_209 = arith.index_cast %add3A_47 : i32 to index
      %swap3A_210 = arith.constant 176 : index
      %swap3A_211 = tpu.vector_load %arg8[%swap3A_209, %swap3A_210] {strides = array<i32>} : memref<32x1024xf32, #tpu.memory_space<vmem>>, vector<1x16xf32>,
      %swap3A_212 = vector.shape_cast %swap3A_211 : vector<1x16xf32> to vector<16xf32>
      %swap3A_213 = vector.shape_cast %add3A_208 : vector<16xf32> to vector<1x16xf32>
      tpu.vector_store %arg8[%swap3A_209, %swap3A_210], %swap3A_213 {strides = array<i32>} : memref<32x1024xf32, #tpu.memory_space<vmem>>, vector<1x16xf32>,
      %get3A_214 = arith.index_cast %add3A_47 : i32 to index
      %get3A_215 = arith.constant 192 : index
      %get3A_216 = tpu.vector_load %arg8[%get3A_214, %get3A_215] {strides = array<i32>} : memref<32x1024xf32, #tpu.memory_space<vmem>>, vector<1x16xf32>,
      %get3A_217 = vector.shape_cast %get3A_216 : vector<1x16xf32> to vector<16xf32>
      %get3A_218 = arith.index_cast %add3A_47 : i32 to index
      %get3A_219 = arith.constant 192 : index
      %get3A_220 = tpu.vector_load %arg9[%get3A_218, %get3A_219] {strides = array<i32>} : memref<32x1024xf32, #tpu.memory_space<vmem>>, vector<1x16xf32>,
      %get3A_221 = vector.shape_cast %get3A_220 : vector<1x16xf32> to vector<16xf32>
      %add3A_222 = arith.addf %get3A_217, %get3A_221 : vector<16xf32>
      %swap3A_223 = arith.index_cast %add3A_47 : i32 to index
      %swap3A_224 = arith.constant 192 : index
      %swap3A_225 = tpu.vector_load %arg8[%swap3A_223, %swap3A_224] {strides = array<i32>} : memref<32x1024xf32, #tpu.memory_space<vmem>>, vector<1x16xf32>,
      %swap3A_226 = vector.shape_cast %swap3A_225 : vector<1x16xf32> to vector<16xf32>
      %swap3A_227 = vector.shape_cast %add3A_222 : vector<16xf32> to vector<1x16xf32>
      tpu.vector_store %arg8[%swap3A_223, %swap3A_224], %swap3A_227 {strides = array<i32>} : memref<32x1024xf32, #tpu.memory_space<vmem>>, vector<1x16xf32>,
      %get3A_228 = arith.index_cast %add3A_47 : i32 to index
      %get3A_229 = arith.constant 208 : index
      %get3A_230 = tpu.vector_load %arg8[%get3A_228, %get3A_229] {strides = array<i32>} : memref<32x1024xf32, #tpu.memory_space<vmem>>, vector<1x16xf32>,
      %get3A_231 = vector.shape_cast %get3A_230 : vector<1x16xf32> to vector<16xf32>
      %get3A_232 = arith.index_cast %add3A_47 : i32 to index
      %get3A_233 = arith.constant 208 : index
      %get3A_234 = tpu.vector_load %arg9[%get3A_232, %get3A_233] {strides = array<i32>} : memref<32x1024xf32, #tpu.memory_space<vmem>>, vector<1x16xf32>,
      %get3A_235 = vector.shape_cast %get3A_234 : vector<1x16xf32> to vector<16xf32>
      %add3A_236 = arith.addf %get3A_231, %get3A_235 : vector<16xf32>
      %swap3A_237 = arith.index_cast %add3A_47 : i32 to index
      %swap3A_238 = arith.constant 208 : index
      %swap3A_239 = tpu.vector_load %arg8[%swap3A_237, %swap3A_238] {strides = array<i32>} : memref<32x1024xf32, #tpu.memory_space<vmem>>, vector<1x16xf32>,
      %swap3A_240 = vector.shape_cast %swap3A_239 : vector<1x16xf32> to vector<16xf32>
      %swap3A_241 = vector.shape_cast %add3A_236 : vector<16xf32> to vector<1x16xf32>
      tpu.vector_store %arg8[%swap3A_237, %swap3A_238], %swap3A_241 {strides = array<i32>} : memref<32x1024xf32, #tpu.memory_space<vmem>>, vector<1x16xf32>,
      %get3A_242 = arith.index_cast %add3A_47 : i32 to index
      %get3A_243 = arith.constant 224 : index
      %get3A_244 = tpu.vector_load %arg8[%get3A_242, %get3A_243] {strides = array<i32>} : memref<32x1024xf32, #tpu.memory_space<vmem>>, vector<1x16xf32>,
      %get3A_245 = vector.shape_cast %get3A_244 : vector<1x16xf32> to vector<16xf32>
      %get3A_246 = arith.index_cast %add3A_47 : i32 to index
      %get3A_247 = arith.constant 224 : index
      %get3A_248 = tpu.vector_load %arg9[%get3A_246, %get3A_247] {strides = array<i32>} : memref<32x1024xf32, #tpu.memory_space<vmem>>, vector<1x16xf32>,
      %get3A_249 = vector.shape_cast %get3A_248 : vector<1x16xf32> to vector<16xf32>
      %add3A_250 = arith.addf %get3A_245, %get3A_249 : vector<16xf32>
      %swap3A_251 = arith.index_cast %add3A_47 : i32 to index
      %swap3A_252 = arith.constant 224 : index
      %swap3A_253 = tpu.vector_load %arg8[%swap3A_251, %swap3A_252] {strides = array<i32>} : memref<32x1024xf32, #tpu.memory_space<vmem>>, vector<1x16xf32>,
      %swap3A_254 = vector.shape_cast %swap3A_253 : vector<1x16xf32> to vector<16xf32>
      %swap3A_255 = vector.shape_cast %add3A_250 : vector<16xf32> to vector<1x16xf32>
      tpu.vector_store %arg8[%swap3A_251, %swap3A_252], %swap3A_255 {strides = array<i32>} : memref<32x1024xf32, #tpu.memory_space<vmem>>, vector<1x16xf32>,
      %get3A_256 = arith.index_cast %add3A_47 : i32 to index
      %get3A_257 = arith.constant 240 : index
      %get3A_258 = tpu.vector_load %arg8[%get3A_256, %get3A_257] {strides = array<i32>} : memref<32x1024xf32, #tpu.memory_space<vmem>>, vector<1x16xf32>,
      %get3A_259 = vector.shape_cast %get3A_258 : vector<1x16xf32> to vector<16xf32>
      %get3A_260 = arith.index_cast %add3A_47 : i32 to index
      %get3A_261 = arith.constant 240 : index
      %get3A_262 = tpu.vector_load %arg9[%get3A_260, %get3A_261] {strides = array<i32>} : memref<32x1024xf32, #tpu.memory_space<vmem>>, vector<1x16xf32>,
      %get3A_263 = vector.shape_cast %get3A_262 : vector<1x16xf32> to vector<16xf32>
      %add3A_264 = arith.addf %get3A_259, %get3A_263 : vector<16xf32>
      %swap3A_265 = arith.index_cast %add3A_47 : i32 to index
      %swap3A_266 = arith.constant 240 : index
      %swap3A_267 = tpu.vector_load %arg8[%swap3A_265, %swap3A_266] {strides = array<i32>} : memref<32x1024xf32, #tpu.memory_space<vmem>>, vector<1x16xf32>,
      %swap3A_268 = vector.shape_cast %swap3A_267 : vector<1x16xf32> to vector<16xf32>
      %swap3A_269 = vector.shape_cast %add3A_264 : vector<16xf32> to vector<1x16xf32>
      tpu.vector_store %arg8[%swap3A_265, %swap3A_266], %swap3A_269 {strides = array<i32>} : memref<32x1024xf32, #tpu.memory_space<vmem>>, vector<1x16xf32>,
      %get3A_270 = arith.index_cast %add3A_47 : i32 to index
      %get3A_271 = arith.constant 256 : index
      %get3A_272 = tpu.vector_load %arg8[%get3A_270, %get3A_271] {strides = array<i32>} : memref<32x1024xf32, #tpu.memory_space<vmem>>, vector<1x16xf32>,
      %get3A_273 = vector.shape_cast %get3A_272 : vector<1x16xf32> to vector<16xf32>
      %get3A_274 = arith.index_cast %add3A_47 : i32 to index
      %get3A_275 = arith.constant 256 : index
      %get3A_276 = tpu.vector_load %arg9[%get3A_274, %get3A_275] {strides = array<i32>} : memref<32x1024xf32, #tpu.memory_space<vmem>>, vector<1x16xf32>,
      %get3A_277 = vector.shape_cast %get3A_276 : vector<1x16xf32> to vector<16xf32>
      %add3A_278 = arith.addf %get3A_273, %get3A_277 : vector<16xf32>
      %swap3A_279 = arith.index_cast %add3A_47 : i32 to index
      %swap3A_280 = arith.constant 256 : index
      %swap3A_281 = tpu.vector_load %arg8[%swap3A_279, %swap3A_280] {strides = array<i32>} : memref<32x1024xf32, #tpu.memory_space<vmem>>, vector<1x16xf32>,
      %swap3A_282 = vector.shape_cast %swap3A_281 : vector<1x16xf32> to vector<16xf32>
      %swap3A_283 = vector.shape_cast %add3A_278 : vector<16xf32> to vector<1x16xf32>
      tpu.vector_store %arg8[%swap3A_279, %swap3A_280], %swap3A_283 {strides = array<i32>} : memref<32x1024xf32, #tpu.memory_space<vmem>>, vector<1x16xf32>,
      %get3A_284 = arith.index_cast %add3A_47 : i32 to index
      %get3A_285 = arith.constant 272 : index
      %get3A_286 = tpu.vector_load %arg8[%get3A_284, %get3A_285] {strides = array<i32>} : memref<32x1024xf32, #tpu.memory_space<vmem>>, vector<1x16xf32>,
      %get3A_287 = vector.shape_cast %get3A_286 : vector<1x16xf32> to vector<16xf32>
      %get3A_288 = arith.index_cast %add3A_47 : i32 to index
      %get3A_289 = arith.constant 272 : index
      %get3A_290 = tpu.vector_load %arg9[%get3A_288, %get3A_289] {strides = array<i32>} : memref<32x1024xf32, #tpu.memory_space<vmem>>, vector<1x16xf32>,
      %get3A_291 = vector.shape_cast %get3A_290 : vector<1x16xf32> to vector<16xf32>
      %add3A_292 = arith.addf %get3A_287, %get3A_291 : vector<16xf32>
      %swap3A_293 = arith.index_cast %add3A_47 : i32 to index
      %swap3A_294 = arith.constant 272 : index
      %swap3A_295 = tpu.vector_load %arg8[%swap3A_293, %swap3A_294] {strides = array<i32>} : memref<32x1024xf32, #tpu.memory_space<vmem>>, vector<1x16xf32>,
      %swap3A_296 = vector.shape_cast %swap3A_295 : vector<1x16xf32> to vector<16xf32>
      %swap3A_297 = vector.shape_cast %add3A_292 : vector<16xf32> to vector<1x16xf32>
      tpu.vector_store %arg8[%swap3A_293, %swap3A_294], %swap3A_297 {strides = array<i32>} : memref<32x1024xf32, #tpu.memory_space<vmem>>, vector<1x16xf32>,
      %get3A_298 = arith.index_cast %add3A_47 : i32 to index
      %get3A_299 = arith.constant 288 : index
      %get3A_300 = tpu.vector_load %arg8[%get3A_298, %get3A_299] {strides = array<i32>} : memref<32x1024xf32, #tpu.memory_space<vmem>>, vector<1x16xf32>,
      %get3A_301 = vector.shape_cast %get3A_300 : vector<1x16xf32> to vector<16xf32>
      %get3A_302 = arith.index_cast %add3A_47 : i32 to index
      %get3A_303 = arith.constant 288 : index
      %get3A_304 = tpu.vector_load %arg9[%get3A_302, %get3A_303] {strides = array<i32>} : memref<32x1024xf32, #tpu.memory_space<vmem>>, vector<1x16xf32>,
      %get3A_305 = vector.shape_cast %get3A_304 : vector<1x16xf32> to vector<16xf32>
      %add3A_306 = arith.addf %get3A_301, %get3A_305 : vector<16xf32>
      %swap3A_307 = arith.index_cast %add3A_47 : i32 to index
      %swap3A_308 = arith.constant 288 : index
      %swap3A_309 = tpu.vector_load %arg8[%swap3A_307, %swap3A_308] {strides = array<i32>} : memref<32x1024xf32, #tpu.memory_space<vmem>>, vector<1x16xf32>,
      %swap3A_310 = vector.shape_cast %swap3A_309 : vector<1x16xf32> to vector<16xf32>
      %swap3A_311 = vector.shape_cast %add3A_306 : vector<16xf32> to vector<1x16xf32>
      tpu.vector_store %arg8[%swap3A_307, %swap3A_308], %swap3A_311 {strides = array<i32>} : memref<32x1024xf32, #tpu.memory_space<vmem>>, vector<1x16xf32>,
      %get3A_312 = arith.index_cast %add3A_47 : i32 to index
      %get3A_313 = arith.constant 304 : index
      %get3A_314 = tpu.vector_load %arg8[%get3A_312, %get3A_313] {strides = array<i32>} : memref<32x1024xf32, #tpu.memory_space<vmem>>, vector<1x16xf32>,
      %get3A_315 = vector.shape_cast %get3A_314 : vector<1x16xf32> to vector<16xf32>
      %get3A_316 = arith.index_cast %add3A_47 : i32 to index
      %get3A_317 = arith.constant 304 : index
      %get3A_318 = tpu.vector_load %arg9[%get3A_316, %get3A_317] {strides = array<i32>} : memref<32x1024xf32, #tpu.memory_space<vmem>>, vector<1x16xf32>,
      %get3A_319 = vector.shape_cast %get3A_318 : vector<1x16xf32> to vector<16xf32>
      %add3A_320 = arith.addf %get3A_315, %get3A_319 : vector<16xf32>
      %swap3A_321 = arith.index_cast %add3A_47 : i32 to index
      %swap3A_322 = arith.constant 304 : index
      %swap3A_323 = tpu.vector_load %arg8[%swap3A_321, %swap3A_322] {strides = array<i32>} : memref<32x1024xf32, #tpu.memory_space<vmem>>, vector<1x16xf32>,
      %swap3A_324 = vector.shape_cast %swap3A_323 : vector<1x16xf32> to vector<16xf32>
      %swap3A_325 = vector.shape_cast %add3A_320 : vector<16xf32> to vector<1x16xf32>
      tpu.vector_store %arg8[%swap3A_321, %swap3A_322], %swap3A_325 {strides = array<i32>} : memref<32x1024xf32, #tpu.memory_space<vmem>>, vector<1x16xf32>,
      %get3A_326 = arith.index_cast %add3A_47 : i32 to index
      %get3A_327 = arith.constant 320 : index
      %get3A_328 = tpu.vector_load %arg8[%get3A_326, %get3A_327] {strides = array<i32>} : memref<32x1024xf32, #tpu.memory_space<vmem>>, vector<1x16xf32>,
      %get3A_329 = vector.shape_cast %get3A_328 : vector<1x16xf32> to vector<16xf32>
      %get3A_330 = arith.index_cast %add3A_47 : i32 to index
      %get3A_331 = arith.constant 320 : index
      %get3A_332 = tpu.vector_load %arg9[%get3A_330, %get3A_331] {strides = array<i32>} : memref<32x1024xf32, #tpu.memory_space<vmem>>, vector<1x16xf32>,
      %get3A_333 = vector.shape_cast %get3A_332 : vector<1x16xf32> to vector<16xf32>
      %add3A_334 = arith.addf %get3A_329, %get3A_333 : vector<16xf32>
      %swap3A_335 = arith.index_cast %add3A_47 : i32 to index
      %swap3A_336 = arith.constant 320 : index
      %swap3A_337 = tpu.vector_load %arg8[%swap3A_335, %swap3A_336] {strides = array<i32>} : memref<32x1024xf32, #tpu.memory_space<vmem>>, vector<1x16xf32>,
      %swap3A_338 = vector.shape_cast %swap3A_337 : vector<1x16xf32> to vector<16xf32>
      %swap3A_339 = vector.shape_cast %add3A_334 : vector<16xf32> to vector<1x16xf32>
      tpu.vector_store %arg8[%swap3A_335, %swap3A_336], %swap3A_339 {strides = array<i32>} : memref<32x1024xf32, #tpu.memory_space<vmem>>, vector<1x16xf32>,
      %get3A_340 = arith.index_cast %add3A_47 : i32 to index
      %get3A_341 = arith.constant 336 : index
      %get3A_342 = tpu.vector_load %arg8[%get3A_340, %get3A_341] {strides = array<i32>} : memref<32x1024xf32, #tpu.memory_space<vmem>>, vector<1x16xf32>,
      %get3A_343 = vector.shape_cast %get3A_342 : vector<1x16xf32> to vector<16xf32>
      %get3A_344 = arith.index_cast %add3A_47 : i32 to index
      %get3A_345 = arith.constant 336 : index
      %get3A_346 = tpu.vector_load %arg9[%get3A_344, %get3A_345] {strides = array<i32>} : memref<32x1024xf32, #tpu.memory_space<vmem>>, vector<1x16xf32>,
      %get3A_347 = vector.shape_cast %get3A_346 : vector<1x16xf32> to vector<16xf32>
      %add3A_348 = arith.addf %get3A_343, %get3A_347 : vector<16xf32>
      %swap3A_349 = arith.index_cast %add3A_47 : i32 to index
      %swap3A_350 = arith.constant 336 : index
      %swap3A_351 = tpu.vector_load %arg8[%swap3A_349, %swap3A_350] {strides = array<i32>} : memref<32x1024xf32, #tpu.memory_space<vmem>>, vector<1x16xf32>,
      %swap3A_352 = vector.shape_cast %swap3A_351 : vector<1x16xf32> to vector<16xf32>
      %swap3A_353 = vector.shape_cast %add3A_348 : vector<16xf32> to vector<1x16xf32>
      tpu.vector_store %arg8[%swap3A_349, %swap3A_350], %swap3A_353 {strides = array<i32>} : memref<32x1024xf32, #tpu.memory_space<vmem>>, vector<1x16xf32>,
      %get3A_354 = arith.index_cast %add3A_47 : i32 to index
      %get3A_355 = arith.constant 352 : index
      %get3A_356 = tpu.vector_load %arg8[%get3A_354, %get3A_355] {strides = array<i32>} : memref<32x1024xf32, #tpu.memory_space<vmem>>, vector<1x16xf32>,
      %get3A_357 = vector.shape_cast %get3A_356 : vector<1x16xf32> to vector<16xf32>
      %get3A_358 = arith.index_cast %add3A_47 : i32 to index
      %get3A_359 = arith.constant 352 : index
      %get3A_360 = tpu.vector_load %arg9[%get3A_358, %get3A_359] {strides = array<i32>} : memref<32x1024xf32, #tpu.memory_space<vmem>>, vector<1x16xf32>,
      %get3A_361 = vector.shape_cast %get3A_360 : vector<1x16xf32> to vector<16xf32>
      %add3A_362 = arith.addf %get3A_357, %get3A_361 : vector<16xf32>
      %swap3A_363 = arith.index_cast %add3A_47 : i32 to index
      %swap3A_364 = arith.constant 352 : index
      %swap3A_365 = tpu.vector_load %arg8[%swap3A_363, %swap3A_364] {strides = array<i32>} : memref<32x1024xf32, #tpu.memory_space<vmem>>, vector<1x16xf32>,
      %swap3A_366 = vector.shape_cast %swap3A_365 : vector<1x16xf32> to vector<16xf32>
      %swap3A_367 = vector.shape_cast %add3A_362 : vector<16xf32> to vector<1x16xf32>
      tpu.vector_store %arg8[%swap3A_363, %swap3A_364], %swap3A_367 {strides = array<i32>} : memref<32x1024xf32, #tpu.memory_space<vmem>>, vector<1x16xf32>,
      %get3A_368 = arith.index_cast %add3A_47 : i32 to index
      %get3A_369 = arith.constant 368 : index
      %get3A_370 = tpu.vector_load %arg8[%get3A_368, %get3A_369] {strides = array<i32>} : memref<32x1024xf32, #tpu.memory_space<vmem>>, vector<1x16xf32>,
      %get3A_371 = vector.shape_cast %get3A_370 : vector<1x16xf32> to vector<16xf32>
      %get3A_372 = arith.index_cast %add3A_47 : i32 to index
      %get3A_373 = arith.constant 368 : index
      %get3A_374 = tpu.vector_load %arg9[%get3A_372, %get3A_373] {strides = array<i32>} : memref<32x1024xf32, #tpu.memory_space<vmem>>, vector<1x16xf32>,
      %get3A_375 = vector.shape_cast %get3A_374 : vector<1x16xf32> to vector<16xf32>
      %add3A_376 = arith.addf %get3A_371, %get3A_375 : vector<16xf32>
      %swap3A_377 = arith.index_cast %add3A_47 : i32 to index
      %swap3A_378 = arith.constant 368 : index
      %swap3A_379 = tpu.vector_load %arg8[%swap3A_377, %swap3A_378] {strides = array<i32>} : memref<32x1024xf32, #tpu.memory_space<vmem>>, vector<1x16xf32>,
      %swap3A_380 = vector.shape_cast %swap3A_379 : vector<1x16xf32> to vector<16xf32>
      %swap3A_381 = vector.shape_cast %add3A_376 : vector<16xf32> to vector<1x16xf32>
      tpu.vector_store %arg8[%swap3A_377, %swap3A_378], %swap3A_381 {strides = array<i32>} : memref<32x1024xf32, #tpu.memory_space<vmem>>, vector<1x16xf32>,
      %get3A_382 = arith.index_cast %add3A_47 : i32 to index
      %get3A_383 = arith.constant 384 : index
      %get3A_384 = tpu.vector_load %arg8[%get3A_382, %get3A_383] {strides = array<i32>} : memref<32x1024xf32, #tpu.memory_space<vmem>>, vector<1x16xf32>,
      %get3A_385 = vector.shape_cast %get3A_384 : vector<1x16xf32> to vector<16xf32>
      %get3A_386 = arith.index_cast %add3A_47 : i32 to index
      %get3A_387 = arith.constant 384 : index
      %get3A_388 = tpu.vector_load %arg9[%get3A_386, %get3A_387] {strides = array<i32>} : memref<32x1024xf32, #tpu.memory_space<vmem>>, vector<1x16xf32>,
      %get3A_389 = vector.shape_cast %get3A_388 : vector<1x16xf32> to vector<16xf32>
      %add3A_390 = arith.addf %get3A_385, %get3A_389 : vector<16xf32>
      %swap3A_391 = arith.index_cast %add3A_47 : i32 to index
      %swap3A_392 = arith.constant 384 : index
      %swap3A_393 = tpu.vector_load %arg8[%swap3A_391, %swap3A_392] {strides = array<i32>} : memref<32x1024xf32, #tpu.memory_space<vmem>>, vector<1x16xf32>,
      %swap3A_394 = vector.shape_cast %swap3A_393 : vector<1x16xf32> to vector<16xf32>
      %swap3A_395 = vector.shape_cast %add3A_390 : vector<16xf32> to vector<1x16xf32>
      tpu.vector_store %arg8[%swap3A_391, %swap3A_392], %swap3A_395 {strides = array<i32>} : memref<32x1024xf32, #tpu.memory_space<vmem>>, vector<1x16xf32>,
      %get3A_396 = arith.index_cast %add3A_47 : i32 to index
      %get3A_397 = arith.constant 400 : index
      %get3A_398 = tpu.vector_load %arg8[%get3A_396, %get3A_397] {strides = array<i32>} : memref<32x1024xf32, #tpu.memory_space<vmem>>, vector<1x16xf32>,
      %get3A_399 = vector.shape_cast %get3A_398 : vector<1x16xf32> to vector<16xf32>
      %get3A_400 = arith.index_cast %add3A_47 : i32 to index
      %get3A_401 = arith.constant 400 : index
      %get3A_402 = tpu.vector_load %arg9[%get3A_400, %get3A_401] {strides = array<i32>} : memref<32x1024xf32, #tpu.memory_space<vmem>>, vector<1x16xf32>,
      %get3A_403 = vector.shape_cast %get3A_402 : vector<1x16xf32> to vector<16xf32>
      %add3A_404 = arith.addf %get3A_399, %get3A_403 : vector<16xf32>
      %swap3A_405 = arith.index_cast %add3A_47 : i32 to index
      %swap3A_406 = arith.constant 400 : index
      %swap3A_407 = tpu.vector_load %arg8[%swap3A_405, %swap3A_406] {strides = array<i32>} : memref<32x1024xf32, #tpu.memory_space<vmem>>, vector<1x16xf32>,
      %swap3A_408 = vector.shape_cast %swap3A_407 : vector<1x16xf32> to vector<16xf32>
      %swap3A_409 = vector.shape_cast %add3A_404 : vector<16xf32> to vector<1x16xf32>
      tpu.vector_store %arg8[%swap3A_405, %swap3A_406], %swap3A_409 {strides = array<i32>} : memref<32x1024xf32, #tpu.memory_space<vmem>>, vector<1x16xf32>,
      %get3A_410 = arith.index_cast %add3A_47 : i32 to index
      %get3A_411 = arith.constant 416 : index
      %get3A_412 = tpu.vector_load %arg8[%get3A_410, %get3A_411] {strides = array<i32>} : memref<32x1024xf32, #tpu.memory_space<vmem>>, vector<1x16xf32>,
      %get3A_413 = vector.shape_cast %get3A_412 : vector<1x16xf32> to vector<16xf32>
      %get3A_414 = arith.index_cast %add3A_47 : i32 to index
      %get3A_415 = arith.constant 416 : index
      %get3A_416 = tpu.vector_load %arg9[%get3A_414, %get3A_415] {strides = array<i32>} : memref<32x1024xf32, #tpu.memory_space<vmem>>, vector<1x16xf32>,
      %get3A_417 = vector.shape_cast %get3A_416 : vector<1x16xf32> to vector<16xf32>
      %add3A_418 = arith.addf %get3A_413, %get3A_417 : vector<16xf32>
      %swap3A_419 = arith.index_cast %add3A_47 : i32 to index
      %swap3A_420 = arith.constant 416 : index
      %swap3A_421 = tpu.vector_load %arg8[%swap3A_419, %swap3A_420] {strides = array<i32>} : memref<32x1024xf32, #tpu.memory_space<vmem>>, vector<1x16xf32>,
      %swap3A_422 = vector.shape_cast %swap3A_421 : vector<1x16xf32> to vector<16xf32>
      %swap3A_423 = vector.shape_cast %add3A_418 : vector<16xf32> to vector<1x16xf32>
      tpu.vector_store %arg8[%swap3A_419, %swap3A_420], %swap3A_423 {strides = array<i32>} : memref<32x1024xf32, #tpu.memory_space<vmem>>, vector<1x16xf32>,
      %get3A_424 = arith.index_cast %add3A_47 : i32 to index
      %get3A_425 = arith.constant 432 : index
      %get3A_426 = tpu.vector_load %arg8[%get3A_424, %get3A_425] {strides = array<i32>} : memref<32x1024xf32, #tpu.memory_space<vmem>>, vector<1x16xf32>,
      %get3A_427 = vector.shape_cast %get3A_426 : vector<1x16xf32> to vector<16xf32>
      %get3A_428 = arith.index_cast %add3A_47 : i32 to index
      %get3A_429 = arith.constant 432 : index
      %get3A_430 = tpu.vector_load %arg9[%get3A_428, %get3A_429] {strides = array<i32>} : memref<32x1024xf32, #tpu.memory_space<vmem>>, vector<1x16xf32>,
      %get3A_431 = vector.shape_cast %get3A_430 : vector<1x16xf32> to vector<16xf32>
      %add3A_432 = arith.addf %get3A_427, %get3A_431 : vector<16xf32>
      %swap3A_433 = arith.index_cast %add3A_47 : i32 to index
      %swap3A_434 = arith.constant 432 : index
      %swap3A_435 = tpu.vector_load %arg8[%swap3A_433, %swap3A_434] {strides = array<i32>} : memref<32x1024xf32, #tpu.memory_space<vmem>>, vector<1x16xf32>,
      %swap3A_436 = vector.shape_cast %swap3A_435 : vector<1x16xf32> to vector<16xf32>
      %swap3A_437 = vector.shape_cast %add3A_432 : vector<16xf32> to vector<1x16xf32>
      tpu.vector_store %arg8[%swap3A_433, %swap3A_434], %swap3A_437 {strides = array<i32>} : memref<32x1024xf32, #tpu.memory_space<vmem>>, vector<1x16xf32>,
      %get3A_438 = arith.index_cast %add3A_47 : i32 to index
      %get3A_439 = arith.constant 448 : index
      %get3A_440 = tpu.vector_load %arg8[%get3A_438, %get3A_439] {strides = array<i32>} : memref<32x1024xf32, #tpu.memory_space<vmem>>, vector<1x16xf32>,
      %get3A_441 = vector.shape_cast %get3A_440 : vector<1x16xf32> to vector<16xf32>
      %get3A_442 = arith.index_cast %add3A_47 : i32 to index
      %get3A_443 = arith.constant 448 : index
      %get3A_444 = tpu.vector_load %arg9[%get3A_442, %get3A_443] {strides = array<i32>} : memref<32x1024xf32, #tpu.memory_space<vmem>>, vector<1x16xf32>,
      %get3A_445 = vector.shape_cast %get3A_444 : vector<1x16xf32> to vector<16xf32>
      %add3A_446 = arith.addf %get3A_441, %get3A_445 : vector<16xf32>
      %swap3A_447 = arith.index_cast %add3A_47 : i32 to index
      %swap3A_448 = arith.constant 448 : index
      %swap3A_449 = tpu.vector_load %arg8[%swap3A_447, %swap3A_448] {strides = array<i32>} : memref<32x1024xf32, #tpu.memory_space<vmem>>, vector<1x16xf32>,
      %swap3A_450 = vector.shape_cast %swap3A_449 : vector<1x16xf32> to vector<16xf32>
      %swap3A_451 = vector.shape_cast %add3A_446 : vector<16xf32> to vector<1x16xf32>
      tpu.vector_store %arg8[%swap3A_447, %swap3A_448], %swap3A_451 {strides = array<i32>} : memref<32x1024xf32, #tpu.memory_space<vmem>>, vector<1x16xf32>,
      %get3A_452 = arith.index_cast %add3A_47 : i32 to index
      %get3A_453 = arith.constant 464 : index
      %get3A_454 = tpu.vector_load %arg8[%get3A_452, %get3A_453] {strides = array<i32>} : memref<32x1024xf32, #tpu.memory_space<vmem>>, vector<1x16xf32>,
      %get3A_455 = vector.shape_cast %get3A_454 : vector<1x16xf32> to vector<16xf32>
      %get3A_456 = arith.index_cast %add3A_47 : i32 to index
      %get3A_457 = arith.constant 464 : index
      %get3A_458 = tpu.vector_load %arg9[%get3A_456, %get3A_457] {strides = array<i32>} : memref<32x1024xf32, #tpu.memory_space<vmem>>, vector<1x16xf32>,
      %get3A_459 = vector.shape_cast %get3A_458 : vector<1x16xf32> to vector<16xf32>
      %add3A_460 = arith.addf %get3A_455, %get3A_459 : vector<16xf32>
      %swap3A_461 = arith.index_cast %add3A_47 : i32 to index
      %swap3A_462 = arith.constant 464 : index
      %swap3A_463 = tpu.vector_load %arg8[%swap3A_461, %swap3A_462] {strides = array<i32>} : memref<32x1024xf32, #tpu.memory_space<vmem>>, vector<1x16xf32>,
      %swap3A_464 = vector.shape_cast %swap3A_463 : vector<1x16xf32> to vector<16xf32>
      %swap3A_465 = vector.shape_cast %add3A_460 : vector<16xf32> to vector<1x16xf32>
      tpu.vector_store %arg8[%swap3A_461, %swap3A_462], %swap3A_465 {strides = array<i32>} : memref<32x1024xf32, #tpu.memory_space<vmem>>, vector<1x16xf32>,
      %get3A_466 = arith.index_cast %add3A_47 : i32 to index
      %get3A_467 = arith.constant 480 : index
      %get3A_468 = tpu.vector_load %arg8[%get3A_466, %get3A_467] {strides = array<i32>} : memref<32x1024xf32, #tpu.memory_space<vmem>>, vector<1x16xf32>,
      %get3A_469 = vector.shape_cast %get3A_468 : vector<1x16xf32> to vector<16xf32>
      %get3A_470 = arith.index_cast %add3A_47 : i32 to index
      %get3A_471 = arith.constant 480 : index
      %get3A_472 = tpu.vector_load %arg9[%get3A_470, %get3A_471] {strides = array<i32>} : memref<32x1024xf32, #tpu.memory_space<vmem>>, vector<1x16xf32>,
      %get3A_473 = vector.shape_cast %get3A_472 : vector<1x16xf32> to vector<16xf32>
      %add3A_474 = arith.addf %get3A_469, %get3A_473 : vector<16xf32>
      %swap3A_475 = arith.index_cast %add3A_47 : i32 to index
      %swap3A_476 = arith.constant 480 : index
      %swap3A_477 = tpu.vector_load %arg8[%swap3A_475, %swap3A_476] {strides = array<i32>} : memref<32x1024xf32, #tpu.memory_space<vmem>>, vector<1x16xf32>,
      %swap3A_478 = vector.shape_cast %swap3A_477 : vector<1x16xf32> to vector<16xf32>
      %swap3A_479 = vector.shape_cast %add3A_474 : vector<16xf32> to vector<1x16xf32>
      tpu.vector_store %arg8[%swap3A_475, %swap3A_476], %swap3A_479 {strides = array<i32>} : memref<32x1024xf32, #tpu.memory_space<vmem>>, vector<1x16xf32>,
      %get3A_480 = arith.index_cast %add3A_47 : i32 to index
      %get3A_481 = arith.constant 496 : index
      %get3A_482 = tpu.vector_load %arg8[%get3A_480, %get3A_481] {strides = array<i32>} : memref<32x1024xf32, #tpu.memory_space<vmem>>, vector<1x16xf32>,
      %get3A_483 = vector.shape_cast %get3A_482 : vector<1x16xf32> to vector<16xf32>
      %get3A_484 = arith.index_cast %add3A_47 : i32 to index
      %get3A_485 = arith.constant 496 : index
      %get3A_486 = tpu.vector_load %arg9[%get3A_484, %get3A_485] {strides = array<i32>} : memref<32x1024xf32, #tpu.memory_space<vmem>>, vector<1x16xf32>,
      %get3A_487 = vector.shape_cast %get3A_486 : vector<1x16xf32> to vector<16xf32>
      %add3A_488 = arith.addf %get3A_483, %get3A_487 : vector<16xf32>
      %swap3A_489 = arith.index_cast %add3A_47 : i32 to index
      %swap3A_490 = arith.constant 496 : index
      %swap3A_491 = tpu.vector_load %arg8[%swap3A_489, %swap3A_490] {strides = array<i32>} : memref<32x1024xf32, #tpu.memory_space<vmem>>, vector<1x16xf32>,
      %swap3A_492 = vector.shape_cast %swap3A_491 : vector<1x16xf32> to vector<16xf32>
      %swap3A_493 = vector.shape_cast %add3A_488 : vector<16xf32> to vector<1x16xf32>
      tpu.vector_store %arg8[%swap3A_489, %swap3A_490], %swap3A_493 {strides = array<i32>} : memref<32x1024xf32, #tpu.memory_space<vmem>>, vector<1x16xf32>,
      %get3A_494 = arith.index_cast %add3A_47 : i32 to index
      %get3A_495 = arith.constant 512 : index
      %get3A_496 = tpu.vector_load %arg8[%get3A_494, %get3A_495] {strides = array<i32>} : memref<32x1024xf32, #tpu.memory_space<vmem>>, vector<1x16xf32>,
      %get3A_497 = vector.shape_cast %get3A_496 : vector<1x16xf32> to vector<16xf32>
      %get3A_498 = arith.index_cast %add3A_47 : i32 to index
      %get3A_499 = arith.constant 512 : index
      %get3A_500 = tpu.vector_load %arg9[%get3A_498, %get3A_499] {strides = array<i32>} : memref<32x1024xf32, #tpu.memory_space<vmem>>, vector<1x16xf32>,
      %get3A_501 = vector.shape_cast %get3A_500 : vector<1x16xf32> to vector<16xf32>
      %add3A_502 = arith.addf %get3A_497, %get3A_501 : vector<16xf32>
      %swap3A_503 = arith.index_cast %add3A_47 : i32 to index
      %swap3A_504 = arith.constant 512 : index
      %swap3A_505 = tpu.vector_load %arg8[%swap3A_503, %swap3A_504] {strides = array<i32>} : memref<32x1024xf32, #tpu.memory_space<vmem>>, vector<1x16xf32>,
      %swap3A_506 = vector.shape_cast %swap3A_505 : vector<1x16xf32> to vector<16xf32>
      %swap3A_507 = vector.shape_cast %add3A_502 : vector<16xf32> to vector<1x16xf32>
      tpu.vector_store %arg8[%swap3A_503, %swap3A_504], %swap3A_507 {strides = array<i32>} : memref<32x1024xf32, #tpu.memory_space<vmem>>, vector<1x16xf32>,
      %get3A_508 = arith.index_cast %add3A_47 : i32 to index
      %get3A_509 = arith.constant 528 : index
      %get3A_510 = tpu.vector_load %arg8[%get3A_508, %get3A_509] {strides = array<i32>} : memref<32x1024xf32, #tpu.memory_space<vmem>>, vector<1x16xf32>,
      %get3A_511 = vector.shape_cast %get3A_510 : vector<1x16xf32> to vector<16xf32>
      %get3A_512 = arith.index_cast %add3A_47 : i32 to index
      %get3A_513 = arith.constant 528 : index
      %get3A_514 = tpu.vector_load %arg9[%get3A_512, %get3A_513] {strides = array<i32>} : memref<32x1024xf32, #tpu.memory_space<vmem>>, vector<1x16xf32>,
      %get3A_515 = vector.shape_cast %get3A_514 : vector<1x16xf32> to vector<16xf32>
      %add3A_516 = arith.addf %get3A_511, %get3A_515 : vector<16xf32>
      %swap3A_517 = arith.index_cast %add3A_47 : i32 to index
      %swap3A_518 = arith.constant 528 : index
      %swap3A_519 = tpu.vector_load %arg8[%swap3A_517, %swap3A_518] {strides = array<i32>} : memref<32x1024xf32, #tpu.memory_space<vmem>>, vector<1x16xf32>,
      %swap3A_520 = vector.shape_cast %swap3A_519 : vector<1x16xf32> to vector<16xf32>
      %swap3A_521 = vector.shape_cast %add3A_516 : vector<16xf32> to vector<1x16xf32>
      tpu.vector_store %arg8[%swap3A_517, %swap3A_518], %swap3A_521 {strides = array<i32>} : memref<32x1024xf32, #tpu.memory_space<vmem>>, vector<1x16xf32>,
      %get3A_522 = arith.index_cast %add3A_47 : i32 to index
      %get3A_523 = arith.constant 544 : index
      %get3A_524 = tpu.vector_load %arg8[%get3A_522, %get3A_523] {strides = array<i32>} : memref<32x1024xf32, #tpu.memory_space<vmem>>, vector<1x16xf32>,
      %get3A_525 = vector.shape_cast %get3A_524 : vector<1x16xf32> to vector<16xf32>
      %get3A_526 = arith.index_cast %add3A_47 : i32 to index
      %get3A_527 = arith.constant 544 : index
      %get3A_528 = tpu.vector_load %arg9[%get3A_526, %get3A_527] {strides = array<i32>} : memref<32x1024xf32, #tpu.memory_space<vmem>>, vector<1x16xf32>,
      %get3A_529 = vector.shape_cast %get3A_528 : vector<1x16xf32> to vector<16xf32>
      %add3A_530 = arith.addf %get3A_525, %get3A_529 : vector<16xf32>
      %swap3A_531 = arith.index_cast %add3A_47 : i32 to index
      %swap3A_532 = arith.constant 544 : index
      %swap3A_533 = tpu.vector_load %arg8[%swap3A_531, %swap3A_532] {strides = array<i32>} : memref<32x1024xf32, #tpu.memory_space<vmem>>, vector<1x16xf32>,
      %swap3A_534 = vector.shape_cast %swap3A_533 : vector<1x16xf32> to vector<16xf32>
      %swap3A_535 = vector.shape_cast %add3A_530 : vector<16xf32> to vector<1x16xf32>
      tpu.vector_store %arg8[%swap3A_531, %swap3A_532], %swap3A_535 {strides = array<i32>} : memref<32x1024xf32, #tpu.memory_space<vmem>>, vector<1x16xf32>,
      %get3A_536 = arith.index_cast %add3A_47 : i32 to index
      %get3A_537 = arith.constant 560 : index
      %get3A_538 = tpu.vector_load %arg8[%get3A_536, %get3A_537] {strides = array<i32>} : memref<32x1024xf32, #tpu.memory_space<vmem>>, vector<1x16xf32>,
      %get3A_539 = vector.shape_cast %get3A_538 : vector<1x16xf32> to vector<16xf32>
      %get3A_540 = arith.index_cast %add3A_47 : i32 to index
      %get3A_541 = arith.constant 560 : index
      %get3A_542 = tpu.vector_load %arg9[%get3A_540, %get3A_541] {strides = array<i32>} : memref<32x1024xf32, #tpu.memory_space<vmem>>, vector<1x16xf32>,
      %get3A_543 = vector.shape_cast %get3A_542 : vector<1x16xf32> to vector<16xf32>
      %add3A_544 = arith.addf %get3A_539, %get3A_543 : vector<16xf32>
      %swap3A_545 = arith.index_cast %add3A_47 : i32 to index
      %swap3A_546 = arith.constant 560 : index
      %swap3A_547 = tpu.vector_load %arg8[%swap3A_545, %swap3A_546] {strides = array<i32>} : memref<32x1024xf32, #tpu.memory_space<vmem>>, vector<1x16xf32>,
      %swap3A_548 = vector.shape_cast %swap3A_547 : vector<1x16xf32> to vector<16xf32>
      %swap3A_549 = vector.shape_cast %add3A_544 : vector<16xf32> to vector<1x16xf32>
      tpu.vector_store %arg8[%swap3A_545, %swap3A_546], %swap3A_549 {strides = array<i32>} : memref<32x1024xf32, #tpu.memory_space<vmem>>, vector<1x16xf32>,
      %get3A_550 = arith.index_cast %add3A_47 : i32 to index
      %get3A_551 = arith.constant 576 : index
      %get3A_552 = tpu.vector_load %arg8[%get3A_550, %get3A_551] {strides = array<i32>} : memref<32x1024xf32, #tpu.memory_space<vmem>>, vector<1x16xf32>,
      %get3A_553 = vector.shape_cast %get3A_552 : vector<1x16xf32> to vector<16xf32>
      %get3A_554 = arith.index_cast %add3A_47 : i32 to index
      %get3A_555 = arith.constant 576 : index
      %get3A_556 = tpu.vector_load %arg9[%get3A_554, %get3A_555] {strides = array<i32>} : memref<32x1024xf32, #tpu.memory_space<vmem>>, vector<1x16xf32>,
      %get3A_557 = vector.shape_cast %get3A_556 : vector<1x16xf32> to vector<16xf32>
      %add3A_558 = arith.addf %get3A_553, %get3A_557 : vector<16xf32>
      %swap3A_559 = arith.index_cast %add3A_47 : i32 to index
      %swap3A_560 = arith.constant 576 : index
      %swap3A_561 = tpu.vector_load %arg8[%swap3A_559, %swap3A_560] {strides = array<i32>} : memref<32x1024xf32, #tpu.memory_space<vmem>>, vector<1x16xf32>,
      %swap3A_562 = vector.shape_cast %swap3A_561 : vector<1x16xf32> to vector<16xf32>
      %swap3A_563 = vector.shape_cast %add3A_558 : vector<16xf32> to vector<1x16xf32>
      tpu.vector_store %arg8[%swap3A_559, %swap3A_560], %swap3A_563 {strides = array<i32>} : memref<32x1024xf32, #tpu.memory_space<vmem>>, vector<1x16xf32>,
      %get3A_564 = arith.index_cast %add3A_47 : i32 to index
      %get3A_565 = arith.constant 592 : index
      %get3A_566 = tpu.vector_load %arg8[%get3A_564, %get3A_565] {strides = array<i32>} : memref<32x1024xf32, #tpu.memory_space<vmem>>, vector<1x16xf32>,
      %get3A_567 = vector.shape_cast %get3A_566 : vector<1x16xf32> to vector<16xf32>
      %get3A_568 = arith.index_cast %add3A_47 : i32 to index
      %get3A_569 = arith.constant 592 : index
      %get3A_570 = tpu.vector_load %arg9[%get3A_568, %get3A_569] {strides = array<i32>} : memref<32x1024xf32, #tpu.memory_space<vmem>>, vector<1x16xf32>,
      %get3A_571 = vector.shape_cast %get3A_570 : vector<1x16xf32> to vector<16xf32>
      %add3A_572 = arith.addf %get3A_567, %get3A_571 : vector<16xf32>
      %swap3A_573 = arith.index_cast %add3A_47 : i32 to index
      %swap3A_574 = arith.constant 592 : index
      %swap3A_575 = tpu.vector_load %arg8[%swap3A_573, %swap3A_574] {strides = array<i32>} : memref<32x1024xf32, #tpu.memory_space<vmem>>, vector<1x16xf32>,
      %swap3A_576 = vector.shape_cast %swap3A_575 : vector<1x16xf32> to vector<16xf32>
      %swap3A_577 = vector.shape_cast %add3A_572 : vector<16xf32> to vector<1x16xf32>
      tpu.vector_store %arg8[%swap3A_573, %swap3A_574], %swap3A_577 {strides = array<i32>} : memref<32x1024xf32, #tpu.memory_space<vmem>>, vector<1x16xf32>,
      %get3A_578 = arith.index_cast %add3A_47 : i32 to index
      %get3A_579 = arith.constant 608 : index
      %get3A_580 = tpu.vector_load %arg8[%get3A_578, %get3A_579] {strides = array<i32>} : memref<32x1024xf32, #tpu.memory_space<vmem>>, vector<1x16xf32>,
      %get3A_581 = vector.shape_cast %get3A_580 : vector<1x16xf32> to vector<16xf32>
      %get3A_582 = arith.index_cast %add3A_47 : i32 to index
      %get3A_583 = arith.constant 608 : index
      %get3A_584 = tpu.vector_load %arg9[%get3A_582, %get3A_583] {strides = array<i32>} : memref<32x1024xf32, #tpu.memory_space<vmem>>, vector<1x16xf32>,
      %get3A_585 = vector.shape_cast %get3A_584 : vector<1x16xf32> to vector<16xf32>
      %add3A_586 = arith.addf %get3A_581, %get3A_585 : vector<16xf32>
      %swap3A_587 = arith.index_cast %add3A_47 : i32 to index
      %swap3A_588 = arith.constant 608 : index
      %swap3A_589 = tpu.vector_load %arg8[%swap3A_587, %swap3A_588] {strides = array<i32>} : memref<32x1024xf32, #tpu.memory_space<vmem>>, vector<1x16xf32>,
      %swap3A_590 = vector.shape_cast %swap3A_589 : vector<1x16xf32> to vector<16xf32>
      %swap3A_591 = vector.shape_cast %add3A_586 : vector<16xf32> to vector<1x16xf32>
      tpu.vector_store %arg8[%swap3A_587, %swap3A_588], %swap3A_591 {strides = array<i32>} : memref<32x1024xf32, #tpu.memory_space<vmem>>, vector<1x16xf32>,
      %get3A_592 = arith.index_cast %add3A_47 : i32 to index
      %get3A_593 = arith.constant 624 : index
      %get3A_594 = tpu.vector_load %arg8[%get3A_592, %get3A_593] {strides = array<i32>} : memref<32x1024xf32, #tpu.memory_space<vmem>>, vector<1x16xf32>,
      %get3A_595 = vector.shape_cast %get3A_594 : vector<1x16xf32> to vector<16xf32>
      %get3A_596 = arith.index_cast %add3A_47 : i32 to index
      %get3A_597 = arith.constant 624 : index
      %get3A_598 = tpu.vector_load %arg9[%get3A_596, %get3A_597] {strides = array<i32>} : memref<32x1024xf32, #tpu.memory_space<vmem>>, vector<1x16xf32>,
      %get3A_599 = vector.shape_cast %get3A_598 : vector<1x16xf32> to vector<16xf32>
      %add3A_600 = arith.addf %get3A_595, %get3A_599 : vector<16xf32>
      %swap3A_601 = arith.index_cast %add3A_47 : i32 to index
      %swap3A_602 = arith.constant 624 : index
      %swap3A_603 = tpu.vector_load %arg8[%swap3A_601, %swap3A_602] {strides = array<i32>} : memref<32x1024xf32, #tpu.memory_space<vmem>>, vector<1x16xf32>,
      %swap3A_604 = vector.shape_cast %swap3A_603 : vector<1x16xf32> to vector<16xf32>
      %swap3A_605 = vector.shape_cast %add3A_600 : vector<16xf32> to vector<1x16xf32>
      tpu.vector_store %arg8[%swap3A_601, %swap3A_602], %swap3A_605 {strides = array<i32>} : memref<32x1024xf32, #tpu.memory_space<vmem>>, vector<1x16xf32>,
      %get3A_606 = arith.index_cast %add3A_47 : i32 to index
      %get3A_607 = arith.constant 640 : index
      %get3A_608 = tpu.vector_load %arg8[%get3A_606, %get3A_607] {strides = array<i32>} : memref<32x1024xf32, #tpu.memory_space<vmem>>, vector<1x16xf32>,
      %get3A_609 = vector.shape_cast %get3A_608 : vector<1x16xf32> to vector<16xf32>
      %get3A_610 = arith.index_cast %add3A_47 : i32 to index
      %get3A_611 = arith.constant 640 : index
      %get3A_612 = tpu.vector_load %arg9[%get3A_610, %get3A_611] {strides = array<i32>} : memref<32x1024xf32, #tpu.memory_space<vmem>>, vector<1x16xf32>,
      %get3A_613 = vector.shape_cast %get3A_612 : vector<1x16xf32> to vector<16xf32>
      %add3A_614 = arith.addf %get3A_609, %get3A_613 : vector<16xf32>
      %swap3A_615 = arith.index_cast %add3A_47 : i32 to index
      %swap3A_616 = arith.constant 640 : index
      %swap3A_617 = tpu.vector_load %arg8[%swap3A_615, %swap3A_616] {strides = array<i32>} : memref<32x1024xf32, #tpu.memory_space<vmem>>, vector<1x16xf32>,
      %swap3A_618 = vector.shape_cast %swap3A_617 : vector<1x16xf32> to vector<16xf32>
      %swap3A_619 = vector.shape_cast %add3A_614 : vector<16xf32> to vector<1x16xf32>
      tpu.vector_store %arg8[%swap3A_615, %swap3A_616], %swap3A_619 {strides = array<i32>} : memref<32x1024xf32, #tpu.memory_space<vmem>>, vector<1x16xf32>,
      %get3A_620 = arith.index_cast %add3A_47 : i32 to index
      %get3A_621 = arith.constant 656 : index
      %get3A_622 = tpu.vector_load %arg8[%get3A_620, %get3A_621] {strides = array<i32>} : memref<32x1024xf32, #tpu.memory_space<vmem>>, vector<1x16xf32>,
      %get3A_623 = vector.shape_cast %get3A_622 : vector<1x16xf32> to vector<16xf32>
      %get3A_624 = arith.index_cast %add3A_47 : i32 to index
      %get3A_625 = arith.constant 656 : index
      %get3A_626 = tpu.vector_load %arg9[%get3A_624, %get3A_625] {strides = array<i32>} : memref<32x1024xf32, #tpu.memory_space<vmem>>, vector<1x16xf32>,
      %get3A_627 = vector.shape_cast %get3A_626 : vector<1x16xf32> to vector<16xf32>
      %add3A_628 = arith.addf %get3A_623, %get3A_627 : vector<16xf32>
      %swap3A_629 = arith.index_cast %add3A_47 : i32 to index
      %swap3A_630 = arith.constant 656 : index
      %swap3A_631 = tpu.vector_load %arg8[%swap3A_629, %swap3A_630] {strides = array<i32>} : memref<32x1024xf32, #tpu.memory_space<vmem>>, vector<1x16xf32>,
      %swap3A_632 = vector.shape_cast %swap3A_631 : vector<1x16xf32> to vector<16xf32>
      %swap3A_633 = vector.shape_cast %add3A_628 : vector<16xf32> to vector<1x16xf32>
      tpu.vector_store %arg8[%swap3A_629, %swap3A_630], %swap3A_633 {strides = array<i32>} : memref<32x1024xf32, #tpu.memory_space<vmem>>, vector<1x16xf32>,
      %get3A_634 = arith.index_cast %add3A_47 : i32 to index
      %get3A_635 = arith.constant 672 : index
      %get3A_636 = tpu.vector_load %arg8[%get3A_634, %get3A_635] {strides = array<i32>} : memref<32x1024xf32, #tpu.memory_space<vmem>>, vector<1x16xf32>,
      %get3A_637 = vector.shape_cast %get3A_636 : vector<1x16xf32> to vector<16xf32>
      %get3A_638 = arith.index_cast %add3A_47 : i32 to index
      %get3A_639 = arith.constant 672 : index
      %get3A_640 = tpu.vector_load %arg9[%get3A_638, %get3A_639] {strides = array<i32>} : memref<32x1024xf32, #tpu.memory_space<vmem>>, vector<1x16xf32>,
      %get3A_641 = vector.shape_cast %get3A_640 : vector<1x16xf32> to vector<16xf32>
      %add3A_642 = arith.addf %get3A_637, %get3A_641 : vector<16xf32>
      %swap3A_643 = arith.index_cast %add3A_47 : i32 to index
      %swap3A_644 = arith.constant 672 : index
      %swap3A_645 = tpu.vector_load %arg8[%swap3A_643, %swap3A_644] {strides = array<i32>} : memref<32x1024xf32, #tpu.memory_space<vmem>>, vector<1x16xf32>,
      %swap3A_646 = vector.shape_cast %swap3A_645 : vector<1x16xf32> to vector<16xf32>
      %swap3A_647 = vector.shape_cast %add3A_642 : vector<16xf32> to vector<1x16xf32>
      tpu.vector_store %arg8[%swap3A_643, %swap3A_644], %swap3A_647 {strides = array<i32>} : memref<32x1024xf32, #tpu.memory_space<vmem>>, vector<1x16xf32>,
      %get3A_648 = arith.index_cast %add3A_47 : i32 to index
      %get3A_649 = arith.constant 688 : index
      %get3A_650 = tpu.vector_load %arg8[%get3A_648, %get3A_649] {strides = array<i32>} : memref<32x1024xf32, #tpu.memory_space<vmem>>, vector<1x16xf32>,
      %get3A_651 = vector.shape_cast %get3A_650 : vector<1x16xf32> to vector<16xf32>
      %get3A_652 = arith.index_cast %add3A_47 : i32 to index
      %get3A_653 = arith.constant 688 : index
      %get3A_654 = tpu.vector_load %arg9[%get3A_652, %get3A_653] {strides = array<i32>} : memref<32x1024xf32, #tpu.memory_space<vmem>>, vector<1x16xf32>,
      %get3A_655 = vector.shape_cast %get3A_654 : vector<1x16xf32> to vector<16xf32>
      %add3A_656 = arith.addf %get3A_651, %get3A_655 : vector<16xf32>
      %swap3A_657 = arith.index_cast %add3A_47 : i32 to index
      %swap3A_658 = arith.constant 688 : index
      %swap3A_659 = tpu.vector_load %arg8[%swap3A_657, %swap3A_658] {strides = array<i32>} : memref<32x1024xf32, #tpu.memory_space<vmem>>, vector<1x16xf32>,
      %swap3A_660 = vector.shape_cast %swap3A_659 : vector<1x16xf32> to vector<16xf32>
      %swap3A_661 = vector.shape_cast %add3A_656 : vector<16xf32> to vector<1x16xf32>
      tpu.vector_store %arg8[%swap3A_657, %swap3A_658], %swap3A_661 {strides = array<i32>} : memref<32x1024xf32, #tpu.memory_space<vmem>>, vector<1x16xf32>,
      %get3A_662 = arith.index_cast %add3A_47 : i32 to index
      %get3A_663 = arith.constant 704 : index
      %get3A_664 = tpu.vector_load %arg8[%get3A_662, %get3A_663] {strides = array<i32>} : memref<32x1024xf32, #tpu.memory_space<vmem>>, vector<1x16xf32>,
      %get3A_665 = vector.shape_cast %get3A_664 : vector<1x16xf32> to vector<16xf32>
      %get3A_666 = arith.index_cast %add3A_47 : i32 to index
      %get3A_667 = arith.constant 704 : index
      %get3A_668 = tpu.vector_load %arg9[%get3A_666, %get3A_667] {strides = array<i32>} : memref<32x1024xf32, #tpu.memory_space<vmem>>, vector<1x16xf32>,
      %get3A_669 = vector.shape_cast %get3A_668 : vector<1x16xf32> to vector<16xf32>
      %add3A_670 = arith.addf %get3A_665, %get3A_669 : vector<16xf32>
      %swap3A_671 = arith.index_cast %add3A_47 : i32 to index
      %swap3A_672 = arith.constant 704 : index
      %swap3A_673 = tpu.vector_load %arg8[%swap3A_671, %swap3A_672] {strides = array<i32>} : memref<32x1024xf32, #tpu.memory_space<vmem>>, vector<1x16xf32>,
      %swap3A_674 = vector.shape_cast %swap3A_673 : vector<1x16xf32> to vector<16xf32>
      %swap3A_675 = vector.shape_cast %add3A_670 : vector<16xf32> to vector<1x16xf32>
      tpu.vector_store %arg8[%swap3A_671, %swap3A_672], %swap3A_675 {strides = array<i32>} : memref<32x1024xf32, #tpu.memory_space<vmem>>, vector<1x16xf32>,
      %get3A_676 = arith.index_cast %add3A_47 : i32 to index
      %get3A_677 = arith.constant 720 : index
      %get3A_678 = tpu.vector_load %arg8[%get3A_676, %get3A_677] {strides = array<i32>} : memref<32x1024xf32, #tpu.memory_space<vmem>>, vector<1x16xf32>,
      %get3A_679 = vector.shape_cast %get3A_678 : vector<1x16xf32> to vector<16xf32>
      %get3A_680 = arith.index_cast %add3A_47 : i32 to index
      %get3A_681 = arith.constant 720 : index
      %get3A_682 = tpu.vector_load %arg9[%get3A_680, %get3A_681] {strides = array<i32>} : memref<32x1024xf32, #tpu.memory_space<vmem>>, vector<1x16xf32>,
      %get3A_683 = vector.shape_cast %get3A_682 : vector<1x16xf32> to vector<16xf32>
      %add3A_684 = arith.addf %get3A_679, %get3A_683 : vector<16xf32>
      %swap3A_685 = arith.index_cast %add3A_47 : i32 to index
      %swap3A_686 = arith.constant 720 : index
      %swap3A_687 = tpu.vector_load %arg8[%swap3A_685, %swap3A_686] {strides = array<i32>} : memref<32x1024xf32, #tpu.memory_space<vmem>>, vector<1x16xf32>,
      %swap3A_688 = vector.shape_cast %swap3A_687 : vector<1x16xf32> to vector<16xf32>
      %swap3A_689 = vector.shape_cast %add3A_684 : vector<16xf32> to vector<1x16xf32>
      tpu.vector_store %arg8[%swap3A_685, %swap3A_686], %swap3A_689 {strides = array<i32>} : memref<32x1024xf32, #tpu.memory_space<vmem>>, vector<1x16xf32>,
      %get3A_690 = arith.index_cast %add3A_47 : i32 to index
      %get3A_691 = arith.constant 736 : index
      %get3A_692 = tpu.vector_load %arg8[%get3A_690, %get3A_691] {strides = array<i32>} : memref<32x1024xf32, #tpu.memory_space<vmem>>, vector<1x16xf32>,
      %get3A_693 = vector.shape_cast %get3A_692 : vector<1x16xf32> to vector<16xf32>
      %get3A_694 = arith.index_cast %add3A_47 : i32 to index
      %get3A_695 = arith.constant 736 : index
      %get3A_696 = tpu.vector_load %arg9[%get3A_694, %get3A_695] {strides = array<i32>} : memref<32x1024xf32, #tpu.memory_space<vmem>>, vector<1x16xf32>,
      %get3A_697 = vector.shape_cast %get3A_696 : vector<1x16xf32> to vector<16xf32>
      %add3A_698 = arith.addf %get3A_693, %get3A_697 : vector<16xf32>
      %swap3A_699 = arith.index_cast %add3A_47 : i32 to index
      %swap3A_700 = arith.constant 736 : index
      %swap3A_701 = tpu.vector_load %arg8[%swap3A_699, %swap3A_700] {strides = array<i32>} : memref<32x1024xf32, #tpu.memory_space<vmem>>, vector<1x16xf32>,
      %swap3A_702 = vector.shape_cast %swap3A_701 : vector<1x16xf32> to vector<16xf32>
      %swap3A_703 = vector.shape_cast %add3A_698 : vector<16xf32> to vector<1x16xf32>
      tpu.vector_store %arg8[%swap3A_699, %swap3A_700], %swap3A_703 {strides = array<i32>} : memref<32x1024xf32, #tpu.memory_space<vmem>>, vector<1x16xf32>,
      %get3A_704 = arith.index_cast %add3A_47 : i32 to index
      %get3A_705 = arith.constant 752 : index
      %get3A_706 = tpu.vector_load %arg8[%get3A_704, %get3A_705] {strides = array<i32>} : memref<32x1024xf32, #tpu.memory_space<vmem>>, vector<1x16xf32>,
      %get3A_707 = vector.shape_cast %get3A_706 : vector<1x16xf32> to vector<16xf32>
      %get3A_708 = arith.index_cast %add3A_47 : i32 to index
      %get3A_709 = arith.constant 752 : index
      %get3A_710 = tpu.vector_load %arg9[%get3A_708, %get3A_709] {strides = array<i32>} : memref<32x1024xf32, #tpu.memory_space<vmem>>, vector<1x16xf32>,
      %get3A_711 = vector.shape_cast %get3A_710 : vector<1x16xf32> to vector<16xf32>
      %add3A_712 = arith.addf %get3A_707, %get3A_711 : vector<16xf32>
      %swap3A_713 = arith.index_cast %add3A_47 : i32 to index
      %swap3A_714 = arith.constant 752 : index
      %swap3A_715 = tpu.vector_load %arg8[%swap3A_713, %swap3A_714] {strides = array<i32>} : memref<32x1024xf32, #tpu.memory_space<vmem>>, vector<1x16xf32>,
      %swap3A_716 = vector.shape_cast %swap3A_715 : vector<1x16xf32> to vector<16xf32>
      %swap3A_717 = vector.shape_cast %add3A_712 : vector<16xf32> to vector<1x16xf32>
      tpu.vector_store %arg8[%swap3A_713, %swap3A_714], %swap3A_717 {strides = array<i32>} : memref<32x1024xf32, #tpu.memory_space<vmem>>, vector<1x16xf32>,
      %get3A_718 = arith.index_cast %add3A_47 : i32 to index
      %get3A_719 = arith.constant 768 : index
      %get3A_720 = tpu.vector_load %arg8[%get3A_718, %get3A_719] {strides = array<i32>} : memref<32x1024xf32, #tpu.memory_space<vmem>>, vector<1x16xf32>,
      %get3A_721 = vector.shape_cast %get3A_720 : vector<1x16xf32> to vector<16xf32>
      %get3A_722 = arith.index_cast %add3A_47 : i32 to index
      %get3A_723 = arith.constant 768 : index
      %get3A_724 = tpu.vector_load %arg9[%get3A_722, %get3A_723] {strides = array<i32>} : memref<32x1024xf32, #tpu.memory_space<vmem>>, vector<1x16xf32>,
      %get3A_725 = vector.shape_cast %get3A_724 : vector<1x16xf32> to vector<16xf32>
      %add3A_726 = arith.addf %get3A_721, %get3A_725 : vector<16xf32>
      %swap3A_727 = arith.index_cast %add3A_47 : i32 to index
      %swap3A_728 = arith.constant 768 : index
      %swap3A_729 = tpu.vector_load %arg8[%swap3A_727, %swap3A_728] {strides = array<i32>} : memref<32x1024xf32, #tpu.memory_space<vmem>>, vector<1x16xf32>,
      %swap3A_730 = vector.shape_cast %swap3A_729 : vector<1x16xf32> to vector<16xf32>
      %swap3A_731 = vector.shape_cast %add3A_726 : vector<16xf32> to vector<1x16xf32>
      tpu.vector_store %arg8[%swap3A_727, %swap3A_728], %swap3A_731 {strides = array<i32>} : memref<32x1024xf32, #tpu.memory_space<vmem>>, vector<1x16xf32>,
      %get3A_732 = arith.index_cast %add3A_47 : i32 to index
      %get3A_733 = arith.constant 784 : index
      %get3A_734 = tpu.vector_load %arg8[%get3A_732, %get3A_733] {strides = array<i32>} : memref<32x1024xf32, #tpu.memory_space<vmem>>, vector<1x16xf32>,
      %get3A_735 = vector.shape_cast %get3A_734 : vector<1x16xf32> to vector<16xf32>
      %get3A_736 = arith.index_cast %add3A_47 : i32 to index
      %get3A_737 = arith.constant 784 : index
      %get3A_738 = tpu.vector_load %arg9[%get3A_736, %get3A_737] {strides = array<i32>} : memref<32x1024xf32, #tpu.memory_space<vmem>>, vector<1x16xf32>,
      %get3A_739 = vector.shape_cast %get3A_738 : vector<1x16xf32> to vector<16xf32>
      %add3A_740 = arith.addf %get3A_735, %get3A_739 : vector<16xf32>
      %swap3A_741 = arith.index_cast %add3A_47 : i32 to index
      %swap3A_742 = arith.constant 784 : index
      %swap3A_743 = tpu.vector_load %arg8[%swap3A_741, %swap3A_742] {strides = array<i32>} : memref<32x1024xf32, #tpu.memory_space<vmem>>, vector<1x16xf32>,
      %swap3A_744 = vector.shape_cast %swap3A_743 : vector<1x16xf32> to vector<16xf32>
      %swap3A_745 = vector.shape_cast %add3A_740 : vector<16xf32> to vector<1x16xf32>
      tpu.vector_store %arg8[%swap3A_741, %swap3A_742], %swap3A_745 {strides = array<i32>} : memref<32x1024xf32, #tpu.memory_space<vmem>>, vector<1x16xf32>,
      %get3A_746 = arith.index_cast %add3A_47 : i32 to index
      %get3A_747 = arith.constant 800 : index
      %get3A_748 = tpu.vector_load %arg8[%get3A_746, %get3A_747] {strides = array<i32>} : memref<32x1024xf32, #tpu.memory_space<vmem>>, vector<1x16xf32>,
      %get3A_749 = vector.shape_cast %get3A_748 : vector<1x16xf32> to vector<16xf32>
      %get3A_750 = arith.index_cast %add3A_47 : i32 to index
      %get3A_751 = arith.constant 800 : index
      %get3A_752 = tpu.vector_load %arg9[%get3A_750, %get3A_751] {strides = array<i32>} : memref<32x1024xf32, #tpu.memory_space<vmem>>, vector<1x16xf32>,
      %get3A_753 = vector.shape_cast %get3A_752 : vector<1x16xf32> to vector<16xf32>
      %add3A_754 = arith.addf %get3A_749, %get3A_753 : vector<16xf32>
      %swap3A_755 = arith.index_cast %add3A_47 : i32 to index
      %swap3A_756 = arith.constant 800 : index
      %swap3A_757 = tpu.vector_load %arg8[%swap3A_755, %swap3A_756] {strides = array<i32>} : memref<32x1024xf32, #tpu.memory_space<vmem>>, vector<1x16xf32>,
      %swap3A_758 = vector.shape_cast %swap3A_757 : vector<1x16xf32> to vector<16xf32>
      %swap3A_759 = vector.shape_cast %add3A_754 : vector<16xf32> to vector<1x16xf32>
      tpu.vector_store %arg8[%swap3A_755, %swap3A_756], %swap3A_759 {strides = array<i32>} : memref<32x1024xf32, #tpu.memory_space<vmem>>, vector<1x16xf32>,
      %get3A_760 = arith.index_cast %add3A_47 : i32 to index
      %get3A_761 = arith.constant 816 : index
      %get3A_762 = tpu.vector_load %arg8[%get3A_760, %get3A_761] {strides = array<i32>} : memref<32x1024xf32, #tpu.memory_space<vmem>>, vector<1x16xf32>,
      %get3A_763 = vector.shape_cast %get3A_762 : vector<1x16xf32> to vector<16xf32>
      %get3A_764 = arith.index_cast %add3A_47 : i32 to index
      %get3A_765 = arith.constant 816 : index
      %get3A_766 = tpu.vector_load %arg9[%get3A_764, %get3A_765] {strides = array<i32>} : memref<32x1024xf32, #tpu.memory_space<vmem>>, vector<1x16xf32>,
      %get3A_767 = vector.shape_cast %get3A_766 : vector<1x16xf32> to vector<16xf32>
      %add3A_768 = arith.addf %get3A_763, %get3A_767 : vector<16xf32>
      %swap3A_769 = arith.index_cast %add3A_47 : i32 to index
      %swap3A_770 = arith.constant 816 : index
      %swap3A_771 = tpu.vector_load %arg8[%swap3A_769, %swap3A_770] {strides = array<i32>} : memref<32x1024xf32, #tpu.memory_space<vmem>>, vector<1x16xf32>,
      %swap3A_772 = vector.shape_cast %swap3A_771 : vector<1x16xf32> to vector<16xf32>
      %swap3A_773 = vector.shape_cast %add3A_768 : vector<16xf32> to vector<1x16xf32>
      tpu.vector_store %arg8[%swap3A_769, %swap3A_770], %swap3A_773 {strides = array<i32>} : memref<32x1024xf32, #tpu.memory_space<vmem>>, vector<1x16xf32>,
      %get3A_774 = arith.index_cast %add3A_47 : i32 to index
      %get3A_775 = arith.constant 832 : index
      %get3A_776 = tpu.vector_load %arg8[%get3A_774, %get3A_775] {strides = array<i32>} : memref<32x1024xf32, #tpu.memory_space<vmem>>, vector<1x16xf32>,
      %get3A_777 = vector.shape_cast %get3A_776 : vector<1x16xf32> to vector<16xf32>
      %get3A_778 = arith.index_cast %add3A_47 : i32 to index
      %get3A_779 = arith.constant 832 : index
      %get3A_780 = tpu.vector_load %arg9[%get3A_778, %get3A_779] {strides = array<i32>} : memref<32x1024xf32, #tpu.memory_space<vmem>>, vector<1x16xf32>,
      %get3A_781 = vector.shape_cast %get3A_780 : vector<1x16xf32> to vector<16xf32>
      %add3A_782 = arith.addf %get3A_777, %get3A_781 : vector<16xf32>
      %swap3A_783 = arith.index_cast %add3A_47 : i32 to index
      %swap3A_784 = arith.constant 832 : index
      %swap3A_785 = tpu.vector_load %arg8[%swap3A_783, %swap3A_784] {strides = array<i32>} : memref<32x1024xf32, #tpu.memory_space<vmem>>, vector<1x16xf32>,
      %swap3A_786 = vector.shape_cast %swap3A_785 : vector<1x16xf32> to vector<16xf32>
      %swap3A_787 = vector.shape_cast %add3A_782 : vector<16xf32> to vector<1x16xf32>
      tpu.vector_store %arg8[%swap3A_783, %swap3A_784], %swap3A_787 {strides = array<i32>} : memref<32x1024xf32, #tpu.memory_space<vmem>>, vector<1x16xf32>,
      %get3A_788 = arith.index_cast %add3A_47 : i32 to index
      %get3A_789 = arith.constant 848 : index
      %get3A_790 = tpu.vector_load %arg8[%get3A_788, %get3A_789] {strides = array<i32>} : memref<32x1024xf32, #tpu.memory_space<vmem>>, vector<1x16xf32>,
      %get3A_791 = vector.shape_cast %get3A_790 : vector<1x16xf32> to vector<16xf32>
      %get3A_792 = arith.index_cast %add3A_47 : i32 to index
      %get3A_793 = arith.constant 848 : index
      %get3A_794 = tpu.vector_load %arg9[%get3A_792, %get3A_793] {strides = array<i32>} : memref<32x1024xf32, #tpu.memory_space<vmem>>, vector<1x16xf32>,
      %get3A_795 = vector.shape_cast %get3A_794 : vector<1x16xf32> to vector<16xf32>
      %add3A_796 = arith.addf %get3A_791, %get3A_795 : vector<16xf32>
      %swap3A_797 = arith.index_cast %add3A_47 : i32 to index
      %swap3A_798 = arith.constant 848 : index
      %swap3A_799 = tpu.vector_load %arg8[%swap3A_797, %swap3A_798] {strides = array<i32>} : memref<32x1024xf32, #tpu.memory_space<vmem>>, vector<1x16xf32>,
      %swap3A_800 = vector.shape_cast %swap3A_799 : vector<1x16xf32> to vector<16xf32>
      %swap3A_801 = vector.shape_cast %add3A_796 : vector<16xf32> to vector<1x16xf32>
      tpu.vector_store %arg8[%swap3A_797, %swap3A_798], %swap3A_801 {strides = array<i32>} : memref<32x1024xf32, #tpu.memory_space<vmem>>, vector<1x16xf32>,
      %get3A_802 = arith.index_cast %add3A_47 : i32 to index
      %get3A_803 = arith.constant 864 : index
      %get3A_804 = tpu.vector_load %arg8[%get3A_802, %get3A_803] {strides = array<i32>} : memref<32x1024xf32, #tpu.memory_space<vmem>>, vector<1x16xf32>,
      %get3A_805 = vector.shape_cast %get3A_804 : vector<1x16xf32> to vector<16xf32>
      %get3A_806 = arith.index_cast %add3A_47 : i32 to index
      %get3A_807 = arith.constant 864 : index
      %get3A_808 = tpu.vector_load %arg9[%get3A_806, %get3A_807] {strides = array<i32>} : memref<32x1024xf32, #tpu.memory_space<vmem>>, vector<1x16xf32>,
      %get3A_809 = vector.shape_cast %get3A_808 : vector<1x16xf32> to vector<16xf32>
      %add3A_810 = arith.addf %get3A_805, %get3A_809 : vector<16xf32>
      %swap3A_811 = arith.index_cast %add3A_47 : i32 to index
      %swap3A_812 = arith.constant 864 : index
      %swap3A_813 = tpu.vector_load %arg8[%swap3A_811, %swap3A_812] {strides = array<i32>} : memref<32x1024xf32, #tpu.memory_space<vmem>>, vector<1x16xf32>,
      %swap3A_814 = vector.shape_cast %swap3A_813 : vector<1x16xf32> to vector<16xf32>
      %swap3A_815 = vector.shape_cast %add3A_810 : vector<16xf32> to vector<1x16xf32>
      tpu.vector_store %arg8[%swap3A_811, %swap3A_812], %swap3A_815 {strides = array<i32>} : memref<32x1024xf32, #tpu.memory_space<vmem>>, vector<1x16xf32>,
      %get3A_816 = arith.index_cast %add3A_47 : i32 to index
      %get3A_817 = arith.constant 880 : index
      %get3A_818 = tpu.vector_load %arg8[%get3A_816, %get3A_817] {strides = array<i32>} : memref<32x1024xf32, #tpu.memory_space<vmem>>, vector<1x16xf32>,
      %get3A_819 = vector.shape_cast %get3A_818 : vector<1x16xf32> to vector<16xf32>
      %get3A_820 = arith.index_cast %add3A_47 : i32 to index
      %get3A_821 = arith.constant 880 : index
      %get3A_822 = tpu.vector_load %arg9[%get3A_820, %get3A_821] {strides = array<i32>} : memref<32x1024xf32, #tpu.memory_space<vmem>>, vector<1x16xf32>,
      %get3A_823 = vector.shape_cast %get3A_822 : vector<1x16xf32> to vector<16xf32>
      %add3A_824 = arith.addf %get3A_819, %get3A_823 : vector<16xf32>
      %swap3A_825 = arith.index_cast %add3A_47 : i32 to index
      %swap3A_826 = arith.constant 880 : index
      %swap3A_827 = tpu.vector_load %arg8[%swap3A_825, %swap3A_826] {strides = array<i32>} : memref<32x1024xf32, #tpu.memory_space<vmem>>, vector<1x16xf32>,
      %swap3A_828 = vector.shape_cast %swap3A_827 : vector<1x16xf32> to vector<16xf32>
      %swap3A_829 = vector.shape_cast %add3A_824 : vector<16xf32> to vector<1x16xf32>
      tpu.vector_store %arg8[%swap3A_825, %swap3A_826], %swap3A_829 {strides = array<i32>} : memref<32x1024xf32, #tpu.memory_space<vmem>>, vector<1x16xf32>,
      %get3A_830 = arith.index_cast %add3A_47 : i32 to index
      %get3A_831 = arith.constant 896 : index
      %get3A_832 = tpu.vector_load %arg8[%get3A_830, %get3A_831] {strides = array<i32>} : memref<32x1024xf32, #tpu.memory_space<vmem>>, vector<1x16xf32>,
      %get3A_833 = vector.shape_cast %get3A_832 : vector<1x16xf32> to vector<16xf32>
      %get3A_834 = arith.index_cast %add3A_47 : i32 to index
      %get3A_835 = arith.constant 896 : index
      %get3A_836 = tpu.vector_load %arg9[%get3A_834, %get3A_835] {strides = array<i32>} : memref<32x1024xf32, #tpu.memory_space<vmem>>, vector<1x16xf32>,
      %get3A_837 = vector.shape_cast %get3A_836 : vector<1x16xf32> to vector<16xf32>
      %add3A_838 = arith.addf %get3A_833, %get3A_837 : vector<16xf32>
      %swap3A_839 = arith.index_cast %add3A_47 : i32 to index
      %swap3A_840 = arith.constant 896 : index
      %swap3A_841 = tpu.vector_load %arg8[%swap3A_839, %swap3A_840] {strides = array<i32>} : memref<32x1024xf32, #tpu.memory_space<vmem>>, vector<1x16xf32>,
      %swap3A_842 = vector.shape_cast %swap3A_841 : vector<1x16xf32> to vector<16xf32>
      %swap3A_843 = vector.shape_cast %add3A_838 : vector<16xf32> to vector<1x16xf32>
      tpu.vector_store %arg8[%swap3A_839, %swap3A_840], %swap3A_843 {strides = array<i32>} : memref<32x1024xf32, #tpu.memory_space<vmem>>, vector<1x16xf32>,
      %get3A_844 = arith.index_cast %add3A_47 : i32 to index
      %get3A_845 = arith.constant 912 : index
      %get3A_846 = tpu.vector_load %arg8[%get3A_844, %get3A_845] {strides = array<i32>} : memref<32x1024xf32, #tpu.memory_space<vmem>>, vector<1x16xf32>,
      %get3A_847 = vector.shape_cast %get3A_846 : vector<1x16xf32> to vector<16xf32>
      %get3A_848 = arith.index_cast %add3A_47 : i32 to index
      %get3A_849 = arith.constant 912 : index
      %get3A_850 = tpu.vector_load %arg9[%get3A_848, %get3A_849] {strides = array<i32>} : memref<32x1024xf32, #tpu.memory_space<vmem>>, vector<1x16xf32>,
      %get3A_851 = vector.shape_cast %get3A_850 : vector<1x16xf32> to vector<16xf32>
      %add3A_852 = arith.addf %get3A_847, %get3A_851 : vector<16xf32>
      %swap3A_853 = arith.index_cast %add3A_47 : i32 to index
      %swap3A_854 = arith.constant 912 : index
      %swap3A_855 = tpu.vector_load %arg8[%swap3A_853, %swap3A_854] {strides = array<i32>} : memref<32x1024xf32, #tpu.memory_space<vmem>>, vector<1x16xf32>,
      %swap3A_856 = vector.shape_cast %swap3A_855 : vector<1x16xf32> to vector<16xf32>
      %swap3A_857 = vector.shape_cast %add3A_852 : vector<16xf32> to vector<1x16xf32>
      tpu.vector_store %arg8[%swap3A_853, %swap3A_854], %swap3A_857 {strides = array<i32>} : memref<32x1024xf32, #tpu.memory_space<vmem>>, vector<1x16xf32>,
      %get3A_858 = arith.index_cast %add3A_47 : i32 to index
      %get3A_859 = arith.constant 928 : index
      %get3A_860 = tpu.vector_load %arg8[%get3A_858, %get3A_859] {strides = array<i32>} : memref<32x1024xf32, #tpu.memory_space<vmem>>, vector<1x16xf32>,
      %get3A_861 = vector.shape_cast %get3A_860 : vector<1x16xf32> to vector<16xf32>
      %get3A_862 = arith.index_cast %add3A_47 : i32 to index
      %get3A_863 = arith.constant 928 : index
      %get3A_864 = tpu.vector_load %arg9[%get3A_862, %get3A_863] {strides = array<i32>} : memref<32x1024xf32, #tpu.memory_space<vmem>>, vector<1x16xf32>,
      %get3A_865 = vector.shape_cast %get3A_864 : vector<1x16xf32> to vector<16xf32>
      %add3A_866 = arith.addf %get3A_861, %get3A_865 : vector<16xf32>
      %swap3A_867 = arith.index_cast %add3A_47 : i32 to index
      %swap3A_868 = arith.constant 928 : index
      %swap3A_869 = tpu.vector_load %arg8[%swap3A_867, %swap3A_868] {strides = array<i32>} : memref<32x1024xf32, #tpu.memory_space<vmem>>, vector<1x16xf32>,
      %swap3A_870 = vector.shape_cast %swap3A_869 : vector<1x16xf32> to vector<16xf32>
      %swap3A_871 = vector.shape_cast %add3A_866 : vector<16xf32> to vector<1x16xf32>
      tpu.vector_store %arg8[%swap3A_867, %swap3A_868], %swap3A_871 {strides = array<i32>} : memref<32x1024xf32, #tpu.memory_space<vmem>>, vector<1x16xf32>,
      %get3A_872 = arith.index_cast %add3A_47 : i32 to index
      %get3A_873 = arith.constant 944 : index
      %get3A_874 = tpu.vector_load %arg8[%get3A_872, %get3A_873] {strides = array<i32>} : memref<32x1024xf32, #tpu.memory_space<vmem>>, vector<1x16xf32>,
      %get3A_875 = vector.shape_cast %get3A_874 : vector<1x16xf32> to vector<16xf32>
      %get3A_876 = arith.index_cast %add3A_47 : i32 to index
      %get3A_877 = arith.constant 944 : index
      %get3A_878 = tpu.vector_load %arg9[%get3A_876, %get3A_877] {strides = array<i32>} : memref<32x1024xf32, #tpu.memory_space<vmem>>, vector<1x16xf32>,
      %get3A_879 = vector.shape_cast %get3A_878 : vector<1x16xf32> to vector<16xf32>
      %add3A_880 = arith.addf %get3A_875, %get3A_879 : vector<16xf32>
      %swap3A_881 = arith.index_cast %add3A_47 : i32 to index
      %swap3A_882 = arith.constant 944 : index
      %swap3A_883 = tpu.vector_load %arg8[%swap3A_881, %swap3A_882] {strides = array<i32>} : memref<32x1024xf32, #tpu.memory_space<vmem>>, vector<1x16xf32>,
      %swap3A_884 = vector.shape_cast %swap3A_883 : vector<1x16xf32> to vector<16xf32>
      %swap3A_885 = vector.shape_cast %add3A_880 : vector<16xf32> to vector<1x16xf32>
      tpu.vector_store %arg8[%swap3A_881, %swap3A_882], %swap3A_885 {strides = array<i32>} : memref<32x1024xf32, #tpu.memory_space<vmem>>, vector<1x16xf32>,
      %get3A_886 = arith.index_cast %add3A_47 : i32 to index
      %get3A_887 = arith.constant 960 : index
      %get3A_888 = tpu.vector_load %arg8[%get3A_886, %get3A_887] {strides = array<i32>} : memref<32x1024xf32, #tpu.memory_space<vmem>>, vector<1x16xf32>,
      %get3A_889 = vector.shape_cast %get3A_888 : vector<1x16xf32> to vector<16xf32>
      %get3A_890 = arith.index_cast %add3A_47 : i32 to index
      %get3A_891 = arith.constant 960 : index
      %get3A_892 = tpu.vector_load %arg9[%get3A_890, %get3A_891] {strides = array<i32>} : memref<32x1024xf32, #tpu.memory_space<vmem>>, vector<1x16xf32>,
      %get3A_893 = vector.shape_cast %get3A_892 : vector<1x16xf32> to vector<16xf32>
      %add3A_894 = arith.addf %get3A_889, %get3A_893 : vector<16xf32>
      %swap3A_895 = arith.index_cast %add3A_47 : i32 to index
      %swap3A_896 = arith.constant 960 : index
      %swap3A_897 = tpu.vector_load %arg8[%swap3A_895, %swap3A_896] {strides = array<i32>} : memref<32x1024xf32, #tpu.memory_space<vmem>>, vector<1x16xf32>,
      %swap3A_898 = vector.shape_cast %swap3A_897 : vector<1x16xf32> to vector<16xf32>
      %swap3A_899 = vector.shape_cast %add3A_894 : vector<16xf32> to vector<1x16xf32>
      tpu.vector_store %arg8[%swap3A_895, %swap3A_896], %swap3A_899 {strides = array<i32>} : memref<32x1024xf32, #tpu.memory_space<vmem>>, vector<1x16xf32>,
      %get3A_900 = arith.index_cast %add3A_47 : i32 to index
      %get3A_901 = arith.constant 976 : index
      %get3A_902 = tpu.vector_load %arg8[%get3A_900, %get3A_901] {strides = array<i32>} : memref<32x1024xf32, #tpu.memory_space<vmem>>, vector<1x16xf32>,
      %get3A_903 = vector.shape_cast %get3A_902 : vector<1x16xf32> to vector<16xf32>
      %get3A_904 = arith.index_cast %add3A_47 : i32 to index
      %get3A_905 = arith.constant 976 : index
      %get3A_906 = tpu.vector_load %arg9[%get3A_904, %get3A_905] {strides = array<i32>} : memref<32x1024xf32, #tpu.memory_space<vmem>>, vector<1x16xf32>,
      %get3A_907 = vector.shape_cast %get3A_906 : vector<1x16xf32> to vector<16xf32>
      %add3A_908 = arith.addf %get3A_903, %get3A_907 : vector<16xf32>
      %swap3A_909 = arith.index_cast %add3A_47 : i32 to index
      %swap3A_910 = arith.constant 976 : index
      %swap3A_911 = tpu.vector_load %arg8[%swap3A_909, %swap3A_910] {strides = array<i32>} : memref<32x1024xf32, #tpu.memory_space<vmem>>, vector<1x16xf32>,
      %swap3A_912 = vector.shape_cast %swap3A_911 : vector<1x16xf32> to vector<16xf32>
      %swap3A_913 = vector.shape_cast %add3A_908 : vector<16xf32> to vector<1x16xf32>
      tpu.vector_store %arg8[%swap3A_909, %swap3A_910], %swap3A_913 {strides = array<i32>} : memref<32x1024xf32, #tpu.memory_space<vmem>>, vector<1x16xf32>,
      %get3A_914 = arith.index_cast %add3A_47 : i32 to index
      %get3A_915 = arith.constant 992 : index
      %get3A_916 = tpu.vector_load %arg8[%get3A_914, %get3A_915] {strides = array<i32>} : memref<32x1024xf32, #tpu.memory_space<vmem>>, vector<1x16xf32>,
      %get3A_917 = vector.shape_cast %get3A_916 : vector<1x16xf32> to vector<16xf32>
      %get3A_918 = arith.index_cast %add3A_47 : i32 to index
      %get3A_919 = arith.constant 992 : index
      %get3A_920 = tpu.vector_load %arg9[%get3A_918, %get3A_919] {strides = array<i32>} : memref<32x1024xf32, #tpu.memory_space<vmem>>, vector<1x16xf32>,
      %get3A_921 = vector.shape_cast %get3A_920 : vector<1x16xf32> to vector<16xf32>
      %add3A_922 = arith.addf %get3A_917, %get3A_921 : vector<16xf32>
      %swap3A_923 = arith.index_cast %add3A_47 : i32 to index
      %swap3A_924 = arith.constant 992 : index
      %swap3A_925 = tpu.vector_load %arg8[%swap3A_923, %swap3A_924] {strides = array<i32>} : memref<32x1024xf32, #tpu.memory_space<vmem>>, vector<1x16xf32>,
      %swap3A_926 = vector.shape_cast %swap3A_925 : vector<1x16xf32> to vector<16xf32>
      %swap3A_927 = vector.shape_cast %add3A_922 : vector<16xf32> to vector<1x16xf32>
      tpu.vector_store %arg8[%swap3A_923, %swap3A_924], %swap3A_927 {strides = array<i32>} : memref<32x1024xf32, #tpu.memory_space<vmem>>, vector<1x16xf32>,
      %get3A_928 = arith.index_cast %add3A_47 : i32 to index
      %get3A_929 = arith.constant 1008 : index
      %get3A_930 = tpu.vector_load %arg8[%get3A_928, %get3A_929] {strides = array<i32>} : memref<32x1024xf32, #tpu.memory_space<vmem>>, vector<1x16xf32>,
      %get3A_931 = vector.shape_cast %get3A_930 : vector<1x16xf32> to vector<16xf32>
      %get3A_932 = arith.index_cast %add3A_47 : i32 to index
      %get3A_933 = arith.constant 1008 : index
      %get3A_934 = tpu.vector_load %arg9[%get3A_932, %get3A_933] {strides = array<i32>} : memref<32x1024xf32, #tpu.memory_space<vmem>>, vector<1x16xf32>,
      %get3A_935 = vector.shape_cast %get3A_934 : vector<1x16xf32> to vector<16xf32>
      %add3A_936 = arith.addf %get3A_931, %get3A_935 : vector<16xf32>
      %swap3A_937 = arith.index_cast %add3A_47 : i32 to index
      %swap3A_938 = arith.constant 1008 : index
      %swap3A_939 = tpu.vector_load %arg8[%swap3A_937, %swap3A_938] {strides = array<i32>} : memref<32x1024xf32, #tpu.memory_space<vmem>>, vector<1x16xf32>,
      %swap3A_940 = vector.shape_cast %swap3A_939 : vector<1x16xf32> to vector<16xf32>
      %swap3A_941 = vector.shape_cast %add3A_936 : vector<16xf32> to vector<1x16xf32>
      tpu.vector_store %arg8[%swap3A_937, %swap3A_938], %swap3A_941 {strides = array<i32>} : memref<32x1024xf32, #tpu.memory_space<vmem>>, vector<1x16xf32>,
    }
    %scan3A_19 = arith.constant 32 : i32
    "tpu.region"() ({
      %run_scoped3A_43 = tpu.sem_alloc : memref<!tpu.dma_semaphore, #tpu.memory_space<semaphore_mem>>
      %dma_start3A_44 = arith.constant 0 : i32
      %dma_start3A_45 = tpu.memref_slice %arg5[%add3A_4, %dma_start3A_44] : memref<2048x1024xf32, #tpu.memory_space<hbm>> -> memref<32x1024xf32, #tpu.memory_space<hbm>>
      %dma_start3A_46 = arith.constant 0 : i32
      %dma_start3A_47 = tpu.memref_slice %arg5[%add3A_4, %dma_start3A_46] : memref<2048x1024xf32, #tpu.memory_space<hbm>> -> memref<32x1024xf32, #tpu.memory_space<hbm>>
      tpu.enqueue_dma source(%arg8 : memref<32x1024xf32, #tpu.memory_space<vmem>>) target(%dma_start3A_47 : memref<32x1024xf32, #tpu.memory_space<hbm>>) target_semaphore(%run_scoped3A_43 : memref<!tpu.dma_semaphore, #tpu.memory_space<semaphore_mem>>)
      %dma_wait3A_48 = arith.constant 0 : i32
      %dma_wait3A_49 = tpu.memref_slice %arg5[%add3A_4, %dma_wait3A_48] : memref<2048x1024xf32, #tpu.memory_space<hbm>> -> memref<32x1024xf32, #tpu.memory_space<hbm>>
      %dma_wait3A_50 = arith.constant 0 : i32
      %dma_wait3A_51 = tpu.memref_slice %arg5[%add3A_4, %dma_wait3A_50] : memref<2048x1024xf32, #tpu.memory_space<hbm>> -> memref<32x1024xf32, #tpu.memory_space<hbm>>
      tpu.wait_dma2 semaphore(%run_scoped3A_43 : memref<!tpu.dma_semaphore, #tpu.memory_space<semaphore_mem>>) src(%arg8 : memref<32x1024xf32, #tpu.memory_space<vmem>>) dst(%dma_wait3A_51 : memref<32x1024xf32, #tpu.memory_space<hbm>>)
      tpu.yield
    }) : () -> ()
    %mul3A_20 = arith.constant 64 : i32
    %mul3A_21 = arith.muli %add3A, %mul3A_20 : i32
    %add3A_22 = arith.constant 32 : i32
    %add3A_23 = arith.addi %mul3A_21, %add3A_22 : i32
    %run_scoped3A_24 = arith.constant 0 : i32
    "tpu.region"() ({
      %run_scoped3A_43 = tpu.sem_alloc : memref<!tpu.dma_semaphore, #tpu.memory_space<semaphore_mem>>
      %dma_start3A_44 = tpu.memref_slice %arg3[%run_scoped3A_24, %add3A_23] : memref<1x2048xi32, #tpu.memory_space<hbm>> -> memref<1x32xi32, #tpu.memory_space<hbm>>
      %dma_start3A_45 = tpu.memref_squeeze %dma_start3A_44 : memref<1x32xi32, #tpu.memory_space<hbm>> -> memref<32xi32, #tpu.memory_space<hbm>>
      %dma_start3A_46 = tpu.memref_slice %arg3[%run_scoped3A_24, %add3A_23] : memref<1x2048xi32, #tpu.memory_space<hbm>> -> memref<1x32xi32, #tpu.memory_space<hbm>>
      %dma_start3A_47 = tpu.memref_squeeze %dma_start3A_46 : memref<1x32xi32, #tpu.memory_space<hbm>> -> memref<32xi32, #tpu.memory_space<hbm>>
      tpu.enqueue_dma source(%dma_start3A_47 : memref<32xi32, #tpu.memory_space<hbm>>) target(%arg6 : memref<32xi32, #tpu.memory_space<vmem>>) target_semaphore(%run_scoped3A_43 : memref<!tpu.dma_semaphore, #tpu.memory_space<semaphore_mem>>)
      %dma_wait3A_48 = tpu.memref_slice %arg3[%run_scoped3A_24, %add3A_23] : memref<1x2048xi32, #tpu.memory_space<hbm>> -> memref<1x32xi32, #tpu.memory_space<hbm>>
      %dma_wait3A_49 = tpu.memref_squeeze %dma_wait3A_48 : memref<1x32xi32, #tpu.memory_space<hbm>> -> memref<32xi32, #tpu.memory_space<hbm>>
      %dma_wait3A_50 = tpu.memref_slice %arg3[%run_scoped3A_24, %add3A_23] : memref<1x2048xi32, #tpu.memory_space<hbm>> -> memref<1x32xi32, #tpu.memory_space<hbm>>
      %dma_wait3A_51 = tpu.memref_squeeze %dma_wait3A_50 : memref<1x32xi32, #tpu.memory_space<hbm>> -> memref<32xi32, #tpu.memory_space<hbm>>
      tpu.wait_dma2 semaphore(%run_scoped3A_43 : memref<!tpu.dma_semaphore, #tpu.memory_space<semaphore_mem>>) src(%dma_wait3A_51 : memref<32xi32, #tpu.memory_space<hbm>>) dst(%arg6 : memref<32xi32, #tpu.memory_space<vmem>>)
      tpu.yield
    }) : () -> ()
    %run_scoped3A_25 = arith.constant 0 : i32
    "tpu.region"() ({
      %run_scoped3A_43 = tpu.sem_alloc : memref<!tpu.dma_semaphore, #tpu.memory_space<semaphore_mem>>
      %dma_start3A_44 = tpu.memref_slice %arg4[%run_scoped3A_25, %add3A_23] : memref<1x2048xi32, #tpu.memory_space<hbm>> -> memref<1x32xi32, #tpu.memory_space<hbm>>
      %dma_start3A_45 = tpu.memref_squeeze %dma_start3A_44 : memref<1x32xi32, #tpu.memory_space<hbm>> -> memref<32xi32, #tpu.memory_space<hbm>>
      %dma_start3A_46 = tpu.memref_slice %arg4[%run_scoped3A_25, %add3A_23] : memref<1x2048xi32, #tpu.memory_space<hbm>> -> memref<1x32xi32, #tpu.memory_space<hbm>>
      %dma_start3A_47 = tpu.memref_squeeze %dma_start3A_46 : memref<1x32xi32, #tpu.memory_space<hbm>> -> memref<32xi32, #tpu.memory_space<hbm>>
      tpu.enqueue_dma source(%dma_start3A_47 : memref<32xi32, #tpu.memory_space<hbm>>) target(%arg7 : memref<32xi32, #tpu.memory_space<vmem>>) target_semaphore(%run_scoped3A_43 : memref<!tpu.dma_semaphore, #tpu.memory_space<semaphore_mem>>)
      %dma_wait3A_48 = tpu.memref_slice %arg4[%run_scoped3A_25, %add3A_23] : memref<1x2048xi32, #tpu.memory_space<hbm>> -> memref<1x32xi32, #tpu.memory_space<hbm>>
      %dma_wait3A_49 = tpu.memref_squeeze %dma_wait3A_48 : memref<1x32xi32, #tpu.memory_space<hbm>> -> memref<32xi32, #tpu.memory_space<hbm>>
      %dma_wait3A_50 = tpu.memref_slice %arg4[%run_scoped3A_25, %add3A_23] : memref<1x2048xi32, #tpu.memory_space<hbm>> -> memref<1x32xi32, #tpu.memory_space<hbm>>
      %dma_wait3A_51 = tpu.memref_squeeze %dma_wait3A_50 : memref<1x32xi32, #tpu.memory_space<hbm>> -> memref<32xi32, #tpu.memory_space<hbm>>
      tpu.wait_dma2 semaphore(%run_scoped3A_43 : memref<!tpu.dma_semaphore, #tpu.memory_space<semaphore_mem>>) src(%dma_wait3A_51 : memref<32xi32, #tpu.memory_space<hbm>>) dst(%arg7 : memref<32xi32, #tpu.memory_space<vmem>>)
      tpu.yield
    }) : () -> ()
    %dma_start3A_26 = arith.constant 0 : i32
    %dma_start3A_27 = arith.constant 0 : i32
    %dma_start3A_28 = tpu.memref_slice %arg2[%dma_start3A_26, %dma_start3A_27] : memref<6144x1024xf32, #tpu.memory_space<hbm>> -> memref<6144x1024xf32, #tpu.memory_space<hbm>>
    tpu.enqueue_indirect_dma source(%dma_start3A_28 : memref<6144x1024xf32, #tpu.memory_space<hbm>>) target(%arg8 : memref<32x1024xf32, #tpu.memory_space<vmem>>) offsets(%arg6 : memref<32xi32, #tpu.memory_space<vmem>>) semaphore(%arg10 : memref<!tpu.dma_semaphore, #tpu.memory_space<semaphore_mem>>)
    %dma_wait3A_29 = arith.constant 0 : i32
    %dma_wait3A_30 = arith.constant 0 : i32
    %dma_wait3A_31 = tpu.memref_slice %arg2[%dma_wait3A_29, %dma_wait3A_30] : memref<6144x1024xf32, #tpu.memory_space<hbm>> -> memref<6144x1024xf32, #tpu.memory_space<hbm>>
    tpu.wait_indirect_dma semaphore(%arg10 : memref<!tpu.dma_semaphore, #tpu.memory_space<semaphore_mem>>) src(%dma_wait3A_31 : memref<6144x1024xf32, #tpu.memory_space<hbm>>) dst(%arg8 : memref<32x1024xf32, #tpu.memory_space<vmem>>)
    %dma_start3A_32 = arith.constant 0 : i32
    %dma_start3A_33 = arith.constant 0 : i32
    %dma_start3A_34 = tpu.memref_slice %arg2[%dma_start3A_32, %dma_start3A_33] : memref<6144x1024xf32, #tpu.memory_space<hbm>> -> memref<6144x1024xf32, #tpu.memory_space<hbm>>
    tpu.enqueue_indirect_dma source(%dma_start3A_34 : memref<6144x1024xf32, #tpu.memory_space<hbm>>) target(%arg9 : memref<32x1024xf32, #tpu.memory_space<vmem>>) offsets(%arg7 : memref<32xi32, #tpu.memory_space<vmem>>) semaphore(%arg10 : memref<!tpu.dma_semaphore, #tpu.memory_space<semaphore_mem>>)
    %dma_wait3A_35 = arith.constant 0 : i32
    %dma_wait3A_36 = arith.constant 0 : i32
    %dma_wait3A_37 = tpu.memref_slice %arg2[%dma_wait3A_35, %dma_wait3A_36] : memref<6144x1024xf32, #tpu.memory_space<hbm>> -> memref<6144x1024xf32, #tpu.memory_space<hbm>>
    tpu.wait_indirect_dma semaphore(%arg10 : memref<!tpu.dma_semaphore, #tpu.memory_space<semaphore_mem>>) src(%dma_wait3A_37 : memref<6144x1024xf32, #tpu.memory_space<hbm>>) dst(%arg9 : memref<32x1024xf32, #tpu.memory_space<vmem>>)
    %scan3A_38 = arith.constant 0 : i32
    %scan3A_39 = arith.constant 32 : i32
    %scan3A_40 = arith.addi %scan3A_38, %scan3A_39 : i32
    %scan3A_41 = arith.constant 1 : i32
    scf.for %scan3A_43 = %scan3A_38 to %scan3A_40 step %scan3A_41  : i32 {
      %mul3A_44 = arith.constant 1 : i32
      %mul3A_45 = arith.muli %scan3A_43, %mul3A_44 : i32
      %add3A_46 = arith.constant 0 : i32
      %add3A_47 = arith.addi %add3A_46, %mul3A_45 : i32
      %get3A = arith.index_cast %add3A_47 : i32 to index
      %get3A_48 = arith.constant 0 : index
      %get3A_49 = tpu.vector_load %arg8[%get3A, %get3A_48] {strides = array<i32>} : memref<32x1024xf32, #tpu.memory_space<vmem>>, vector<1x16xf32>,
      %get3A_50 = vector.shape_cast %get3A_49 : vector<1x16xf32> to vector<16xf32>
      %get3A_51 = arith.index_cast %add3A_47 : i32 to index
      %get3A_52 = arith.constant 0 : index
      %get3A_53 = tpu.vector_load %arg9[%get3A_51, %get3A_52] {strides = array<i32>} : memref<32x1024xf32, #tpu.memory_space<vmem>>, vector<1x16xf32>,
      %get3A_54 = vector.shape_cast %get3A_53 : vector<1x16xf32> to vector<16xf32>
      %add3A_55 = arith.addf %get3A_50, %get3A_54 : vector<16xf32>
      %swap3A = arith.index_cast %add3A_47 : i32 to index
      %swap3A_56 = arith.constant 0 : index
      %swap3A_57 = tpu.vector_load %arg8[%swap3A, %swap3A_56] {strides = array<i32>} : memref<32x1024xf32, #tpu.memory_space<vmem>>, vector<1x16xf32>,
      %swap3A_58 = vector.shape_cast %swap3A_57 : vector<1x16xf32> to vector<16xf32>
      %swap3A_59 = vector.shape_cast %add3A_55 : vector<16xf32> to vector<1x16xf32>
      tpu.vector_store %arg8[%swap3A, %swap3A_56], %swap3A_59 {strides = array<i32>} : memref<32x1024xf32, #tpu.memory_space<vmem>>, vector<1x16xf32>,
      %get3A_60 = arith.index_cast %add3A_47 : i32 to index
      %get3A_61 = arith.constant 16 : index
      %get3A_62 = tpu.vector_load %arg8[%get3A_60, %get3A_61] {strides = array<i32>} : memref<32x1024xf32, #tpu.memory_space<vmem>>, vector<1x16xf32>,
      %get3A_63 = vector.shape_cast %get3A_62 : vector<1x16xf32> to vector<16xf32>
      %get3A_64 = arith.index_cast %add3A_47 : i32 to index
      %get3A_65 = arith.constant 16 : index
      %get3A_66 = tpu.vector_load %arg9[%get3A_64, %get3A_65] {strides = array<i32>} : memref<32x1024xf32, #tpu.memory_space<vmem>>, vector<1x16xf32>,
      %get3A_67 = vector.shape_cast %get3A_66 : vector<1x16xf32> to vector<16xf32>
      %add3A_68 = arith.addf %get3A_63, %get3A_67 : vector<16xf32>
      %swap3A_69 = arith.index_cast %add3A_47 : i32 to index
      %swap3A_70 = arith.constant 16 : index
      %swap3A_71 = tpu.vector_load %arg8[%swap3A_69, %swap3A_70] {strides = array<i32>} : memref<32x1024xf32, #tpu.memory_space<vmem>>, vector<1x16xf32>,
      %swap3A_72 = vector.shape_cast %swap3A_71 : vector<1x16xf32> to vector<16xf32>
      %swap3A_73 = vector.shape_cast %add3A_68 : vector<16xf32> to vector<1x16xf32>
      tpu.vector_store %arg8[%swap3A_69, %swap3A_70], %swap3A_73 {strides = array<i32>} : memref<32x1024xf32, #tpu.memory_space<vmem>>, vector<1x16xf32>,
      %get3A_74 = arith.index_cast %add3A_47 : i32 to index
      %get3A_75 = arith.constant 32 : index
      %get3A_76 = tpu.vector_load %arg8[%get3A_74, %get3A_75] {strides = array<i32>} : memref<32x1024xf32, #tpu.memory_space<vmem>>, vector<1x16xf32>,
      %get3A_77 = vector.shape_cast %get3A_76 : vector<1x16xf32> to vector<16xf32>
      %get3A_78 = arith.index_cast %add3A_47 : i32 to index
      %get3A_79 = arith.constant 32 : index
      %get3A_80 = tpu.vector_load %arg9[%get3A_78, %get3A_79] {strides = array<i32>} : memref<32x1024xf32, #tpu.memory_space<vmem>>, vector<1x16xf32>,
      %get3A_81 = vector.shape_cast %get3A_80 : vector<1x16xf32> to vector<16xf32>
      %add3A_82 = arith.addf %get3A_77, %get3A_81 : vector<16xf32>
      %swap3A_83 = arith.index_cast %add3A_47 : i32 to index
      %swap3A_84 = arith.constant 32 : index
      %swap3A_85 = tpu.vector_load %arg8[%swap3A_83, %swap3A_84] {strides = array<i32>} : memref<32x1024xf32, #tpu.memory_space<vmem>>, vector<1x16xf32>,
      %swap3A_86 = vector.shape_cast %swap3A_85 : vector<1x16xf32> to vector<16xf32>
      %swap3A_87 = vector.shape_cast %add3A_82 : vector<16xf32> to vector<1x16xf32>
      tpu.vector_store %arg8[%swap3A_83, %swap3A_84], %swap3A_87 {strides = array<i32>} : memref<32x1024xf32, #tpu.memory_space<vmem>>, vector<1x16xf32>,
      %get3A_88 = arith.index_cast %add3A_47 : i32 to index
      %get3A_89 = arith.constant 48 : index
      %get3A_90 = tpu.vector_load %arg8[%get3A_88, %get3A_89] {strides = array<i32>} : memref<32x1024xf32, #tpu.memory_space<vmem>>, vector<1x16xf32>,
      %get3A_91 = vector.shape_cast %get3A_90 : vector<1x16xf32> to vector<16xf32>
      %get3A_92 = arith.index_cast %add3A_47 : i32 to index
      %get3A_93 = arith.constant 48 : index
      %get3A_94 = tpu.vector_load %arg9[%get3A_92, %get3A_93] {strides = array<i32>} : memref<32x1024xf32, #tpu.memory_space<vmem>>, vector<1x16xf32>,
      %get3A_95 = vector.shape_cast %get3A_94 : vector<1x16xf32> to vector<16xf32>
      %add3A_96 = arith.addf %get3A_91, %get3A_95 : vector<16xf32>
      %swap3A_97 = arith.index_cast %add3A_47 : i32 to index
      %swap3A_98 = arith.constant 48 : index
      %swap3A_99 = tpu.vector_load %arg8[%swap3A_97, %swap3A_98] {strides = array<i32>} : memref<32x1024xf32, #tpu.memory_space<vmem>>, vector<1x16xf32>,
      %swap3A_100 = vector.shape_cast %swap3A_99 : vector<1x16xf32> to vector<16xf32>
      %swap3A_101 = vector.shape_cast %add3A_96 : vector<16xf32> to vector<1x16xf32>
      tpu.vector_store %arg8[%swap3A_97, %swap3A_98], %swap3A_101 {strides = array<i32>} : memref<32x1024xf32, #tpu.memory_space<vmem>>, vector<1x16xf32>,
      %get3A_102 = arith.index_cast %add3A_47 : i32 to index
      %get3A_103 = arith.constant 64 : index
      %get3A_104 = tpu.vector_load %arg8[%get3A_102, %get3A_103] {strides = array<i32>} : memref<32x1024xf32, #tpu.memory_space<vmem>>, vector<1x16xf32>,
      %get3A_105 = vector.shape_cast %get3A_104 : vector<1x16xf32> to vector<16xf32>
      %get3A_106 = arith.index_cast %add3A_47 : i32 to index
      %get3A_107 = arith.constant 64 : index
      %get3A_108 = tpu.vector_load %arg9[%get3A_106, %get3A_107] {strides = array<i32>} : memref<32x1024xf32, #tpu.memory_space<vmem>>, vector<1x16xf32>,
      %get3A_109 = vector.shape_cast %get3A_108 : vector<1x16xf32> to vector<16xf32>
      %add3A_110 = arith.addf %get3A_105, %get3A_109 : vector<16xf32>
      %swap3A_111 = arith.index_cast %add3A_47 : i32 to index
      %swap3A_112 = arith.constant 64 : index
      %swap3A_113 = tpu.vector_load %arg8[%swap3A_111, %swap3A_112] {strides = array<i32>} : memref<32x1024xf32, #tpu.memory_space<vmem>>, vector<1x16xf32>,
      %swap3A_114 = vector.shape_cast %swap3A_113 : vector<1x16xf32> to vector<16xf32>
      %swap3A_115 = vector.shape_cast %add3A_110 : vector<16xf32> to vector<1x16xf32>
      tpu.vector_store %arg8[%swap3A_111, %swap3A_112], %swap3A_115 {strides = array<i32>} : memref<32x1024xf32, #tpu.memory_space<vmem>>, vector<1x16xf32>,
      %get3A_116 = arith.index_cast %add3A_47 : i32 to index
      %get3A_117 = arith.constant 80 : index
      %get3A_118 = tpu.vector_load %arg8[%get3A_116, %get3A_117] {strides = array<i32>} : memref<32x1024xf32, #tpu.memory_space<vmem>>, vector<1x16xf32>,
      %get3A_119 = vector.shape_cast %get3A_118 : vector<1x16xf32> to vector<16xf32>
      %get3A_120 = arith.index_cast %add3A_47 : i32 to index
      %get3A_121 = arith.constant 80 : index
      %get3A_122 = tpu.vector_load %arg9[%get3A_120, %get3A_121] {strides = array<i32>} : memref<32x1024xf32, #tpu.memory_space<vmem>>, vector<1x16xf32>,
      %get3A_123 = vector.shape_cast %get3A_122 : vector<1x16xf32> to vector<16xf32>
      %add3A_124 = arith.addf %get3A_119, %get3A_123 : vector<16xf32>
      %swap3A_125 = arith.index_cast %add3A_47 : i32 to index
      %swap3A_126 = arith.constant 80 : index
      %swap3A_127 = tpu.vector_load %arg8[%swap3A_125, %swap3A_126] {strides = array<i32>} : memref<32x1024xf32, #tpu.memory_space<vmem>>, vector<1x16xf32>,
      %swap3A_128 = vector.shape_cast %swap3A_127 : vector<1x16xf32> to vector<16xf32>
      %swap3A_129 = vector.shape_cast %add3A_124 : vector<16xf32> to vector<1x16xf32>
      tpu.vector_store %arg8[%swap3A_125, %swap3A_126], %swap3A_129 {strides = array<i32>} : memref<32x1024xf32, #tpu.memory_space<vmem>>, vector<1x16xf32>,
      %get3A_130 = arith.index_cast %add3A_47 : i32 to index
      %get3A_131 = arith.constant 96 : index
      %get3A_132 = tpu.vector_load %arg8[%get3A_130, %get3A_131] {strides = array<i32>} : memref<32x1024xf32, #tpu.memory_space<vmem>>, vector<1x16xf32>,
      %get3A_133 = vector.shape_cast %get3A_132 : vector<1x16xf32> to vector<16xf32>
      %get3A_134 = arith.index_cast %add3A_47 : i32 to index
      %get3A_135 = arith.constant 96 : index
      %get3A_136 = tpu.vector_load %arg9[%get3A_134, %get3A_135] {strides = array<i32>} : memref<32x1024xf32, #tpu.memory_space<vmem>>, vector<1x16xf32>,
      %get3A_137 = vector.shape_cast %get3A_136 : vector<1x16xf32> to vector<16xf32>
      %add3A_138 = arith.addf %get3A_133, %get3A_137 : vector<16xf32>
      %swap3A_139 = arith.index_cast %add3A_47 : i32 to index
      %swap3A_140 = arith.constant 96 : index
      %swap3A_141 = tpu.vector_load %arg8[%swap3A_139, %swap3A_140] {strides = array<i32>} : memref<32x1024xf32, #tpu.memory_space<vmem>>, vector<1x16xf32>,
      %swap3A_142 = vector.shape_cast %swap3A_141 : vector<1x16xf32> to vector<16xf32>
      %swap3A_143 = vector.shape_cast %add3A_138 : vector<16xf32> to vector<1x16xf32>
      tpu.vector_store %arg8[%swap3A_139, %swap3A_140], %swap3A_143 {strides = array<i32>} : memref<32x1024xf32, #tpu.memory_space<vmem>>, vector<1x16xf32>,
      %get3A_144 = arith.index_cast %add3A_47 : i32 to index
      %get3A_145 = arith.constant 112 : index
      %get3A_146 = tpu.vector_load %arg8[%get3A_144, %get3A_145] {strides = array<i32>} : memref<32x1024xf32, #tpu.memory_space<vmem>>, vector<1x16xf32>,
      %get3A_147 = vector.shape_cast %get3A_146 : vector<1x16xf32> to vector<16xf32>
      %get3A_148 = arith.index_cast %add3A_47 : i32 to index
      %get3A_149 = arith.constant 112 : index
      %get3A_150 = tpu.vector_load %arg9[%get3A_148, %get3A_149] {strides = array<i32>} : memref<32x1024xf32, #tpu.memory_space<vmem>>, vector<1x16xf32>,
      %get3A_151 = vector.shape_cast %get3A_150 : vector<1x16xf32> to vector<16xf32>
      %add3A_152 = arith.addf %get3A_147, %get3A_151 : vector<16xf32>
      %swap3A_153 = arith.index_cast %add3A_47 : i32 to index
      %swap3A_154 = arith.constant 112 : index
      %swap3A_155 = tpu.vector_load %arg8[%swap3A_153, %swap3A_154] {strides = array<i32>} : memref<32x1024xf32, #tpu.memory_space<vmem>>, vector<1x16xf32>,
      %swap3A_156 = vector.shape_cast %swap3A_155 : vector<1x16xf32> to vector<16xf32>
      %swap3A_157 = vector.shape_cast %add3A_152 : vector<16xf32> to vector<1x16xf32>
      tpu.vector_store %arg8[%swap3A_153, %swap3A_154], %swap3A_157 {strides = array<i32>} : memref<32x1024xf32, #tpu.memory_space<vmem>>, vector<1x16xf32>,
      %get3A_158 = arith.index_cast %add3A_47 : i32 to index
      %get3A_159 = arith.constant 128 : index
      %get3A_160 = tpu.vector_load %arg8[%get3A_158, %get3A_159] {strides = array<i32>} : memref<32x1024xf32, #tpu.memory_space<vmem>>, vector<1x16xf32>,
      %get3A_161 = vector.shape_cast %get3A_160 : vector<1x16xf32> to vector<16xf32>
      %get3A_162 = arith.index_cast %add3A_47 : i32 to index
      %get3A_163 = arith.constant 128 : index
      %get3A_164 = tpu.vector_load %arg9[%get3A_162, %get3A_163] {strides = array<i32>} : memref<32x1024xf32, #tpu.memory_space<vmem>>, vector<1x16xf32>,
      %get3A_165 = vector.shape_cast %get3A_164 : vector<1x16xf32> to vector<16xf32>
      %add3A_166 = arith.addf %get3A_161, %get3A_165 : vector<16xf32>
      %swap3A_167 = arith.index_cast %add3A_47 : i32 to index
      %swap3A_168 = arith.constant 128 : index
      %swap3A_169 = tpu.vector_load %arg8[%swap3A_167, %swap3A_168] {strides = array<i32>} : memref<32x1024xf32, #tpu.memory_space<vmem>>, vector<1x16xf32>,
      %swap3A_170 = vector.shape_cast %swap3A_169 : vector<1x16xf32> to vector<16xf32>
      %swap3A_171 = vector.shape_cast %add3A_166 : vector<16xf32> to vector<1x16xf32>
      tpu.vector_store %arg8[%swap3A_167, %swap3A_168], %swap3A_171 {strides = array<i32>} : memref<32x1024xf32, #tpu.memory_space<vmem>>, vector<1x16xf32>,
      %get3A_172 = arith.index_cast %add3A_47 : i32 to index
      %get3A_173 = arith.constant 144 : index
      %get3A_174 = tpu.vector_load %arg8[%get3A_172, %get3A_173] {strides = array<i32>} : memref<32x1024xf32, #tpu.memory_space<vmem>>, vector<1x16xf32>,
      %get3A_175 = vector.shape_cast %get3A_174 : vector<1x16xf32> to vector<16xf32>
      %get3A_176 = arith.index_cast %add3A_47 : i32 to index
      %get3A_177 = arith.constant 144 : index
      %get3A_178 = tpu.vector_load %arg9[%get3A_176, %get3A_177] {strides = array<i32>} : memref<32x1024xf32, #tpu.memory_space<vmem>>, vector<1x16xf32>,
      %get3A_179 = vector.shape_cast %get3A_178 : vector<1x16xf32> to vector<16xf32>
      %add3A_180 = arith.addf %get3A_175, %get3A_179 : vector<16xf32>
      %swap3A_181 = arith.index_cast %add3A_47 : i32 to index
      %swap3A_182 = arith.constant 144 : index
      %swap3A_183 = tpu.vector_load %arg8[%swap3A_181, %swap3A_182] {strides = array<i32>} : memref<32x1024xf32, #tpu.memory_space<vmem>>, vector<1x16xf32>,
      %swap3A_184 = vector.shape_cast %swap3A_183 : vector<1x16xf32> to vector<16xf32>
      %swap3A_185 = vector.shape_cast %add3A_180 : vector<16xf32> to vector<1x16xf32>
      tpu.vector_store %arg8[%swap3A_181, %swap3A_182], %swap3A_185 {strides = array<i32>} : memref<32x1024xf32, #tpu.memory_space<vmem>>, vector<1x16xf32>,
      %get3A_186 = arith.index_cast %add3A_47 : i32 to index
      %get3A_187 = arith.constant 160 : index
      %get3A_188 = tpu.vector_load %arg8[%get3A_186, %get3A_187] {strides = array<i32>} : memref<32x1024xf32, #tpu.memory_space<vmem>>, vector<1x16xf32>,
      %get3A_189 = vector.shape_cast %get3A_188 : vector<1x16xf32> to vector<16xf32>
      %get3A_190 = arith.index_cast %add3A_47 : i32 to index
      %get3A_191 = arith.constant 160 : index
      %get3A_192 = tpu.vector_load %arg9[%get3A_190, %get3A_191] {strides = array<i32>} : memref<32x1024xf32, #tpu.memory_space<vmem>>, vector<1x16xf32>,
      %get3A_193 = vector.shape_cast %get3A_192 : vector<1x16xf32> to vector<16xf32>
      %add3A_194 = arith.addf %get3A_189, %get3A_193 : vector<16xf32>
      %swap3A_195 = arith.index_cast %add3A_47 : i32 to index
      %swap3A_196 = arith.constant 160 : index
      %swap3A_197 = tpu.vector_load %arg8[%swap3A_195, %swap3A_196] {strides = array<i32>} : memref<32x1024xf32, #tpu.memory_space<vmem>>, vector<1x16xf32>,
      %swap3A_198 = vector.shape_cast %swap3A_197 : vector<1x16xf32> to vector<16xf32>
      %swap3A_199 = vector.shape_cast %add3A_194 : vector<16xf32> to vector<1x16xf32>
      tpu.vector_store %arg8[%swap3A_195, %swap3A_196], %swap3A_199 {strides = array<i32>} : memref<32x1024xf32, #tpu.memory_space<vmem>>, vector<1x16xf32>,
      %get3A_200 = arith.index_cast %add3A_47 : i32 to index
      %get3A_201 = arith.constant 176 : index
      %get3A_202 = tpu.vector_load %arg8[%get3A_200, %get3A_201] {strides = array<i32>} : memref<32x1024xf32, #tpu.memory_space<vmem>>, vector<1x16xf32>,
      %get3A_203 = vector.shape_cast %get3A_202 : vector<1x16xf32> to vector<16xf32>
      %get3A_204 = arith.index_cast %add3A_47 : i32 to index
      %get3A_205 = arith.constant 176 : index
      %get3A_206 = tpu.vector_load %arg9[%get3A_204, %get3A_205] {strides = array<i32>} : memref<32x1024xf32, #tpu.memory_space<vmem>>, vector<1x16xf32>,
      %get3A_207 = vector.shape_cast %get3A_206 : vector<1x16xf32> to vector<16xf32>
      %add3A_208 = arith.addf %get3A_203, %get3A_207 : vector<16xf32>
      %swap3A_209 = arith.index_cast %add3A_47 : i32 to index
      %swap3A_210 = arith.constant 176 : index
      %swap3A_211 = tpu.vector_load %arg8[%swap3A_209, %swap3A_210] {strides = array<i32>} : memref<32x1024xf32, #tpu.memory_space<vmem>>, vector<1x16xf32>,
      %swap3A_212 = vector.shape_cast %swap3A_211 : vector<1x16xf32> to vector<16xf32>
      %swap3A_213 = vector.shape_cast %add3A_208 : vector<16xf32> to vector<1x16xf32>
      tpu.vector_store %arg8[%swap3A_209, %swap3A_210], %swap3A_213 {strides = array<i32>} : memref<32x1024xf32, #tpu.memory_space<vmem>>, vector<1x16xf32>,
      %get3A_214 = arith.index_cast %add3A_47 : i32 to index
      %get3A_215 = arith.constant 192 : index
      %get3A_216 = tpu.vector_load %arg8[%get3A_214, %get3A_215] {strides = array<i32>} : memref<32x1024xf32, #tpu.memory_space<vmem>>, vector<1x16xf32>,
      %get3A_217 = vector.shape_cast %get3A_216 : vector<1x16xf32> to vector<16xf32>
      %get3A_218 = arith.index_cast %add3A_47 : i32 to index
      %get3A_219 = arith.constant 192 : index
      %get3A_220 = tpu.vector_load %arg9[%get3A_218, %get3A_219] {strides = array<i32>} : memref<32x1024xf32, #tpu.memory_space<vmem>>, vector<1x16xf32>,
      %get3A_221 = vector.shape_cast %get3A_220 : vector<1x16xf32> to vector<16xf32>
      %add3A_222 = arith.addf %get3A_217, %get3A_221 : vector<16xf32>
      %swap3A_223 = arith.index_cast %add3A_47 : i32 to index
      %swap3A_224 = arith.constant 192 : index
      %swap3A_225 = tpu.vector_load %arg8[%swap3A_223, %swap3A_224] {strides = array<i32>} : memref<32x1024xf32, #tpu.memory_space<vmem>>, vector<1x16xf32>,
      %swap3A_226 = vector.shape_cast %swap3A_225 : vector<1x16xf32> to vector<16xf32>
      %swap3A_227 = vector.shape_cast %add3A_222 : vector<16xf32> to vector<1x16xf32>
      tpu.vector_store %arg8[%swap3A_223, %swap3A_224], %swap3A_227 {strides = array<i32>} : memref<32x1024xf32, #tpu.memory_space<vmem>>, vector<1x16xf32>,
      %get3A_228 = arith.index_cast %add3A_47 : i32 to index
      %get3A_229 = arith.constant 208 : index
      %get3A_230 = tpu.vector_load %arg8[%get3A_228, %get3A_229] {strides = array<i32>} : memref<32x1024xf32, #tpu.memory_space<vmem>>, vector<1x16xf32>,
      %get3A_231 = vector.shape_cast %get3A_230 : vector<1x16xf32> to vector<16xf32>
      %get3A_232 = arith.index_cast %add3A_47 : i32 to index
      %get3A_233 = arith.constant 208 : index
      %get3A_234 = tpu.vector_load %arg9[%get3A_232, %get3A_233] {strides = array<i32>} : memref<32x1024xf32, #tpu.memory_space<vmem>>, vector<1x16xf32>,
      %get3A_235 = vector.shape_cast %get3A_234 : vector<1x16xf32> to vector<16xf32>
      %add3A_236 = arith.addf %get3A_231, %get3A_235 : vector<16xf32>
      %swap3A_237 = arith.index_cast %add3A_47 : i32 to index
      %swap3A_238 = arith.constant 208 : index
      %swap3A_239 = tpu.vector_load %arg8[%swap3A_237, %swap3A_238] {strides = array<i32>} : memref<32x1024xf32, #tpu.memory_space<vmem>>, vector<1x16xf32>,
      %swap3A_240 = vector.shape_cast %swap3A_239 : vector<1x16xf32> to vector<16xf32>
      %swap3A_241 = vector.shape_cast %add3A_236 : vector<16xf32> to vector<1x16xf32>
      tpu.vector_store %arg8[%swap3A_237, %swap3A_238], %swap3A_241 {strides = array<i32>} : memref<32x1024xf32, #tpu.memory_space<vmem>>, vector<1x16xf32>,
      %get3A_242 = arith.index_cast %add3A_47 : i32 to index
      %get3A_243 = arith.constant 224 : index
      %get3A_244 = tpu.vector_load %arg8[%get3A_242, %get3A_243] {strides = array<i32>} : memref<32x1024xf32, #tpu.memory_space<vmem>>, vector<1x16xf32>,
      %get3A_245 = vector.shape_cast %get3A_244 : vector<1x16xf32> to vector<16xf32>
      %get3A_246 = arith.index_cast %add3A_47 : i32 to index
      %get3A_247 = arith.constant 224 : index
      %get3A_248 = tpu.vector_load %arg9[%get3A_246, %get3A_247] {strides = array<i32>} : memref<32x1024xf32, #tpu.memory_space<vmem>>, vector<1x16xf32>,
      %get3A_249 = vector.shape_cast %get3A_248 : vector<1x16xf32> to vector<16xf32>
      %add3A_250 = arith.addf %get3A_245, %get3A_249 : vector<16xf32>
      %swap3A_251 = arith.index_cast %add3A_47 : i32 to index
      %swap3A_252 = arith.constant 224 : index
      %swap3A_253 = tpu.vector_load %arg8[%swap3A_251, %swap3A_252] {strides = array<i32>} : memref<32x1024xf32, #tpu.memory_space<vmem>>, vector<1x16xf32>,
      %swap3A_254 = vector.shape_cast %swap3A_253 : vector<1x16xf32> to vector<16xf32>
      %swap3A_255 = vector.shape_cast %add3A_250 : vector<16xf32> to vector<1x16xf32>
      tpu.vector_store %arg8[%swap3A_251, %swap3A_252], %swap3A_255 {strides = array<i32>} : memref<32x1024xf32, #tpu.memory_space<vmem>>, vector<1x16xf32>,
      %get3A_256 = arith.index_cast %add3A_47 : i32 to index
      %get3A_257 = arith.constant 240 : index
      %get3A_258 = tpu.vector_load %arg8[%get3A_256, %get3A_257] {strides = array<i32>} : memref<32x1024xf32, #tpu.memory_space<vmem>>, vector<1x16xf32>,
      %get3A_259 = vector.shape_cast %get3A_258 : vector<1x16xf32> to vector<16xf32>
      %get3A_260 = arith.index_cast %add3A_47 : i32 to index
      %get3A_261 = arith.constant 240 : index
      %get3A_262 = tpu.vector_load %arg9[%get3A_260, %get3A_261] {strides = array<i32>} : memref<32x1024xf32, #tpu.memory_space<vmem>>, vector<1x16xf32>,
      %get3A_263 = vector.shape_cast %get3A_262 : vector<1x16xf32> to vector<16xf32>
      %add3A_264 = arith.addf %get3A_259, %get3A_263 : vector<16xf32>
      %swap3A_265 = arith.index_cast %add3A_47 : i32 to index
      %swap3A_266 = arith.constant 240 : index
      %swap3A_267 = tpu.vector_load %arg8[%swap3A_265, %swap3A_266] {strides = array<i32>} : memref<32x1024xf32, #tpu.memory_space<vmem>>, vector<1x16xf32>,
      %swap3A_268 = vector.shape_cast %swap3A_267 : vector<1x16xf32> to vector<16xf32>
      %swap3A_269 = vector.shape_cast %add3A_264 : vector<16xf32> to vector<1x16xf32>
      tpu.vector_store %arg8[%swap3A_265, %swap3A_266], %swap3A_269 {strides = array<i32>} : memref<32x1024xf32, #tpu.memory_space<vmem>>, vector<1x16xf32>,
      %get3A_270 = arith.index_cast %add3A_47 : i32 to index
      %get3A_271 = arith.constant 256 : index
      %get3A_272 = tpu.vector_load %arg8[%get3A_270, %get3A_271] {strides = array<i32>} : memref<32x1024xf32, #tpu.memory_space<vmem>>, vector<1x16xf32>,
      %get3A_273 = vector.shape_cast %get3A_272 : vector<1x16xf32> to vector<16xf32>
      %get3A_274 = arith.index_cast %add3A_47 : i32 to index
      %get3A_275 = arith.constant 256 : index
      %get3A_276 = tpu.vector_load %arg9[%get3A_274, %get3A_275] {strides = array<i32>} : memref<32x1024xf32, #tpu.memory_space<vmem>>, vector<1x16xf32>,
      %get3A_277 = vector.shape_cast %get3A_276 : vector<1x16xf32> to vector<16xf32>
      %add3A_278 = arith.addf %get3A_273, %get3A_277 : vector<16xf32>
      %swap3A_279 = arith.index_cast %add3A_47 : i32 to index
      %swap3A_280 = arith.constant 256 : index
      %swap3A_281 = tpu.vector_load %arg8[%swap3A_279, %swap3A_280] {strides = array<i32>} : memref<32x1024xf32, #tpu.memory_space<vmem>>, vector<1x16xf32>,
      %swap3A_282 = vector.shape_cast %swap3A_281 : vector<1x16xf32> to vector<16xf32>
      %swap3A_283 = vector.shape_cast %add3A_278 : vector<16xf32> to vector<1x16xf32>
      tpu.vector_store %arg8[%swap3A_279, %swap3A_280], %swap3A_283 {strides = array<i32>} : memref<32x1024xf32, #tpu.memory_space<vmem>>, vector<1x16xf32>,
      %get3A_284 = arith.index_cast %add3A_47 : i32 to index
      %get3A_285 = arith.constant 272 : index
      %get3A_286 = tpu.vector_load %arg8[%get3A_284, %get3A_285] {strides = array<i32>} : memref<32x1024xf32, #tpu.memory_space<vmem>>, vector<1x16xf32>,
      %get3A_287 = vector.shape_cast %get3A_286 : vector<1x16xf32> to vector<16xf32>
      %get3A_288 = arith.index_cast %add3A_47 : i32 to index
      %get3A_289 = arith.constant 272 : index
      %get3A_290 = tpu.vector_load %arg9[%get3A_288, %get3A_289] {strides = array<i32>} : memref<32x1024xf32, #tpu.memory_space<vmem>>, vector<1x16xf32>,
      %get3A_291 = vector.shape_cast %get3A_290 : vector<1x16xf32> to vector<16xf32>
      %add3A_292 = arith.addf %get3A_287, %get3A_291 : vector<16xf32>
      %swap3A_293 = arith.index_cast %add3A_47 : i32 to index
      %swap3A_294 = arith.constant 272 : index
      %swap3A_295 = tpu.vector_load %arg8[%swap3A_293, %swap3A_294] {strides = array<i32>} : memref<32x1024xf32, #tpu.memory_space<vmem>>, vector<1x16xf32>,
      %swap3A_296 = vector.shape_cast %swap3A_295 : vector<1x16xf32> to vector<16xf32>
      %swap3A_297 = vector.shape_cast %add3A_292 : vector<16xf32> to vector<1x16xf32>
      tpu.vector_store %arg8[%swap3A_293, %swap3A_294], %swap3A_297 {strides = array<i32>} : memref<32x1024xf32, #tpu.memory_space<vmem>>, vector<1x16xf32>,
      %get3A_298 = arith.index_cast %add3A_47 : i32 to index
      %get3A_299 = arith.constant 288 : index
      %get3A_300 = tpu.vector_load %arg8[%get3A_298, %get3A_299] {strides = array<i32>} : memref<32x1024xf32, #tpu.memory_space<vmem>>, vector<1x16xf32>,
      %get3A_301 = vector.shape_cast %get3A_300 : vector<1x16xf32> to vector<16xf32>
      %get3A_302 = arith.index_cast %add3A_47 : i32 to index
      %get3A_303 = arith.constant 288 : index
      %get3A_304 = tpu.vector_load %arg9[%get3A_302, %get3A_303] {strides = array<i32>} : memref<32x1024xf32, #tpu.memory_space<vmem>>, vector<1x16xf32>,
      %get3A_305 = vector.shape_cast %get3A_304 : vector<1x16xf32> to vector<16xf32>
      %add3A_306 = arith.addf %get3A_301, %get3A_305 : vector<16xf32>
      %swap3A_307 = arith.index_cast %add3A_47 : i32 to index
      %swap3A_308 = arith.constant 288 : index
      %swap3A_309 = tpu.vector_load %arg8[%swap3A_307, %swap3A_308] {strides = array<i32>} : memref<32x1024xf32, #tpu.memory_space<vmem>>, vector<1x16xf32>,
      %swap3A_310 = vector.shape_cast %swap3A_309 : vector<1x16xf32> to vector<16xf32>
      %swap3A_311 = vector.shape_cast %add3A_306 : vector<16xf32> to vector<1x16xf32>
      tpu.vector_store %arg8[%swap3A_307, %swap3A_308], %swap3A_311 {strides = array<i32>} : memref<32x1024xf32, #tpu.memory_space<vmem>>, vector<1x16xf32>,
      %get3A_312 = arith.index_cast %add3A_47 : i32 to index
      %get3A_313 = arith.constant 304 : index
      %get3A_314 = tpu.vector_load %arg8[%get3A_312, %get3A_313] {strides = array<i32>} : memref<32x1024xf32, #tpu.memory_space<vmem>>, vector<1x16xf32>,
      %get3A_315 = vector.shape_cast %get3A_314 : vector<1x16xf32> to vector<16xf32>
      %get3A_316 = arith.index_cast %add3A_47 : i32 to index
      %get3A_317 = arith.constant 304 : index
      %get3A_318 = tpu.vector_load %arg9[%get3A_316, %get3A_317] {strides = array<i32>} : memref<32x1024xf32, #tpu.memory_space<vmem>>, vector<1x16xf32>,
      %get3A_319 = vector.shape_cast %get3A_318 : vector<1x16xf32> to vector<16xf32>
      %add3A_320 = arith.addf %get3A_315, %get3A_319 : vector<16xf32>
      %swap3A_321 = arith.index_cast %add3A_47 : i32 to index
      %swap3A_322 = arith.constant 304 : index
      %swap3A_323 = tpu.vector_load %arg8[%swap3A_321, %swap3A_322] {strides = array<i32>} : memref<32x1024xf32, #tpu.memory_space<vmem>>, vector<1x16xf32>,
      %swap3A_324 = vector.shape_cast %swap3A_323 : vector<1x16xf32> to vector<16xf32>
      %swap3A_325 = vector.shape_cast %add3A_320 : vector<16xf32> to vector<1x16xf32>
      tpu.vector_store %arg8[%swap3A_321, %swap3A_322], %swap3A_325 {strides = array<i32>} : memref<32x1024xf32, #tpu.memory_space<vmem>>, vector<1x16xf32>,
      %get3A_326 = arith.index_cast %add3A_47 : i32 to index
      %get3A_327 = arith.constant 320 : index
      %get3A_328 = tpu.vector_load %arg8[%get3A_326, %get3A_327] {strides = array<i32>} : memref<32x1024xf32, #tpu.memory_space<vmem>>, vector<1x16xf32>,
      %get3A_329 = vector.shape_cast %get3A_328 : vector<1x16xf32> to vector<16xf32>
      %get3A_330 = arith.index_cast %add3A_47 : i32 to index
      %get3A_331 = arith.constant 320 : index
      %get3A_332 = tpu.vector_load %arg9[%get3A_330, %get3A_331] {strides = array<i32>} : memref<32x1024xf32, #tpu.memory_space<vmem>>, vector<1x16xf32>,
      %get3A_333 = vector.shape_cast %get3A_332 : vector<1x16xf32> to vector<16xf32>
      %add3A_334 = arith.addf %get3A_329, %get3A_333 : vector<16xf32>
      %swap3A_335 = arith.index_cast %add3A_47 : i32 to index
      %swap3A_336 = arith.constant 320 : index
      %swap3A_337 = tpu.vector_load %arg8[%swap3A_335, %swap3A_336] {strides = array<i32>} : memref<32x1024xf32, #tpu.memory_space<vmem>>, vector<1x16xf32>,
      %swap3A_338 = vector.shape_cast %swap3A_337 : vector<1x16xf32> to vector<16xf32>
      %swap3A_339 = vector.shape_cast %add3A_334 : vector<16xf32> to vector<1x16xf32>
      tpu.vector_store %arg8[%swap3A_335, %swap3A_336], %swap3A_339 {strides = array<i32>} : memref<32x1024xf32, #tpu.memory_space<vmem>>, vector<1x16xf32>,
      %get3A_340 = arith.index_cast %add3A_47 : i32 to index
      %get3A_341 = arith.constant 336 : index
      %get3A_342 = tpu.vector_load %arg8[%get3A_340, %get3A_341] {strides = array<i32>} : memref<32x1024xf32, #tpu.memory_space<vmem>>, vector<1x16xf32>,
      %get3A_343 = vector.shape_cast %get3A_342 : vector<1x16xf32> to vector<16xf32>
      %get3A_344 = arith.index_cast %add3A_47 : i32 to index
      %get3A_345 = arith.constant 336 : index
      %get3A_346 = tpu.vector_load %arg9[%get3A_344, %get3A_345] {strides = array<i32>} : memref<32x1024xf32, #tpu.memory_space<vmem>>, vector<1x16xf32>,
      %get3A_347 = vector.shape_cast %get3A_346 : vector<1x16xf32> to vector<16xf32>
      %add3A_348 = arith.addf %get3A_343, %get3A_347 : vector<16xf32>
      %swap3A_349 = arith.index_cast %add3A_47 : i32 to index
      %swap3A_350 = arith.constant 336 : index
      %swap3A_351 = tpu.vector_load %arg8[%swap3A_349, %swap3A_350] {strides = array<i32>} : memref<32x1024xf32, #tpu.memory_space<vmem>>, vector<1x16xf32>,
      %swap3A_352 = vector.shape_cast %swap3A_351 : vector<1x16xf32> to vector<16xf32>
      %swap3A_353 = vector.shape_cast %add3A_348 : vector<16xf32> to vector<1x16xf32>
      tpu.vector_store %arg8[%swap3A_349, %swap3A_350], %swap3A_353 {strides = array<i32>} : memref<32x1024xf32, #tpu.memory_space<vmem>>, vector<1x16xf32>,
      %get3A_354 = arith.index_cast %add3A_47 : i32 to index
      %get3A_355 = arith.constant 352 : index
      %get3A_356 = tpu.vector_load %arg8[%get3A_354, %get3A_355] {strides = array<i32>} : memref<32x1024xf32, #tpu.memory_space<vmem>>, vector<1x16xf32>,
      %get3A_357 = vector.shape_cast %get3A_356 : vector<1x16xf32> to vector<16xf32>
      %get3A_358 = arith.index_cast %add3A_47 : i32 to index
      %get3A_359 = arith.constant 352 : index
      %get3A_360 = tpu.vector_load %arg9[%get3A_358, %get3A_359] {strides = array<i32>} : memref<32x1024xf32, #tpu.memory_space<vmem>>, vector<1x16xf32>,
      %get3A_361 = vector.shape_cast %get3A_360 : vector<1x16xf32> to vector<16xf32>
      %add3A_362 = arith.addf %get3A_357, %get3A_361 : vector<16xf32>
      %swap3A_363 = arith.index_cast %add3A_47 : i32 to index
      %swap3A_364 = arith.constant 352 : index
      %swap3A_365 = tpu.vector_load %arg8[%swap3A_363, %swap3A_364] {strides = array<i32>} : memref<32x1024xf32, #tpu.memory_space<vmem>>, vector<1x16xf32>,
      %swap3A_366 = vector.shape_cast %swap3A_365 : vector<1x16xf32> to vector<16xf32>
      %swap3A_367 = vector.shape_cast %add3A_362 : vector<16xf32> to vector<1x16xf32>
      tpu.vector_store %arg8[%swap3A_363, %swap3A_364], %swap3A_367 {strides = array<i32>} : memref<32x1024xf32, #tpu.memory_space<vmem>>, vector<1x16xf32>,
      %get3A_368 = arith.index_cast %add3A_47 : i32 to index
      %get3A_369 = arith.constant 368 : index
      %get3A_370 = tpu.vector_load %arg8[%get3A_368, %get3A_369] {strides = array<i32>} : memref<32x1024xf32, #tpu.memory_space<vmem>>, vector<1x16xf32>,
      %get3A_371 = vector.shape_cast %get3A_370 : vector<1x16xf32> to vector<16xf32>
      %get3A_372 = arith.index_cast %add3A_47 : i32 to index
      %get3A_373 = arith.constant 368 : index
      %get3A_374 = tpu.vector_load %arg9[%get3A_372, %get3A_373] {strides = array<i32>} : memref<32x1024xf32, #tpu.memory_space<vmem>>, vector<1x16xf32>,
      %get3A_375 = vector.shape_cast %get3A_374 : vector<1x16xf32> to vector<16xf32>
      %add3A_376 = arith.addf %get3A_371, %get3A_375 : vector<16xf32>
      %swap3A_377 = arith.index_cast %add3A_47 : i32 to index
      %swap3A_378 = arith.constant 368 : index
      %swap3A_379 = tpu.vector_load %arg8[%swap3A_377, %swap3A_378] {strides = array<i32>} : memref<32x1024xf32, #tpu.memory_space<vmem>>, vector<1x16xf32>,
      %swap3A_380 = vector.shape_cast %swap3A_379 : vector<1x16xf32> to vector<16xf32>
      %swap3A_381 = vector.shape_cast %add3A_376 : vector<16xf32> to vector<1x16xf32>
      tpu.vector_store %arg8[%swap3A_377, %swap3A_378], %swap3A_381 {strides = array<i32>} : memref<32x1024xf32, #tpu.memory_space<vmem>>, vector<1x16xf32>,
      %get3A_382 = arith.index_cast %add3A_47 : i32 to index
      %get3A_383 = arith.constant 384 : index
      %get3A_384 = tpu.vector_load %arg8[%get3A_382, %get3A_383] {strides = array<i32>} : memref<32x1024xf32, #tpu.memory_space<vmem>>, vector<1x16xf32>,
      %get3A_385 = vector.shape_cast %get3A_384 : vector<1x16xf32> to vector<16xf32>
      %get3A_386 = arith.index_cast %add3A_47 : i32 to index
      %get3A_387 = arith.constant 384 : index
      %get3A_388 = tpu.vector_load %arg9[%get3A_386, %get3A_387] {strides = array<i32>} : memref<32x1024xf32, #tpu.memory_space<vmem>>, vector<1x16xf32>,
      %get3A_389 = vector.shape_cast %get3A_388 : vector<1x16xf32> to vector<16xf32>
      %add3A_390 = arith.addf %get3A_385, %get3A_389 : vector<16xf32>
      %swap3A_391 = arith.index_cast %add3A_47 : i32 to index
      %swap3A_392 = arith.constant 384 : index
      %swap3A_393 = tpu.vector_load %arg8[%swap3A_391, %swap3A_392] {strides = array<i32>} : memref<32x1024xf32, #tpu.memory_space<vmem>>, vector<1x16xf32>,
      %swap3A_394 = vector.shape_cast %swap3A_393 : vector<1x16xf32> to vector<16xf32>
      %swap3A_395 = vector.shape_cast %add3A_390 : vector<16xf32> to vector<1x16xf32>
      tpu.vector_store %arg8[%swap3A_391, %swap3A_392], %swap3A_395 {strides = array<i32>} : memref<32x1024xf32, #tpu.memory_space<vmem>>, vector<1x16xf32>,
      %get3A_396 = arith.index_cast %add3A_47 : i32 to index
      %get3A_397 = arith.constant 400 : index
      %get3A_398 = tpu.vector_load %arg8[%get3A_396, %get3A_397] {strides = array<i32>} : memref<32x1024xf32, #tpu.memory_space<vmem>>, vector<1x16xf32>,
      %get3A_399 = vector.shape_cast %get3A_398 : vector<1x16xf32> to vector<16xf32>
      %get3A_400 = arith.index_cast %add3A_47 : i32 to index
      %get3A_401 = arith.constant 400 : index
      %get3A_402 = tpu.vector_load %arg9[%get3A_400, %get3A_401] {strides = array<i32>} : memref<32x1024xf32, #tpu.memory_space<vmem>>, vector<1x16xf32>,
      %get3A_403 = vector.shape_cast %get3A_402 : vector<1x16xf32> to vector<16xf32>
      %add3A_404 = arith.addf %get3A_399, %get3A_403 : vector<16xf32>
      %swap3A_405 = arith.index_cast %add3A_47 : i32 to index
      %swap3A_406 = arith.constant 400 : index
      %swap3A_407 = tpu.vector_load %arg8[%swap3A_405, %swap3A_406] {strides = array<i32>} : memref<32x1024xf32, #tpu.memory_space<vmem>>, vector<1x16xf32>,
      %swap3A_408 = vector.shape_cast %swap3A_407 : vector<1x16xf32> to vector<16xf32>
      %swap3A_409 = vector.shape_cast %add3A_404 : vector<16xf32> to vector<1x16xf32>
      tpu.vector_store %arg8[%swap3A_405, %swap3A_406], %swap3A_409 {strides = array<i32>} : memref<32x1024xf32, #tpu.memory_space<vmem>>, vector<1x16xf32>,
      %get3A_410 = arith.index_cast %add3A_47 : i32 to index
      %get3A_411 = arith.constant 416 : index
      %get3A_412 = tpu.vector_load %arg8[%get3A_410, %get3A_411] {strides = array<i32>} : memref<32x1024xf32, #tpu.memory_space<vmem>>, vector<1x16xf32>,
      %get3A_413 = vector.shape_cast %get3A_412 : vector<1x16xf32> to vector<16xf32>
      %get3A_414 = arith.index_cast %add3A_47 : i32 to index
      %get3A_415 = arith.constant 416 : index
      %get3A_416 = tpu.vector_load %arg9[%get3A_414, %get3A_415] {strides = array<i32>} : memref<32x1024xf32, #tpu.memory_space<vmem>>, vector<1x16xf32>,
      %get3A_417 = vector.shape_cast %get3A_416 : vector<1x16xf32> to vector<16xf32>
      %add3A_418 = arith.addf %get3A_413, %get3A_417 : vector<16xf32>
      %swap3A_419 = arith.index_cast %add3A_47 : i32 to index
      %swap3A_420 = arith.constant 416 : index
      %swap3A_421 = tpu.vector_load %arg8[%swap3A_419, %swap3A_420] {strides = array<i32>} : memref<32x1024xf32, #tpu.memory_space<vmem>>, vector<1x16xf32>,
      %swap3A_422 = vector.shape_cast %swap3A_421 : vector<1x16xf32> to vector<16xf32>
      %swap3A_423 = vector.shape_cast %add3A_418 : vector<16xf32> to vector<1x16xf32>
      tpu.vector_store %arg8[%swap3A_419, %swap3A_420], %swap3A_423 {strides = array<i32>} : memref<32x1024xf32, #tpu.memory_space<vmem>>, vector<1x16xf32>,
      %get3A_424 = arith.index_cast %add3A_47 : i32 to index
      %get3A_425 = arith.constant 432 : index
      %get3A_426 = tpu.vector_load %arg8[%get3A_424, %get3A_425] {strides = array<i32>} : memref<32x1024xf32, #tpu.memory_space<vmem>>, vector<1x16xf32>,
      %get3A_427 = vector.shape_cast %get3A_426 : vector<1x16xf32> to vector<16xf32>
      %get3A_428 = arith.index_cast %add3A_47 : i32 to index
      %get3A_429 = arith.constant 432 : index
      %get3A_430 = tpu.vector_load %arg9[%get3A_428, %get3A_429] {strides = array<i32>} : memref<32x1024xf32, #tpu.memory_space<vmem>>, vector<1x16xf32>,
      %get3A_431 = vector.shape_cast %get3A_430 : vector<1x16xf32> to vector<16xf32>
      %add3A_432 = arith.addf %get3A_427, %get3A_431 : vector<16xf32>
      %swap3A_433 = arith.index_cast %add3A_47 : i32 to index
      %swap3A_434 = arith.constant 432 : index
      %swap3A_435 = tpu.vector_load %arg8[%swap3A_433, %swap3A_434] {strides = array<i32>} : memref<32x1024xf32, #tpu.memory_space<vmem>>, vector<1x16xf32>,
      %swap3A_436 = vector.shape_cast %swap3A_435 : vector<1x16xf32> to vector<16xf32>
      %swap3A_437 = vector.shape_cast %add3A_432 : vector<16xf32> to vector<1x16xf32>
      tpu.vector_store %arg8[%swap3A_433, %swap3A_434], %swap3A_437 {strides = array<i32>} : memref<32x1024xf32, #tpu.memory_space<vmem>>, vector<1x16xf32>,
      %get3A_438 = arith.index_cast %add3A_47 : i32 to index
      %get3A_439 = arith.constant 448 : index
      %get3A_440 = tpu.vector_load %arg8[%get3A_438, %get3A_439] {strides = array<i32>} : memref<32x1024xf32, #tpu.memory_space<vmem>>, vector<1x16xf32>,
      %get3A_441 = vector.shape_cast %get3A_440 : vector<1x16xf32> to vector<16xf32>
      %get3A_442 = arith.index_cast %add3A_47 : i32 to index
      %get3A_443 = arith.constant 448 : index
      %get3A_444 = tpu.vector_load %arg9[%get3A_442, %get3A_443] {strides = array<i32>} : memref<32x1024xf32, #tpu.memory_space<vmem>>, vector<1x16xf32>,
      %get3A_445 = vector.shape_cast %get3A_444 : vector<1x16xf32> to vector<16xf32>
      %add3A_446 = arith.addf %get3A_441, %get3A_445 : vector<16xf32>
      %swap3A_447 = arith.index_cast %add3A_47 : i32 to index
      %swap3A_448 = arith.constant 448 : index
      %swap3A_449 = tpu.vector_load %arg8[%swap3A_447, %swap3A_448] {strides = array<i32>} : memref<32x1024xf32, #tpu.memory_space<vmem>>, vector<1x16xf32>,
      %swap3A_450 = vector.shape_cast %swap3A_449 : vector<1x16xf32> to vector<16xf32>
      %swap3A_451 = vector.shape_cast %add3A_446 : vector<16xf32> to vector<1x16xf32>
      tpu.vector_store %arg8[%swap3A_447, %swap3A_448], %swap3A_451 {strides = array<i32>} : memref<32x1024xf32, #tpu.memory_space<vmem>>, vector<1x16xf32>,
      %get3A_452 = arith.index_cast %add3A_47 : i32 to index
      %get3A_453 = arith.constant 464 : index
      %get3A_454 = tpu.vector_load %arg8[%get3A_452, %get3A_453] {strides = array<i32>} : memref<32x1024xf32, #tpu.memory_space<vmem>>, vector<1x16xf32>,
      %get3A_455 = vector.shape_cast %get3A_454 : vector<1x16xf32> to vector<16xf32>
      %get3A_456 = arith.index_cast %add3A_47 : i32 to index
      %get3A_457 = arith.constant 464 : index
      %get3A_458 = tpu.vector_load %arg9[%get3A_456, %get3A_457] {strides = array<i32>} : memref<32x1024xf32, #tpu.memory_space<vmem>>, vector<1x16xf32>,
      %get3A_459 = vector.shape_cast %get3A_458 : vector<1x16xf32> to vector<16xf32>
      %add3A_460 = arith.addf %get3A_455, %get3A_459 : vector<16xf32>
      %swap3A_461 = arith.index_cast %add3A_47 : i32 to index
      %swap3A_462 = arith.constant 464 : index
      %swap3A_463 = tpu.vector_load %arg8[%swap3A_461, %swap3A_462] {strides = array<i32>} : memref<32x1024xf32, #tpu.memory_space<vmem>>, vector<1x16xf32>,
      %swap3A_464 = vector.shape_cast %swap3A_463 : vector<1x16xf32> to vector<16xf32>
      %swap3A_465 = vector.shape_cast %add3A_460 : vector<16xf32> to vector<1x16xf32>
      tpu.vector_store %arg8[%swap3A_461, %swap3A_462], %swap3A_465 {strides = array<i32>} : memref<32x1024xf32, #tpu.memory_space<vmem>>, vector<1x16xf32>,
      %get3A_466 = arith.index_cast %add3A_47 : i32 to index
      %get3A_467 = arith.constant 480 : index
      %get3A_468 = tpu.vector_load %arg8[%get3A_466, %get3A_467] {strides = array<i32>} : memref<32x1024xf32, #tpu.memory_space<vmem>>, vector<1x16xf32>,
      %get3A_469 = vector.shape_cast %get3A_468 : vector<1x16xf32> to vector<16xf32>
      %get3A_470 = arith.index_cast %add3A_47 : i32 to index
      %get3A_471 = arith.constant 480 : index
      %get3A_472 = tpu.vector_load %arg9[%get3A_470, %get3A_471] {strides = array<i32>} : memref<32x1024xf32, #tpu.memory_space<vmem>>, vector<1x16xf32>,
      %get3A_473 = vector.shape_cast %get3A_472 : vector<1x16xf32> to vector<16xf32>
      %add3A_474 = arith.addf %get3A_469, %get3A_473 : vector<16xf32>
      %swap3A_475 = arith.index_cast %add3A_47 : i32 to index
      %swap3A_476 = arith.constant 480 : index
      %swap3A_477 = tpu.vector_load %arg8[%swap3A_475, %swap3A_476] {strides = array<i32>} : memref<32x1024xf32, #tpu.memory_space<vmem>>, vector<1x16xf32>,
      %swap3A_478 = vector.shape_cast %swap3A_477 : vector<1x16xf32> to vector<16xf32>
      %swap3A_479 = vector.shape_cast %add3A_474 : vector<16xf32> to vector<1x16xf32>
      tpu.vector_store %arg8[%swap3A_475, %swap3A_476], %swap3A_479 {strides = array<i32>} : memref<32x1024xf32, #tpu.memory_space<vmem>>, vector<1x16xf32>,
      %get3A_480 = arith.index_cast %add3A_47 : i32 to index
      %get3A_481 = arith.constant 496 : index
      %get3A_482 = tpu.vector_load %arg8[%get3A_480, %get3A_481] {strides = array<i32>} : memref<32x1024xf32, #tpu.memory_space<vmem>>, vector<1x16xf32>,
      %get3A_483 = vector.shape_cast %get3A_482 : vector<1x16xf32> to vector<16xf32>
      %get3A_484 = arith.index_cast %add3A_47 : i32 to index
      %get3A_485 = arith.constant 496 : index
      %get3A_486 = tpu.vector_load %arg9[%get3A_484, %get3A_485] {strides = array<i32>} : memref<32x1024xf32, #tpu.memory_space<vmem>>, vector<1x16xf32>,
      %get3A_487 = vector.shape_cast %get3A_486 : vector<1x16xf32> to vector<16xf32>
      %add3A_488 = arith.addf %get3A_483, %get3A_487 : vector<16xf32>
      %swap3A_489 = arith.index_cast %add3A_47 : i32 to index
      %swap3A_490 = arith.constant 496 : index
      %swap3A_491 = tpu.vector_load %arg8[%swap3A_489, %swap3A_490] {strides = array<i32>} : memref<32x1024xf32, #tpu.memory_space<vmem>>, vector<1x16xf32>,
      %swap3A_492 = vector.shape_cast %swap3A_491 : vector<1x16xf32> to vector<16xf32>
      %swap3A_493 = vector.shape_cast %add3A_488 : vector<16xf32> to vector<1x16xf32>
      tpu.vector_store %arg8[%swap3A_489, %swap3A_490], %swap3A_493 {strides = array<i32>} : memref<32x1024xf32, #tpu.memory_space<vmem>>, vector<1x16xf32>,
      %get3A_494 = arith.index_cast %add3A_47 : i32 to index
      %get3A_495 = arith.constant 512 : index
      %get3A_496 = tpu.vector_load %arg8[%get3A_494, %get3A_495] {strides = array<i32>} : memref<32x1024xf32, #tpu.memory_space<vmem>>, vector<1x16xf32>,
      %get3A_497 = vector.shape_cast %get3A_496 : vector<1x16xf32> to vector<16xf32>
      %get3A_498 = arith.index_cast %add3A_47 : i32 to index
      %get3A_499 = arith.constant 512 : index
      %get3A_500 = tpu.vector_load %arg9[%get3A_498, %get3A_499] {strides = array<i32>} : memref<32x1024xf32, #tpu.memory_space<vmem>>, vector<1x16xf32>,
      %get3A_501 = vector.shape_cast %get3A_500 : vector<1x16xf32> to vector<16xf32>
      %add3A_502 = arith.addf %get3A_497, %get3A_501 : vector<16xf32>
      %swap3A_503 = arith.index_cast %add3A_47 : i32 to index
      %swap3A_504 = arith.constant 512 : index
      %swap3A_505 = tpu.vector_load %arg8[%swap3A_503, %swap3A_504] {strides = array<i32>} : memref<32x1024xf32, #tpu.memory_space<vmem>>, vector<1x16xf32>,
      %swap3A_506 = vector.shape_cast %swap3A_505 : vector<1x16xf32> to vector<16xf32>
      %swap3A_507 = vector.shape_cast %add3A_502 : vector<16xf32> to vector<1x16xf32>
      tpu.vector_store %arg8[%swap3A_503, %swap3A_504], %swap3A_507 {strides = array<i32>} : memref<32x1024xf32, #tpu.memory_space<vmem>>, vector<1x16xf32>,
      %get3A_508 = arith.index_cast %add3A_47 : i32 to index
      %get3A_509 = arith.constant 528 : index
      %get3A_510 = tpu.vector_load %arg8[%get3A_508, %get3A_509] {strides = array<i32>} : memref<32x1024xf32, #tpu.memory_space<vmem>>, vector<1x16xf32>,
      %get3A_511 = vector.shape_cast %get3A_510 : vector<1x16xf32> to vector<16xf32>
      %get3A_512 = arith.index_cast %add3A_47 : i32 to index
      %get3A_513 = arith.constant 528 : index
      %get3A_514 = tpu.vector_load %arg9[%get3A_512, %get3A_513] {strides = array<i32>} : memref<32x1024xf32, #tpu.memory_space<vmem>>, vector<1x16xf32>,
      %get3A_515 = vector.shape_cast %get3A_514 : vector<1x16xf32> to vector<16xf32>
      %add3A_516 = arith.addf %get3A_511, %get3A_515 : vector<16xf32>
      %swap3A_517 = arith.index_cast %add3A_47 : i32 to index
      %swap3A_518 = arith.constant 528 : index
      %swap3A_519 = tpu.vector_load %arg8[%swap3A_517, %swap3A_518] {strides = array<i32>} : memref<32x1024xf32, #tpu.memory_space<vmem>>, vector<1x16xf32>,
      %swap3A_520 = vector.shape_cast %swap3A_519 : vector<1x16xf32> to vector<16xf32>
      %swap3A_521 = vector.shape_cast %add3A_516 : vector<16xf32> to vector<1x16xf32>
      tpu.vector_store %arg8[%swap3A_517, %swap3A_518], %swap3A_521 {strides = array<i32>} : memref<32x1024xf32, #tpu.memory_space<vmem>>, vector<1x16xf32>,
      %get3A_522 = arith.index_cast %add3A_47 : i32 to index
      %get3A_523 = arith.constant 544 : index
      %get3A_524 = tpu.vector_load %arg8[%get3A_522, %get3A_523] {strides = array<i32>} : memref<32x1024xf32, #tpu.memory_space<vmem>>, vector<1x16xf32>,
      %get3A_525 = vector.shape_cast %get3A_524 : vector<1x16xf32> to vector<16xf32>
      %get3A_526 = arith.index_cast %add3A_47 : i32 to index
      %get3A_527 = arith.constant 544 : index
      %get3A_528 = tpu.vector_load %arg9[%get3A_526, %get3A_527] {strides = array<i32>} : memref<32x1024xf32, #tpu.memory_space<vmem>>, vector<1x16xf32>,
      %get3A_529 = vector.shape_cast %get3A_528 : vector<1x16xf32> to vector<16xf32>
      %add3A_530 = arith.addf %get3A_525, %get3A_529 : vector<16xf32>
      %swap3A_531 = arith.index_cast %add3A_47 : i32 to index
      %swap3A_532 = arith.constant 544 : index
      %swap3A_533 = tpu.vector_load %arg8[%swap3A_531, %swap3A_532] {strides = array<i32>} : memref<32x1024xf32, #tpu.memory_space<vmem>>, vector<1x16xf32>,
      %swap3A_534 = vector.shape_cast %swap3A_533 : vector<1x16xf32> to vector<16xf32>
      %swap3A_535 = vector.shape_cast %add3A_530 : vector<16xf32> to vector<1x16xf32>
      tpu.vector_store %arg8[%swap3A_531, %swap3A_532], %swap3A_535 {strides = array<i32>} : memref<32x1024xf32, #tpu.memory_space<vmem>>, vector<1x16xf32>,
      %get3A_536 = arith.index_cast %add3A_47 : i32 to index
      %get3A_537 = arith.constant 560 : index
      %get3A_538 = tpu.vector_load %arg8[%get3A_536, %get3A_537] {strides = array<i32>} : memref<32x1024xf32, #tpu.memory_space<vmem>>, vector<1x16xf32>,
      %get3A_539 = vector.shape_cast %get3A_538 : vector<1x16xf32> to vector<16xf32>
      %get3A_540 = arith.index_cast %add3A_47 : i32 to index
      %get3A_541 = arith.constant 560 : index
      %get3A_542 = tpu.vector_load %arg9[%get3A_540, %get3A_541] {strides = array<i32>} : memref<32x1024xf32, #tpu.memory_space<vmem>>, vector<1x16xf32>,
      %get3A_543 = vector.shape_cast %get3A_542 : vector<1x16xf32> to vector<16xf32>
      %add3A_544 = arith.addf %get3A_539, %get3A_543 : vector<16xf32>
      %swap3A_545 = arith.index_cast %add3A_47 : i32 to index
      %swap3A_546 = arith.constant 560 : index
      %swap3A_547 = tpu.vector_load %arg8[%swap3A_545, %swap3A_546] {strides = array<i32>} : memref<32x1024xf32, #tpu.memory_space<vmem>>, vector<1x16xf32>,
      %swap3A_548 = vector.shape_cast %swap3A_547 : vector<1x16xf32> to vector<16xf32>
      %swap3A_549 = vector.shape_cast %add3A_544 : vector<16xf32> to vector<1x16xf32>
      tpu.vector_store %arg8[%swap3A_545, %swap3A_546], %swap3A_549 {strides = array<i32>} : memref<32x1024xf32, #tpu.memory_space<vmem>>, vector<1x16xf32>,
      %get3A_550 = arith.index_cast %add3A_47 : i32 to index
      %get3A_551 = arith.constant 576 : index
      %get3A_552 = tpu.vector_load %arg8[%get3A_550, %get3A_551] {strides = array<i32>} : memref<32x1024xf32, #tpu.memory_space<vmem>>, vector<1x16xf32>,
      %get3A_553 = vector.shape_cast %get3A_552 : vector<1x16xf32> to vector<16xf32>
      %get3A_554 = arith.index_cast %add3A_47 : i32 to index
      %get3A_555 = arith.constant 576 : index
      %get3A_556 = tpu.vector_load %arg9[%get3A_554, %get3A_555] {strides = array<i32>} : memref<32x1024xf32, #tpu.memory_space<vmem>>, vector<1x16xf32>,
      %get3A_557 = vector.shape_cast %get3A_556 : vector<1x16xf32> to vector<16xf32>
      %add3A_558 = arith.addf %get3A_553, %get3A_557 : vector<16xf32>
      %swap3A_559 = arith.index_cast %add3A_47 : i32 to index
      %swap3A_560 = arith.constant 576 : index
      %swap3A_561 = tpu.vector_load %arg8[%swap3A_559, %swap3A_560] {strides = array<i32>} : memref<32x1024xf32, #tpu.memory_space<vmem>>, vector<1x16xf32>,
      %swap3A_562 = vector.shape_cast %swap3A_561 : vector<1x16xf32> to vector<16xf32>
      %swap3A_563 = vector.shape_cast %add3A_558 : vector<16xf32> to vector<1x16xf32>
      tpu.vector_store %arg8[%swap3A_559, %swap3A_560], %swap3A_563 {strides = array<i32>} : memref<32x1024xf32, #tpu.memory_space<vmem>>, vector<1x16xf32>,
      %get3A_564 = arith.index_cast %add3A_47 : i32 to index
      %get3A_565 = arith.constant 592 : index
      %get3A_566 = tpu.vector_load %arg8[%get3A_564, %get3A_565] {strides = array<i32>} : memref<32x1024xf32, #tpu.memory_space<vmem>>, vector<1x16xf32>,
      %get3A_567 = vector.shape_cast %get3A_566 : vector<1x16xf32> to vector<16xf32>
      %get3A_568 = arith.index_cast %add3A_47 : i32 to index
      %get3A_569 = arith.constant 592 : index
      %get3A_570 = tpu.vector_load %arg9[%get3A_568, %get3A_569] {strides = array<i32>} : memref<32x1024xf32, #tpu.memory_space<vmem>>, vector<1x16xf32>,
      %get3A_571 = vector.shape_cast %get3A_570 : vector<1x16xf32> to vector<16xf32>
      %add3A_572 = arith.addf %get3A_567, %get3A_571 : vector<16xf32>
      %swap3A_573 = arith.index_cast %add3A_47 : i32 to index
      %swap3A_574 = arith.constant 592 : index
      %swap3A_575 = tpu.vector_load %arg8[%swap3A_573, %swap3A_574] {strides = array<i32>} : memref<32x1024xf32, #tpu.memory_space<vmem>>, vector<1x16xf32>,
      %swap3A_576 = vector.shape_cast %swap3A_575 : vector<1x16xf32> to vector<16xf32>
      %swap3A_577 = vector.shape_cast %add3A_572 : vector<16xf32> to vector<1x16xf32>
      tpu.vector_store %arg8[%swap3A_573, %swap3A_574], %swap3A_577 {strides = array<i32>} : memref<32x1024xf32, #tpu.memory_space<vmem>>, vector<1x16xf32>,
      %get3A_578 = arith.index_cast %add3A_47 : i32 to index
      %get3A_579 = arith.constant 608 : index
      %get3A_580 = tpu.vector_load %arg8[%get3A_578, %get3A_579] {strides = array<i32>} : memref<32x1024xf32, #tpu.memory_space<vmem>>, vector<1x16xf32>,
      %get3A_581 = vector.shape_cast %get3A_580 : vector<1x16xf32> to vector<16xf32>
      %get3A_582 = arith.index_cast %add3A_47 : i32 to index
      %get3A_583 = arith.constant 608 : index
      %get3A_584 = tpu.vector_load %arg9[%get3A_582, %get3A_583] {strides = array<i32>} : memref<32x1024xf32, #tpu.memory_space<vmem>>, vector<1x16xf32>,
      %get3A_585 = vector.shape_cast %get3A_584 : vector<1x16xf32> to vector<16xf32>
      %add3A_586 = arith.addf %get3A_581, %get3A_585 : vector<16xf32>
      %swap3A_587 = arith.index_cast %add3A_47 : i32 to index
      %swap3A_588 = arith.constant 608 : index
      %swap3A_589 = tpu.vector_load %arg8[%swap3A_587, %swap3A_588] {strides = array<i32>} : memref<32x1024xf32, #tpu.memory_space<vmem>>, vector<1x16xf32>,
      %swap3A_590 = vector.shape_cast %swap3A_589 : vector<1x16xf32> to vector<16xf32>
      %swap3A_591 = vector.shape_cast %add3A_586 : vector<16xf32> to vector<1x16xf32>
      tpu.vector_store %arg8[%swap3A_587, %swap3A_588], %swap3A_591 {strides = array<i32>} : memref<32x1024xf32, #tpu.memory_space<vmem>>, vector<1x16xf32>,
      %get3A_592 = arith.index_cast %add3A_47 : i32 to index
      %get3A_593 = arith.constant 624 : index
      %get3A_594 = tpu.vector_load %arg8[%get3A_592, %get3A_593] {strides = array<i32>} : memref<32x1024xf32, #tpu.memory_space<vmem>>, vector<1x16xf32>,
      %get3A_595 = vector.shape_cast %get3A_594 : vector<1x16xf32> to vector<16xf32>
      %get3A_596 = arith.index_cast %add3A_47 : i32 to index
      %get3A_597 = arith.constant 624 : index
      %get3A_598 = tpu.vector_load %arg9[%get3A_596, %get3A_597] {strides = array<i32>} : memref<32x1024xf32, #tpu.memory_space<vmem>>, vector<1x16xf32>,
      %get3A_599 = vector.shape_cast %get3A_598 : vector<1x16xf32> to vector<16xf32>
      %add3A_600 = arith.addf %get3A_595, %get3A_599 : vector<16xf32>
      %swap3A_601 = arith.index_cast %add3A_47 : i32 to index
      %swap3A_602 = arith.constant 624 : index
      %swap3A_603 = tpu.vector_load %arg8[%swap3A_601, %swap3A_602] {strides = array<i32>} : memref<32x1024xf32, #tpu.memory_space<vmem>>, vector<1x16xf32>,
      %swap3A_604 = vector.shape_cast %swap3A_603 : vector<1x16xf32> to vector<16xf32>
      %swap3A_605 = vector.shape_cast %add3A_600 : vector<16xf32> to vector<1x16xf32>
      tpu.vector_store %arg8[%swap3A_601, %swap3A_602], %swap3A_605 {strides = array<i32>} : memref<32x1024xf32, #tpu.memory_space<vmem>>, vector<1x16xf32>,
      %get3A_606 = arith.index_cast %add3A_47 : i32 to index
      %get3A_607 = arith.constant 640 : index
      %get3A_608 = tpu.vector_load %arg8[%get3A_606, %get3A_607] {strides = array<i32>} : memref<32x1024xf32, #tpu.memory_space<vmem>>, vector<1x16xf32>,
      %get3A_609 = vector.shape_cast %get3A_608 : vector<1x16xf32> to vector<16xf32>
      %get3A_610 = arith.index_cast %add3A_47 : i32 to index
      %get3A_611 = arith.constant 640 : index
      %get3A_612 = tpu.vector_load %arg9[%get3A_610, %get3A_611] {strides = array<i32>} : memref<32x1024xf32, #tpu.memory_space<vmem>>, vector<1x16xf32>,
      %get3A_613 = vector.shape_cast %get3A_612 : vector<1x16xf32> to vector<16xf32>
      %add3A_614 = arith.addf %get3A_609, %get3A_613 : vector<16xf32>
      %swap3A_615 = arith.index_cast %add3A_47 : i32 to index
      %swap3A_616 = arith.constant 640 : index
      %swap3A_617 = tpu.vector_load %arg8[%swap3A_615, %swap3A_616] {strides = array<i32>} : memref<32x1024xf32, #tpu.memory_space<vmem>>, vector<1x16xf32>,
      %swap3A_618 = vector.shape_cast %swap3A_617 : vector<1x16xf32> to vector<16xf32>
      %swap3A_619 = vector.shape_cast %add3A_614 : vector<16xf32> to vector<1x16xf32>
      tpu.vector_store %arg8[%swap3A_615, %swap3A_616], %swap3A_619 {strides = array<i32>} : memref<32x1024xf32, #tpu.memory_space<vmem>>, vector<1x16xf32>,
      %get3A_620 = arith.index_cast %add3A_47 : i32 to index
      %get3A_621 = arith.constant 656 : index
      %get3A_622 = tpu.vector_load %arg8[%get3A_620, %get3A_621] {strides = array<i32>} : memref<32x1024xf32, #tpu.memory_space<vmem>>, vector<1x16xf32>,
      %get3A_623 = vector.shape_cast %get3A_622 : vector<1x16xf32> to vector<16xf32>
      %get3A_624 = arith.index_cast %add3A_47 : i32 to index
      %get3A_625 = arith.constant 656 : index
      %get3A_626 = tpu.vector_load %arg9[%get3A_624, %get3A_625] {strides = array<i32>} : memref<32x1024xf32, #tpu.memory_space<vmem>>, vector<1x16xf32>,
      %get3A_627 = vector.shape_cast %get3A_626 : vector<1x16xf32> to vector<16xf32>
      %add3A_628 = arith.addf %get3A_623, %get3A_627 : vector<16xf32>
      %swap3A_629 = arith.index_cast %add3A_47 : i32 to index
      %swap3A_630 = arith.constant 656 : index
      %swap3A_631 = tpu.vector_load %arg8[%swap3A_629, %swap3A_630] {strides = array<i32>} : memref<32x1024xf32, #tpu.memory_space<vmem>>, vector<1x16xf32>,
      %swap3A_632 = vector.shape_cast %swap3A_631 : vector<1x16xf32> to vector<16xf32>
      %swap3A_633 = vector.shape_cast %add3A_628 : vector<16xf32> to vector<1x16xf32>
      tpu.vector_store %arg8[%swap3A_629, %swap3A_630], %swap3A_633 {strides = array<i32>} : memref<32x1024xf32, #tpu.memory_space<vmem>>, vector<1x16xf32>,
      %get3A_634 = arith.index_cast %add3A_47 : i32 to index
      %get3A_635 = arith.constant 672 : index
      %get3A_636 = tpu.vector_load %arg8[%get3A_634, %get3A_635] {strides = array<i32>} : memref<32x1024xf32, #tpu.memory_space<vmem>>, vector<1x16xf32>,
      %get3A_637 = vector.shape_cast %get3A_636 : vector<1x16xf32> to vector<16xf32>
      %get3A_638 = arith.index_cast %add3A_47 : i32 to index
      %get3A_639 = arith.constant 672 : index
      %get3A_640 = tpu.vector_load %arg9[%get3A_638, %get3A_639] {strides = array<i32>} : memref<32x1024xf32, #tpu.memory_space<vmem>>, vector<1x16xf32>,
      %get3A_641 = vector.shape_cast %get3A_640 : vector<1x16xf32> to vector<16xf32>
      %add3A_642 = arith.addf %get3A_637, %get3A_641 : vector<16xf32>
      %swap3A_643 = arith.index_cast %add3A_47 : i32 to index
      %swap3A_644 = arith.constant 672 : index
      %swap3A_645 = tpu.vector_load %arg8[%swap3A_643, %swap3A_644] {strides = array<i32>} : memref<32x1024xf32, #tpu.memory_space<vmem>>, vector<1x16xf32>,
      %swap3A_646 = vector.shape_cast %swap3A_645 : vector<1x16xf32> to vector<16xf32>
      %swap3A_647 = vector.shape_cast %add3A_642 : vector<16xf32> to vector<1x16xf32>
      tpu.vector_store %arg8[%swap3A_643, %swap3A_644], %swap3A_647 {strides = array<i32>} : memref<32x1024xf32, #tpu.memory_space<vmem>>, vector<1x16xf32>,
      %get3A_648 = arith.index_cast %add3A_47 : i32 to index
      %get3A_649 = arith.constant 688 : index
      %get3A_650 = tpu.vector_load %arg8[%get3A_648, %get3A_649] {strides = array<i32>} : memref<32x1024xf32, #tpu.memory_space<vmem>>, vector<1x16xf32>,
      %get3A_651 = vector.shape_cast %get3A_650 : vector<1x16xf32> to vector<16xf32>
      %get3A_652 = arith.index_cast %add3A_47 : i32 to index
      %get3A_653 = arith.constant 688 : index
      %get3A_654 = tpu.vector_load %arg9[%get3A_652, %get3A_653] {strides = array<i32>} : memref<32x1024xf32, #tpu.memory_space<vmem>>, vector<1x16xf32>,
      %get3A_655 = vector.shape_cast %get3A_654 : vector<1x16xf32> to vector<16xf32>
      %add3A_656 = arith.addf %get3A_651, %get3A_655 : vector<16xf32>
      %swap3A_657 = arith.index_cast %add3A_47 : i32 to index
      %swap3A_658 = arith.constant 688 : index
      %swap3A_659 = tpu.vector_load %arg8[%swap3A_657, %swap3A_658] {strides = array<i32>} : memref<32x1024xf32, #tpu.memory_space<vmem>>, vector<1x16xf32>,
      %swap3A_660 = vector.shape_cast %swap3A_659 : vector<1x16xf32> to vector<16xf32>
      %swap3A_661 = vector.shape_cast %add3A_656 : vector<16xf32> to vector<1x16xf32>
      tpu.vector_store %arg8[%swap3A_657, %swap3A_658], %swap3A_661 {strides = array<i32>} : memref<32x1024xf32, #tpu.memory_space<vmem>>, vector<1x16xf32>,
      %get3A_662 = arith.index_cast %add3A_47 : i32 to index
      %get3A_663 = arith.constant 704 : index
      %get3A_664 = tpu.vector_load %arg8[%get3A_662, %get3A_663] {strides = array<i32>} : memref<32x1024xf32, #tpu.memory_space<vmem>>, vector<1x16xf32>,
      %get3A_665 = vector.shape_cast %get3A_664 : vector<1x16xf32> to vector<16xf32>
      %get3A_666 = arith.index_cast %add3A_47 : i32 to index
      %get3A_667 = arith.constant 704 : index
      %get3A_668 = tpu.vector_load %arg9[%get3A_666, %get3A_667] {strides = array<i32>} : memref<32x1024xf32, #tpu.memory_space<vmem>>, vector<1x16xf32>,
      %get3A_669 = vector.shape_cast %get3A_668 : vector<1x16xf32> to vector<16xf32>
      %add3A_670 = arith.addf %get3A_665, %get3A_669 : vector<16xf32>
      %swap3A_671 = arith.index_cast %add3A_47 : i32 to index
      %swap3A_672 = arith.constant 704 : index
      %swap3A_673 = tpu.vector_load %arg8[%swap3A_671, %swap3A_672] {strides = array<i32>} : memref<32x1024xf32, #tpu.memory_space<vmem>>, vector<1x16xf32>,
      %swap3A_674 = vector.shape_cast %swap3A_673 : vector<1x16xf32> to vector<16xf32>
      %swap3A_675 = vector.shape_cast %add3A_670 : vector<16xf32> to vector<1x16xf32>
      tpu.vector_store %arg8[%swap3A_671, %swap3A_672], %swap3A_675 {strides = array<i32>} : memref<32x1024xf32, #tpu.memory_space<vmem>>, vector<1x16xf32>,
      %get3A_676 = arith.index_cast %add3A_47 : i32 to index
      %get3A_677 = arith.constant 720 : index
      %get3A_678 = tpu.vector_load %arg8[%get3A_676, %get3A_677] {strides = array<i32>} : memref<32x1024xf32, #tpu.memory_space<vmem>>, vector<1x16xf32>,
      %get3A_679 = vector.shape_cast %get3A_678 : vector<1x16xf32> to vector<16xf32>
      %get3A_680 = arith.index_cast %add3A_47 : i32 to index
      %get3A_681 = arith.constant 720 : index
      %get3A_682 = tpu.vector_load %arg9[%get3A_680, %get3A_681] {strides = array<i32>} : memref<32x1024xf32, #tpu.memory_space<vmem>>, vector<1x16xf32>,
      %get3A_683 = vector.shape_cast %get3A_682 : vector<1x16xf32> to vector<16xf32>
      %add3A_684 = arith.addf %get3A_679, %get3A_683 : vector<16xf32>
      %swap3A_685 = arith.index_cast %add3A_47 : i32 to index
      %swap3A_686 = arith.constant 720 : index
      %swap3A_687 = tpu.vector_load %arg8[%swap3A_685, %swap3A_686] {strides = array<i32>} : memref<32x1024xf32, #tpu.memory_space<vmem>>, vector<1x16xf32>,
      %swap3A_688 = vector.shape_cast %swap3A_687 : vector<1x16xf32> to vector<16xf32>
      %swap3A_689 = vector.shape_cast %add3A_684 : vector<16xf32> to vector<1x16xf32>
      tpu.vector_store %arg8[%swap3A_685, %swap3A_686], %swap3A_689 {strides = array<i32>} : memref<32x1024xf32, #tpu.memory_space<vmem>>, vector<1x16xf32>,
      %get3A_690 = arith.index_cast %add3A_47 : i32 to index
      %get3A_691 = arith.constant 736 : index
      %get3A_692 = tpu.vector_load %arg8[%get3A_690, %get3A_691] {strides = array<i32>} : memref<32x1024xf32, #tpu.memory_space<vmem>>, vector<1x16xf32>,
      %get3A_693 = vector.shape_cast %get3A_692 : vector<1x16xf32> to vector<16xf32>
      %get3A_694 = arith.index_cast %add3A_47 : i32 to index
      %get3A_695 = arith.constant 736 : index
      %get3A_696 = tpu.vector_load %arg9[%get3A_694, %get3A_695] {strides = array<i32>} : memref<32x1024xf32, #tpu.memory_space<vmem>>, vector<1x16xf32>,
      %get3A_697 = vector.shape_cast %get3A_696 : vector<1x16xf32> to vector<16xf32>
      %add3A_698 = arith.addf %get3A_693, %get3A_697 : vector<16xf32>
      %swap3A_699 = arith.index_cast %add3A_47 : i32 to index
      %swap3A_700 = arith.constant 736 : index
      %swap3A_701 = tpu.vector_load %arg8[%swap3A_699, %swap3A_700] {strides = array<i32>} : memref<32x1024xf32, #tpu.memory_space<vmem>>, vector<1x16xf32>,
      %swap3A_702 = vector.shape_cast %swap3A_701 : vector<1x16xf32> to vector<16xf32>
      %swap3A_703 = vector.shape_cast %add3A_698 : vector<16xf32> to vector<1x16xf32>
      tpu.vector_store %arg8[%swap3A_699, %swap3A_700], %swap3A_703 {strides = array<i32>} : memref<32x1024xf32, #tpu.memory_space<vmem>>, vector<1x16xf32>,
      %get3A_704 = arith.index_cast %add3A_47 : i32 to index
      %get3A_705 = arith.constant 752 : index
      %get3A_706 = tpu.vector_load %arg8[%get3A_704, %get3A_705] {strides = array<i32>} : memref<32x1024xf32, #tpu.memory_space<vmem>>, vector<1x16xf32>,
      %get3A_707 = vector.shape_cast %get3A_706 : vector<1x16xf32> to vector<16xf32>
      %get3A_708 = arith.index_cast %add3A_47 : i32 to index
      %get3A_709 = arith.constant 752 : index
      %get3A_710 = tpu.vector_load %arg9[%get3A_708, %get3A_709] {strides = array<i32>} : memref<32x1024xf32, #tpu.memory_space<vmem>>, vector<1x16xf32>,
      %get3A_711 = vector.shape_cast %get3A_710 : vector<1x16xf32> to vector<16xf32>
      %add3A_712 = arith.addf %get3A_707, %get3A_711 : vector<16xf32>
      %swap3A_713 = arith.index_cast %add3A_47 : i32 to index
      %swap3A_714 = arith.constant 752 : index
      %swap3A_715 = tpu.vector_load %arg8[%swap3A_713, %swap3A_714] {strides = array<i32>} : memref<32x1024xf32, #tpu.memory_space<vmem>>, vector<1x16xf32>,
      %swap3A_716 = vector.shape_cast %swap3A_715 : vector<1x16xf32> to vector<16xf32>
      %swap3A_717 = vector.shape_cast %add3A_712 : vector<16xf32> to vector<1x16xf32>
      tpu.vector_store %arg8[%swap3A_713, %swap3A_714], %swap3A_717 {strides = array<i32>} : memref<32x1024xf32, #tpu.memory_space<vmem>>, vector<1x16xf32>,
      %get3A_718 = arith.index_cast %add3A_47 : i32 to index
      %get3A_719 = arith.constant 768 : index
      %get3A_720 = tpu.vector_load %arg8[%get3A_718, %get3A_719] {strides = array<i32>} : memref<32x1024xf32, #tpu.memory_space<vmem>>, vector<1x16xf32>,
      %get3A_721 = vector.shape_cast %get3A_720 : vector<1x16xf32> to vector<16xf32>
      %get3A_722 = arith.index_cast %add3A_47 : i32 to index
      %get3A_723 = arith.constant 768 : index
      %get3A_724 = tpu.vector_load %arg9[%get3A_722, %get3A_723] {strides = array<i32>} : memref<32x1024xf32, #tpu.memory_space<vmem>>, vector<1x16xf32>,
      %get3A_725 = vector.shape_cast %get3A_724 : vector<1x16xf32> to vector<16xf32>
      %add3A_726 = arith.addf %get3A_721, %get3A_725 : vector<16xf32>
      %swap3A_727 = arith.index_cast %add3A_47 : i32 to index
      %swap3A_728 = arith.constant 768 : index
      %swap3A_729 = tpu.vector_load %arg8[%swap3A_727, %swap3A_728] {strides = array<i32>} : memref<32x1024xf32, #tpu.memory_space<vmem>>, vector<1x16xf32>,
      %swap3A_730 = vector.shape_cast %swap3A_729 : vector<1x16xf32> to vector<16xf32>
      %swap3A_731 = vector.shape_cast %add3A_726 : vector<16xf32> to vector<1x16xf32>
      tpu.vector_store %arg8[%swap3A_727, %swap3A_728], %swap3A_731 {strides = array<i32>} : memref<32x1024xf32, #tpu.memory_space<vmem>>, vector<1x16xf32>,
      %get3A_732 = arith.index_cast %add3A_47 : i32 to index
      %get3A_733 = arith.constant 784 : index
      %get3A_734 = tpu.vector_load %arg8[%get3A_732, %get3A_733] {strides = array<i32>} : memref<32x1024xf32, #tpu.memory_space<vmem>>, vector<1x16xf32>,
      %get3A_735 = vector.shape_cast %get3A_734 : vector<1x16xf32> to vector<16xf32>
      %get3A_736 = arith.index_cast %add3A_47 : i32 to index
      %get3A_737 = arith.constant 784 : index
      %get3A_738 = tpu.vector_load %arg9[%get3A_736, %get3A_737] {strides = array<i32>} : memref<32x1024xf32, #tpu.memory_space<vmem>>, vector<1x16xf32>,
      %get3A_739 = vector.shape_cast %get3A_738 : vector<1x16xf32> to vector<16xf32>
      %add3A_740 = arith.addf %get3A_735, %get3A_739 : vector<16xf32>
      %swap3A_741 = arith.index_cast %add3A_47 : i32 to index
      %swap3A_742 = arith.constant 784 : index
      %swap3A_743 = tpu.vector_load %arg8[%swap3A_741, %swap3A_742] {strides = array<i32>} : memref<32x1024xf32, #tpu.memory_space<vmem>>, vector<1x16xf32>,
      %swap3A_744 = vector.shape_cast %swap3A_743 : vector<1x16xf32> to vector<16xf32>
      %swap3A_745 = vector.shape_cast %add3A_740 : vector<16xf32> to vector<1x16xf32>
      tpu.vector_store %arg8[%swap3A_741, %swap3A_742], %swap3A_745 {strides = array<i32>} : memref<32x1024xf32, #tpu.memory_space<vmem>>, vector<1x16xf32>,
      %get3A_746 = arith.index_cast %add3A_47 : i32 to index
      %get3A_747 = arith.constant 800 : index
      %get3A_748 = tpu.vector_load %arg8[%get3A_746, %get3A_747] {strides = array<i32>} : memref<32x1024xf32, #tpu.memory_space<vmem>>, vector<1x16xf32>,
      %get3A_749 = vector.shape_cast %get3A_748 : vector<1x16xf32> to vector<16xf32>
      %get3A_750 = arith.index_cast %add3A_47 : i32 to index
      %get3A_751 = arith.constant 800 : index
      %get3A_752 = tpu.vector_load %arg9[%get3A_750, %get3A_751] {strides = array<i32>} : memref<32x1024xf32, #tpu.memory_space<vmem>>, vector<1x16xf32>,
      %get3A_753 = vector.shape_cast %get3A_752 : vector<1x16xf32> to vector<16xf32>
      %add3A_754 = arith.addf %get3A_749, %get3A_753 : vector<16xf32>
      %swap3A_755 = arith.index_cast %add3A_47 : i32 to index
      %swap3A_756 = arith.constant 800 : index
      %swap3A_757 = tpu.vector_load %arg8[%swap3A_755, %swap3A_756] {strides = array<i32>} : memref<32x1024xf32, #tpu.memory_space<vmem>>, vector<1x16xf32>,
      %swap3A_758 = vector.shape_cast %swap3A_757 : vector<1x16xf32> to vector<16xf32>
      %swap3A_759 = vector.shape_cast %add3A_754 : vector<16xf32> to vector<1x16xf32>
      tpu.vector_store %arg8[%swap3A_755, %swap3A_756], %swap3A_759 {strides = array<i32>} : memref<32x1024xf32, #tpu.memory_space<vmem>>, vector<1x16xf32>,
      %get3A_760 = arith.index_cast %add3A_47 : i32 to index
      %get3A_761 = arith.constant 816 : index
      %get3A_762 = tpu.vector_load %arg8[%get3A_760, %get3A_761] {strides = array<i32>} : memref<32x1024xf32, #tpu.memory_space<vmem>>, vector<1x16xf32>,
      %get3A_763 = vector.shape_cast %get3A_762 : vector<1x16xf32> to vector<16xf32>
      %get3A_764 = arith.index_cast %add3A_47 : i32 to index
      %get3A_765 = arith.constant 816 : index
      %get3A_766 = tpu.vector_load %arg9[%get3A_764, %get3A_765] {strides = array<i32>} : memref<32x1024xf32, #tpu.memory_space<vmem>>, vector<1x16xf32>,
      %get3A_767 = vector.shape_cast %get3A_766 : vector<1x16xf32> to vector<16xf32>
      %add3A_768 = arith.addf %get3A_763, %get3A_767 : vector<16xf32>
      %swap3A_769 = arith.index_cast %add3A_47 : i32 to index
      %swap3A_770 = arith.constant 816 : index
      %swap3A_771 = tpu.vector_load %arg8[%swap3A_769, %swap3A_770] {strides = array<i32>} : memref<32x1024xf32, #tpu.memory_space<vmem>>, vector<1x16xf32>,
      %swap3A_772 = vector.shape_cast %swap3A_771 : vector<1x16xf32> to vector<16xf32>
      %swap3A_773 = vector.shape_cast %add3A_768 : vector<16xf32> to vector<1x16xf32>
      tpu.vector_store %arg8[%swap3A_769, %swap3A_770], %swap3A_773 {strides = array<i32>} : memref<32x1024xf32, #tpu.memory_space<vmem>>, vector<1x16xf32>,
      %get3A_774 = arith.index_cast %add3A_47 : i32 to index
      %get3A_775 = arith.constant 832 : index
      %get3A_776 = tpu.vector_load %arg8[%get3A_774, %get3A_775] {strides = array<i32>} : memref<32x1024xf32, #tpu.memory_space<vmem>>, vector<1x16xf32>,
      %get3A_777 = vector.shape_cast %get3A_776 : vector<1x16xf32> to vector<16xf32>
      %get3A_778 = arith.index_cast %add3A_47 : i32 to index
      %get3A_779 = arith.constant 832 : index
      %get3A_780 = tpu.vector_load %arg9[%get3A_778, %get3A_779] {strides = array<i32>} : memref<32x1024xf32, #tpu.memory_space<vmem>>, vector<1x16xf32>,
      %get3A_781 = vector.shape_cast %get3A_780 : vector<1x16xf32> to vector<16xf32>
      %add3A_782 = arith.addf %get3A_777, %get3A_781 : vector<16xf32>
      %swap3A_783 = arith.index_cast %add3A_47 : i32 to index
      %swap3A_784 = arith.constant 832 : index
      %swap3A_785 = tpu.vector_load %arg8[%swap3A_783, %swap3A_784] {strides = array<i32>} : memref<32x1024xf32, #tpu.memory_space<vmem>>, vector<1x16xf32>,
      %swap3A_786 = vector.shape_cast %swap3A_785 : vector<1x16xf32> to vector<16xf32>
      %swap3A_787 = vector.shape_cast %add3A_782 : vector<16xf32> to vector<1x16xf32>
      tpu.vector_store %arg8[%swap3A_783, %swap3A_784], %swap3A_787 {strides = array<i32>} : memref<32x1024xf32, #tpu.memory_space<vmem>>, vector<1x16xf32>,
      %get3A_788 = arith.index_cast %add3A_47 : i32 to index
      %get3A_789 = arith.constant 848 : index
      %get3A_790 = tpu.vector_load %arg8[%get3A_788, %get3A_789] {strides = array<i32>} : memref<32x1024xf32, #tpu.memory_space<vmem>>, vector<1x16xf32>,
      %get3A_791 = vector.shape_cast %get3A_790 : vector<1x16xf32> to vector<16xf32>
      %get3A_792 = arith.index_cast %add3A_47 : i32 to index
      %get3A_793 = arith.constant 848 : index
      %get3A_794 = tpu.vector_load %arg9[%get3A_792, %get3A_793] {strides = array<i32>} : memref<32x1024xf32, #tpu.memory_space<vmem>>, vector<1x16xf32>,
      %get3A_795 = vector.shape_cast %get3A_794 : vector<1x16xf32> to vector<16xf32>
      %add3A_796 = arith.addf %get3A_791, %get3A_795 : vector<16xf32>
      %swap3A_797 = arith.index_cast %add3A_47 : i32 to index
      %swap3A_798 = arith.constant 848 : index
      %swap3A_799 = tpu.vector_load %arg8[%swap3A_797, %swap3A_798] {strides = array<i32>} : memref<32x1024xf32, #tpu.memory_space<vmem>>, vector<1x16xf32>,
      %swap3A_800 = vector.shape_cast %swap3A_799 : vector<1x16xf32> to vector<16xf32>
      %swap3A_801 = vector.shape_cast %add3A_796 : vector<16xf32> to vector<1x16xf32>
      tpu.vector_store %arg8[%swap3A_797, %swap3A_798], %swap3A_801 {strides = array<i32>} : memref<32x1024xf32, #tpu.memory_space<vmem>>, vector<1x16xf32>,
      %get3A_802 = arith.index_cast %add3A_47 : i32 to index
      %get3A_803 = arith.constant 864 : index
      %get3A_804 = tpu.vector_load %arg8[%get3A_802, %get3A_803] {strides = array<i32>} : memref<32x1024xf32, #tpu.memory_space<vmem>>, vector<1x16xf32>,
      %get3A_805 = vector.shape_cast %get3A_804 : vector<1x16xf32> to vector<16xf32>
      %get3A_806 = arith.index_cast %add3A_47 : i32 to index
      %get3A_807 = arith.constant 864 : index
      %get3A_808 = tpu.vector_load %arg9[%get3A_806, %get3A_807] {strides = array<i32>} : memref<32x1024xf32, #tpu.memory_space<vmem>>, vector<1x16xf32>,
      %get3A_809 = vector.shape_cast %get3A_808 : vector<1x16xf32> to vector<16xf32>
      %add3A_810 = arith.addf %get3A_805, %get3A_809 : vector<16xf32>
      %swap3A_811 = arith.index_cast %add3A_47 : i32 to index
      %swap3A_812 = arith.constant 864 : index
      %swap3A_813 = tpu.vector_load %arg8[%swap3A_811, %swap3A_812] {strides = array<i32>} : memref<32x1024xf32, #tpu.memory_space<vmem>>, vector<1x16xf32>,
      %swap3A_814 = vector.shape_cast %swap3A_813 : vector<1x16xf32> to vector<16xf32>
      %swap3A_815 = vector.shape_cast %add3A_810 : vector<16xf32> to vector<1x16xf32>
      tpu.vector_store %arg8[%swap3A_811, %swap3A_812], %swap3A_815 {strides = array<i32>} : memref<32x1024xf32, #tpu.memory_space<vmem>>, vector<1x16xf32>,
      %get3A_816 = arith.index_cast %add3A_47 : i32 to index
      %get3A_817 = arith.constant 880 : index
      %get3A_818 = tpu.vector_load %arg8[%get3A_816, %get3A_817] {strides = array<i32>} : memref<32x1024xf32, #tpu.memory_space<vmem>>, vector<1x16xf32>,
      %get3A_819 = vector.shape_cast %get3A_818 : vector<1x16xf32> to vector<16xf32>
      %get3A_820 = arith.index_cast %add3A_47 : i32 to index
      %get3A_821 = arith.constant 880 : index
      %get3A_822 = tpu.vector_load %arg9[%get3A_820, %get3A_821] {strides = array<i32>} : memref<32x1024xf32, #tpu.memory_space<vmem>>, vector<1x16xf32>,
      %get3A_823 = vector.shape_cast %get3A_822 : vector<1x16xf32> to vector<16xf32>
      %add3A_824 = arith.addf %get3A_819, %get3A_823 : vector<16xf32>
      %swap3A_825 = arith.index_cast %add3A_47 : i32 to index
      %swap3A_826 = arith.constant 880 : index
      %swap3A_827 = tpu.vector_load %arg8[%swap3A_825, %swap3A_826] {strides = array<i32>} : memref<32x1024xf32, #tpu.memory_space<vmem>>, vector<1x16xf32>,
      %swap3A_828 = vector.shape_cast %swap3A_827 : vector<1x16xf32> to vector<16xf32>
      %swap3A_829 = vector.shape_cast %add3A_824 : vector<16xf32> to vector<1x16xf32>
      tpu.vector_store %arg8[%swap3A_825, %swap3A_826], %swap3A_829 {strides = array<i32>} : memref<32x1024xf32, #tpu.memory_space<vmem>>, vector<1x16xf32>,
      %get3A_830 = arith.index_cast %add3A_47 : i32 to index
      %get3A_831 = arith.constant 896 : index
      %get3A_832 = tpu.vector_load %arg8[%get3A_830, %get3A_831] {strides = array<i32>} : memref<32x1024xf32, #tpu.memory_space<vmem>>, vector<1x16xf32>,
      %get3A_833 = vector.shape_cast %get3A_832 : vector<1x16xf32> to vector<16xf32>
      %get3A_834 = arith.index_cast %add3A_47 : i32 to index
      %get3A_835 = arith.constant 896 : index
      %get3A_836 = tpu.vector_load %arg9[%get3A_834, %get3A_835] {strides = array<i32>} : memref<32x1024xf32, #tpu.memory_space<vmem>>, vector<1x16xf32>,
      %get3A_837 = vector.shape_cast %get3A_836 : vector<1x16xf32> to vector<16xf32>
      %add3A_838 = arith.addf %get3A_833, %get3A_837 : vector<16xf32>
      %swap3A_839 = arith.index_cast %add3A_47 : i32 to index
      %swap3A_840 = arith.constant 896 : index
      %swap3A_841 = tpu.vector_load %arg8[%swap3A_839, %swap3A_840] {strides = array<i32>} : memref<32x1024xf32, #tpu.memory_space<vmem>>, vector<1x16xf32>,
      %swap3A_842 = vector.shape_cast %swap3A_841 : vector<1x16xf32> to vector<16xf32>
      %swap3A_843 = vector.shape_cast %add3A_838 : vector<16xf32> to vector<1x16xf32>
      tpu.vector_store %arg8[%swap3A_839, %swap3A_840], %swap3A_843 {strides = array<i32>} : memref<32x1024xf32, #tpu.memory_space<vmem>>, vector<1x16xf32>,
      %get3A_844 = arith.index_cast %add3A_47 : i32 to index
      %get3A_845 = arith.constant 912 : index
      %get3A_846 = tpu.vector_load %arg8[%get3A_844, %get3A_845] {strides = array<i32>} : memref<32x1024xf32, #tpu.memory_space<vmem>>, vector<1x16xf32>,
      %get3A_847 = vector.shape_cast %get3A_846 : vector<1x16xf32> to vector<16xf32>
      %get3A_848 = arith.index_cast %add3A_47 : i32 to index
      %get3A_849 = arith.constant 912 : index
      %get3A_850 = tpu.vector_load %arg9[%get3A_848, %get3A_849] {strides = array<i32>} : memref<32x1024xf32, #tpu.memory_space<vmem>>, vector<1x16xf32>,
      %get3A_851 = vector.shape_cast %get3A_850 : vector<1x16xf32> to vector<16xf32>
      %add3A_852 = arith.addf %get3A_847, %get3A_851 : vector<16xf32>
      %swap3A_853 = arith.index_cast %add3A_47 : i32 to index
      %swap3A_854 = arith.constant 912 : index
      %swap3A_855 = tpu.vector_load %arg8[%swap3A_853, %swap3A_854] {strides = array<i32>} : memref<32x1024xf32, #tpu.memory_space<vmem>>, vector<1x16xf32>,
      %swap3A_856 = vector.shape_cast %swap3A_855 : vector<1x16xf32> to vector<16xf32>
      %swap3A_857 = vector.shape_cast %add3A_852 : vector<16xf32> to vector<1x16xf32>
      tpu.vector_store %arg8[%swap3A_853, %swap3A_854], %swap3A_857 {strides = array<i32>} : memref<32x1024xf32, #tpu.memory_space<vmem>>, vector<1x16xf32>,
      %get3A_858 = arith.index_cast %add3A_47 : i32 to index
      %get3A_859 = arith.constant 928 : index
      %get3A_860 = tpu.vector_load %arg8[%get3A_858, %get3A_859] {strides = array<i32>} : memref<32x1024xf32, #tpu.memory_space<vmem>>, vector<1x16xf32>,
      %get3A_861 = vector.shape_cast %get3A_860 : vector<1x16xf32> to vector<16xf32>
      %get3A_862 = arith.index_cast %add3A_47 : i32 to index
      %get3A_863 = arith.constant 928 : index
      %get3A_864 = tpu.vector_load %arg9[%get3A_862, %get3A_863] {strides = array<i32>} : memref<32x1024xf32, #tpu.memory_space<vmem>>, vector<1x16xf32>,
      %get3A_865 = vector.shape_cast %get3A_864 : vector<1x16xf32> to vector<16xf32>
      %add3A_866 = arith.addf %get3A_861, %get3A_865 : vector<16xf32>
      %swap3A_867 = arith.index_cast %add3A_47 : i32 to index
      %swap3A_868 = arith.constant 928 : index
      %swap3A_869 = tpu.vector_load %arg8[%swap3A_867, %swap3A_868] {strides = array<i32>} : memref<32x1024xf32, #tpu.memory_space<vmem>>, vector<1x16xf32>,
      %swap3A_870 = vector.shape_cast %swap3A_869 : vector<1x16xf32> to vector<16xf32>
      %swap3A_871 = vector.shape_cast %add3A_866 : vector<16xf32> to vector<1x16xf32>
      tpu.vector_store %arg8[%swap3A_867, %swap3A_868], %swap3A_871 {strides = array<i32>} : memref<32x1024xf32, #tpu.memory_space<vmem>>, vector<1x16xf32>,
      %get3A_872 = arith.index_cast %add3A_47 : i32 to index
      %get3A_873 = arith.constant 944 : index
      %get3A_874 = tpu.vector_load %arg8[%get3A_872, %get3A_873] {strides = array<i32>} : memref<32x1024xf32, #tpu.memory_space<vmem>>, vector<1x16xf32>,
      %get3A_875 = vector.shape_cast %get3A_874 : vector<1x16xf32> to vector<16xf32>
      %get3A_876 = arith.index_cast %add3A_47 : i32 to index
      %get3A_877 = arith.constant 944 : index
      %get3A_878 = tpu.vector_load %arg9[%get3A_876, %get3A_877] {strides = array<i32>} : memref<32x1024xf32, #tpu.memory_space<vmem>>, vector<1x16xf32>,
      %get3A_879 = vector.shape_cast %get3A_878 : vector<1x16xf32> to vector<16xf32>
      %add3A_880 = arith.addf %get3A_875, %get3A_879 : vector<16xf32>
      %swap3A_881 = arith.index_cast %add3A_47 : i32 to index
      %swap3A_882 = arith.constant 944 : index
      %swap3A_883 = tpu.vector_load %arg8[%swap3A_881, %swap3A_882] {strides = array<i32>} : memref<32x1024xf32, #tpu.memory_space<vmem>>, vector<1x16xf32>,
      %swap3A_884 = vector.shape_cast %swap3A_883 : vector<1x16xf32> to vector<16xf32>
      %swap3A_885 = vector.shape_cast %add3A_880 : vector<16xf32> to vector<1x16xf32>
      tpu.vector_store %arg8[%swap3A_881, %swap3A_882], %swap3A_885 {strides = array<i32>} : memref<32x1024xf32, #tpu.memory_space<vmem>>, vector<1x16xf32>,
      %get3A_886 = arith.index_cast %add3A_47 : i32 to index
      %get3A_887 = arith.constant 960 : index
      %get3A_888 = tpu.vector_load %arg8[%get3A_886, %get3A_887] {strides = array<i32>} : memref<32x1024xf32, #tpu.memory_space<vmem>>, vector<1x16xf32>,
      %get3A_889 = vector.shape_cast %get3A_888 : vector<1x16xf32> to vector<16xf32>
      %get3A_890 = arith.index_cast %add3A_47 : i32 to index
      %get3A_891 = arith.constant 960 : index
      %get3A_892 = tpu.vector_load %arg9[%get3A_890, %get3A_891] {strides = array<i32>} : memref<32x1024xf32, #tpu.memory_space<vmem>>, vector<1x16xf32>,
      %get3A_893 = vector.shape_cast %get3A_892 : vector<1x16xf32> to vector<16xf32>
      %add3A_894 = arith.addf %get3A_889, %get3A_893 : vector<16xf32>
      %swap3A_895 = arith.index_cast %add3A_47 : i32 to index
      %swap3A_896 = arith.constant 960 : index
      %swap3A_897 = tpu.vector_load %arg8[%swap3A_895, %swap3A_896] {strides = array<i32>} : memref<32x1024xf32, #tpu.memory_space<vmem>>, vector<1x16xf32>,
      %swap3A_898 = vector.shape_cast %swap3A_897 : vector<1x16xf32> to vector<16xf32>
      %swap3A_899 = vector.shape_cast %add3A_894 : vector<16xf32> to vector<1x16xf32>
      tpu.vector_store %arg8[%swap3A_895, %swap3A_896], %swap3A_899 {strides = array<i32>} : memref<32x1024xf32, #tpu.memory_space<vmem>>, vector<1x16xf32>,
      %get3A_900 = arith.index_cast %add3A_47 : i32 to index
      %get3A_901 = arith.constant 976 : index
      %get3A_902 = tpu.vector_load %arg8[%get3A_900, %get3A_901] {strides = array<i32>} : memref<32x1024xf32, #tpu.memory_space<vmem>>, vector<1x16xf32>,
      %get3A_903 = vector.shape_cast %get3A_902 : vector<1x16xf32> to vector<16xf32>
      %get3A_904 = arith.index_cast %add3A_47 : i32 to index
      %get3A_905 = arith.constant 976 : index
      %get3A_906 = tpu.vector_load %arg9[%get3A_904, %get3A_905] {strides = array<i32>} : memref<32x1024xf32, #tpu.memory_space<vmem>>, vector<1x16xf32>,
      %get3A_907 = vector.shape_cast %get3A_906 : vector<1x16xf32> to vector<16xf32>
      %add3A_908 = arith.addf %get3A_903, %get3A_907 : vector<16xf32>
      %swap3A_909 = arith.index_cast %add3A_47 : i32 to index
      %swap3A_910 = arith.constant 976 : index
      %swap3A_911 = tpu.vector_load %arg8[%swap3A_909, %swap3A_910] {strides = array<i32>} : memref<32x1024xf32, #tpu.memory_space<vmem>>, vector<1x16xf32>,
      %swap3A_912 = vector.shape_cast %swap3A_911 : vector<1x16xf32> to vector<16xf32>
      %swap3A_913 = vector.shape_cast %add3A_908 : vector<16xf32> to vector<1x16xf32>
      tpu.vector_store %arg8[%swap3A_909, %swap3A_910], %swap3A_913 {strides = array<i32>} : memref<32x1024xf32, #tpu.memory_space<vmem>>, vector<1x16xf32>,
      %get3A_914 = arith.index_cast %add3A_47 : i32 to index
      %get3A_915 = arith.constant 992 : index
      %get3A_916 = tpu.vector_load %arg8[%get3A_914, %get3A_915] {strides = array<i32>} : memref<32x1024xf32, #tpu.memory_space<vmem>>, vector<1x16xf32>,
      %get3A_917 = vector.shape_cast %get3A_916 : vector<1x16xf32> to vector<16xf32>
      %get3A_918 = arith.index_cast %add3A_47 : i32 to index
      %get3A_919 = arith.constant 992 : index
      %get3A_920 = tpu.vector_load %arg9[%get3A_918, %get3A_919] {strides = array<i32>} : memref<32x1024xf32, #tpu.memory_space<vmem>>, vector<1x16xf32>,
      %get3A_921 = vector.shape_cast %get3A_920 : vector<1x16xf32> to vector<16xf32>
      %add3A_922 = arith.addf %get3A_917, %get3A_921 : vector<16xf32>
      %swap3A_923 = arith.index_cast %add3A_47 : i32 to index
      %swap3A_924 = arith.constant 992 : index
      %swap3A_925 = tpu.vector_load %arg8[%swap3A_923, %swap3A_924] {strides = array<i32>} : memref<32x1024xf32, #tpu.memory_space<vmem>>, vector<1x16xf32>,
      %swap3A_926 = vector.shape_cast %swap3A_925 : vector<1x16xf32> to vector<16xf32>
      %swap3A_927 = vector.shape_cast %add3A_922 : vector<16xf32> to vector<1x16xf32>
      tpu.vector_store %arg8[%swap3A_923, %swap3A_924], %swap3A_927 {strides = array<i32>} : memref<32x1024xf32, #tpu.memory_space<vmem>>, vector<1x16xf32>,
      %get3A_928 = arith.index_cast %add3A_47 : i32 to index
      %get3A_929 = arith.constant 1008 : index
      %get3A_930 = tpu.vector_load %arg8[%get3A_928, %get3A_929] {strides = array<i32>} : memref<32x1024xf32, #tpu.memory_space<vmem>>, vector<1x16xf32>,
      %get3A_931 = vector.shape_cast %get3A_930 : vector<1x16xf32> to vector<16xf32>
      %get3A_932 = arith.index_cast %add3A_47 : i32 to index
      %get3A_933 = arith.constant 1008 : index
      %get3A_934 = tpu.vector_load %arg9[%get3A_932, %get3A_933] {strides = array<i32>} : memref<32x1024xf32, #tpu.memory_space<vmem>>, vector<1x16xf32>,
      %get3A_935 = vector.shape_cast %get3A_934 : vector<1x16xf32> to vector<16xf32>
      %add3A_936 = arith.addf %get3A_931, %get3A_935 : vector<16xf32>
      %swap3A_937 = arith.index_cast %add3A_47 : i32 to index
      %swap3A_938 = arith.constant 1008 : index
      %swap3A_939 = tpu.vector_load %arg8[%swap3A_937, %swap3A_938] {strides = array<i32>} : memref<32x1024xf32, #tpu.memory_space<vmem>>, vector<1x16xf32>,
      %swap3A_940 = vector.shape_cast %swap3A_939 : vector<1x16xf32> to vector<16xf32>
      %swap3A_941 = vector.shape_cast %add3A_936 : vector<16xf32> to vector<1x16xf32>
      tpu.vector_store %arg8[%swap3A_937, %swap3A_938], %swap3A_941 {strides = array<i32>} : memref<32x1024xf32, #tpu.memory_space<vmem>>, vector<1x16xf32>,
    }
    %scan3A_42 = arith.constant 32 : i32
    "tpu.region"() ({
      %run_scoped3A_43 = tpu.sem_alloc : memref<!tpu.dma_semaphore, #tpu.memory_space<semaphore_mem>>
      %dma_start3A_44 = arith.constant 0 : i32
      %dma_start3A_45 = tpu.memref_slice %arg5[%add3A_23, %dma_start3A_44] : memref<2048x1024xf32, #tpu.memory_space<hbm>> -> memref<32x1024xf32, #tpu.memory_space<hbm>>
      %dma_start3A_46 = arith.constant 0 : i32
      %dma_start3A_47 = tpu.memref_slice %arg5[%add3A_23, %dma_start3A_46] : memref<2048x1024xf32, #tpu.memory_space<hbm>> -> memref<32x1024xf32, #tpu.memory_space<hbm>>
      tpu.enqueue_dma source(%arg8 : memref<32x1024xf32, #tpu.memory_space<vmem>>) target(%dma_start3A_47 : memref<32x1024xf32, #tpu.memory_space<hbm>>) target_semaphore(%run_scoped3A_43 : memref<!tpu.dma_semaphore, #tpu.memory_space<semaphore_mem>>)
      %dma_wait3A_48 = arith.constant 0 : i32
      %dma_wait3A_49 = tpu.memref_slice %arg5[%add3A_23, %dma_wait3A_48] : memref<2048x1024xf32, #tpu.memory_space<hbm>> -> memref<32x1024xf32, #tpu.memory_space<hbm>>
      %dma_wait3A_50 = arith.constant 0 : i32
      %dma_wait3A_51 = tpu.memref_slice %arg5[%add3A_23, %dma_wait3A_50] : memref<2048x1024xf32, #tpu.memory_space<hbm>> -> memref<32x1024xf32, #tpu.memory_space<hbm>>
      tpu.wait_dma2 semaphore(%run_scoped3A_43 : memref<!tpu.dma_semaphore, #tpu.memory_space<semaphore_mem>>) src(%arg8 : memref<32x1024xf32, #tpu.memory_space<vmem>>) dst(%dma_wait3A_51 : memref<32x1024xf32, #tpu.memory_space<hbm>>)
      tpu.yield
    }) : () -> ()
    return
  }
}

module attributes {stable_mosaic.version = 14 : i64} {
  func.func @_gating_body(%arg0: memref<2048x1024xf32, #tpu.memory_space<vmem>>, %arg1: memref<1024x8xf32, #tpu.memory_space<vmem>>, %arg2: memref<1x8xf32, #tpu.memory_space<vmem>>, %arg3: memref<2048x3xi32, #tpu.memory_space<vmem>>, %arg4: memref<6144x128xf32, #tpu.memory_space<vmem>>, %arg5: memref<24x1xi32, #tpu.memory_space<vmem>>) attributes {dimension_semantics = [], scalar_prefetch = 0 : i64, scratch_operands = 0 : i64, tpu.core_type = #tpu.core_type<tc>} {
    %get3A = arith.constant 0 : index
    %get3A_0 = arith.constant 0 : index
    %get3A_1 = vector.load %arg0[%get3A, %get3A_0] : memref<2048x1024xf32, #tpu.memory_space<vmem>>, vector<2048x1024xf32>
    %convert_element_type3A = arith.truncf %get3A_1 : vector<2048x1024xf32> to vector<2048x1024xbf16>
    %get3A_2 = arith.constant 0 : index
    %get3A_3 = arith.constant 0 : index
    %get3A_4 = vector.load %arg1[%get3A_2, %get3A_3] : memref<1024x8xf32, #tpu.memory_space<vmem>>, vector<1024x8xf32>
    %convert_element_type3A_5 = arith.truncf %get3A_4 : vector<1024x8xf32> to vector<1024x8xbf16>
    %dot_general3A = arith.constant dense<0.000000e+00> : vector<2048x8xf32>
    %dot_general3A_6 = tpu.matmul %convert_element_type3A, %convert_element_type3A_5, %dot_general3A {dimension_numbers = #tpu.dot_dimension_numbers<[1], [0], [0], [1], [0, 0, 1, 1], [], []>, transpose_lhs_hint = false} : vector<2048x1024xbf16>, vector<1024x8xbf16>, vector<2048x8xf32> -> vector<2048x8xf32>
    %get3A_7 = arith.constant 0 : index
    %get3A_8 = arith.constant 0 : index
    %get3A_9 = vector.load %arg2[%get3A_7, %get3A_8] : memref<1x8xf32, #tpu.memory_space<vmem>>, vector<1x8xf32>
    %add3A = vector.broadcast %get3A_9 : vector<1x8xf32> to vector<2048x8xf32>
    %add3A_10 = arith.addf %dot_general3A_6, %add3A : vector<2048x8xf32>
    %iota3A = tpu.iota {dimensions = array<i32: 1>} : vector<2048x8xi32>
    %reduce_max3A = arith.constant dense<0xFF800000> : vector<2048xf32>
    %reduce_max3A_11 = vector.multi_reduction <maximumf>, %add3A_10, %reduce_max3A [1] : vector<2048x8xf32> to vector<2048xf32>
    %broadcast_in_dim3A = vector.shape_cast %reduce_max3A_11 : vector<2048xf32> to vector<2048x1xf32>
    %eq3A = vector.broadcast %broadcast_in_dim3A : vector<2048x1xf32> to vector<2048x8xf32>
    %eq3A_12 = arith.cmpf oeq, %add3A_10, %eq3A : vector<2048x8xf32>
    %jit3A = arith.constant 8 : i32
    %broadcast_in_dim3A_13 = vector.broadcast %jit3A : i32 to vector<2048x8xi32>
    %select_n3A = arith.select %eq3A_12, %iota3A, %broadcast_in_dim3A_13 : vector<2048x8xi1>, vector<2048x8xi32>
    %reduce_min3A = arith.constant dense<2147483647> : vector<2048xi32>
    %reduce_min3A_14 = vector.multi_reduction <minsi>, %select_n3A, %reduce_min3A [1] : vector<2048x8xi32> to vector<2048xi32>
    %broadcast_in_dim3A_15 = vector.shape_cast %reduce_min3A_14 : vector<2048xi32> to vector<2048x1xi32>
    %eq3A_16 = vector.broadcast %broadcast_in_dim3A_15 : vector<2048x1xi32> to vector<2048x8xi32>
    %eq3A_17 = arith.cmpi eq, %iota3A, %eq3A_16 : vector<2048x8xi32>
    %jit3A_18 = arith.constant 0xFF800000 : f32
    %broadcast_in_dim3A_19 = vector.broadcast %jit3A_18 : f32 to vector<2048x8xf32>
    %select_n3A_20 = arith.select %eq3A_17, %broadcast_in_dim3A_19, %add3A_10 : vector<2048x8xi1>, vector<2048x8xf32>
    %reduce_max3A_21 = arith.constant dense<0xFF800000> : vector<2048xf32>
    %reduce_max3A_22 = vector.multi_reduction <maximumf>, %select_n3A_20, %reduce_max3A_21 [1] : vector<2048x8xf32> to vector<2048xf32>
    %broadcast_in_dim3A_23 = vector.shape_cast %reduce_max3A_22 : vector<2048xf32> to vector<2048x1xf32>
    %eq3A_24 = vector.broadcast %broadcast_in_dim3A_23 : vector<2048x1xf32> to vector<2048x8xf32>
    %eq3A_25 = arith.cmpf oeq, %select_n3A_20, %eq3A_24 : vector<2048x8xf32>
    %jit3A_26 = arith.constant 8 : i32
    %broadcast_in_dim3A_27 = vector.broadcast %jit3A_26 : i32 to vector<2048x8xi32>
    %select_n3A_28 = arith.select %eq3A_25, %iota3A, %broadcast_in_dim3A_27 : vector<2048x8xi1>, vector<2048x8xi32>
    %reduce_min3A_29 = arith.constant dense<2147483647> : vector<2048xi32>
    %reduce_min3A_30 = vector.multi_reduction <minsi>, %select_n3A_28, %reduce_min3A_29 [1] : vector<2048x8xi32> to vector<2048xi32>
    %broadcast_in_dim3A_31 = vector.shape_cast %reduce_min3A_30 : vector<2048xi32> to vector<2048x1xi32>
    %sub3A = arith.subf %broadcast_in_dim3A_23, %broadcast_in_dim3A : vector<2048x1xf32>
    %exp3A = math.exp %sub3A : vector<2048x1xf32>
    %add3A_32 = arith.constant 1.000000e+00 : f32
    %add3A_33 = vector.broadcast %add3A_32 : f32 to vector<2048x1xf32>
    %add3A_34 = arith.addf %add3A_33, %exp3A : vector<2048x1xf32>
    %div3A = arith.constant 1.000000e+00 : f32
    %div3A_35 = vector.broadcast %div3A : f32 to vector<2048x1xf32>
    %div3A_36 = arith.divf %div3A_35, %add3A_34 : vector<2048x1xf32>
    %add3A_37 = arith.constant 1.000000e+00 : f32
    %add3A_38 = vector.broadcast %add3A_37 : f32 to vector<2048x1xf32>
    %add3A_39 = arith.addf %add3A_38, %exp3A : vector<2048x1xf32>
    %div3A_40 = arith.divf %exp3A, %add3A_39 : vector<2048x1xf32>
    %eq3A_41 = vector.broadcast %broadcast_in_dim3A_15 : vector<2048x1xi32> to vector<2048x8xi32>
    %eq3A_42 = arith.cmpi eq, %iota3A, %eq3A_41 : vector<2048x8xi32>
    %convert_element_type3A_43 = arith.extui %eq3A_42 : vector<2048x8xi1> to vector<2048x8xi32>
    %convert_element_type3A_44 = arith.sitofp %convert_element_type3A_43 : vector<2048x8xi32> to vector<2048x8xf32>
    %eq3A_45 = vector.broadcast %broadcast_in_dim3A_31 : vector<2048x1xi32> to vector<2048x8xi32>
    %eq3A_46 = arith.cmpi eq, %iota3A, %eq3A_45 : vector<2048x8xi32>
    %convert_element_type3A_47 = arith.extui %eq3A_46 : vector<2048x8xi1> to vector<2048x8xi32>
    %convert_element_type3A_48 = arith.sitofp %convert_element_type3A_47 : vector<2048x8xi32> to vector<2048x8xf32>
    %iota3A_49 = tpu.iota {dimensions = array<i32: 0>} : vector<2048x2048xi32>
    %iota3A_50 = tpu.iota {dimensions = array<i32: 1>} : vector<2048x2048xi32>
    %gt3A = arith.cmpi sgt, %iota3A_49, %iota3A_50 : vector<2048x2048xi32>
    %convert_element_type3A_51 = arith.extui %gt3A : vector<2048x2048xi1> to vector<2048x2048xi32>
    %convert_element_type3A_52 = arith.sitofp %convert_element_type3A_51 : vector<2048x2048xi32> to vector<2048x2048xf32>
    %dot_general3A_53 = arith.constant dense<0.000000e+00> : vector<2048x8xf32>
    %dot_general3A_54 = tpu.matmul %convert_element_type3A_52, %convert_element_type3A_44, %dot_general3A_53 {dimension_numbers = #tpu.dot_dimension_numbers<[1], [0], [0], [1], [0, 0, 1, 1], [], []>, transpose_lhs_hint = false} : vector<2048x2048xf32>, vector<2048x8xf32>, vector<2048x8xf32> -> vector<2048x8xf32>
    %dot_general3A_55 = arith.constant dense<0.000000e+00> : vector<2048x8xf32>
    %dot_general3A_56 = tpu.matmul %convert_element_type3A_52, %convert_element_type3A_48, %dot_general3A_55 {dimension_numbers = #tpu.dot_dimension_numbers<[1], [0], [0], [1], [0, 0, 1, 1], [], []>, transpose_lhs_hint = false} : vector<2048x2048xf32>, vector<2048x8xf32>, vector<2048x8xf32> -> vector<2048x8xf32>
    %reduce_sum3A = arith.constant dense<0.000000e+00> : vector<8xf32>
    %reduce_sum3A_57 = vector.multi_reduction <add>, %convert_element_type3A_44, %reduce_sum3A [0] : vector<2048x8xf32> to vector<8xf32>
    %broadcast_in_dim3A_58 = vector.shape_cast %reduce_sum3A_57 : vector<8xf32> to vector<1x8xf32>
    %reduce_sum3A_59 = arith.constant dense<0.000000e+00> : vector<8xf32>
    %reduce_sum3A_60 = vector.multi_reduction <add>, %convert_element_type3A_48, %reduce_sum3A_59 [0] : vector<2048x8xf32> to vector<8xf32>
    %broadcast_in_dim3A_61 = vector.shape_cast %reduce_sum3A_60 : vector<8xf32> to vector<1x8xf32>
    %add3A_62 = arith.addf %broadcast_in_dim3A_58, %broadcast_in_dim3A_61 : vector<1x8xf32>
    %div3A_63 = arith.constant 2.560000e+02 : f32
    %div3A_64 = vector.broadcast %div3A_63 : f32 to vector<1x8xf32>
    %div3A_65 = arith.divf %add3A_62, %div3A_64 : vector<1x8xf32>
    %ceil3A = math.ceil %div3A_65 : vector<1x8xf32>
    %mul3A = arith.constant 2.560000e+02 : f32
    %mul3A_66 = vector.broadcast %mul3A : f32 to vector<1x8xf32>
    %mul3A_67 = arith.mulf %ceil3A, %mul3A_66 : vector<1x8xf32>
    %iota3A_68 = tpu.iota {dimensions = array<i32: 0>} : vector<8x8xi32>
    %iota3A_69 = tpu.iota {dimensions = array<i32: 1>} : vector<8x8xi32>
    %lt3A = arith.cmpi slt, %iota3A_68, %iota3A_69 : vector<8x8xi32>
    %convert_element_type3A_70 = arith.extui %lt3A : vector<8x8xi1> to vector<8x8xi32>
    %convert_element_type3A_71 = arith.sitofp %convert_element_type3A_70 : vector<8x8xi32> to vector<8x8xf32>
    %dot_general3A_72 = arith.constant dense<0.000000e+00> : vector<1x8xf32>
    %dot_general3A_73 = tpu.matmul %mul3A_67, %convert_element_type3A_71, %dot_general3A_72 {dimension_numbers = #tpu.dot_dimension_numbers<[1], [0], [0], [1], [0, 0, 1, 1], [], []>, transpose_lhs_hint = false} : vector<1x8xf32>, vector<8x8xf32>, vector<1x8xf32> -> vector<1x8xf32>
    %add3A_74 = vector.broadcast %dot_general3A_73 : vector<1x8xf32> to vector<2048x8xf32>
    %add3A_75 = arith.addf %add3A_74, %dot_general3A_54 : vector<2048x8xf32>
    %mul3A_76 = arith.mulf %convert_element_type3A_44, %add3A_75 : vector<2048x8xf32>
    %reduce_sum3A_77 = arith.constant dense<0.000000e+00> : vector<2048xf32>
    %reduce_sum3A_78 = vector.multi_reduction <add>, %mul3A_76, %reduce_sum3A_77 [1] : vector<2048x8xf32> to vector<2048xf32>
    %broadcast_in_dim3A_79 = vector.shape_cast %reduce_sum3A_78 : vector<2048xf32> to vector<2048x1xf32>
    %add3A_80 = arith.addf %dot_general3A_73, %broadcast_in_dim3A_58 : vector<1x8xf32>
    %add3A_81 = vector.broadcast %add3A_80 : vector<1x8xf32> to vector<2048x8xf32>
    %add3A_82 = arith.addf %add3A_81, %dot_general3A_56 : vector<2048x8xf32>
    %mul3A_83 = arith.mulf %convert_element_type3A_48, %add3A_82 : vector<2048x8xf32>
    %reduce_sum3A_84 = arith.constant dense<0.000000e+00> : vector<2048xf32>
    %reduce_sum3A_85 = vector.multi_reduction <add>, %mul3A_83, %reduce_sum3A_84 [1] : vector<2048x8xf32> to vector<2048xf32>
    %broadcast_in_dim3A_86 = vector.shape_cast %reduce_sum3A_85 : vector<2048xf32> to vector<2048x1xf32>
    %sub3A_87 = arith.subf %mul3A_67, %add3A_62 : vector<1x8xf32>
    %dot_general3A_88 = arith.constant dense<0.000000e+00> : vector<1x8xf32>
    %dot_general3A_89 = tpu.matmul %sub3A_87, %convert_element_type3A_71, %dot_general3A_88 {dimension_numbers = #tpu.dot_dimension_numbers<[1], [0], [0], [1], [0, 0, 1, 1], [], []>, transpose_lhs_hint = false} : vector<1x8xf32>, vector<8x8xf32>, vector<1x8xf32> -> vector<1x8xf32>
    %reduce_sum3A_90 = arith.constant dense<0.000000e+00> : vector<1xf32>
    %reduce_sum3A_91 = vector.multi_reduction <add>, %sub3A_87, %reduce_sum3A_90 [1] : vector<1x8xf32> to vector<1xf32>
    %broadcast_in_dim3A_92 = vector.shape_cast %reduce_sum3A_91 : vector<1xf32> to vector<1x1xf32>
    %iota3A_93 = tpu.iota {dimensions = array<i32: 0>} : vector<2048x1xi32>
    %convert_element_type3A_94 = arith.sitofp %iota3A_93 : vector<2048x1xi32> to vector<2048x1xf32>
    %ge3A = vector.broadcast %convert_element_type3A_94 : vector<2048x1xf32> to vector<2048x8xf32>
    %ge3A_95 = vector.broadcast %dot_general3A_89 : vector<1x8xf32> to vector<2048x8xf32>
    %ge3A_96 = arith.cmpf oge, %ge3A, %ge3A_95 : vector<2048x8xf32>
    %add3A_97 = arith.addf %dot_general3A_89, %sub3A_87 : vector<1x8xf32>
    %lt3A_98 = vector.broadcast %convert_element_type3A_94 : vector<2048x1xf32> to vector<2048x8xf32>
    %lt3A_99 = vector.broadcast %add3A_97 : vector<1x8xf32> to vector<2048x8xf32>
    %lt3A_100 = arith.cmpf olt, %lt3A_98, %lt3A_99 : vector<2048x8xf32>
    %and3A = arith.andi %ge3A_96, %lt3A_100 : vector<2048x8xi1>
    %convert_element_type3A_101 = arith.extui %and3A : vector<2048x8xi1> to vector<2048x8xi32>
    %convert_element_type3A_102 = arith.sitofp %convert_element_type3A_101 : vector<2048x8xi32> to vector<2048x8xf32>
    %add3A_103 = arith.addf %dot_general3A_73, %add3A_62 : vector<1x8xf32>
    %add3A_104 = vector.broadcast %add3A_103 : vector<1x8xf32> to vector<2048x8xf32>
    %add3A_105 = vector.broadcast %convert_element_type3A_94 : vector<2048x1xf32> to vector<2048x8xf32>
    %add3A_106 = arith.addf %add3A_104, %add3A_105 : vector<2048x8xf32>
    %sub3A_107 = vector.broadcast %dot_general3A_89 : vector<1x8xf32> to vector<2048x8xf32>
    %sub3A_108 = arith.subf %add3A_106, %sub3A_107 : vector<2048x8xf32>
    %mul3A_109 = arith.mulf %convert_element_type3A_102, %sub3A_108 : vector<2048x8xf32>
    %reduce_sum3A_110 = arith.constant dense<0.000000e+00> : vector<2048xf32>
    %reduce_sum3A_111 = vector.multi_reduction <add>, %mul3A_109, %reduce_sum3A_110 [1] : vector<2048x8xf32> to vector<2048xf32>
    %broadcast_in_dim3A_112 = vector.shape_cast %reduce_sum3A_111 : vector<2048xf32> to vector<2048x1xf32>
    %lt3A_113 = vector.broadcast %broadcast_in_dim3A_92 : vector<1x1xf32> to vector<2048x1xf32>
    %lt3A_114 = arith.cmpf olt, %convert_element_type3A_94, %lt3A_113 : vector<2048x1xf32>
    %add3A_115 = arith.constant 4.096000e+03 : f32
    %add3A_116 = vector.broadcast %add3A_115 : f32 to vector<2048x1xf32>
    %add3A_117 = arith.addf %add3A_116, %convert_element_type3A_94 : vector<2048x1xf32>
    %select_n3A_118 = arith.select %lt3A_114, %broadcast_in_dim3A_112, %add3A_117 : vector<2048x1xi1>, vector<2048x1xf32>
    %concatenate3A = tpu.concatenate %broadcast_in_dim3A_79, %broadcast_in_dim3A_86, %select_n3A_118 in 1 : vector<2048x1xf32>, vector<2048x1xf32>, vector<2048x1xf32> -> vector<2048x3xf32>
    %convert_element_type3A_119 = arith.fptosi %concatenate3A : vector<2048x3xf32> to vector<2048x3xi32>
    %swap3A = arith.constant 0 : index
    %swap3A_120 = arith.constant 0 : index
    %swap3A_121 = vector.load %arg3[%swap3A, %swap3A_120] : memref<2048x3xi32, #tpu.memory_space<vmem>>, vector<2048x3xi32>
    tpu.vector_store %arg3[%swap3A, %swap3A_120], %convert_element_type3A_119 {strides = array<i32>} : memref<2048x3xi32, #tpu.memory_space<vmem>>, vector<2048x3xi32>,
    %broadcast_in_dim3A_122 = vector.shape_cast %div3A_36 : vector<2048x1xf32> to vector<2048x1xf32>
    %broadcast_in_dim3A_123 = vector.broadcast %broadcast_in_dim3A_122 : vector<2048x1xf32> to vector<2048x128xf32>
    %swap3A_124 = arith.constant 0 : index
    %swap3A_125 = arith.constant 0 : index
    %swap3A_126 = vector.load %arg4[%swap3A_124, %swap3A_125] : memref<6144x128xf32, #tpu.memory_space<vmem>>, vector<2048x128xf32>
    tpu.vector_store %arg4[%swap3A_124, %swap3A_125], %broadcast_in_dim3A_123 {strides = array<i32>} : memref<6144x128xf32, #tpu.memory_space<vmem>>, vector<2048x128xf32>,
    %broadcast_in_dim3A_127 = vector.shape_cast %div3A_40 : vector<2048x1xf32> to vector<2048x1xf32>
    %broadcast_in_dim3A_128 = vector.broadcast %broadcast_in_dim3A_127 : vector<2048x1xf32> to vector<2048x128xf32>
    %swap3A_129 = arith.constant 2048 : index
    %swap3A_130 = arith.constant 0 : index
    %swap3A_131 = vector.load %arg4[%swap3A_129, %swap3A_130] : memref<6144x128xf32, #tpu.memory_space<vmem>>, vector<2048x128xf32>
    tpu.vector_store %arg4[%swap3A_129, %swap3A_130], %broadcast_in_dim3A_128 {strides = array<i32>} : memref<6144x128xf32, #tpu.memory_space<vmem>>, vector<2048x128xf32>,
    %broadcast_in_dim3A_132 = arith.constant 0.000000e+00 : f32
    %broadcast_in_dim3A_133 = vector.broadcast %broadcast_in_dim3A_132 : f32 to vector<2048x128xf32>
    %swap3A_134 = arith.constant 4096 : index
    %swap3A_135 = arith.constant 0 : index
    %swap3A_136 = vector.load %arg4[%swap3A_134, %swap3A_135] : memref<6144x128xf32, #tpu.memory_space<vmem>>, vector<2048x128xf32>
    tpu.vector_store %arg4[%swap3A_134, %swap3A_135], %broadcast_in_dim3A_133 {strides = array<i32>} : memref<6144x128xf32, #tpu.memory_space<vmem>>, vector<2048x128xf32>,
    %iota3A_137 = tpu.iota {dimensions = array<i32: 0>} : vector<24x1xi32>
    %convert_element_type3A_138 = arith.sitofp %iota3A_137 : vector<24x1xi32> to vector<24x1xf32>
    %mul3A_139 = arith.constant 2.560000e+02 : f32
    %mul3A_140 = vector.broadcast %mul3A_139 : f32 to vector<24x1xf32>
    %mul3A_141 = arith.mulf %convert_element_type3A_138, %mul3A_140 : vector<24x1xf32>
    %ge3A_142 = vector.broadcast %mul3A_141 : vector<24x1xf32> to vector<24x8xf32>
    %ge3A_143 = vector.broadcast %dot_general3A_73 : vector<1x8xf32> to vector<24x8xf32>
    %ge3A_144 = arith.cmpf oge, %ge3A_142, %ge3A_143 : vector<24x8xf32>
    %convert_element_type3A_145 = arith.extui %ge3A_144 : vector<24x8xi1> to vector<24x8xi32>
    %reduce_sum3A_146 = arith.constant dense<0> : vector<24xi32>
    %reduce_sum3A_147 = vector.multi_reduction <add>, %convert_element_type3A_145, %reduce_sum3A_146 [1] : vector<24x8xi32> to vector<24xi32>
    %broadcast_in_dim3A_148 = vector.shape_cast %reduce_sum3A_147 : vector<24xi32> to vector<24x1xi32>
    %sub3A_149 = arith.constant 1 : i32
    %sub3A_150 = vector.broadcast %sub3A_149 : i32 to vector<24x1xi32>
    %sub3A_151 = arith.subi %broadcast_in_dim3A_148, %sub3A_150 : vector<24x1xi32>
    %jit3A_152 = arith.constant 0 : i32
    %jit3A_153 = arith.constant 7 : i32
    %max3A = vector.broadcast %jit3A_152 : i32 to vector<24x1xi32>
    %max3A_154 = arith.maxsi %max3A, %sub3A_151 : vector<24x1xi32>
    %min3A = vector.broadcast %jit3A_153 : i32 to vector<24x1xi32>
    %min3A_155 = arith.minsi %min3A, %max3A_154 : vector<24x1xi32>
    %swap3A_156 = arith.constant 0 : index
    %swap3A_157 = arith.constant 0 : index
    %swap3A_158 = vector.load %arg5[%swap3A_156, %swap3A_157] : memref<24x1xi32, #tpu.memory_space<vmem>>, vector<24x1xi32>
    tpu.vector_store %arg5[%swap3A_156, %swap3A_157], %min3A_155 {strides = array<i32>} : memref<24x1xi32, #tpu.memory_space<vmem>>, vector<24x1xi32>,
    return
  }
}

module attributes {stable_mosaic.version = 14 : i64} {
  func.func @_ffn_body(%arg0: i32, %arg1: i32, %arg2: memref<24xi32, #tpu.memory_space<smem>>, %arg3: memref<256x1024xf32, #tpu.memory_space<vmem>>, %arg4: memref<256x128xf32, #tpu.memory_space<vmem>>, %arg5: memref<1x1024x1024xbf16, #tpu.memory_space<vmem>>, %arg6: memref<1x1x1x1024xf32, #tpu.memory_space<vmem>>, %arg7: memref<1x1024x1024xbf16, #tpu.memory_space<vmem>>, %arg8: memref<1x1x1024xf32, #tpu.memory_space<vmem>>, %arg9: memref<256x1024xf32, #tpu.memory_space<vmem>>) attributes {dimension_semantics = [#tpu.dimension_semantics<arbitrary>, #tpu.dimension_semantics<arbitrary>], iteration_bounds = array<i64: 24, 4>, scalar_prefetch = 1 : i64, scratch_operands = 0 : i64, tpu.core_type = #tpu.core_type<tc>, window_params = [{transform_indices = @transform_0, window_bounds = array<i64: 256, 1024>}, {transform_indices = @transform_1, window_bounds = array<i64: 256, 128>}, {transform_indices = @transform_2, window_bounds = array<i64: 1, 1024, 1024>}, {transform_indices = @transform_3, window_bounds = array<i64: 1, 1, 1, 1024>}, {transform_indices = @transform_4, window_bounds = array<i64: 1, 1024, 1024>}, {transform_indices = @transform_5, window_bounds = array<i64: 1, 1, 1024>}, {transform_indices = @transform_6, window_bounds = array<i64: 256, 1024>}]} {
    %get3A = arith.constant 0 : index
    %get3A_0 = arith.constant 0 : index
    %get3A_1 = vector.load %arg3[%get3A, %get3A_0] : memref<256x1024xf32, #tpu.memory_space<vmem>>, vector<256x1024xf32>
    %convert_element_type3A = arith.truncf %get3A_1 : vector<256x1024xf32> to vector<256x1024xbf16>
    %get3A_2 = arith.constant 0 : index
    %get3A_3 = arith.constant 0 : index
    %get3A_4 = arith.constant 0 : index
    %get3A_5 = vector.load %arg5[%get3A_2, %get3A_3, %get3A_4] : memref<1x1024x1024xbf16, #tpu.memory_space<vmem>>, vector<1x1024x1024xbf16>
    %get3A_6 = vector.shape_cast %get3A_5 : vector<1x1024x1024xbf16> to vector<1024x1024xbf16>
    %dot_general3A = arith.constant dense<0.000000e+00> : vector<256x1024xf32>
    %dot_general3A_7 = tpu.matmul %convert_element_type3A, %get3A_6, %dot_general3A {dimension_numbers = #tpu.dot_dimension_numbers<[1], [0], [0], [1], [0, 0, 1, 1], [], []>, transpose_lhs_hint = false} : vector<256x1024xbf16>, vector<1024x1024xbf16>, vector<256x1024xf32> -> vector<256x1024xf32>
    %get3A_8 = arith.constant 0 : index
    %get3A_9 = arith.constant 0 : index
    %get3A_10 = arith.constant 0 : index
    %get3A_11 = arith.constant 0 : index
    %get3A_12 = vector.load %arg6[%get3A_8, %get3A_9, %get3A_10, %get3A_11] : memref<1x1x1x1024xf32, #tpu.memory_space<vmem>>, vector<1x1x1x1024xf32>
    %get3A_13 = vector.shape_cast %get3A_12 : vector<1x1x1x1024xf32> to vector<1x1024xf32>
    %add3A = vector.broadcast %get3A_13 : vector<1x1024xf32> to vector<256x1024xf32>
    %add3A_14 = arith.addf %dot_general3A_7, %add3A : vector<256x1024xf32>
    %convert_element_type3A_15 = arith.truncf %add3A_14 : vector<256x1024xf32> to vector<256x1024xbf16>
    %mul3A = arith.constant 5.000000e-01 : bf16
    %mul3A_16 = vector.broadcast %mul3A : bf16 to vector<256x1024xbf16>
    %mul3A_17 = arith.mulf %mul3A_16, %convert_element_type3A_15 : vector<256x1024xbf16>
    %mul3A_18 = arith.constant 7.070310e-01 : bf16
    %mul3A_19 = vector.broadcast %mul3A_18 : bf16 to vector<256x1024xbf16>
    %mul3A_20 = arith.mulf %convert_element_type3A_15, %mul3A_19 : vector<256x1024xbf16>
    %sign3A = tpu.bitcast %mul3A_20 : vector<256x1024xbf16> -> vector<256x1024xi16>
    %sign3A_21 = arith.constant -32768 : i16
    %sign3A_22 = vector.broadcast %sign3A_21 : i16 to vector<256x1024xi16>
    %sign3A_23 = arith.andi %sign3A, %sign3A_22 : vector<256x1024xi16>
    %sign3A_24 = arith.constant 16256 : i16
    %sign3A_25 = vector.broadcast %sign3A_24 : i16 to vector<256x1024xi16>
    %sign3A_26 = arith.ori %sign3A_25, %sign3A_23 : vector<256x1024xi16>
    %sign3A_27 = tpu.bitcast %sign3A_26 : vector<256x1024xi16> -> vector<256x1024xbf16>
    %sign3A_28 = math.absf %mul3A_20 : vector<256x1024xbf16>
    %sign3A_29 = arith.constant 0.000000e+00 : bf16
    %sign3A_30 = vector.broadcast %sign3A_29 : bf16 to vector<256x1024xbf16>
    %sign3A_31 = arith.cmpf ogt, %sign3A_28, %sign3A_30 : vector<256x1024xbf16>
    %sign3A_32 = arith.select %sign3A_31, %sign3A_27, %mul3A_20 : vector<256x1024xi1>, vector<256x1024xbf16>
    %abs3A = math.absf %mul3A_20 : vector<256x1024xbf16>
    %mul3A_33 = arith.constant 3.281250e-01 : bf16
    %mul3A_34 = vector.broadcast %mul3A_33 : bf16 to vector<256x1024xbf16>
    %mul3A_35 = arith.mulf %mul3A_34, %abs3A : vector<256x1024xbf16>
    %add3A_36 = arith.constant 1.000000e+00 : bf16
    %add3A_37 = vector.broadcast %add3A_36 : bf16 to vector<256x1024xbf16>
    %add3A_38 = arith.addf %add3A_37, %mul3A_35 : vector<256x1024xbf16>
    %div3A = arith.constant 1.000000e+00 : bf16
    %div3A_39 = vector.broadcast %div3A : bf16 to vector<256x1024xbf16>
    %div3A_40 = arith.divf %div3A_39, %add3A_38 : vector<256x1024xbf16>
    %mul3A_41 = arith.constant 1.062500e+00 : bf16
    %mul3A_42 = vector.broadcast %mul3A_41 : bf16 to vector<256x1024xbf16>
    %mul3A_43 = arith.mulf %mul3A_42, %div3A_40 : vector<256x1024xbf16>
    %add3A_44 = arith.constant -1.453130e+00 : bf16
    %add3A_45 = vector.broadcast %add3A_44 : bf16 to vector<256x1024xbf16>
    %add3A_46 = arith.addf %mul3A_43, %add3A_45 : vector<256x1024xbf16>
    %mul3A_47 = arith.mulf %add3A_46, %div3A_40 : vector<256x1024xbf16>
    %add3A_48 = arith.constant 1.421880e+00 : bf16
    %add3A_49 = vector.broadcast %add3A_48 : bf16 to vector<256x1024xbf16>
    %add3A_50 = arith.addf %mul3A_47, %add3A_49 : vector<256x1024xbf16>
    %mul3A_51 = arith.mulf %add3A_50, %div3A_40 : vector<256x1024xbf16>
    %add3A_52 = arith.constant -2.851560e-01 : bf16
    %add3A_53 = vector.broadcast %add3A_52 : bf16 to vector<256x1024xbf16>
    %add3A_54 = arith.addf %mul3A_51, %add3A_53 : vector<256x1024xbf16>
    %mul3A_55 = arith.mulf %add3A_54, %div3A_40 : vector<256x1024xbf16>
    %add3A_56 = arith.constant 2.539060e-01 : bf16
    %add3A_57 = vector.broadcast %add3A_56 : bf16 to vector<256x1024xbf16>
    %add3A_58 = arith.addf %mul3A_55, %add3A_57 : vector<256x1024xbf16>
    %mul3A_59 = arith.mulf %add3A_58, %div3A_40 : vector<256x1024xbf16>
    %neg3A = arith.constant 0.000000e+00 : bf16
    %neg3A_60 = vector.broadcast %neg3A : bf16 to vector<256x1024xbf16>
    %neg3A_61 = arith.subf %neg3A_60, %abs3A : vector<256x1024xbf16>
    %mul3A_62 = arith.mulf %neg3A_61, %abs3A : vector<256x1024xbf16>
    %exp3A = math.exp %mul3A_62 : vector<256x1024xbf16>
    %mul3A_63 = arith.mulf %mul3A_59, %exp3A : vector<256x1024xbf16>
    %sub3A = arith.constant 1.000000e+00 : bf16
    %sub3A_64 = vector.broadcast %sub3A : bf16 to vector<256x1024xbf16>
    %sub3A_65 = arith.subf %sub3A_64, %mul3A_63 : vector<256x1024xbf16>
    %mul3A_66 = arith.mulf %sign3A_32, %sub3A_65 : vector<256x1024xbf16>
    %add3A_67 = arith.constant 1.000000e+00 : bf16
    %add3A_68 = vector.broadcast %add3A_67 : bf16 to vector<256x1024xbf16>
    %add3A_69 = arith.addf %add3A_68, %mul3A_66 : vector<256x1024xbf16>
    %mul3A_70 = arith.mulf %mul3A_17, %add3A_69 : vector<256x1024xbf16>
    %get3A_71 = arith.constant 0 : index
    %get3A_72 = arith.constant 0 : index
    %get3A_73 = arith.constant 0 : index
    %get3A_74 = vector.load %arg7[%get3A_71, %get3A_72, %get3A_73] : memref<1x1024x1024xbf16, #tpu.memory_space<vmem>>, vector<1x1024x1024xbf16>
    %get3A_75 = vector.shape_cast %get3A_74 : vector<1x1024x1024xbf16> to vector<1024x1024xbf16>
    %dot_general3A_76 = arith.constant dense<0.000000e+00> : vector<256x1024xf32>
    %dot_general3A_77 = tpu.matmul %mul3A_70, %get3A_75, %dot_general3A_76 {dimension_numbers = #tpu.dot_dimension_numbers<[1], [0], [0], [1], [0, 0, 1, 1], [], []>, transpose_lhs_hint = false} : vector<256x1024xbf16>, vector<1024x1024xbf16>, vector<256x1024xf32> -> vector<256x1024xf32>
    %eq3A = arith.constant 0 : i32
    %eq3A_78 = arith.cmpi eq, %arg1, %eq3A : i32
    %convert_element_type3A_79 = arith.extui %eq3A_78 : i1 to i32
    %cond3A = arith.constant 0 : i32
    %cond3A_80 = arith.cmpi ne, %convert_element_type3A_79, %cond3A : i32
    scf.if %cond3A_80 {
      %get3A_90 = arith.constant 0 : index
      %get3A_91 = arith.constant 0 : index
      %get3A_92 = arith.constant 0 : index
      %get3A_93 = vector.load %arg8[%get3A_90, %get3A_91, %get3A_92] : memref<1x1x1024xf32, #tpu.memory_space<vmem>>, vector<1x1x1024xf32>
      %get3A_94 = vector.shape_cast %get3A_93 : vector<1x1x1024xf32> to vector<1x1024xf32>
      %add3A_95 = vector.broadcast %get3A_94 : vector<1x1024xf32> to vector<256x1024xf32>
      %add3A_96 = arith.addf %dot_general3A_77, %add3A_95 : vector<256x1024xf32>
      %swap3A = arith.constant 0 : index
      %swap3A_97 = arith.constant 0 : index
      %swap3A_98 = vector.load %arg9[%swap3A, %swap3A_97] : memref<256x1024xf32, #tpu.memory_space<vmem>>, vector<256x1024xf32>
      tpu.vector_store %arg9[%swap3A, %swap3A_97], %add3A_96 {strides = array<i32>} : memref<256x1024xf32, #tpu.memory_space<vmem>>, vector<256x1024xf32>,
    } else {
    }
    %gt3A = arith.constant 0 : i32
    %gt3A_81 = arith.cmpi sgt, %arg1, %gt3A : i32
    %convert_element_type3A_82 = arith.extui %gt3A_81 : i1 to i32
    %cond3A_83 = arith.constant 0 : i32
    %cond3A_84 = arith.cmpi ne, %convert_element_type3A_82, %cond3A_83 : i32
    scf.if %cond3A_84 {
      %get3A_90 = arith.constant 0 : index
      %get3A_91 = arith.constant 0 : index
      %get3A_92 = vector.load %arg9[%get3A_90, %get3A_91] : memref<256x1024xf32, #tpu.memory_space<vmem>>, vector<256x1024xf32>
      %add3A_93 = arith.addf %get3A_92, %dot_general3A_77 : vector<256x1024xf32>
      %swap3A = arith.constant 0 : index
      %swap3A_94 = arith.constant 0 : index
      %swap3A_95 = vector.load %arg9[%swap3A, %swap3A_94] : memref<256x1024xf32, #tpu.memory_space<vmem>>, vector<256x1024xf32>
      tpu.vector_store %arg9[%swap3A, %swap3A_94], %add3A_93 {strides = array<i32>} : memref<256x1024xf32, #tpu.memory_space<vmem>>, vector<256x1024xf32>,
    } else {
    }
    %eq3A_85 = arith.constant 3 : i32
    %eq3A_86 = arith.cmpi eq, %arg1, %eq3A_85 : i32
    %convert_element_type3A_87 = arith.extui %eq3A_86 : i1 to i32
    %cond3A_88 = arith.constant 0 : i32
    %cond3A_89 = arith.cmpi ne, %convert_element_type3A_87, %cond3A_88 : i32
    scf.if %cond3A_89 {
      %get3A_90 = arith.constant 0 : index
      %get3A_91 = arith.constant 0 : index
      %get3A_92 = vector.load %arg9[%get3A_90, %get3A_91] : memref<256x1024xf32, #tpu.memory_space<vmem>>, vector<256x1024xf32>
      %get3A_93 = arith.constant 0 : index
      %get3A_94 = arith.constant 0 : index
      %get3A_95 = vector.load %arg4[%get3A_93, %get3A_94] : memref<256x128xf32, #tpu.memory_space<vmem>>, vector<256x128xf32>
      %slice3A = vector.extract_strided_slice %get3A_95 {offsets = [0, 0], sizes = [256, 1], strides = [1, 1]} : vector<256x128xf32> to vector<256x1xf32>
      %mul3A_96 = vector.broadcast %slice3A : vector<256x1xf32> to vector<256x1024xf32>
      %mul3A_97 = arith.mulf %get3A_92, %mul3A_96 : vector<256x1024xf32>
      %swap3A = arith.constant 0 : index
      %swap3A_98 = arith.constant 0 : index
      %swap3A_99 = vector.load %arg9[%swap3A, %swap3A_98] : memref<256x1024xf32, #tpu.memory_space<vmem>>, vector<256x1024xf32>
      tpu.vector_store %arg9[%swap3A, %swap3A_98], %mul3A_97 {strides = array<i32>} : memref<256x1024xf32, #tpu.memory_space<vmem>>, vector<256x1024xf32>,
    } else {
    }
    return
  }
  func.func @transform_0(%arg0: i32, %arg1: i32, %arg2: memref<24xi32, #tpu.memory_space<smem>>) -> (i32, i32) {
    %c0_i32 = arith.constant 0 : i32
    %c0_i32_0 = arith.constant 0 : i32
    return %arg0, %c0_i32 : i32, i32
  }
  func.func @transform_1(%arg0: i32, %arg1: i32, %arg2: memref<24xi32, #tpu.memory_space<smem>>) -> (i32, i32) {
    %c0_i32 = arith.constant 0 : i32
    %c0_i32_0 = arith.constant 0 : i32
    return %arg0, %c0_i32 : i32, i32
  }
  func.func @transform_2(%arg0: i32, %arg1: i32, %arg2: memref<24xi32, #tpu.memory_space<smem>>) -> (i32, i32, i32) {
    %get3A = arith.index_cast %arg0 : i32 to index
    %get3A_0 = memref.load %arg2[%get3A] : memref<24xi32, #tpu.memory_space<smem>>
    %c0_i32 = arith.constant 0 : i32
    %c0_i32_1 = arith.constant 0 : i32
    return %get3A_0, %c0_i32, %arg1 : i32, i32, i32
  }
  func.func @transform_3(%arg0: i32, %arg1: i32, %arg2: memref<24xi32, #tpu.memory_space<smem>>) -> (i32, i32, i32, i32) {
    %get3A = arith.index_cast %arg0 : i32 to index
    %get3A_0 = memref.load %arg2[%get3A] : memref<24xi32, #tpu.memory_space<smem>>
    %c0_i32 = arith.constant 0 : i32
    %c0_i32_1 = arith.constant 0 : i32
    %c0_i32_2 = arith.constant 0 : i32
    return %get3A_0, %arg1, %c0_i32, %c0_i32_1 : i32, i32, i32, i32
  }
  func.func @transform_4(%arg0: i32, %arg1: i32, %arg2: memref<24xi32, #tpu.memory_space<smem>>) -> (i32, i32, i32) {
    %get3A = arith.index_cast %arg0 : i32 to index
    %get3A_0 = memref.load %arg2[%get3A] : memref<24xi32, #tpu.memory_space<smem>>
    %c0_i32 = arith.constant 0 : i32
    %c0_i32_1 = arith.constant 0 : i32
    return %get3A_0, %arg1, %c0_i32 : i32, i32, i32
  }
  func.func @transform_5(%arg0: i32, %arg1: i32, %arg2: memref<24xi32, #tpu.memory_space<smem>>) -> (i32, i32, i32) {
    %get3A = arith.index_cast %arg0 : i32 to index
    %get3A_0 = memref.load %arg2[%get3A] : memref<24xi32, #tpu.memory_space<smem>>
    %c0_i32 = arith.constant 0 : i32
    %c0_i32_1 = arith.constant 0 : i32
    %c0_i32_2 = arith.constant 0 : i32
    return %get3A_0, %c0_i32, %c0_i32_1 : i32, i32, i32
  }
  func.func @transform_6(%arg0: i32, %arg1: i32, %arg2: memref<24xi32, #tpu.memory_space<smem>>) -> (i32, i32) {
    %c0_i32 = arith.constant 0 : i32
    %c0_i32_0 = arith.constant 0 : i32
    return %arg0, %c0_i32 : i32, i32
  }
}

</mosaic_0001>

<sc_bundles>
// kernel: kernel.6.cloned.1.call-start
scs
__scs_entry_jumppad:
0x0: {  	(pc) =	sbr.rel $0x88, $3  }
0x1: {  	(tag) =	ssettag $0x0;
	lr =	simm.s32 $0x1  }
0x2: {  	[smem:$0x3F9A] =	sst lr;
	_ =	strace $0xD0000000  }
0x3: {  	_ = 	snop  }
0x4: {  	_ = 	snop  }
0x5: {  	_ = 	snop  }
0x6: {  	_ = 	snop  }
0x7: {  	_ = 	snop  }
__scs_overlays_trampoline_lowered:
0x8: {  	[smem:$0x3FA9] =	sst s0  }
0x9: {  	[smem:$0x3FAA] =	sst s1  }
0xa: {  	[smem:$0x3FAB] =	sst s2  }
0xb: {  	[smem:$0x3FAC] =	sst s3  }
0xc: {  	[smem:$0x3FAD] =	sst s4  }
0xd: {  	[smem:$0x3FAE] =	sst s5  }
0xe: {  	[smem:$0x3FAF] =	sst s6  }
0xf: {  	[smem:$0x3FB0] =	sst s7  }
0x10: {  	[smem:$0x3FB1] =	sst s8  }
0x11: {  	[smem:$0x3FB2] =	sst s9;
	s0 =	simm.s32 @!p0 $0x0  }
0x12: {  	s1 =	sld [smem:$0x3F98];
	s0 =	simm.s32 @p0 $0x1  }
0x13: {  	[smem:$0x3FB3] =	sst s0;
	s0 =	simm.s32 @!p1 $0x0  }
0x14: {  	s2 =	sld [smem:$0x3F97];
	s0 =	simm.s32 @p1 $0x1  }
0x15: {  	[smem:$0x3FB4] =	sst s0;
	s0 =	simm.s32 @!p2 $0x0  }
0x16: {  	s3 =	sld [smem:$0x3FDB];
	s0 =	simm.s32 @p2 $0x1  }
0x17: {  	s4 =	simm.s32 $0x1BF5;
	[smem:$0x3FB6] =	sst s0  }
0x18: {  	s0 =	sld [smem:$0x3F99];
	_ =	swait.ge [sflag:s4], $0x0  }
0x19: {  	s7 =	sld [smem:$0x3F9A]  }
0x1a: {  	s8 =	sadd.s32 $0xFFFFE003, lr  }
0x1b: {  	s9 =	sadd.s32 $0xFFFFFEF7, lr;
	s5 =	simm.s32 $0xFFFFFFFF;
	p2 =	slt.u32 s8, $0xFFFFF086  }
0x1c: {  	p1 =	slt.u32 s9, $0xF7A;
	s5 =	simm.s32 @!p2 $0x0  }
0x1d: {  	s5 =	simm.s32 @p1 $0x1;
	p0 =	seq.s32 s7, s2  }
0x1e: {  	s7 =	smul.u32 @!p0 $0xF7A, s2;
	p2 =	seq.s32 @!p0 s5, $0x0  }
0x1f: {  	s9 =	smul.u32 $0xF7A, s1;
	s8 =	simm.s32 @!p0 $0x1BF5;
	p2 =	por !p2, p0  }
0x20: {  	[sflag:s8] =	ssyncset.s32 @!p0 $0xFFFFF086;
	s6 =	sadd.s32 @!p0 s3, s7;
	s7 =	simm.s32 @!p0 $0x108  }
0x21: {  	s3 =	sadd.s32 s3, s9;
	s6 =	sadd.s32 @!p0 $0x88, s6;
	s7 =	simm.s32 @p2 $0x1082  }
0x22: {  	[simem:s7], [sflag:s8] =	dma.local @!p0 [hbm:s6], $0xF7A  }
0x23: {  	s9 =	sor.u32 $0xD0000000, s2;
	s6 =	simm.s32 $0x108;
	_ =	swait.ge @!p0 [sflag:s8], $0x0  }
0x24: {  	s3 =	sadd.s32 $0x88, s3;
	s6 =	simm.s32 @!p1 $0x1082;
	[sflag:s4] =	ssyncset.s32 $0xFFFFF086  }
0x25: {  	[simem:s6], [sflag:s4] =	dma.local [hbm:s3], $0xF7A  }
0x26: {  	[smem:$0x3F9A] =	sst s1;
	(tag) =	ssettag s2;
	_ =	strace s9  }
0x27: {  	s1 =	sld [smem:$0x3FAA]  }
0x28: {  	s2 =	sld [smem:$0x3FAB]  }
0x29: {  	s4 =	sld [smem:$0x3FAD]  }
0x2a: {  	p0 =	seq.s32 s5, $0x0;
	s5 =	sld [smem:$0x3FAE]  }
0x2b: {  	s6 =	sld [smem:$0x3FAF]  }
0x2c: {  	s7 =	sld [smem:$0x3FB0]  }
0x2d: {  	s3 =	simm.s32 $0x108;
	s8 =	sld [smem:$0x3FB1]  }
0x2e: {  	s3 =	simm.s32 @!p0 $0x1082;
	s9 =	sld [smem:$0x3FB2]  }
0x2f: {  	lr =	sadd.s32 s0, s3;
	s0 =	sld [smem:$0x3FA9]  }
0x30: {  	s3 =	sld [smem:$0x3FAC]  }
0x31: {  	[smem:$0x3FB5] =	sst s10  }
0x32: {  	s10 =	sld [smem:$0x3FB3];
	_ =	sdelay $0x3  }
0x33: {  	p0 =	seq.s32 s10, $0x1;
	s10 =	sld [smem:$0x3FB5];
	_ =	sdelay $0x3  }
0x34: {  	[smem:$0x3FB5] =	sst s10  }
0x35: {  	s10 =	sld [smem:$0x3FB4];
	_ =	sdelay $0x3  }
0x36: {  	p1 =	seq.s32 s10, $0x1;
	s10 =	sld [smem:$0x3FB5];
	_ =	sdelay $0x3  }
0x37: {  	[smem:$0x3FB5] =	sst s10  }
0x38: {  	s10 =	sld [smem:$0x3FB6]  }
0x39: {  	_ = 	snop;
	(pc) =	sbr.ind lr, $3  }
0x3a: {  	_ = 	snop  }
0x3b: {  	_ = 	snop  }
0x3c: {  	p2 =	seq.s32 s10, $0x1;
	s10 =	sld [smem:$0x3FB5]  }
0x3d: {  	_ =	shalt  }
0x3e: {  	_ =	shalt  }
0x3f: {  	_ =	shalt  }
0x40: {  	_ =	shalt  }
0x41: {  	_ =	shalt  }
0x42: {  	_ =	shalt  }
0x43: {  	_ =	shalt  }
0x44: {  	_ =	shalt  }
0x45: {  	_ =	shalt  }
0x46: {  	_ =	shalt  }
0x47: {  	_ =	shalt  }
0x48: {  	_ =	shalt  }
0x49: {  	_ =	shalt  }
0x4a: {  	_ =	shalt  }
0x4b: {  	_ =	shalt  }
0x4c: {  	_ =	shalt  }
0x4d: {  	_ =	shalt  }
0x4e: {  	_ =	shalt  }
0x4f: {  	_ =	shalt  }
0x50: {  	_ =	shalt  }
0x51: {  	_ =	shalt  }
0x52: {  	_ =	shalt  }
0x53: {  	_ =	shalt  }
0x54: {  	_ =	shalt  }
0x55: {  	_ =	shalt  }
0x56: {  	_ =	shalt  }
0x57: {  	_ =	shalt  }
0x58: {  	_ =	shalt  }
0x59: {  	_ =	shalt  }
0x5a: {  	_ =	shalt  }
0x5b: {  	_ =	shalt  }
0x5c: {  	_ =	shalt  }
0x5d: {  	_ =	shalt  }
0x5e: {  	_ =	shalt  }
0x5f: {  	_ =	shalt  }
0x60: {  	_ =	shalt  }
0x61: {  	_ =	shalt  }
0x62: {  	_ =	shalt  }
0x63: {  	_ =	shalt  }
0x64: {  	_ =	shalt  }
0x65: {  	_ =	shalt  }
0x66: {  	_ =	shalt  }
0x67: {  	_ =	shalt  }
0x68: {  	_ =	shalt  }
0x69: {  	_ =	shalt  }
0x6a: {  	_ =	shalt  }
0x6b: {  	_ =	shalt  }
0x6c: {  	_ =	shalt  }
0x6d: {  	_ =	shalt  }
0x6e: {  	_ =	shalt  }
0x6f: {  	_ =	shalt  }
0x70: {  	_ =	shalt  }
0x71: {  	_ =	shalt  }
0x72: {  	_ =	shalt  }
0x73: {  	_ =	shalt  }
0x74: {  	_ =	shalt  }
0x75: {  	_ =	shalt  }
0x76: {  	_ =	shalt  }
0x77: {  	_ =	shalt  }
0x78: {  	_ =	shalt  }
0x79: {  	_ =	shalt  }
0x7a: {  	_ =	shalt  }
0x7b: {  	_ =	shalt  }
0x7c: {  	_ =	shalt  }
0x7d: {  	_ =	shalt  }
0x7e: {  	_ =	shalt  }
0x7f: {  	_ =	shalt  }
0x80: {  	_ =	shalt  }
0x81: {  	_ =	shalt  }
0x82: {  	_ =	shalt  }
0x83: {  	_ =	shalt  }
0x84: {  	_ =	shalt  }
0x85: {  	_ =	shalt  }
0x86: {  	_ =	shalt  }
0x87: {  	_ =	shalt  }
.Lfunc_end0:
.L_simem_size_0:
called_computation_lowered:
.L_overlay_start_0:
0x88: {  	s2 =	sld [smem:$0x3FD9]  }
0x89: {  	s3 =	sld [smem:$0x3FFE];
	_ =	sdelay $0x1  }
0x8a: {  	s1 =	srdreg.scid  }
0x8b: {  	s0 =	sand.u32 $0x1, s1  }
0x8c: {  	s17 =	sshll.u32 s0, $0xA;
	s2 =	sadd.s32 s3, s2  }
0x8d: {  	s2 =	sadd.s32 s2, s17  }
0x8e: {  	[smem:$0x3FC1] =	sst s2  }
0x8f: {  	_ = 	snop  }
0x90: {  	s2 =	sld [smem:$0x3FC9]  }
0x91: {  	s18 =	sld [smem:$0x3FD0];
	(tm) =	ssettm $0x1  }
0x92: {  	s4 =	sld [smem:$0x3FFB];
	_ =	sdelay $0x3  }
0x93: {  	_ =	strace s4  }
0x94: {  	s4 =	sld [smem:$0x3FFC];
	_ =	sdelay $0x3  }
0x95: {  	_ =	strace s4  }
0x96: {  	s4 =	sld [smem:$0x3FFD];
	_ =	sdelay $0x3  }
0x97: {  	_ =	strace s4  }
0x98: {  	_ =	strace $0x8FFFFFFF  }
0x99: {  	s19 =	sld [smem:$0x3FDB];
	_ =	sdelay $0x1  }
0x9a: {  	s5 =	simm.s32 $_scs_section_size  }
0x9b: {  	s6 =	simm.s32 $_size__tile_overlayer_lowered;
	s7 =	simm.s32 $_tile_overlayer_lowered  }
0x9c: {  	s22 =	simm.s32 $0x1BFF;
	s21 =	sshll.u32 s7, $0x1;
	s4 =	sadd.s32 s5, s19  }
0x9d: {  	s8 =	simm.s32 $0x0;
	s20 =	sshll.u32 s6, $0x1;
	s6 =	sadd.s32 s21, s4  }
0x9e: {  	[timem:s8], [sflag:s22] =	dma.local [hbm:s6], s20  }
0x9f: {  	_ =	swait.ge [sflag:s22], s20  }
0xa0: {  	s5 =	ssub.s32 $0x0, s20;
	[sflag:s22] =	ssyncset.done $0x0  }
0xa1: {  	[sflag:s22] =	ssyncadd.s32 s5;
	_ =	sdelay $0x1  }
0xa2: {  	s23 =	simm.s32 $0x1B8B  }
0xa3: {  	_ =	swait.ge [sflag:s23], $0x1  }
0xa4: {  	[sflag:s23] =	ssyncset.done $0x0  }
0xa5: {  	s25 =	simm.s32 $0x1B8E;
	s24 =	sld [smem:$0x3FFE];
	[sflag:s23] =	ssyncadd.s32 $0xFFFFFFFF  }
0xa6: {  	s26 =	simm.s32 $execute0_lowered;
	[smem:$0x3FD2] =	sst s25  }
0xa7: {  	s6 =	sshll.u32 s26, $0x1;
	_ =	strace $0x80000046;
	[dreg:$0x1] =	wrdreg $0xFFFFFFFF  }
0xa8: {  	s28 =	simm.s32 $_size_execute0_lowered;
	s4 =	sadd.s32 s4, s6;
	[dreg:$0x0] =	wrdreg $0x0  }
0xa9: {  	s6 =	sshll.u32 s28, $0x1;
	[dreg:$0x2] =	wrdreg s4  }
0xaa: {  	[dreg:$0x3] =	wrdreg s6  }
0xab: {  	[dreg:$0x4] =	wrdreg $0xC0  }
0xac: {  	_ =	task [dreg:s8], $0x5FFFF  }
0xad: {  	[dreg:$0x1] =	wrdreg $0xFFFFFFFF  }
0xae: {  	[dreg:$0x0] =	wrdreg $0x60  }
0xaf: {  	[dreg:$0x2] =	wrdreg s2  }
0xb0: {  	[dreg:$0x3] =	wrdreg s24  }
0xb1: {  	[dreg:$0x4] =	wrdreg s18  }
0xb2: {  	[dreg:$0x5] =	wrdreg $0x9  }
0xb3: {  	_ =	task.clear_ibuf [dreg:s8], $0x6FFFF;
	_ =	strace $0x90000046  }
0xb4: {  	s29 =	simm.s32 $0x9;
	_ =	strace $0x80000048  }
0xb5: {  	_ =	swait.ge [sflag:s29], $0x1  }
0xb6: {  	[sflag:s29] =	ssyncadd.s32 $0xFFFFFFFF  }
0xb7: {  	_ =	strace $0x90000048  }
0xb8: {  	_ =	sfence  }
0xb9: {  	s30 =	sld [smem:$0x0];
	_ =	sdelay $0x2  }
0xba: {  	s31 =	sshll.u32 s1, $0xD;
	s1 =	sshrl.u32 s1, $0x2  }
0xbb: {  	s3 =	sand.u32 $0x4000, s31;
	s1 =	sadd.s32 s1, s30  }
0xbc: {  	s0 =	sor.u32 s3, s0;
	s1 =	sshll.u32 s1, $0x11  }
0xbd: {  	s0 =	sor.u32 s1, s0  }
0xbe: {  	s0 =	sadd.s32 $0x8F2B, s0  }
0xbf: {  	[sflag:s0] =	ssyncadd.remote.s32 $0x1  }
0xc0: {  	_ =	sfence.sel $0xFFFF  }
0xc1: {  	[dreg:$0x0] =	wrdreg $0xFFFFFFFF;
	(pc) =	sbr.abs _section_cstart, $3  }
0xc2: {  	[dreg:$0x1] =	wrdreg $0xFFFFFFFF  }
0xc3: {  	_ =	task.clear_ibuf [dreg:s8], $0x2FFFF;
	_ =	strace $0x9FFFFFFF  }
0xc4: {  	(tm) =	ssettm $0x7FFFFFFF  }
0xc5: {  	_ =	shalt  }
tec
execute0_lowered:
.L_overlay_start_1:
0x0: {  	(tag) =	ssettag $0x1  }
0x1: {  	s30 =	rddreg [dreg:$0x0]  }
0x2: {  	s0 =	srdreg.scid;
	s2 =	rddreg [dreg:$0x1]  }
0x3: {  	s7 =	stileid.u32;
	s5 =	rddreg [dreg:$0x2];
	s29 =	simm.s32 $0x80  }
0x4: {  	s31 =	simm.s32 $0xC0;
	s0 =	sand.u32 $0x1, s0;
	s3 =	sshll.u32 s7, $0x1  }
0x5: {  	s7 =	sshll.u32 s7, $0x9;
	s9 =	sadd.s32 $0x3200, s2;
	s10 =	sadd.s32 $0x1B500, s2  }
0x6: {  	s6 =	sor.u32 s0, s3;
	s3 =	simm.s32 $0x0;
	s7 =	sand.u32 $0x1800, s7  }
0x7: {  	s0 =	ssub.s32 $0x2, s0;
	s4 =	sshll.u32 s6, $0x7;
	[smem:$0x7FF] =	sst s3  }
0x8: {  	s6 =	smul.u32 $0xC00, s6;
	s28 =	sshrl.u32 s0, $0x1;
	s8 =	sand.u32 $0x380, s4  }
0x9: {  	_ =	strace $0x80000047;
	s25 =	sadd.s32 s4, s2;
	[dreg:$0x4] =	wrdreg s9  }
0xa: {  	s4 =	sadd.s32 $0x1B200, s2;
	s0 =	ssub.s32 s0, s28;
	[dreg:$0x9] =	wrdreg s29  }
0xb: {  	s9 =	sadd.s32 $0x1B400, s2;
	[dreg:$0xa] =	wrdreg s31;
	s26 =	sadd.s32 $0x2200, s25  }
0xc: {  	s7 =	sor.u32 s7, s8;
	s8 =	sadd.s32 $0x1200, s25;
	[dreg:$0x5] =	wrdreg s26  }
0xd: {  	s5 =	sadd.s32 s5, s6;
	s7 =	sshrl.u32 s7, $0x3;
	[dreg:$0x6] =	wrdreg s8  }
0xe: {  	v2 =	vlaneseq.u32;
	s6 =	sadd.s32 $0x200, s30;
	[dreg:$0x8] =	wrdreg s5;
	s7 =	sadd.s32 s7, s2  }
0xf: {  	vm0 =	vmmov $0xffff;
	v1 =	vshrl.u32 v2, $0x3;
	s5 =	sadd.s32 $0x100, s30;
	s8 =	sadd.s32 $0x1B300, s2;
	s7 =	sadd.s32 $0xE00, s7  }
0x10: {  	v0 =	vand.u32 $0x7, v2;
	v2 =	vor.u32 $0x8, v2;
	v1 =	vmul.u32 $0x8, v1;
	s2 =	smax.u32 s0, $0x1;
	[dreg:$0x7] =	wrdreg s7;
	s7 =	sadd.s32 $0x300, s30  }
.LBB2_1:
0x11: {  	[dreg:$0xb] =	wrdreg s2  }
0x12: {  	s13 =	rddreg [dreg:$0x5];
	s0 =	simm.s32 $0x6  }
0x13: {  	[tilespmem:s3], [sflag:$0x6] =	stream.linear.gather [hbm4b:s13+s3], $0x300, $0x38;
	[tilespmem:$0x16900] =	vst v63  }
0x14: {  	_ =	swait.ge [sflag:s0], $0x300  }
0x15: {  	[sflag:s0] =	ssyncset.done $0x0  }
0x16: {  	s15 =	simm.s32 $0x400;
	s29 =	rddreg [dreg:$0x6];
	[sflag:s0] =	ssyncadd.s32 $0xFFFFFD00  }
0x17: {  	[tilespmem:s15], [sflag:$0x6] =	stream.linear.gather [hbm4b:s29+s3], $0x300, $0x38;
	[tilespmem:$0x16900] =	vst v63  }
0x18: {  	_ =	swait.ge [sflag:s0], $0x300  }
0x19: {  	s31 =	rddreg [dreg:$0x7];
	[sflag:s0] =	ssyncset.done $0x0  }
0x1a: {  	s16 =	simm.s32 $0x800;
	s14 =	rddreg [dreg:$0x9];
	[sflag:s0] =	ssyncadd.s32 $0xFFFFFD00  }
0x1b: {  	[tilespmem:s16], [sflag:$0x6] =	stream.strided.gather [hbm4b:s31+s14], $0x100, s15, s14, $0x38;
	[tilespmem:$0x16900] =	vst v63  }
0x1c: {  	_ =	swait.ge [sflag:s0], $0x100  }
0x1d: {  	[sflag:s0] =	ssyncset.done $0x0  }
0x1e: {  	s2 =	simm.s32 $0x10900;
	s1 =	rddreg [dreg:$0x8];
	[sflag:s0] =	ssyncadd.s32 $0xFFFFFF00  }
0x1f: {  	[tilespmem:s2], [sflag:$0x6] =	stream.linear.gather [hbm4b:s1+s3], $0x6000, $0x38;
	[tilespmem:$0x16900] =	vst v63  }
0x20: {  	_ =	swait.ge [sflag:s0], $0x6000  }
0x21: {  	s11 =	rddreg [dreg:$0x4];
	[sflag:s0] =	ssyncset.done $0x0  }
0x22: {  	s12 =	rddreg [dreg:$0xa];
	[sflag:s0] =	ssyncadd.s32 $0xFFFFA000  }
0x23: {  	[hbm4b:s11+s12] =	stream.indirect.scatter [tilespmem:s2], [sflag:$0x5], $0x80, s16, s12, $0xb8;
	[tilespmem:$0x16900] =	vst v63  }
0x24: {  	v3 =	vld [tilespmem:$0x0];
	_ =	sdelay $0x4  }
0x25: {  	v4 =	vshll.u32 v3, $0x3  }
0x26: {  	v3 =	vand.u32 $0x7, v3;
	v4 =	vand.u32 $0xFFFFFFC0, v4  }
0x27: {  	v3 =	vor.u32 v3, v4  }
0x28: {  	v4 =	vperm.xlane v3, v0;
	_ =	sdelay $0x1  }
0x29: {  	v4 =	vadd.s32 v1, v4;
	_ =	sdelay $0x3  }
0x2a: {  	s15 =	simm.s32 $0x900  }
0x2b: {  	[tilespmem:s15], [sflag:$0x1] =	stream.indirect_vreg.gather [hbm4b:s30+s3], $0x80, v4, vm0, $0xb8;
	[tilespmem:$0x16900] =	vst v63  }
0x2c: {  	s16 =	simm.s32 $0x1100;
	v3 =	vperm.xlane v3, v2  }
0x2d: {  	[tilespmem:s16], [sflag:$0x1] =	stream.indirect_vreg.gather [hbm4b:s5+s3], $0x80, v4, vm0, $0xb8;
	[tilespmem:$0x16900] =	vst v63  }
0x2e: {  	s17 =	simm.s32 $0x1900;
	v3 =	vadd.s32 v1, v3  }
0x2f: {  	[tilespmem:s17], [sflag:$0x1] =	stream.indirect_vreg.gather [hbm4b:s6+s3], $0x80, v4, vm0, $0xb8;
	[tilespmem:$0x16900] =	vst v63  }
0x30: {  	s18 =	simm.s32 $0x2100  }
0x31: {  	[tilespmem:s18], [sflag:$0x1] =	stream.indirect_vreg.gather [hbm4b:s7+s3], $0x80, v4, vm0, $0xb8;
	[tilespmem:$0x16900] =	vst v63  }
0x32: {  	s19 =	simm.s32 $0x2900  }
0x33: {  	[tilespmem:s19], [sflag:$0x1] =	stream.indirect_vreg.gather [hbm4b:s30+s3], $0x80, v3, vm0, $0xb8;
	[tilespmem:$0x16900] =	vst v63  }
0x34: {  	s20 =	simm.s32 $0x3100  }
0x35: {  	[tilespmem:s20], [sflag:$0x1] =	stream.indirect_vreg.gather [hbm4b:s5+s3], $0x80, v3, vm0, $0xb8;
	[tilespmem:$0x16900] =	vst v63  }
0x36: {  	s21 =	simm.s32 $0x3900  }
0x37: {  	[tilespmem:s21], [sflag:$0x1] =	stream.indirect_vreg.gather [hbm4b:s6+s3], $0x80, v3, vm0, $0xb8;
	[tilespmem:$0x16900] =	vst v63  }
0x38: {  	s22 =	simm.s32 $0x4100  }
0x39: {  	[tilespmem:s22], [sflag:$0x1] =	stream.indirect_vreg.gather [hbm4b:s7+s3], $0x80, v3, vm0, $0xb8;
	[tilespmem:$0x16900] =	vst v63  }
0x3a: {  	v3 =	vld [tilespmem:$0x10];
	_ =	sdelay $0x4  }
0x3b: {  	v41 =	vshll.u32 v3, $0x3  }
0x3c: {  	v3 =	vand.u32 $0x7, v3;
	v4 =	vand.u32 $0xFFFFFFC0, v41  }
0x3d: {  	v3 =	vor.u32 v3, v4  }
0x3e: {  	v4 =	vperm.xlane v3, v0;
	_ =	sdelay $0x1  }
0x3f: {  	v4 =	vadd.s32 v1, v4;
	_ =	sdelay $0x3  }
0x40: {  	s23 =	simm.s32 $0x4900  }
0x41: {  	[tilespmem:s23], [sflag:$0x1] =	stream.indirect_vreg.gather [hbm4b:s30+s3], $0x80, v4, vm0, $0xb8;
	[tilespmem:$0x16900] =	vst v63  }
0x42: {  	s24 =	simm.s32 $0x5100;
	v3 =	vperm.xlane v3, v2  }
0x43: {  	[tilespmem:s24], [sflag:$0x1] =	stream.indirect_vreg.gather [hbm4b:s5+s3], $0x80, v4, vm0, $0xb8;
	[tilespmem:$0x16900] =	vst v63  }
0x44: {  	s25 =	simm.s32 $0x5900;
	v3 =	vadd.s32 v1, v3  }
0x45: {  	[tilespmem:s25], [sflag:$0x1] =	stream.indirect_vreg.gather [hbm4b:s6+s3], $0x80, v4, vm0, $0xb8;
	[tilespmem:$0x16900] =	vst v63  }
0x46: {  	s26 =	simm.s32 $0x6100  }
0x47: {  	[tilespmem:s26], [sflag:$0x1] =	stream.indirect_vreg.gather [hbm4b:s7+s3], $0x80, v4, vm0, $0xb8;
	[tilespmem:$0x16900] =	vst v63  }
0x48: {  	s28 =	simm.s32 $0x6900  }
0x49: {  	[tilespmem:s28], [sflag:$0x1] =	stream.indirect_vreg.gather [hbm4b:s30+s3], $0x80, v3, vm0, $0xb8;
	[tilespmem:$0x16900] =	vst v63  }
0x4a: {  	s29 =	simm.s32 $0x7100  }
0x4b: {  	[tilespmem:s29], [sflag:$0x1] =	stream.indirect_vreg.gather [hbm4b:s5+s3], $0x80, v3, vm0, $0xb8;
	[tilespmem:$0x16900] =	vst v63  }
0x4c: {  	s31 =	simm.s32 $0x7900  }
0x4d: {  	[tilespmem:s31], [sflag:$0x1] =	stream.indirect_vreg.gather [hbm4b:s6+s3], $0x80, v3, vm0, $0xb8;
	[tilespmem:$0x16900] =	vst v63  }
0x4e: {  	s1 =	simm.s32 $0x8100;
	s2 =	simm.s32 $0x1  }
0x4f: {  	[tilespmem:s1], [sflag:$0x1] =	stream.indirect_vreg.gather [hbm4b:s7+s3], $0x80, v3, vm0, $0xb8;
	[tilespmem:$0x16900] =	vst v63  }
0x50: {  	_ =	swait.ge [sflag:s2], $0x8000  }
0x51: {  	[sflag:s2] =	ssyncset.done $0x0  }
0x52: {  	[sflag:s2] =	ssyncadd.s32 $0xFFFF8000  }
0x53: {  	v3 =	vld [tilespmem:$0x80];
	_ =	sdelay $0x4  }
0x54: {  	v42 =	vshll.u32 v3, $0x3  }
0x55: {  	v3 =	vand.u32 $0x7, v3;
	v4 =	vand.u32 $0xFFFFFFC0, v42  }
0x56: {  	v3 =	vor.u32 v3, v4  }
0x57: {  	v4 =	vperm.xlane v3, v0;
	_ =	sdelay $0x1  }
0x58: {  	v4 =	vadd.s32 v1, v4;
	_ =	sdelay $0x3  }
0x59: {  	s11 =	simm.s32 $0x8900  }
0x5a: {  	[tilespmem:s11], [sflag:$0x2] =	stream.indirect_vreg.gather [hbm4b:s30+s3], $0x80, v4, vm0, $0xb8;
	[tilespmem:$0x16900] =	vst v63  }
0x5b: {  	s12 =	simm.s32 $0x9100;
	v3 =	vperm.xlane v3, v2  }
0x5c: {  	[tilespmem:s12], [sflag:$0x2] =	stream.indirect_vreg.gather [hbm4b:s5+s3], $0x80, v4, vm0, $0xb8;
	[tilespmem:$0x16900] =	vst v63  }
0x5d: {  	s13 =	simm.s32 $0x9900;
	v3 =	vadd.s32 v1, v3  }
0x5e: {  	[tilespmem:s13], [sflag:$0x2] =	stream.indirect_vreg.gather [hbm4b:s6+s3], $0x80, v4, vm0, $0xb8;
	[tilespmem:$0x16900] =	vst v63  }
0x5f: {  	s14 =	simm.s32 $0xA100  }
0x60: {  	[tilespmem:s14], [sflag:$0x2] =	stream.indirect_vreg.gather [hbm4b:s7+s3], $0x80, v4, vm0, $0xb8;
	[tilespmem:$0x16900] =	vst v63  }
0x61: {  	s15 =	simm.s32 $0xA900  }
0x62: {  	[tilespmem:s15], [sflag:$0x2] =	stream.indirect_vreg.gather [hbm4b:s30+s3], $0x80, v3, vm0, $0xb8;
	[tilespmem:$0x16900] =	vst v63  }
0x63: {  	s16 =	simm.s32 $0xB100  }
0x64: {  	[tilespmem:s16], [sflag:$0x2] =	stream.indirect_vreg.gather [hbm4b:s5+s3], $0x80, v3, vm0, $0xb8;
	[tilespmem:$0x16900] =	vst v63  }
0x65: {  	s17 =	simm.s32 $0xB900  }
0x66: {  	[tilespmem:s17], [sflag:$0x2] =	stream.indirect_vreg.gather [hbm4b:s6+s3], $0x80, v3, vm0, $0xb8;
	[tilespmem:$0x16900] =	vst v63  }
0x67: {  	s18 =	simm.s32 $0xC100  }
0x68: {  	[tilespmem:s18], [sflag:$0x2] =	stream.indirect_vreg.gather [hbm4b:s7+s3], $0x80, v3, vm0, $0xb8;
	[tilespmem:$0x16900] =	vst v63  }
0x69: {  	v3 =	vld [tilespmem:$0x90];
	_ =	sdelay $0x4  }
0x6a: {  	v43 =	vshll.u32 v3, $0x3  }
0x6b: {  	v3 =	vand.u32 $0x7, v3;
	v4 =	vand.u32 $0xFFFFFFC0, v43  }
0x6c: {  	v3 =	vor.u32 v3, v4  }
0x6d: {  	v4 =	vperm.xlane v3, v0;
	_ =	sdelay $0x1  }
0x6e: {  	v4 =	vadd.s32 v1, v4;
	_ =	sdelay $0x3  }
0x6f: {  	s19 =	simm.s32 $0xC900  }
0x70: {  	[tilespmem:s19], [sflag:$0x2] =	stream.indirect_vreg.gather [hbm4b:s30+s3], $0x80, v4, vm0, $0xb8;
	[tilespmem:$0x16900] =	vst v63  }
0x71: {  	s20 =	simm.s32 $0xD100;
	v3 =	vperm.xlane v3, v2  }
0x72: {  	[tilespmem:s20], [sflag:$0x2] =	stream.indirect_vreg.gather [hbm4b:s5+s3], $0x80, v4, vm0, $0xb8;
	[tilespmem:$0x16900] =	vst v63  }
0x73: {  	s21 =	simm.s32 $0xD900;
	v3 =	vadd.s32 v1, v3  }
0x74: {  	[tilespmem:s21], [sflag:$0x2] =	stream.indirect_vreg.gather [hbm4b:s6+s3], $0x80, v4, vm0, $0xb8;
	[tilespmem:$0x16900] =	vst v63  }
0x75: {  	s22 =	simm.s32 $0xE100  }
0x76: {  	[tilespmem:s22], [sflag:$0x2] =	stream.indirect_vreg.gather [hbm4b:s7+s3], $0x80, v4, vm0, $0xb8;
	[tilespmem:$0x16900] =	vst v63  }
0x77: {  	s23 =	simm.s32 $0xE900  }
0x78: {  	[tilespmem:s23], [sflag:$0x2] =	stream.indirect_vreg.gather [hbm4b:s30+s3], $0x80, v3, vm0, $0xb8;
	[tilespmem:$0x16900] =	vst v63  }
0x79: {  	s24 =	simm.s32 $0xF100  }
0x7a: {  	[tilespmem:s24], [sflag:$0x2] =	stream.indirect_vreg.gather [hbm4b:s5+s3], $0x80, v3, vm0, $0xb8;
	[tilespmem:$0x16900] =	vst v63  }
0x7b: {  	s25 =	simm.s32 $0xF900  }
0x7c: {  	[tilespmem:s25], [sflag:$0x2] =	stream.indirect_vreg.gather [hbm4b:s6+s3], $0x80, v3, vm0, $0xb8;
	[tilespmem:$0x16900] =	vst v63  }
0x7d: {  	s26 =	simm.s32 $0x10100  }
0x7e: {  	[tilespmem:s26], [sflag:$0x2] =	stream.indirect_vreg.gather [hbm4b:s7+s3], $0x80, v3, vm0, $0xb8;
	[tilespmem:$0x16900] =	vst v63  }
0x7f: {  	v3 =	vld [tilespmem:$0x400];
	_ =	sdelay $0x4  }
0x80: {  	v44 =	vshll.u32 v3, $0x3  }
0x81: {  	v3 =	vand.u32 $0x7, v3;
	v4 =	vand.u32 $0xFFFFFFC0, v44  }
0x82: {  	v3 =	vor.u32 v3, v4  }
0x83: {  	v4 =	vperm.xlane v3, v0;
	_ =	sdelay $0x1  }
0x84: {  	v4 =	vadd.s32 v1, v4;
	_ =	sdelay $0x3  }
0x85: {  	s12 =	simm.s32 $0x900  }
0x86: {  	[hbm4b:s4+s3] =	stream.indirect_vreg.scatter [tilespmem:s12], [sflag:$0x3], $0x80, v4, vm0, $0xb8;
	[tilespmem:$0x16900] =	vst v63  }
0x87: {  	s26 =	simm.s32 $0x1100;
	v3 =	vperm.xlane v3, v2  }
0x88: {  	[hbm4b:s8+s3] =	stream.indirect_vreg.scatter [tilespmem:s26], [sflag:$0x3], $0x80, v4, vm0, $0xb8;
	[tilespmem:$0x16900] =	vst v63  }
0x89: {  	s28 =	simm.s32 $0x1900;
	v3 =	vadd.s32 v1, v3  }
0x8a: {  	[hbm4b:s9+s3] =	stream.indirect_vreg.scatter [tilespmem:s28], [sflag:$0x3], $0x80, v4, vm0, $0xb8;
	[tilespmem:$0x16900] =	vst v63  }
0x8b: {  	s29 =	simm.s32 $0x2100  }
0x8c: {  	[hbm4b:s10+s3] =	stream.indirect_vreg.scatter [tilespmem:s29], [sflag:$0x3], $0x80, v4, vm0, $0xb8;
	[tilespmem:$0x16900] =	vst v63  }
0x8d: {  	s17 =	simm.s32 $0x2900  }
0x8e: {  	[hbm4b:s4+s3] =	stream.indirect_vreg.scatter [tilespmem:s17], [sflag:$0x3], $0x80, v3, vm0, $0xb8;
	[tilespmem:$0x16900] =	vst v63  }
0x8f: {  	s18 =	simm.s32 $0x3100  }
0x90: {  	[hbm4b:s8+s3] =	stream.indirect_vreg.scatter [tilespmem:s18], [sflag:$0x3], $0x80, v3, vm0, $0xb8;
	[tilespmem:$0x16900] =	vst v63  }
0x91: {  	s19 =	simm.s32 $0x3900  }
0x92: {  	[hbm4b:s9+s3] =	stream.indirect_vreg.scatter [tilespmem:s19], [sflag:$0x3], $0x80, v3, vm0, $0xb8;
	[tilespmem:$0x16900] =	vst v63  }
0x93: {  	s31 =	simm.s32 $0x4100  }
0x94: {  	[hbm4b:s10+s3] =	stream.indirect_vreg.scatter [tilespmem:s31], [sflag:$0x3], $0x80, v3, vm0, $0xb8;
	[tilespmem:$0x16900] =	vst v63  }
0x95: {  	v3 =	vld [tilespmem:$0x410];
	_ =	sdelay $0x4  }
0x96: {  	v45 =	vshll.u32 v3, $0x3  }
0x97: {  	v3 =	vand.u32 $0x7, v3;
	v4 =	vand.u32 $0xFFFFFFC0, v45  }
0x98: {  	v3 =	vor.u32 v3, v4  }
0x99: {  	v4 =	vperm.xlane v3, v0;
	_ =	sdelay $0x1  }
0x9a: {  	v4 =	vadd.s32 v1, v4;
	_ =	sdelay $0x3  }
0x9b: {  	s1 =	simm.s32 $0x4900  }
0x9c: {  	[hbm4b:s4+s3] =	stream.indirect_vreg.scatter [tilespmem:s1], [sflag:$0x3], $0x80, v4, vm0, $0xb8;
	[tilespmem:$0x16900] =	vst v63  }
0x9d: {  	s11 =	simm.s32 $0x5100;
	v3 =	vperm.xlane v3, v2  }
0x9e: {  	[hbm4b:s8+s3] =	stream.indirect_vreg.scatter [tilespmem:s11], [sflag:$0x3], $0x80, v4, vm0, $0xb8;
	[tilespmem:$0x16900] =	vst v63  }
0x9f: {  	s20 =	simm.s32 $0x5900;
	v3 =	vadd.s32 v1, v3  }
0xa0: {  	[hbm4b:s9+s3] =	stream.indirect_vreg.scatter [tilespmem:s20], [sflag:$0x3], $0x80, v4, vm0, $0xb8;
	[tilespmem:$0x16900] =	vst v63  }
0xa1: {  	s21 =	simm.s32 $0x6100  }
0xa2: {  	[hbm4b:s10+s3] =	stream.indirect_vreg.scatter [tilespmem:s21], [sflag:$0x3], $0x80, v4, vm0, $0xb8;
	[tilespmem:$0x16900] =	vst v63  }
0xa3: {  	s22 =	simm.s32 $0x6900  }
0xa4: {  	[hbm4b:s4+s3] =	stream.indirect_vreg.scatter [tilespmem:s22], [sflag:$0x3], $0x80, v3, vm0, $0xb8;
	[tilespmem:$0x16900] =	vst v63  }
0xa5: {  	s23 =	simm.s32 $0x7100  }
0xa6: {  	[hbm4b:s8+s3] =	stream.indirect_vreg.scatter [tilespmem:s23], [sflag:$0x3], $0x80, v3, vm0, $0xb8;
	[tilespmem:$0x16900] =	vst v63  }
0xa7: {  	s24 =	simm.s32 $0x7900  }
0xa8: {  	[hbm4b:s9+s3] =	stream.indirect_vreg.scatter [tilespmem:s24], [sflag:$0x3], $0x80, v3, vm0, $0xb8;
	[tilespmem:$0x16900] =	vst v63  }
0xa9: {  	s15 =	simm.s32 $0x2;
	s25 =	simm.s32 $0x8100  }
0xaa: {  	[hbm4b:s10+s3] =	stream.indirect_vreg.scatter [tilespmem:s25], [sflag:$0x3], $0x80, v3, vm0, $0xb8;
	[tilespmem:$0x16900] =	vst v63  }
0xab: {  	_ =	swait.ge [sflag:s15], $0x8000  }
0xac: {  	[sflag:s15] =	ssyncset.done $0x0  }
0xad: {  	s16 =	simm.s32 $0x3;
	[sflag:s15] =	ssyncadd.s32 $0xFFFF8000  }
0xae: {  	_ =	swait.ge [sflag:s16], $0x8000  }
0xaf: {  	[sflag:s16] =	ssyncset.done $0x0  }
0xb0: {  	[sflag:s16] =	ssyncadd.s32 $0xFFFF8000  }
0xb1: {  	v3 =	vld [tilespmem:$0x100];
	_ =	sdelay $0x4  }
0xb2: {  	v46 =	vshll.u32 v3, $0x3  }
0xb3: {  	v3 =	vand.u32 $0x7, v3;
	v4 =	vand.u32 $0xFFFFFFC0, v46  }
0xb4: {  	v3 =	vor.u32 v3, v4  }
0xb5: {  	v4 =	vperm.xlane v3, v0;
	_ =	sdelay $0x1  }
0xb6: {  	v4 =	vadd.s32 v1, v4;
	_ =	sdelay $0x4  }
0xb7: {  	[tilespmem:s12], [sflag:$0x1] =	stream.indirect_vreg.gather [hbm4b:s30+s3], $0x80, v4, vm0, $0xb8;
	[tilespmem:$0x16900] =	vst v63  }
0xb8: {  	v3 =	vperm.xlane v3, v2  }
0xb9: {  	[tilespmem:s26], [sflag:$0x1] =	stream.indirect_vreg.gather [hbm4b:s5+s3], $0x80, v4, vm0, $0xb8;
	[tilespmem:$0x16900] =	vst v63  }
0xba: {  	v3 =	vadd.s32 v1, v3  }
0xbb: {  	[tilespmem:s28], [sflag:$0x1] =	stream.indirect_vreg.gather [hbm4b:s6+s3], $0x80, v4, vm0, $0xb8;
	[tilespmem:$0x16900] =	vst v63  }
0xbc: {  	_ = 	snop  }
0xbd: {  	[tilespmem:s29], [sflag:$0x1] =	stream.indirect_vreg.gather [hbm4b:s7+s3], $0x80, v4, vm0, $0xb8;
	[tilespmem:$0x16900] =	vst v63  }
0xbe: {  	_ = 	snop  }
0xbf: {  	[tilespmem:s17], [sflag:$0x1] =	stream.indirect_vreg.gather [hbm4b:s30+s3], $0x80, v3, vm0, $0xb8;
	[tilespmem:$0x16900] =	vst v63  }
0xc0: {  	_ = 	snop  }
0xc1: {  	[tilespmem:s18], [sflag:$0x1] =	stream.indirect_vreg.gather [hbm4b:s5+s3], $0x80, v3, vm0, $0xb8;
	[tilespmem:$0x16900] =	vst v63  }
0xc2: {  	_ = 	snop  }
0xc3: {  	[tilespmem:s19], [sflag:$0x1] =	stream.indirect_vreg.gather [hbm4b:s6+s3], $0x80, v3, vm0, $0xb8;
	[tilespmem:$0x16900] =	vst v63  }
0xc4: {  	_ = 	snop  }
0xc5: {  	[tilespmem:s31], [sflag:$0x1] =	stream.indirect_vreg.gather [hbm4b:s7+s3], $0x80, v3, vm0, $0xb8;
	[tilespmem:$0x16900] =	vst v63  }
0xc6: {  	v3 =	vld [tilespmem:$0x110];
	_ =	sdelay $0x4  }
0xc7: {  	v47 =	vshll.u32 v3, $0x3  }
0xc8: {  	v3 =	vand.u32 $0x7, v3;
	v4 =	vand.u32 $0xFFFFFFC0, v47  }
0xc9: {  	v3 =	vor.u32 v3, v4  }
0xca: {  	v4 =	vperm.xlane v3, v0;
	_ =	sdelay $0x1  }
0xcb: {  	v4 =	vadd.s32 v1, v4;
	_ =	sdelay $0x4  }
0xcc: {  	[tilespmem:s1], [sflag:$0x1] =	stream.indirect_vreg.gather [hbm4b:s30+s3], $0x80, v4, vm0, $0xb8;
	[tilespmem:$0x16900] =	vst v63  }
0xcd: {  	v3 =	vperm.xlane v3, v2  }
0xce: {  	[tilespmem:s11], [sflag:$0x1] =	stream.indirect_vreg.gather [hbm4b:s5+s3], $0x80, v4, vm0, $0xb8;
	[tilespmem:$0x16900] =	vst v63  }
0xcf: {  	v3 =	vadd.s32 v1, v3  }
0xd0: {  	[tilespmem:s20], [sflag:$0x1] =	stream.indirect_vreg.gather [hbm4b:s6+s3], $0x80, v4, vm0, $0xb8;
	[tilespmem:$0x16900] =	vst v63  }
0xd1: {  	_ = 	snop  }
0xd2: {  	[tilespmem:s21], [sflag:$0x1] =	stream.indirect_vreg.gather [hbm4b:s7+s3], $0x80, v4, vm0, $0xb8;
	[tilespmem:$0x16900] =	vst v63  }
0xd3: {  	_ = 	snop  }
0xd4: {  	[tilespmem:s22], [sflag:$0x1] =	stream.indirect_vreg.gather [hbm4b:s30+s3], $0x80, v3, vm0, $0xb8;
	[tilespmem:$0x16900] =	vst v63  }
0xd5: {  	_ = 	snop  }
0xd6: {  	[tilespmem:s23], [sflag:$0x1] =	stream.indirect_vreg.gather [hbm4b:s5+s3], $0x80, v3, vm0, $0xb8;
	[tilespmem:$0x16900] =	vst v63  }
0xd7: {  	_ = 	snop  }
0xd8: {  	[tilespmem:s24], [sflag:$0x1] =	stream.indirect_vreg.gather [hbm4b:s6+s3], $0x80, v3, vm0, $0xb8;
	[tilespmem:$0x16900] =	vst v63  }
0xd9: {  	_ = 	snop  }
0xda: {  	[tilespmem:s25], [sflag:$0x1] =	stream.indirect_vreg.gather [hbm4b:s7+s3], $0x80, v3, vm0, $0xb8;
	[tilespmem:$0x16900] =	vst v63  }
0xdb: {  	v3 =	vld [tilespmem:$0x480];
	_ =	sdelay $0x4  }
0xdc: {  	v48 =	vshll.u32 v3, $0x3  }
0xdd: {  	v3 =	vand.u32 $0x7, v3;
	v4 =	vand.u32 $0xFFFFFFC0, v48  }
0xde: {  	v3 =	vor.u32 v3, v4  }
0xdf: {  	v4 =	vperm.xlane v3, v0;
	_ =	sdelay $0x1  }
0xe0: {  	v4 =	vadd.s32 v1, v4;
	_ =	sdelay $0x3  }
0xe1: {  	s17 =	simm.s32 $0x8900  }
0xe2: {  	[hbm4b:s4+s3] =	stream.indirect_vreg.scatter [tilespmem:s17], [sflag:$0x4], $0x80, v4, vm0, $0xb8;
	[tilespmem:$0x16900] =	vst v63  }
0xe3: {  	s28 =	simm.s32 $0x9100;
	v3 =	vperm.xlane v3, v2  }
0xe4: {  	[hbm4b:s8+s3] =	stream.indirect_vreg.scatter [tilespmem:s28], [sflag:$0x4], $0x80, v4, vm0, $0xb8;
	[tilespmem:$0x16900] =	vst v63  }
0xe5: {  	s31 =	simm.s32 $0x9900;
	v3 =	vadd.s32 v1, v3  }
0xe6: {  	[hbm4b:s9+s3] =	stream.indirect_vreg.scatter [tilespmem:s31], [sflag:$0x4], $0x80, v4, vm0, $0xb8;
	[tilespmem:$0x16900] =	vst v63  }
0xe7: {  	s18 =	simm.s32 $0xA100  }
0xe8: {  	[hbm4b:s10+s3] =	stream.indirect_vreg.scatter [tilespmem:s18], [sflag:$0x4], $0x80, v4, vm0, $0xb8;
	[tilespmem:$0x16900] =	vst v63  }
0xe9: {  	s19 =	simm.s32 $0xA900  }
0xea: {  	[hbm4b:s4+s3] =	stream.indirect_vreg.scatter [tilespmem:s19], [sflag:$0x4], $0x80, v3, vm0, $0xb8;
	[tilespmem:$0x16900] =	vst v63  }
0xeb: {  	s20 =	simm.s32 $0xB100  }
0xec: {  	[hbm4b:s8+s3] =	stream.indirect_vreg.scatter [tilespmem:s20], [sflag:$0x4], $0x80, v3, vm0, $0xb8;
	[tilespmem:$0x16900] =	vst v63  }
0xed: {  	s21 =	simm.s32 $0xB900  }
0xee: {  	[hbm4b:s9+s3] =	stream.indirect_vreg.scatter [tilespmem:s21], [sflag:$0x4], $0x80, v3, vm0, $0xb8;
	[tilespmem:$0x16900] =	vst v63  }
0xef: {  	s29 =	simm.s32 $0xC100  }
0xf0: {  	[hbm4b:s10+s3] =	stream.indirect_vreg.scatter [tilespmem:s29], [sflag:$0x4], $0x80, v3, vm0, $0xb8;
	[tilespmem:$0x16900] =	vst v63  }
0xf1: {  	v3 =	vld [tilespmem:$0x490];
	_ =	sdelay $0x4  }
0xf2: {  	v49 =	vshll.u32 v3, $0x3  }
0xf3: {  	v3 =	vand.u32 $0x7, v3;
	v4 =	vand.u32 $0xFFFFFFC0, v49  }
0xf4: {  	v3 =	vor.u32 v3, v4  }
0xf5: {  	v4 =	vperm.xlane v3, v0;
	_ =	sdelay $0x1  }
0xf6: {  	v4 =	vadd.s32 v1, v4;
	_ =	sdelay $0x3  }
0xf7: {  	s22 =	simm.s32 $0xC900  }
0xf8: {  	[hbm4b:s4+s3] =	stream.indirect_vreg.scatter [tilespmem:s22], [sflag:$0x4], $0x80, v4, vm0, $0xb8;
	[tilespmem:$0x16900] =	vst v63  }
0xf9: {  	s23 =	simm.s32 $0xD100;
	v3 =	vperm.xlane v3, v2  }
0xfa: {  	[hbm4b:s8+s3] =	stream.indirect_vreg.scatter [tilespmem:s23], [sflag:$0x4], $0x80, v4, vm0, $0xb8;
	[tilespmem:$0x16900] =	vst v63  }
0xfb: {  	s24 =	simm.s32 $0xD900;
	v3 =	vadd.s32 v1, v3  }
0xfc: {  	[hbm4b:s9+s3] =	stream.indirect_vreg.scatter [tilespmem:s24], [sflag:$0x4], $0x80, v4, vm0, $0xb8;
	[tilespmem:$0x16900] =	vst v63  }
0xfd: {  	s25 =	simm.s32 $0xE100  }
0xfe: {  	[hbm4b:s10+s3] =	stream.indirect_vreg.scatter [tilespmem:s25], [sflag:$0x4], $0x80, v4, vm0, $0xb8;
	[tilespmem:$0x16900] =	vst v63  }
0xff: {  	s1 =	simm.s32 $0xE900  }
0x100: {  	[hbm4b:s4+s3] =	stream.indirect_vreg.scatter [tilespmem:s1], [sflag:$0x4], $0x80, v3, vm0, $0xb8;
	[tilespmem:$0x16900] =	vst v63  }
0x101: {  	s12 =	simm.s32 $0xF100  }
0x102: {  	[hbm4b:s8+s3] =	stream.indirect_vreg.scatter [tilespmem:s12], [sflag:$0x4], $0x80, v3, vm0, $0xb8;
	[tilespmem:$0x16900] =	vst v63  }
0x103: {  	s13 =	simm.s32 $0xF900  }
0x104: {  	[hbm4b:s9+s3] =	stream.indirect_vreg.scatter [tilespmem:s13], [sflag:$0x4], $0x80, v3, vm0, $0xb8;
	[tilespmem:$0x16900] =	vst v63  }
0x105: {  	s14 =	simm.s32 $0x10100;
	s15 =	simm.s32 $0x1  }
0x106: {  	[hbm4b:s10+s3] =	stream.indirect_vreg.scatter [tilespmem:s14], [sflag:$0x4], $0x80, v3, vm0, $0xb8;
	[tilespmem:$0x16900] =	vst v63  }
0x107: {  	_ =	swait.ge [sflag:s15], $0x8000  }
0x108: {  	[sflag:s15] =	ssyncset.done $0x0  }
0x109: {  	s16 =	simm.s32 $0x4;
	[sflag:s15] =	ssyncadd.s32 $0xFFFF8000  }
0x10a: {  	_ =	swait.ge [sflag:s16], $0x8000  }
0x10b: {  	[sflag:s16] =	ssyncset.done $0x0  }
0x10c: {  	[sflag:s16] =	ssyncadd.s32 $0xFFFF8000  }
0x10d: {  	v3 =	vld [tilespmem:$0x180];
	_ =	sdelay $0x4  }
0x10e: {  	v50 =	vshll.u32 v3, $0x3  }
0x10f: {  	v3 =	vand.u32 $0x7, v3;
	v4 =	vand.u32 $0xFFFFFFC0, v50  }
0x110: {  	v3 =	vor.u32 v3, v4  }
0x111: {  	v4 =	vperm.xlane v3, v0;
	_ =	sdelay $0x1  }
0x112: {  	v4 =	vadd.s32 v1, v4;
	_ =	sdelay $0x4  }
0x113: {  	[tilespmem:s17], [sflag:$0x2] =	stream.indirect_vreg.gather [hbm4b:s30+s3], $0x80, v4, vm0, $0xb8;
	[tilespmem:$0x16900] =	vst v63  }
0x114: {  	v3 =	vperm.xlane v3, v2  }
0x115: {  	[tilespmem:s28], [sflag:$0x2] =	stream.indirect_vreg.gather [hbm4b:s5+s3], $0x80, v4, vm0, $0xb8;
	[tilespmem:$0x16900] =	vst v63  }
0x116: {  	v3 =	vadd.s32 v1, v3  }
0x117: {  	[tilespmem:s31], [sflag:$0x2] =	stream.indirect_vreg.gather [hbm4b:s6+s3], $0x80, v4, vm0, $0xb8;
	[tilespmem:$0x16900] =	vst v63  }
0x118: {  	_ = 	snop  }
0x119: {  	[tilespmem:s18], [sflag:$0x2] =	stream.indirect_vreg.gather [hbm4b:s7+s3], $0x80, v4, vm0, $0xb8;
	[tilespmem:$0x16900] =	vst v63  }
0x11a: {  	_ = 	snop  }
0x11b: {  	[tilespmem:s19], [sflag:$0x2] =	stream.indirect_vreg.gather [hbm4b:s30+s3], $0x80, v3, vm0, $0xb8;
	[tilespmem:$0x16900] =	vst v63  }
0x11c: {  	_ = 	snop  }
0x11d: {  	[tilespmem:s20], [sflag:$0x2] =	stream.indirect_vreg.gather [hbm4b:s5+s3], $0x80, v3, vm0, $0xb8;
	[tilespmem:$0x16900] =	vst v63  }
0x11e: {  	_ = 	snop  }
0x11f: {  	[tilespmem:s21], [sflag:$0x2] =	stream.indirect_vreg.gather [hbm4b:s6+s3], $0x80, v3, vm0, $0xb8;
	[tilespmem:$0x16900] =	vst v63  }
0x120: {  	_ = 	snop  }
0x121: {  	[tilespmem:s29], [sflag:$0x2] =	stream.indirect_vreg.gather [hbm4b:s7+s3], $0x80, v3, vm0, $0xb8;
	[tilespmem:$0x16900] =	vst v63  }
0x122: {  	v3 =	vld [tilespmem:$0x190];
	_ =	sdelay $0x4  }
0x123: {  	v51 =	vshll.u32 v3, $0x3  }
0x124: {  	v3 =	vand.u32 $0x7, v3;
	v4 =	vand.u32 $0xFFFFFFC0, v51  }
0x125: {  	v3 =	vor.u32 v3, v4  }
0x126: {  	v4 =	vperm.xlane v3, v0;
	_ =	sdelay $0x1  }
0x127: {  	v4 =	vadd.s32 v1, v4;
	_ =	sdelay $0x4  }
0x128: {  	[tilespmem:s22], [sflag:$0x2] =	stream.indirect_vreg.gather [hbm4b:s30+s3], $0x80, v4, vm0, $0xb8;
	[tilespmem:$0x16900] =	vst v63  }
0x129: {  	v3 =	vperm.xlane v3, v2  }
0x12a: {  	[tilespmem:s23], [sflag:$0x2] =	stream.indirect_vreg.gather [hbm4b:s5+s3], $0x80, v4, vm0, $0xb8;
	[tilespmem:$0x16900] =	vst v63  }
0x12b: {  	v3 =	vadd.s32 v1, v3  }
0x12c: {  	[tilespmem:s24], [sflag:$0x2] =	stream.indirect_vreg.gather [hbm4b:s6+s3], $0x80, v4, vm0, $0xb8;
	[tilespmem:$0x16900] =	vst v63  }
0x12d: {  	_ = 	snop  }
0x12e: {  	[tilespmem:s25], [sflag:$0x2] =	stream.indirect_vreg.gather [hbm4b:s7+s3], $0x80, v4, vm0, $0xb8;
	[tilespmem:$0x16900] =	vst v63  }
0x12f: {  	_ = 	snop  }
0x130: {  	[tilespmem:s1], [sflag:$0x2] =	stream.indirect_vreg.gather [hbm4b:s30+s3], $0x80, v3, vm0, $0xb8;
	[tilespmem:$0x16900] =	vst v63  }
0x131: {  	_ = 	snop  }
0x132: {  	[tilespmem:s12], [sflag:$0x2] =	stream.indirect_vreg.gather [hbm4b:s5+s3], $0x80, v3, vm0, $0xb8;
	[tilespmem:$0x16900] =	vst v63  }
0x133: {  	_ = 	snop  }
0x134: {  	[tilespmem:s13], [sflag:$0x2] =	stream.indirect_vreg.gather [hbm4b:s6+s3], $0x80, v3, vm0, $0xb8;
	[tilespmem:$0x16900] =	vst v63  }
0x135: {  	_ = 	snop  }
0x136: {  	[tilespmem:s14], [sflag:$0x2] =	stream.indirect_vreg.gather [hbm4b:s7+s3], $0x80, v3, vm0, $0xb8;
	[tilespmem:$0x16900] =	vst v63  }
0x137: {  	v3 =	vld [tilespmem:$0x500];
	_ =	sdelay $0x4  }
0x138: {  	v52 =	vshll.u32 v3, $0x3  }
0x139: {  	v3 =	vand.u32 $0x7, v3;
	v4 =	vand.u32 $0xFFFFFFC0, v52  }
0x13a: {  	v3 =	vor.u32 v3, v4  }
0x13b: {  	v4 =	vperm.xlane v3, v0;
	_ =	sdelay $0x1  }
0x13c: {  	v4 =	vadd.s32 v1, v4;
	_ =	sdelay $0x3  }
0x13d: {  	s20 =	simm.s32 $0x900  }
0x13e: {  	[hbm4b:s4+s3] =	stream.indirect_vreg.scatter [tilespmem:s20], [sflag:$0x3], $0x80, v4, vm0, $0xb8;
	[tilespmem:$0x16900] =	vst v63  }
0x13f: {  	s21 =	simm.s32 $0x1100;
	v3 =	vperm.xlane v3, v2  }
0x140: {  	[hbm4b:s8+s3] =	stream.indirect_vreg.scatter [tilespmem:s21], [sflag:$0x3], $0x80, v4, vm0, $0xb8;
	[tilespmem:$0x16900] =	vst v63  }
0x141: {  	s22 =	simm.s32 $0x1900;
	v3 =	vadd.s32 v1, v3  }
0x142: {  	[hbm4b:s9+s3] =	stream.indirect_vreg.scatter [tilespmem:s22], [sflag:$0x3], $0x80, v4, vm0, $0xb8;
	[tilespmem:$0x16900] =	vst v63  }
0x143: {  	s23 =	simm.s32 $0x2100  }
0x144: {  	[hbm4b:s10+s3] =	stream.indirect_vreg.scatter [tilespmem:s23], [sflag:$0x3], $0x80, v4, vm0, $0xb8;
	[tilespmem:$0x16900] =	vst v63  }
0x145: {  	s1 =	simm.s32 $0x2900  }
0x146: {  	[hbm4b:s4+s3] =	stream.indirect_vreg.scatter [tilespmem:s1], [sflag:$0x3], $0x80, v3, vm0, $0xb8;
	[tilespmem:$0x16900] =	vst v63  }
0x147: {  	s25 =	simm.s32 $0x3100  }
0x148: {  	[hbm4b:s8+s3] =	stream.indirect_vreg.scatter [tilespmem:s25], [sflag:$0x3], $0x80, v3, vm0, $0xb8;
	[tilespmem:$0x16900] =	vst v63  }
0x149: {  	s0 =	simm.s32 $0x3900  }
0x14a: {  	[hbm4b:s9+s3] =	stream.indirect_vreg.scatter [tilespmem:s0], [sflag:$0x3], $0x80, v3, vm0, $0xb8;
	[tilespmem:$0x16900] =	vst v63  }
0x14b: {  	s16 =	simm.s32 $0x4100  }
0x14c: {  	[hbm4b:s10+s3] =	stream.indirect_vreg.scatter [tilespmem:s16], [sflag:$0x3], $0x80, v3, vm0, $0xb8;
	[tilespmem:$0x16900] =	vst v63  }
0x14d: {  	v3 =	vld [tilespmem:$0x510];
	_ =	sdelay $0x4  }
0x14e: {  	v53 =	vshll.u32 v3, $0x3  }
0x14f: {  	v3 =	vand.u32 $0x7, v3;
	v4 =	vand.u32 $0xFFFFFFC0, v53  }
0x150: {  	v3 =	vor.u32 v3, v4  }
0x151: {  	v4 =	vperm.xlane v3, v0;
	_ =	sdelay $0x1  }
0x152: {  	v4 =	vadd.s32 v1, v4;
	_ =	sdelay $0x3  }
0x153: {  	s18 =	simm.s32 $0x4900  }
0x154: {  	[hbm4b:s4+s3] =	stream.indirect_vreg.scatter [tilespmem:s18], [sflag:$0x3], $0x80, v4, vm0, $0xb8;
	[tilespmem:$0x16900] =	vst v63  }
0x155: {  	s19 =	simm.s32 $0x5100;
	v3 =	vperm.xlane v3, v2  }
0x156: {  	[hbm4b:s8+s3] =	stream.indirect_vreg.scatter [tilespmem:s19], [sflag:$0x3], $0x80, v4, vm0, $0xb8;
	[tilespmem:$0x16900] =	vst v63  }
0x157: {  	s2 =	simm.s32 $0x5900;
	v3 =	vadd.s32 v1, v3  }
0x158: {  	[hbm4b:s9+s3] =	stream.indirect_vreg.scatter [tilespmem:s2], [sflag:$0x3], $0x80, v4, vm0, $0xb8;
	[tilespmem:$0x16900] =	vst v63  }
0x159: {  	s11 =	simm.s32 $0x6100  }
0x15a: {  	[hbm4b:s10+s3] =	stream.indirect_vreg.scatter [tilespmem:s11], [sflag:$0x3], $0x80, v4, vm0, $0xb8;
	[tilespmem:$0x16900] =	vst v63  }
0x15b: {  	s12 =	simm.s32 $0x6900  }
0x15c: {  	[hbm4b:s4+s3] =	stream.indirect_vreg.scatter [tilespmem:s12], [sflag:$0x3], $0x80, v3, vm0, $0xb8;
	[tilespmem:$0x16900] =	vst v63  }
0x15d: {  	s13 =	simm.s32 $0x7100  }
0x15e: {  	[hbm4b:s8+s3] =	stream.indirect_vreg.scatter [tilespmem:s13], [sflag:$0x3], $0x80, v3, vm0, $0xb8;
	[tilespmem:$0x16900] =	vst v63  }
0x15f: {  	s14 =	simm.s32 $0x7900  }
0x160: {  	[hbm4b:s9+s3] =	stream.indirect_vreg.scatter [tilespmem:s14], [sflag:$0x3], $0x80, v3, vm0, $0xb8;
	[tilespmem:$0x16900] =	vst v63  }
0x161: {  	s15 =	simm.s32 $0x8100;
	s24 =	simm.s32 $0x2  }
0x162: {  	[hbm4b:s10+s3] =	stream.indirect_vreg.scatter [tilespmem:s15], [sflag:$0x3], $0x80, v3, vm0, $0xb8;
	[tilespmem:$0x16900] =	vst v63  }
0x163: {  	_ =	swait.ge [sflag:s24], $0x8000  }
0x164: {  	[sflag:s24] =	ssyncset.done $0x0  }
0x165: {  	s26 =	simm.s32 $0x3;
	[sflag:s24] =	ssyncadd.s32 $0xFFFF8000  }
0x166: {  	_ =	swait.ge [sflag:s26], $0x8000  }
0x167: {  	[sflag:s26] =	ssyncset.done $0x0  }
0x168: {  	[sflag:s26] =	ssyncadd.s32 $0xFFFF8000  }
0x169: {  	v3 =	vld [tilespmem:$0x200];
	_ =	sdelay $0x4  }
0x16a: {  	v54 =	vshll.u32 v3, $0x3  }
0x16b: {  	v3 =	vand.u32 $0x7, v3;
	v4 =	vand.u32 $0xFFFFFFC0, v54  }
0x16c: {  	v3 =	vor.u32 v3, v4  }
0x16d: {  	v4 =	vperm.xlane v3, v0;
	_ =	sdelay $0x1  }
0x16e: {  	v4 =	vadd.s32 v1, v4;
	_ =	sdelay $0x4  }
0x16f: {  	[tilespmem:s20], [sflag:$0x1] =	stream.indirect_vreg.gather [hbm4b:s30+s3], $0x80, v4, vm0, $0xb8;
	[tilespmem:$0x16900] =	vst v63  }
0x170: {  	v3 =	vperm.xlane v3, v2  }
0x171: {  	[tilespmem:s21], [sflag:$0x1] =	stream.indirect_vreg.gather [hbm4b:s5+s3], $0x80, v4, vm0, $0xb8;
	[tilespmem:$0x16900] =	vst v63  }
0x172: {  	v3 =	vadd.s32 v1, v3  }
0x173: {  	[tilespmem:s22], [sflag:$0x1] =	stream.indirect_vreg.gather [hbm4b:s6+s3], $0x80, v4, vm0, $0xb8;
	[tilespmem:$0x16900] =	vst v63  }
0x174: {  	_ = 	snop  }
0x175: {  	[tilespmem:s23], [sflag:$0x1] =	stream.indirect_vreg.gather [hbm4b:s7+s3], $0x80, v4, vm0, $0xb8;
	[tilespmem:$0x16900] =	vst v63  }
0x176: {  	_ = 	snop  }
0x177: {  	[tilespmem:s1], [sflag:$0x1] =	stream.indirect_vreg.gather [hbm4b:s30+s3], $0x80, v3, vm0, $0xb8;
	[tilespmem:$0x16900] =	vst v63  }
0x178: {  	_ = 	snop  }
0x179: {  	[tilespmem:s25], [sflag:$0x1] =	stream.indirect_vreg.gather [hbm4b:s5+s3], $0x80, v3, vm0, $0xb8;
	[tilespmem:$0x16900] =	vst v63  }
0x17a: {  	_ = 	snop  }
0x17b: {  	[tilespmem:s0], [sflag:$0x1] =	stream.indirect_vreg.gather [hbm4b:s6+s3], $0x80, v3, vm0, $0xb8;
	[tilespmem:$0x16900] =	vst v63  }
0x17c: {  	_ = 	snop  }
0x17d: {  	[tilespmem:s16], [sflag:$0x1] =	stream.indirect_vreg.gather [hbm4b:s7+s3], $0x80, v3, vm0, $0xb8;
	[tilespmem:$0x16900] =	vst v63  }
0x17e: {  	v3 =	vld [tilespmem:$0x210];
	_ =	sdelay $0x4  }
0x17f: {  	v55 =	vshll.u32 v3, $0x3  }
0x180: {  	v3 =	vand.u32 $0x7, v3;
	v4 =	vand.u32 $0xFFFFFFC0, v55  }
0x181: {  	v3 =	vor.u32 v3, v4  }
0x182: {  	v4 =	vperm.xlane v3, v0;
	_ =	sdelay $0x1  }
0x183: {  	v4 =	vadd.s32 v1, v4;
	_ =	sdelay $0x4  }
0x184: {  	[tilespmem:s18], [sflag:$0x1] =	stream.indirect_vreg.gather [hbm4b:s30+s3], $0x80, v4, vm0, $0xb8;
	[tilespmem:$0x16900] =	vst v63  }
0x185: {  	v3 =	vperm.xlane v3, v2  }
0x186: {  	[tilespmem:s19], [sflag:$0x1] =	stream.indirect_vreg.gather [hbm4b:s5+s3], $0x80, v4, vm0, $0xb8;
	[tilespmem:$0x16900] =	vst v63  }
0x187: {  	v3 =	vadd.s32 v1, v3  }
0x188: {  	[tilespmem:s2], [sflag:$0x1] =	stream.indirect_vreg.gather [hbm4b:s6+s3], $0x80, v4, vm0, $0xb8;
	[tilespmem:$0x16900] =	vst v63  }
0x189: {  	_ = 	snop  }
0x18a: {  	[tilespmem:s11], [sflag:$0x1] =	stream.indirect_vreg.gather [hbm4b:s7+s3], $0x80, v4, vm0, $0xb8;
	[tilespmem:$0x16900] =	vst v63  }
0x18b: {  	_ = 	snop  }
0x18c: {  	[tilespmem:s12], [sflag:$0x1] =	stream.indirect_vreg.gather [hbm4b:s30+s3], $0x80, v3, vm0, $0xb8;
	[tilespmem:$0x16900] =	vst v63  }
0x18d: {  	_ = 	snop  }
0x18e: {  	[tilespmem:s13], [sflag:$0x1] =	stream.indirect_vreg.gather [hbm4b:s5+s3], $0x80, v3, vm0, $0xb8;
	[tilespmem:$0x16900] =	vst v63  }
0x18f: {  	_ = 	snop  }
0x190: {  	[tilespmem:s14], [sflag:$0x1] =	stream.indirect_vreg.gather [hbm4b:s6+s3], $0x80, v3, vm0, $0xb8;
	[tilespmem:$0x16900] =	vst v63  }
0x191: {  	_ = 	snop  }
0x192: {  	[tilespmem:s15], [sflag:$0x1] =	stream.indirect_vreg.gather [hbm4b:s7+s3], $0x80, v3, vm0, $0xb8;
	[tilespmem:$0x16900] =	vst v63  }
0x193: {  	v3 =	vld [tilespmem:$0x580];
	_ =	sdelay $0x4  }
0x194: {  	v56 =	vshll.u32 v3, $0x3  }
0x195: {  	v3 =	vand.u32 $0x7, v3;
	v4 =	vand.u32 $0xFFFFFFC0, v56  }
0x196: {  	v3 =	vor.u32 v3, v4  }
0x197: {  	v4 =	vperm.xlane v3, v0;
	_ =	sdelay $0x1  }
0x198: {  	v4 =	vadd.s32 v1, v4;
	_ =	sdelay $0x3  }
0x199: {  	s16 =	simm.s32 $0x8900  }
0x19a: {  	[hbm4b:s4+s3] =	stream.indirect_vreg.scatter [tilespmem:s16], [sflag:$0x4], $0x80, v4, vm0, $0xb8;
	[tilespmem:$0x16900] =	vst v63  }
0x19b: {  	s18 =	simm.s32 $0x9100;
	v3 =	vperm.xlane v3, v2  }
0x19c: {  	[hbm4b:s8+s3] =	stream.indirect_vreg.scatter [tilespmem:s18], [sflag:$0x4], $0x80, v4, vm0, $0xb8;
	[tilespmem:$0x16900] =	vst v63  }
0x19d: {  	s19 =	simm.s32 $0x9900;
	v3 =	vadd.s32 v1, v3  }
0x19e: {  	[hbm4b:s9+s3] =	stream.indirect_vreg.scatter [tilespmem:s19], [sflag:$0x4], $0x80, v4, vm0, $0xb8;
	[tilespmem:$0x16900] =	vst v63  }
0x19f: {  	s31 =	simm.s32 $0xA100  }
0x1a0: {  	[hbm4b:s10+s3] =	stream.indirect_vreg.scatter [tilespmem:s31], [sflag:$0x4], $0x80, v4, vm0, $0xb8;
	[tilespmem:$0x16900] =	vst v63  }
0x1a1: {  	s23 =	simm.s32 $0xA900  }
0x1a2: {  	[hbm4b:s4+s3] =	stream.indirect_vreg.scatter [tilespmem:s23], [sflag:$0x4], $0x80, v3, vm0, $0xb8;
	[tilespmem:$0x16900] =	vst v63  }
0x1a3: {  	s0 =	simm.s32 $0xB100  }
0x1a4: {  	[hbm4b:s8+s3] =	stream.indirect_vreg.scatter [tilespmem:s0], [sflag:$0x4], $0x80, v3, vm0, $0xb8;
	[tilespmem:$0x16900] =	vst v63  }
0x1a5: {  	s1 =	simm.s32 $0xB900  }
0x1a6: {  	[hbm4b:s9+s3] =	stream.indirect_vreg.scatter [tilespmem:s1], [sflag:$0x4], $0x80, v3, vm0, $0xb8;
	[tilespmem:$0x16900] =	vst v63  }
0x1a7: {  	s28 =	simm.s32 $0xC100  }
0x1a8: {  	[hbm4b:s10+s3] =	stream.indirect_vreg.scatter [tilespmem:s28], [sflag:$0x4], $0x80, v3, vm0, $0xb8;
	[tilespmem:$0x16900] =	vst v63  }
0x1a9: {  	v3 =	vld [tilespmem:$0x590];
	_ =	sdelay $0x4  }
0x1aa: {  	v57 =	vshll.u32 v3, $0x3  }
0x1ab: {  	v3 =	vand.u32 $0x7, v3;
	v4 =	vand.u32 $0xFFFFFFC0, v57  }
0x1ac: {  	v3 =	vor.u32 v3, v4  }
0x1ad: {  	v4 =	vperm.xlane v3, v0;
	_ =	sdelay $0x1  }
0x1ae: {  	v4 =	vadd.s32 v1, v4;
	_ =	sdelay $0x3  }
0x1af: {  	s29 =	simm.s32 $0xC900  }
0x1b0: {  	[hbm4b:s4+s3] =	stream.indirect_vreg.scatter [tilespmem:s29], [sflag:$0x4], $0x80, v4, vm0, $0xb8;
	[tilespmem:$0x16900] =	vst v63  }
0x1b1: {  	s17 =	simm.s32 $0xD100;
	v3 =	vperm.xlane v3, v2  }
0x1b2: {  	[hbm4b:s8+s3] =	stream.indirect_vreg.scatter [tilespmem:s17], [sflag:$0x4], $0x80, v4, vm0, $0xb8;
	[tilespmem:$0x16900] =	vst v63  }
0x1b3: {  	s2 =	simm.s32 $0xD900;
	v3 =	vadd.s32 v1, v3  }
0x1b4: {  	[hbm4b:s9+s3] =	stream.indirect_vreg.scatter [tilespmem:s2], [sflag:$0x4], $0x80, v4, vm0, $0xb8;
	[tilespmem:$0x16900] =	vst v63  }
0x1b5: {  	s11 =	simm.s32 $0xE100  }
0x1b6: {  	[hbm4b:s10+s3] =	stream.indirect_vreg.scatter [tilespmem:s11], [sflag:$0x4], $0x80, v4, vm0, $0xb8;
	[tilespmem:$0x16900] =	vst v63  }
0x1b7: {  	s12 =	simm.s32 $0xE900  }
0x1b8: {  	[hbm4b:s4+s3] =	stream.indirect_vreg.scatter [tilespmem:s12], [sflag:$0x4], $0x80, v3, vm0, $0xb8;
	[tilespmem:$0x16900] =	vst v63  }
0x1b9: {  	s13 =	simm.s32 $0xF100  }
0x1ba: {  	[hbm4b:s8+s3] =	stream.indirect_vreg.scatter [tilespmem:s13], [sflag:$0x4], $0x80, v3, vm0, $0xb8;
	[tilespmem:$0x16900] =	vst v63  }
0x1bb: {  	s14 =	simm.s32 $0xF900  }
0x1bc: {  	[hbm4b:s9+s3] =	stream.indirect_vreg.scatter [tilespmem:s14], [sflag:$0x4], $0x80, v3, vm0, $0xb8;
	[tilespmem:$0x16900] =	vst v63  }
0x1bd: {  	s20 =	simm.s32 $0x10100;
	s21 =	simm.s32 $0x1  }
0x1be: {  	[hbm4b:s10+s3] =	stream.indirect_vreg.scatter [tilespmem:s20], [sflag:$0x4], $0x80, v3, vm0, $0xb8;
	[tilespmem:$0x16900] =	vst v63  }
0x1bf: {  	_ =	swait.ge [sflag:s21], $0x8000  }
0x1c0: {  	[sflag:s21] =	ssyncset.done $0x0  }
0x1c1: {  	[sflag:s21] =	ssyncadd.s32 $0xFFFF8000;
	s21 =	simm.s32 $0x4  }
0x1c2: {  	_ =	swait.ge [sflag:s21], $0x8000  }
0x1c3: {  	[sflag:s21] =	ssyncset.done $0x0  }
0x1c4: {  	[sflag:s21] =	ssyncadd.s32 $0xFFFF8000  }
0x1c5: {  	v3 =	vld [tilespmem:$0x280];
	_ =	sdelay $0x4  }
0x1c6: {  	v58 =	vshll.u32 v3, $0x3  }
0x1c7: {  	v3 =	vand.u32 $0x7, v3;
	v4 =	vand.u32 $0xFFFFFFC0, v58  }
0x1c8: {  	v3 =	vor.u32 v3, v4  }
0x1c9: {  	v4 =	vperm.xlane v3, v0;
	_ =	sdelay $0x1  }
0x1ca: {  	v4 =	vadd.s32 v1, v4;
	_ =	sdelay $0x4  }
0x1cb: {  	[tilespmem:s16], [sflag:$0x2] =	stream.indirect_vreg.gather [hbm4b:s30+s3], $0x80, v4, vm0, $0xb8;
	[tilespmem:$0x16900] =	vst v63  }
0x1cc: {  	v3 =	vperm.xlane v3, v2  }
0x1cd: {  	[tilespmem:s18], [sflag:$0x2] =	stream.indirect_vreg.gather [hbm4b:s5+s3], $0x80, v4, vm0, $0xb8;
	[tilespmem:$0x16900] =	vst v63  }
0x1ce: {  	v3 =	vadd.s32 v1, v3  }
0x1cf: {  	[tilespmem:s19], [sflag:$0x2] =	stream.indirect_vreg.gather [hbm4b:s6+s3], $0x80, v4, vm0, $0xb8;
	[tilespmem:$0x16900] =	vst v63  }
0x1d0: {  	_ = 	snop  }
0x1d1: {  	[tilespmem:s31], [sflag:$0x2] =	stream.indirect_vreg.gather [hbm4b:s7+s3], $0x80, v4, vm0, $0xb8;
	[tilespmem:$0x16900] =	vst v63  }
0x1d2: {  	_ = 	snop  }
0x1d3: {  	[tilespmem:s23], [sflag:$0x2] =	stream.indirect_vreg.gather [hbm4b:s30+s3], $0x80, v3, vm0, $0xb8;
	[tilespmem:$0x16900] =	vst v63  }
0x1d4: {  	_ = 	snop  }
0x1d5: {  	[tilespmem:s0], [sflag:$0x2] =	stream.indirect_vreg.gather [hbm4b:s5+s3], $0x80, v3, vm0, $0xb8;
	[tilespmem:$0x16900] =	vst v63  }
0x1d6: {  	_ = 	snop  }
0x1d7: {  	[tilespmem:s1], [sflag:$0x2] =	stream.indirect_vreg.gather [hbm4b:s6+s3], $0x80, v3, vm0, $0xb8;
	[tilespmem:$0x16900] =	vst v63  }
0x1d8: {  	_ = 	snop  }
0x1d9: {  	[tilespmem:s28], [sflag:$0x2] =	stream.indirect_vreg.gather [hbm4b:s7+s3], $0x80, v3, vm0, $0xb8;
	[tilespmem:$0x16900] =	vst v63  }
0x1da: {  	v3 =	vld [tilespmem:$0x290];
	_ =	sdelay $0x4  }
0x1db: {  	v59 =	vshll.u32 v3, $0x3  }
0x1dc: {  	v3 =	vand.u32 $0x7, v3;
	v4 =	vand.u32 $0xFFFFFFC0, v59  }
0x1dd: {  	v3 =	vor.u32 v3, v4  }
0x1de: {  	v4 =	vperm.xlane v3, v0;
	_ =	sdelay $0x1  }
0x1df: {  	v4 =	vadd.s32 v1, v4;
	_ =	sdelay $0x4  }
0x1e0: {  	[tilespmem:s29], [sflag:$0x2] =	stream.indirect_vreg.gather [hbm4b:s30+s3], $0x80, v4, vm0, $0xb8;
	[tilespmem:$0x16900] =	vst v63  }
0x1e1: {  	v3 =	vperm.xlane v3, v2  }
0x1e2: {  	[tilespmem:s17], [sflag:$0x2] =	stream.indirect_vreg.gather [hbm4b:s5+s3], $0x80, v4, vm0, $0xb8;
	[tilespmem:$0x16900] =	vst v63  }
0x1e3: {  	v3 =	vadd.s32 v1, v3  }
0x1e4: {  	[tilespmem:s2], [sflag:$0x2] =	stream.indirect_vreg.gather [hbm4b:s6+s3], $0x80, v4, vm0, $0xb8;
	[tilespmem:$0x16900] =	vst v63  }
0x1e5: {  	_ = 	snop  }
0x1e6: {  	[tilespmem:s11], [sflag:$0x2] =	stream.indirect_vreg.gather [hbm4b:s7+s3], $0x80, v4, vm0, $0xb8;
	[tilespmem:$0x16900] =	vst v63  }
0x1e7: {  	_ = 	snop  }
0x1e8: {  	[tilespmem:s12], [sflag:$0x2] =	stream.indirect_vreg.gather [hbm4b:s30+s3], $0x80, v3, vm0, $0xb8;
	[tilespmem:$0x16900] =	vst v63  }
0x1e9: {  	_ = 	snop  }
0x1ea: {  	[tilespmem:s13], [sflag:$0x2] =	stream.indirect_vreg.gather [hbm4b:s5+s3], $0x80, v3, vm0, $0xb8;
	[tilespmem:$0x16900] =	vst v63  }
0x1eb: {  	_ = 	snop  }
0x1ec: {  	[tilespmem:s14], [sflag:$0x2] =	stream.indirect_vreg.gather [hbm4b:s6+s3], $0x80, v3, vm0, $0xb8;
	[tilespmem:$0x16900] =	vst v63  }
0x1ed: {  	_ = 	snop  }
0x1ee: {  	[tilespmem:s20], [sflag:$0x2] =	stream.indirect_vreg.gather [hbm4b:s7+s3], $0x80, v3, vm0, $0xb8;
	[tilespmem:$0x16900] =	vst v63  }
0x1ef: {  	v3 =	vld [tilespmem:$0x600];
	_ =	sdelay $0x4  }
0x1f0: {  	v60 =	vshll.u32 v3, $0x3  }
0x1f1: {  	v3 =	vand.u32 $0x7, v3;
	v4 =	vand.u32 $0xFFFFFFC0, v60  }
0x1f2: {  	v3 =	vor.u32 v3, v4  }
0x1f3: {  	v4 =	vperm.xlane v3, v0;
	_ =	sdelay $0x1  }
0x1f4: {  	v4 =	vadd.s32 v1, v4;
	_ =	sdelay $0x3  }
0x1f5: {  	s21 =	simm.s32 $0x900  }
0x1f6: {  	[hbm4b:s4+s3] =	stream.indirect_vreg.scatter [tilespmem:s21], [sflag:$0x3], $0x80, v4, vm0, $0xb8;
	[tilespmem:$0x16900] =	vst v63  }
0x1f7: {  	v3 =	vperm.xlane v3, v2;
	s21 =	simm.s32 $0x1100  }
0x1f8: {  	[hbm4b:s8+s3] =	stream.indirect_vreg.scatter [tilespmem:s21], [sflag:$0x3], $0x80, v4, vm0, $0xb8;
	[tilespmem:$0x16900] =	vst v63  }
0x1f9: {  	v3 =	vadd.s32 v1, v3;
	s21 =	simm.s32 $0x1900  }
0x1fa: {  	[hbm4b:s9+s3] =	stream.indirect_vreg.scatter [tilespmem:s21], [sflag:$0x3], $0x80, v4, vm0, $0xb8;
	[tilespmem:$0x16900] =	vst v63  }
0x1fb: {  	s22 =	simm.s32 $0x2100  }
0x1fc: {  	[hbm4b:s10+s3] =	stream.indirect_vreg.scatter [tilespmem:s22], [sflag:$0x3], $0x80, v4, vm0, $0xb8;
	[tilespmem:$0x16900] =	vst v63  }
0x1fd: {  	s22 =	simm.s32 $0x2900  }
0x1fe: {  	[hbm4b:s4+s3] =	stream.indirect_vreg.scatter [tilespmem:s22], [sflag:$0x3], $0x80, v3, vm0, $0xb8;
	[tilespmem:$0x16900] =	vst v63  }
0x1ff: {  	s25 =	simm.s32 $0x3100  }
0x200: {  	[hbm4b:s8+s3] =	stream.indirect_vreg.scatter [tilespmem:s25], [sflag:$0x3], $0x80, v3, vm0, $0xb8;
	[tilespmem:$0x16900] =	vst v63  }
0x201: {  	s22 =	simm.s32 $0x3900  }
0x202: {  	[hbm4b:s9+s3] =	stream.indirect_vreg.scatter [tilespmem:s22], [sflag:$0x3], $0x80, v3, vm0, $0xb8;
	[tilespmem:$0x16900] =	vst v63  }
0x203: {  	s25 =	simm.s32 $0x4100  }
0x204: {  	[hbm4b:s10+s3] =	stream.indirect_vreg.scatter [tilespmem:s25], [sflag:$0x3], $0x80, v3, vm0, $0xb8;
	[tilespmem:$0x16900] =	vst v63  }
0x205: {  	v3 =	vld [tilespmem:$0x610];
	_ =	sdelay $0x4  }
0x206: {  	v61 =	vshll.u32 v3, $0x3  }
0x207: {  	v3 =	vand.u32 $0x7, v3;
	v4 =	vand.u32 $0xFFFFFFC0, v61  }
0x208: {  	v3 =	vor.u32 v3, v4  }
0x209: {  	v4 =	vperm.xlane v3, v0;
	_ =	sdelay $0x1  }
0x20a: {  	v4 =	vadd.s32 v1, v4;
	_ =	sdelay $0x3  }
0x20b: {  	s22 =	simm.s32 $0x4900  }
0x20c: {  	[hbm4b:s4+s3] =	stream.indirect_vreg.scatter [tilespmem:s22], [sflag:$0x3], $0x80, v4, vm0, $0xb8;
	[tilespmem:$0x16900] =	vst v63  }
0x20d: {  	s25 =	simm.s32 $0x5100;
	v3 =	vperm.xlane v3, v2  }
0x20e: {  	[hbm4b:s8+s3] =	stream.indirect_vreg.scatter [tilespmem:s25], [sflag:$0x3], $0x80, v4, vm0, $0xb8;
	[tilespmem:$0x16900] =	vst v63  }
0x20f: {  	v3 =	vadd.s32 v1, v3;
	s22 =	simm.s32 $0x5900  }
0x210: {  	[hbm4b:s9+s3] =	stream.indirect_vreg.scatter [tilespmem:s22], [sflag:$0x3], $0x80, v4, vm0, $0xb8;
	[tilespmem:$0x16900] =	vst v63  }
0x211: {  	s25 =	simm.s32 $0x6100  }
0x212: {  	[hbm4b:s10+s3] =	stream.indirect_vreg.scatter [tilespmem:s25], [sflag:$0x3], $0x80, v4, vm0, $0xb8;
	[tilespmem:$0x16900] =	vst v63  }
0x213: {  	s22 =	simm.s32 $0x6900  }
0x214: {  	[hbm4b:s4+s3] =	stream.indirect_vreg.scatter [tilespmem:s22], [sflag:$0x3], $0x80, v3, vm0, $0xb8;
	[tilespmem:$0x16900] =	vst v63  }
0x215: {  	s25 =	simm.s32 $0x7100  }
0x216: {  	[hbm4b:s8+s3] =	stream.indirect_vreg.scatter [tilespmem:s25], [sflag:$0x3], $0x80, v3, vm0, $0xb8;
	[tilespmem:$0x16900] =	vst v63  }
0x217: {  	s22 =	simm.s32 $0x7900  }
0x218: {  	[hbm4b:s9+s3] =	stream.indirect_vreg.scatter [tilespmem:s22], [sflag:$0x3], $0x80, v3, vm0, $0xb8;
	[tilespmem:$0x16900] =	vst v63  }
0x219: {  	s24 =	simm.s32 $0x2;
	s25 =	simm.s32 $0x8100  }
0x21a: {  	[hbm4b:s10+s3] =	stream.indirect_vreg.scatter [tilespmem:s25], [sflag:$0x3], $0x80, v3, vm0, $0xb8;
	[tilespmem:$0x16900] =	vst v63  }
0x21b: {  	_ =	swait.ge [sflag:s24], $0x8000  }
0x21c: {  	[sflag:s24] =	ssyncset.done $0x0  }
0x21d: {  	[sflag:s24] =	ssyncadd.s32 $0xFFFF8000  }
0x21e: {  	v3 =	vld [tilespmem:$0x680];
	_ =	sdelay $0x4  }
0x21f: {  	v62 =	vshll.u32 v3, $0x3  }
0x220: {  	v3 =	vand.u32 $0x7, v3;
	v4 =	vand.u32 $0xFFFFFFC0, v62  }
0x221: {  	v3 =	vor.u32 v3, v4  }
0x222: {  	v4 =	vperm.xlane v3, v0;
	_ =	sdelay $0x1  }
0x223: {  	v4 =	vadd.s32 v1, v4;
	_ =	sdelay $0x3  }
0x224: {  	s16 =	simm.s32 $0x8900  }
0x225: {  	[hbm4b:s4+s3] =	stream.indirect_vreg.scatter [tilespmem:s16], [sflag:$0x4], $0x80, v4, vm0, $0xb8;
	[tilespmem:$0x16900] =	vst v63  }
0x226: {  	s18 =	simm.s32 $0x9100;
	v3 =	vperm.xlane v3, v2  }
0x227: {  	[hbm4b:s8+s3] =	stream.indirect_vreg.scatter [tilespmem:s18], [sflag:$0x4], $0x80, v4, vm0, $0xb8;
	[tilespmem:$0x16900] =	vst v63  }
0x228: {  	s19 =	simm.s32 $0x9900;
	v3 =	vadd.s32 v1, v3  }
0x229: {  	[hbm4b:s9+s3] =	stream.indirect_vreg.scatter [tilespmem:s19], [sflag:$0x4], $0x80, v4, vm0, $0xb8;
	[tilespmem:$0x16900] =	vst v63  }
0x22a: {  	_ = 	snop  }
0x22b: {  	[hbm4b:s10+s3] =	stream.indirect_vreg.scatter [tilespmem:s31], [sflag:$0x4], $0x80, v4, vm0, $0xb8;
	[tilespmem:$0x16900] =	vst v63  }
0x22c: {  	s23 =	simm.s32 $0xA900  }
0x22d: {  	[hbm4b:s4+s3] =	stream.indirect_vreg.scatter [tilespmem:s23], [sflag:$0x4], $0x80, v3, vm0, $0xb8;
	[tilespmem:$0x16900] =	vst v63  }
0x22e: {  	s0 =	simm.s32 $0xB100  }
0x22f: {  	[hbm4b:s8+s3] =	stream.indirect_vreg.scatter [tilespmem:s0], [sflag:$0x4], $0x80, v3, vm0, $0xb8;
	[tilespmem:$0x16900] =	vst v63  }
0x230: {  	s1 =	simm.s32 $0xB900  }
0x231: {  	[hbm4b:s9+s3] =	stream.indirect_vreg.scatter [tilespmem:s1], [sflag:$0x4], $0x80, v3, vm0, $0xb8;
	[tilespmem:$0x16900] =	vst v63  }
0x232: {  	_ = 	snop  }
0x233: {  	[hbm4b:s10+s3] =	stream.indirect_vreg.scatter [tilespmem:s28], [sflag:$0x4], $0x80, v3, vm0, $0xb8;
	[tilespmem:$0x16900] =	vst v63  }
0x234: {  	v3 =	vld [tilespmem:$0x690];
	_ =	sdelay $0x4  }
0x235: {  	v63 =	vshll.u32 v3, $0x3  }
0x236: {  	v3 =	vand.u32 $0x7, v3;
	v4 =	vand.u32 $0xFFFFFFC0, v63  }
0x237: {  	v3 =	vor.u32 v3, v4  }
0x238: {  	v4 =	vperm.xlane v3, v0;
	_ =	sdelay $0x1  }
0x239: {  	v4 =	vadd.s32 v1, v4;
	_ =	sdelay $0x4  }
0x23a: {  	[hbm4b:s4+s3] =	stream.indirect_vreg.scatter [tilespmem:s29], [sflag:$0x4], $0x80, v4, vm0, $0xb8;
	[tilespmem:$0x16900] =	vst v63  }
0x23b: {  	s17 =	simm.s32 $0xD100;
	v3 =	vperm.xlane v3, v2  }
0x23c: {  	[hbm4b:s8+s3] =	stream.indirect_vreg.scatter [tilespmem:s17], [sflag:$0x4], $0x80, v4, vm0, $0xb8;
	[tilespmem:$0x16900] =	vst v63  }
0x23d: {  	s2 =	simm.s32 $0xD900;
	v3 =	vadd.s32 v1, v3  }
0x23e: {  	[hbm4b:s9+s3] =	stream.indirect_vreg.scatter [tilespmem:s2], [sflag:$0x4], $0x80, v4, vm0, $0xb8;
	[tilespmem:$0x16900] =	vst v63  }
0x23f: {  	s11 =	simm.s32 $0xE100  }
0x240: {  	[hbm4b:s10+s3] =	stream.indirect_vreg.scatter [tilespmem:s11], [sflag:$0x4], $0x80, v4, vm0, $0xb8;
	[tilespmem:$0x16900] =	vst v63  }
0x241: {  	s12 =	simm.s32 $0xE900  }
0x242: {  	[hbm4b:s4+s3] =	stream.indirect_vreg.scatter [tilespmem:s12], [sflag:$0x4], $0x80, v3, vm0, $0xb8;
	[tilespmem:$0x16900] =	vst v63  }
0x243: {  	s13 =	simm.s32 $0xF100  }
0x244: {  	[hbm4b:s8+s3] =	stream.indirect_vreg.scatter [tilespmem:s13], [sflag:$0x4], $0x80, v3, vm0, $0xb8;
	[tilespmem:$0x16900] =	vst v63  }
0x245: {  	s14 =	simm.s32 $0xF900  }
0x246: {  	[hbm4b:s9+s3] =	stream.indirect_vreg.scatter [tilespmem:s14], [sflag:$0x4], $0x80, v3, vm0, $0xb8;
	[tilespmem:$0x16900] =	vst v63  }
0x247: {  	s26 =	simm.s32 $0x3;
	s20 =	simm.s32 $0x10100  }
0x248: {  	[hbm4b:s10+s3] =	stream.indirect_vreg.scatter [tilespmem:s20], [sflag:$0x4], $0x80, v3, vm0, $0xb8;
	[tilespmem:$0x16900] =	vst v63  }
0x249: {  	_ =	swait.ge [sflag:s26], $0x8000  }
0x24a: {  	[sflag:s26] =	ssyncset.done $0x0  }
0x24b: {  	s15 =	simm.s32 $0x4;
	s29 =	rddreg [dreg:$0xb];
	[sflag:s26] =	ssyncadd.s32 $0xFFFF8000  }
0x24c: {  	p0 =	sne.s32 s29, $0x1;
	_ =	swait.ge [sflag:s15], $0x8000  }
.Ltmp0:
0x24d: {  	[sflag:s15] =	ssyncset.done $0x0;
	(pc) =	sbr.rel @p0 .LBB2_1-.Ltmp0, $4  }
0x24e: {  	s31 =	simm.s32 $0x5;
	[sflag:s15] =	ssyncadd.s32 $0xFFFF8000  }
0x24f: {  	_ =	swait.ge [sflag:s31], $0x6000  }
0x250: {  	[sflag:s31] =	ssyncset.done $0x0  }
0x251: {  	s2 =	sadd.s32 $0xFFFFFFFF, s29;
	[sflag:s31] =	ssyncadd.s32 $0xFFFFA000  }
0x252: {  	_ =	sfence.sel $0x180000  }
0x253: {  	[bflag:$0x0] =	sbarrier.arrive $0xFFFF  }
0x254: {  	_ =	strace $0x90000047  }
0x255: {  	s0 =	stileid.u32;
	[bflag:$0x2] =	sbarrier.arrive $0xFFFF  }
0x256: {  	p0 =	sne.s32 s0, $0x0;
	s0 =	rddreg [dreg:$0x3]  }
0x257: {  	s0 =	sadd.s32 @!p0 $0x100000, s0  }
0x258: {  	[sflag:s0] =	ssyncadd.tile.s32 @!p0 $0x1;
	_ =	shalt  }
.Lfunc_end2:
_tile_overlayer_lowered:
.L_overlay_start_2:
0x259: {  	(tag) =	ssettag $0x2  }
0x25a: {  	s0 =	rddreg [dreg:$0x0];
	s2 =	stileid.u32  }
0x25b: {  	s1 =	rddreg [dreg:$0x1];
	p0 =	sne.s32 s2, $0x0  }
0x25c: {  	s3 =	rddreg [dreg:$0x2];
	[bflag:$0x3] =	sbarrier.arrive $0xFFFF;
	s2 =	simm.s32 @!p0 $0x1C06  }
0x25d: {  	[timem:s3], [sflag:s2] =	dma.local @!p0 [hbm:s0], s1  }
0x25e: {  	s0 =	simm.s32 @!p0 $0x6  }
0x25f: {  	_ =	swait.ge @!p0 [sflag:s0], s1  }
0x260: {  	s1 =	ssub.s32 @!p0 $0x0, s1;
	[sflag:s0] =	ssyncset.done @!p0 $0x0  }
0x261: {  	[sflag:s0] =	ssyncadd.s32 @!p0 s1  }
0x262: {  	[bflag:$0x3] =	sbarrier.arrive $0xFFFF  }
0x263: {  	_ =	shalt  }

// kernel: kernel.9.cloned.1.call-start
scs
__scs_entry_jumppad:
0x0: {  	(pc) =	sbr.rel $0x88, $3  }
0x1: {  	(tag) =	ssettag $0x0;
	lr =	simm.s32 $0x1  }
0x2: {  	[smem:$0x3F9A] =	sst lr;
	_ =	strace $0xD0000000  }
0x3: {  	_ = 	snop  }
0x4: {  	_ = 	snop  }
0x5: {  	_ = 	snop  }
0x6: {  	_ = 	snop  }
0x7: {  	_ = 	snop  }
__scs_overlays_trampoline_lowered:
0x8: {  	[smem:$0x3FA9] =	sst s0  }
0x9: {  	[smem:$0x3FAA] =	sst s1  }
0xa: {  	[smem:$0x3FAB] =	sst s2  }
0xb: {  	[smem:$0x3FAC] =	sst s3  }
0xc: {  	[smem:$0x3FAD] =	sst s4  }
0xd: {  	[smem:$0x3FAE] =	sst s5  }
0xe: {  	[smem:$0x3FAF] =	sst s6  }
0xf: {  	[smem:$0x3FB0] =	sst s7  }
0x10: {  	[smem:$0x3FB1] =	sst s8  }
0x11: {  	[smem:$0x3FB2] =	sst s9;
	s0 =	simm.s32 @!p0 $0x0  }
0x12: {  	s1 =	sld [smem:$0x3F98];
	s0 =	simm.s32 @p0 $0x1  }
0x13: {  	[smem:$0x3FB3] =	sst s0;
	s0 =	simm.s32 @!p1 $0x0  }
0x14: {  	s2 =	sld [smem:$0x3F97];
	s0 =	simm.s32 @p1 $0x1  }
0x15: {  	[smem:$0x3FB4] =	sst s0;
	s0 =	simm.s32 @!p2 $0x0  }
0x16: {  	s3 =	sld [smem:$0x3FDB];
	s0 =	simm.s32 @p2 $0x1  }
0x17: {  	s4 =	simm.s32 $0x1BF5;
	[smem:$0x3FB6] =	sst s0  }
0x18: {  	s0 =	sld [smem:$0x3F99];
	_ =	swait.ge [sflag:s4], $0x0  }
0x19: {  	s7 =	sld [smem:$0x3F9A]  }
0x1a: {  	s8 =	sadd.s32 $0xFFFFE003, lr  }
0x1b: {  	s9 =	sadd.s32 $0xFFFFFEF7, lr;
	s5 =	simm.s32 $0xFFFFFFFF;
	p2 =	slt.u32 s8, $0xFFFFF086  }
0x1c: {  	p1 =	slt.u32 s9, $0xF7A;
	s5 =	simm.s32 @!p2 $0x0  }
0x1d: {  	s5 =	simm.s32 @p1 $0x1;
	p0 =	seq.s32 s7, s2  }
0x1e: {  	s7 =	smul.u32 @!p0 $0xF7A, s2;
	p2 =	seq.s32 @!p0 s5, $0x0  }
0x1f: {  	s9 =	smul.u32 $0xF7A, s1;
	s8 =	simm.s32 @!p0 $0x1BF5;
	p2 =	por !p2, p0  }
0x20: {  	[sflag:s8] =	ssyncset.s32 @!p0 $0xFFFFF086;
	s6 =	sadd.s32 @!p0 s3, s7;
	s7 =	simm.s32 @!p0 $0x108  }
0x21: {  	s3 =	sadd.s32 s3, s9;
	s6 =	sadd.s32 @!p0 $0x88, s6;
	s7 =	simm.s32 @p2 $0x1082  }
0x22: {  	[simem:s7], [sflag:s8] =	dma.local @!p0 [hbm:s6], $0xF7A  }
0x23: {  	s9 =	sor.u32 $0xD0000000, s2;
	s6 =	simm.s32 $0x108;
	_ =	swait.ge @!p0 [sflag:s8], $0x0  }
0x24: {  	s3 =	sadd.s32 $0x88, s3;
	s6 =	simm.s32 @!p1 $0x1082;
	[sflag:s4] =	ssyncset.s32 $0xFFFFF086  }
0x25: {  	[simem:s6], [sflag:s4] =	dma.local [hbm:s3], $0xF7A  }
0x26: {  	[smem:$0x3F9A] =	sst s1;
	(tag) =	ssettag s2;
	_ =	strace s9  }
0x27: {  	s1 =	sld [smem:$0x3FAA]  }
0x28: {  	s2 =	sld [smem:$0x3FAB]  }
0x29: {  	s4 =	sld [smem:$0x3FAD]  }
0x2a: {  	p0 =	seq.s32 s5, $0x0;
	s5 =	sld [smem:$0x3FAE]  }
0x2b: {  	s6 =	sld [smem:$0x3FAF]  }
0x2c: {  	s7 =	sld [smem:$0x3FB0]  }
0x2d: {  	s3 =	simm.s32 $0x108;
	s8 =	sld [smem:$0x3FB1]  }
0x2e: {  	s3 =	simm.s32 @!p0 $0x1082;
	s9 =	sld [smem:$0x3FB2]  }
0x2f: {  	lr =	sadd.s32 s0, s3;
	s0 =	sld [smem:$0x3FA9]  }
0x30: {  	s3 =	sld [smem:$0x3FAC]  }
0x31: {  	[smem:$0x3FB5] =	sst s10  }
0x32: {  	s10 =	sld [smem:$0x3FB3];
	_ =	sdelay $0x3  }
0x33: {  	p0 =	seq.s32 s10, $0x1;
	s10 =	sld [smem:$0x3FB5];
	_ =	sdelay $0x3  }
0x34: {  	[smem:$0x3FB5] =	sst s10  }
0x35: {  	s10 =	sld [smem:$0x3FB4];
	_ =	sdelay $0x3  }
0x36: {  	p1 =	seq.s32 s10, $0x1;
	s10 =	sld [smem:$0x3FB5];
	_ =	sdelay $0x3  }
0x37: {  	[smem:$0x3FB5] =	sst s10  }
0x38: {  	s10 =	sld [smem:$0x3FB6]  }
0x39: {  	_ = 	snop;
	(pc) =	sbr.ind lr, $3  }
0x3a: {  	_ = 	snop  }
0x3b: {  	_ = 	snop  }
0x3c: {  	p2 =	seq.s32 s10, $0x1;
	s10 =	sld [smem:$0x3FB5]  }
0x3d: {  	_ =	shalt  }
0x3e: {  	_ =	shalt  }
0x3f: {  	_ =	shalt  }
0x40: {  	_ =	shalt  }
0x41: {  	_ =	shalt  }
0x42: {  	_ =	shalt  }
0x43: {  	_ =	shalt  }
0x44: {  	_ =	shalt  }
0x45: {  	_ =	shalt  }
0x46: {  	_ =	shalt  }
0x47: {  	_ =	shalt  }
0x48: {  	_ =	shalt  }
0x49: {  	_ =	shalt  }
0x4a: {  	_ =	shalt  }
0x4b: {  	_ =	shalt  }
0x4c: {  	_ =	shalt  }
0x4d: {  	_ =	shalt  }
0x4e: {  	_ =	shalt  }
0x4f: {  	_ =	shalt  }
0x50: {  	_ =	shalt  }
0x51: {  	_ =	shalt  }
0x52: {  	_ =	shalt  }
0x53: {  	_ =	shalt  }
0x54: {  	_ =	shalt  }
0x55: {  	_ =	shalt  }
0x56: {  	_ =	shalt  }
0x57: {  	_ =	shalt  }
0x58: {  	_ =	shalt  }
0x59: {  	_ =	shalt  }
0x5a: {  	_ =	shalt  }
0x5b: {  	_ =	shalt  }
0x5c: {  	_ =	shalt  }
0x5d: {  	_ =	shalt  }
0x5e: {  	_ =	shalt  }
0x5f: {  	_ =	shalt  }
0x60: {  	_ =	shalt  }
0x61: {  	_ =	shalt  }
0x62: {  	_ =	shalt  }
0x63: {  	_ =	shalt  }
0x64: {  	_ =	shalt  }
0x65: {  	_ =	shalt  }
0x66: {  	_ =	shalt  }
0x67: {  	_ =	shalt  }
0x68: {  	_ =	shalt  }
0x69: {  	_ =	shalt  }
0x6a: {  	_ =	shalt  }
0x6b: {  	_ =	shalt  }
0x6c: {  	_ =	shalt  }
0x6d: {  	_ =	shalt  }
0x6e: {  	_ =	shalt  }
0x6f: {  	_ =	shalt  }
0x70: {  	_ =	shalt  }
0x71: {  	_ =	shalt  }
0x72: {  	_ =	shalt  }
0x73: {  	_ =	shalt  }
0x74: {  	_ =	shalt  }
0x75: {  	_ =	shalt  }
0x76: {  	_ =	shalt  }
0x77: {  	_ =	shalt  }
0x78: {  	_ =	shalt  }
0x79: {  	_ =	shalt  }
0x7a: {  	_ =	shalt  }
0x7b: {  	_ =	shalt  }
0x7c: {  	_ =	shalt  }
0x7d: {  	_ =	shalt  }
0x7e: {  	_ =	shalt  }
0x7f: {  	_ =	shalt  }
0x80: {  	_ =	shalt  }
0x81: {  	_ =	shalt  }
0x82: {  	_ =	shalt  }
0x83: {  	_ =	shalt  }
0x84: {  	_ =	shalt  }
0x85: {  	_ =	shalt  }
0x86: {  	_ =	shalt  }
0x87: {  	_ =	shalt  }
.Lfunc_end0:
.L_simem_size_0:
called_computation.1_lowered:
.L_overlay_start_0:
0x88: {  	s2 =	sld [smem:$0x3FD9]  }
0x89: {  	s3 =	sld [smem:$0x3FFE];
	_ =	sdelay $0x1  }
0x8a: {  	s1 =	srdreg.scid  }
0x8b: {  	s0 =	sand.u32 $0x1, s1  }
0x8c: {  	s17 =	sshll.u32 s0, $0xA;
	s2 =	sadd.s32 s3, s2  }
0x8d: {  	s2 =	sadd.s32 s2, s17  }
0x8e: {  	[smem:$0x3FC1] =	sst s2  }
0x8f: {  	_ = 	snop  }
0x90: {  	s2 =	sld [smem:$0x3FD0];
	(tm) =	ssettm $0x1  }
0x91: {  	s18 =	sld [smem:$0x3FFB];
	_ =	sdelay $0x3  }
0x92: {  	_ =	strace s18  }
0x93: {  	s3 =	sld [smem:$0x3FFC];
	_ =	sdelay $0x3  }
0x94: {  	_ =	strace s3  }
0x95: {  	s3 =	sld [smem:$0x3FFD];
	_ =	sdelay $0x3  }
0x96: {  	_ =	strace s3  }
0x97: {  	_ =	strace $0x8FFFFFFF  }
0x98: {  	s19 =	sld [smem:$0x3FDB];
	_ =	sdelay $0x1  }
0x99: {  	s4 =	simm.s32 $_scs_section_size  }
0x9a: {  	s5 =	simm.s32 $_size__tile_overlayer_lowered;
	s6 =	simm.s32 $_tile_overlayer_lowered  }
0x9b: {  	s22 =	simm.s32 $0x1BFF;
	s21 =	sshll.u32 s6, $0x1;
	s3 =	sadd.s32 s4, s19  }
0x9c: {  	s7 =	simm.s32 $0x0;
	s20 =	sshll.u32 s5, $0x1;
	s5 =	sadd.s32 s21, s3  }
0x9d: {  	[timem:s7], [sflag:s22] =	dma.local [hbm:s5], s20  }
0x9e: {  	_ =	swait.ge [sflag:s22], s20  }
0x9f: {  	s4 =	ssub.s32 $0x0, s20;
	[sflag:s22] =	ssyncset.done $0x0  }
0xa0: {  	[sflag:s22] =	ssyncadd.s32 s4;
	_ =	sdelay $0x1  }
0xa1: {  	s23 =	simm.s32 $0x1B8B  }
0xa2: {  	_ =	swait.ge [sflag:s23], $0x1  }
0xa3: {  	[sflag:s23] =	ssyncset.done $0x0  }
0xa4: {  	s25 =	simm.s32 $0x1B8E;
	s24 =	sld [smem:$0x3FFE];
	[sflag:s23] =	ssyncadd.s32 $0xFFFFFFFF  }
0xa5: {  	s26 =	simm.s32 $execute0_lowered;
	[smem:$0x3FD2] =	sst s25  }
0xa6: {  	s5 =	sshll.u32 s26, $0x1;
	_ =	strace $0x80000049;
	[dreg:$0x1] =	wrdreg $0xFFFFFFFF  }
0xa7: {  	s28 =	simm.s32 $_size_execute0_lowered;
	s3 =	sadd.s32 s3, s5;
	[dreg:$0x0] =	wrdreg $0x0  }
0xa8: {  	s5 =	sshll.u32 s28, $0x1;
	[dreg:$0x2] =	wrdreg s3  }
0xa9: {  	[dreg:$0x3] =	wrdreg s5  }
0xaa: {  	[dreg:$0x4] =	wrdreg $0xC0  }
0xab: {  	_ =	task [dreg:s7], $0x5FFFF  }
0xac: {  	[dreg:$0x1] =	wrdreg $0xFFFFFFFF  }
0xad: {  	[dreg:$0x0] =	wrdreg $0x60  }
0xae: {  	[dreg:$0x2] =	wrdreg s24  }
0xaf: {  	[dreg:$0x3] =	wrdreg s2  }
0xb0: {  	[dreg:$0x4] =	wrdreg $0x9  }
0xb1: {  	_ =	task.clear_ibuf [dreg:s7], $0x5FFFF;
	_ =	strace $0x90000049  }
0xb2: {  	s29 =	simm.s32 $0x9;
	_ =	strace $0x8000004B  }
0xb3: {  	_ =	swait.ge [sflag:s29], $0x1  }
0xb4: {  	[sflag:s29] =	ssyncadd.s32 $0xFFFFFFFF  }
0xb5: {  	_ =	strace $0x9000004B  }
0xb6: {  	_ =	sfence  }
0xb7: {  	s30 =	sld [smem:$0x0];
	_ =	sdelay $0x2  }
0xb8: {  	s31 =	sshll.u32 s1, $0xD;
	s1 =	sshrl.u32 s1, $0x2  }
0xb9: {  	s3 =	sand.u32 $0x4000, s31;
	s1 =	sadd.s32 s1, s30  }
0xba: {  	s0 =	sor.u32 s3, s0;
	s1 =	sshll.u32 s1, $0x11  }
0xbb: {  	s0 =	sor.u32 s1, s0  }
0xbc: {  	s0 =	sadd.s32 $0x8F2B, s0  }
0xbd: {  	[sflag:s0] =	ssyncadd.remote.s32 $0x1  }
0xbe: {  	_ =	sfence.sel $0xFFFF  }
0xbf: {  	[dreg:$0x0] =	wrdreg $0xFFFFFFFF;
	(pc) =	sbr.abs _section_cstart, $3  }
0xc0: {  	[dreg:$0x1] =	wrdreg $0xFFFFFFFF  }
0xc1: {  	_ =	task.clear_ibuf [dreg:s7], $0x2FFFF;
	_ =	strace $0x9FFFFFFF  }
0xc2: {  	(tm) =	ssettm $0x7FFFFFFF  }
0xc3: {  	_ =	shalt  }
tec
execute0_lowered:
.L_overlay_start_1:
0x0: {  	(tag) =	ssettag $0x1  }
0x1: {  	s0 =	rddreg [dreg:$0x0]  }
0x2: {  	s1 =	rddreg [dreg:$0x1];
	s2 =	simm.s32 $0x0;
	s3 =	srdreg.scid  }
0x3: {  	s5 =	stileid.u32;
	s14 =	simm.s32 $0x2;
	s16 =	simm.s32 $0x100  }
0x4: {  	s15 =	simm.s32 $0x9100;
	s17 =	simm.s32 $0x9900;
	s18 =	simm.s32 $0xA100  }
0x5: {  	s19 =	simm.s32 $0xA900;
	s20 =	simm.s32 $0xB100;
	s21 =	simm.s32 $0xC100  }
0x6: {  	s22 =	simm.s32 $0xD100;
	s12 =	simm.s32 $0xF100;
	s13 =	simm.s32 $0x0  }
0x7: {  	[smem:$0x7FF] =	sst s2;
	s4 =	sand.u32 $0x1, s3;
	s3 =	sadd.s32 $0x4DB200, s0  }
0x8: {  	s5 =	sshll.u32 s5, $0x7;
	s9 =	sadd.s32 $0xA00, s0;
	s10 =	sadd.s32 $0xC00, s0  }
0x9: {  	s8 =	sadd.s32 $0x4DB500, s0;
	s6 =	sshll.u32 s4, $0x6;
	s4 =	ssub.s32 $0x2, s4  }
0xa: {  	_ =	strace $0x8000004A;
	s5 =	sor.u32 s6, s5;
	s23 =	sshrl.u32 s4, $0x1  }
0xb: {  	s6 =	sadd.s32 $0x4DB300, s0;
	s7 =	sshrl.u32 s5, $0x3;
	s4 =	ssub.s32 s4, s23  }
0xc: {  	s11 =	sor.u32 $0x20, s5;
	s26 =	sshll.u32 s5, $0x7;
	s23 =	simm.s32 $0xD900  }
0xd: {  	s24 =	sadd.s32 s9, s7;
	s25 =	sadd.s32 s10, s7;
	s7 =	sadd.s32 $0x4DB400, s0  }
0xe: {  	s28 =	sshrl.u32 s11, $0x3;
	s0 =	sadd.s32 s1, s26;
	[dreg:$0x3] =	wrdreg s24  }
0xf: {  	s30 =	sshll.u32 s11, $0x7;
	s31 =	smax.u32 s4, $0x1;
	[dreg:$0x4] =	wrdreg s25  }
0x10: {  	s11 =	simm.s32 $0xE100;
	[dreg:$0x5] =	wrdreg s0;
	s29 =	sadd.s32 s9, s28  }
0x11: {  	s5 =	sadd.s32 s10, s28;
	s0 =	sadd.s32 s1, s30;
	[dreg:$0x9] =	wrdreg s31  }
0x12: {  	v2 =	vlaneseq.u32;
	s1 =	simm.s32 $0x1;
	s9 =	simm.s32 $0xB900;
	[dreg:$0x6] =	wrdreg s29  }
0x13: {  	vm0 =	vmmov $0xffff;
	v1 =	vshrl.u32 v2, $0x3;
	s10 =	simm.s32 $0xC900;
	s24 =	simm.s32 $0xE900;
	[dreg:$0x7] =	wrdreg s5  }
0x14: {  	v0 =	vand.u32 $0x7, v2;
	v2 =	vor.u32 $0x8, v2;
	v1 =	vmul.u32 $0x8, v1;
	s25 =	simm.s32 $0xF900;
	[dreg:$0x8] =	wrdreg s0;
	s5 =	simm.s32 $0x8900  }
.LBB2_1:
0x15: {  	s0 =	rddreg [dreg:$0x3]  }
0x16: {  	[tilespmem:s2], [sflag:$0x2] =	stream.linear.gather [hbm4b:s0+s2], $0x20, $0x38;
	[tilespmem:$0x10100] =	vst v63  }
0x17: {  	_ =	swait.ge [sflag:s14], $0x20  }
0x18: {  	[sflag:s14] =	ssyncset.done $0x0  }
0x19: {  	s4 =	simm.s32 $0x80;
	s26 =	rddreg [dreg:$0x4];
	[sflag:s14] =	ssyncadd.s32 $0xFFFFFFE0  }
0x1a: {  	[tilespmem:s4], [sflag:$0x2] =	stream.linear.gather [hbm4b:s26+s2], $0x20, $0x38;
	[tilespmem:$0x10100] =	vst v63  }
0x1b: {  	_ =	swait.ge [sflag:s14], $0x20  }
0x1c: {  	[sflag:s14] =	ssyncset.done $0x0  }
0x1d: {  	[sflag:s14] =	ssyncadd.s32 $0xFFFFFFE0  }
0x1e: {  	v3 =	vld [tilespmem:$0x0];
	_ =	sdelay $0x4  }
0x1f: {  	v4 =	vshll.u32 v3, $0x3  }
0x20: {  	v3 =	vand.u32 $0x7, v3;
	v4 =	vand.u32 $0xFFFFFFC0, v4  }
0x21: {  	v3 =	vor.u32 v3, v4  }
0x22: {  	v4 =	vperm.xlane v3, v0;
	_ =	sdelay $0x1  }
0x23: {  	v4 =	vadd.s32 v1, v4;
	_ =	sdelay $0x4  }
0x24: {  	[tilespmem:s16], [sflag:$0x1] =	stream.indirect_vreg.gather [hbm4b:s3+s2], $0x80, v4, vm0, $0xb8;
	[tilespmem:$0x10100] =	vst v63  }
0x25: {  	s31 =	simm.s32 $0x900;
	v3 =	vperm.xlane v3, v2  }
0x26: {  	[tilespmem:s31], [sflag:$0x1] =	stream.indirect_vreg.gather [hbm4b:s6+s2], $0x80, v4, vm0, $0xb8;
	[tilespmem:$0x10100] =	vst v63  }
0x27: {  	s4 =	simm.s32 $0x1100;
	v3 =	vadd.s32 v1, v3  }
0x28: {  	[tilespmem:s4], [sflag:$0x1] =	stream.indirect_vreg.gather [hbm4b:s7+s2], $0x80, v4, vm0, $0xb8;
	[tilespmem:$0x10100] =	vst v63  }
0x29: {  	s26 =	simm.s32 $0x1900  }
0x2a: {  	[tilespmem:s26], [sflag:$0x1] =	stream.indirect_vreg.gather [hbm4b:s8+s2], $0x80, v4, vm0, $0xb8;
	[tilespmem:$0x10100] =	vst v63  }
0x2b: {  	s31 =	simm.s32 $0x2100  }
0x2c: {  	[tilespmem:s31], [sflag:$0x1] =	stream.indirect_vreg.gather [hbm4b:s3+s2], $0x80, v3, vm0, $0xb8;
	[tilespmem:$0x10100] =	vst v63  }
0x2d: {  	s4 =	simm.s32 $0x2900  }
0x2e: {  	[tilespmem:s4], [sflag:$0x1] =	stream.indirect_vreg.gather [hbm4b:s6+s2], $0x80, v3, vm0, $0xb8;
	[tilespmem:$0x10100] =	vst v63  }
0x2f: {  	s26 =	simm.s32 $0x3100  }
0x30: {  	[tilespmem:s26], [sflag:$0x1] =	stream.indirect_vreg.gather [hbm4b:s7+s2], $0x80, v3, vm0, $0xb8;
	[tilespmem:$0x10100] =	vst v63  }
0x31: {  	s31 =	simm.s32 $0x3900  }
0x32: {  	[tilespmem:s31], [sflag:$0x1] =	stream.indirect_vreg.gather [hbm4b:s8+s2], $0x80, v3, vm0, $0xb8;
	[tilespmem:$0x10100] =	vst v63  }
0x33: {  	v3 =	vld [tilespmem:$0x10];
	_ =	sdelay $0x4  }
0x34: {  	v61 =	vshll.u32 v3, $0x3  }
0x35: {  	v3 =	vand.u32 $0x7, v3;
	v4 =	vand.u32 $0xFFFFFFC0, v61  }
0x36: {  	v3 =	vor.u32 v3, v4  }
0x37: {  	v4 =	vperm.xlane v3, v0;
	_ =	sdelay $0x1  }
0x38: {  	v4 =	vadd.s32 v1, v4;
	_ =	sdelay $0x3  }
0x39: {  	s4 =	simm.s32 $0x4100  }
0x3a: {  	[tilespmem:s4], [sflag:$0x1] =	stream.indirect_vreg.gather [hbm4b:s3+s2], $0x80, v4, vm0, $0xb8;
	[tilespmem:$0x10100] =	vst v63  }
0x3b: {  	s26 =	simm.s32 $0x4900;
	v3 =	vperm.xlane v3, v2  }
0x3c: {  	[tilespmem:s26], [sflag:$0x1] =	stream.indirect_vreg.gather [hbm4b:s6+s2], $0x80, v4, vm0, $0xb8;
	[tilespmem:$0x10100] =	vst v63  }
0x3d: {  	s31 =	simm.s32 $0x5100;
	v3 =	vadd.s32 v1, v3  }
0x3e: {  	[tilespmem:s31], [sflag:$0x1] =	stream.indirect_vreg.gather [hbm4b:s7+s2], $0x80, v4, vm0, $0xb8;
	[tilespmem:$0x10100] =	vst v63  }
0x3f: {  	s4 =	simm.s32 $0x5900  }
0x40: {  	[tilespmem:s4], [sflag:$0x1] =	stream.indirect_vreg.gather [hbm4b:s8+s2], $0x80, v4, vm0, $0xb8;
	[tilespmem:$0x10100] =	vst v63  }
0x41: {  	s26 =	simm.s32 $0x6100  }
0x42: {  	[tilespmem:s26], [sflag:$0x1] =	stream.indirect_vreg.gather [hbm4b:s3+s2], $0x80, v3, vm0, $0xb8;
	[tilespmem:$0x10100] =	vst v63  }
0x43: {  	s31 =	simm.s32 $0x6900  }
0x44: {  	[tilespmem:s31], [sflag:$0x1] =	stream.indirect_vreg.gather [hbm4b:s6+s2], $0x80, v3, vm0, $0xb8;
	[tilespmem:$0x10100] =	vst v63  }
0x45: {  	s4 =	simm.s32 $0x7100  }
0x46: {  	[tilespmem:s4], [sflag:$0x1] =	stream.indirect_vreg.gather [hbm4b:s7+s2], $0x80, v3, vm0, $0xb8;
	[tilespmem:$0x10100] =	vst v63  }
0x47: {  	s26 =	simm.s32 $0x7900  }
0x48: {  	[tilespmem:s26], [sflag:$0x1] =	stream.indirect_vreg.gather [hbm4b:s8+s2], $0x80, v3, vm0, $0xb8;
	[tilespmem:$0x10100] =	vst v63  }
0x49: {  	_ =	swait.ge [sflag:s1], $0x8000  }
0x4a: {  	[sflag:s1] =	ssyncset.done $0x0  }
0x4b: {  	[sflag:s1] =	ssyncadd.s32 $0xFFFF8000  }
0x4c: {  	v3 =	vld [tilespmem:$0x80];
	_ =	sdelay $0x4  }
0x4d: {  	v62 =	vshll.u32 v3, $0x3  }
0x4e: {  	v3 =	vand.u32 $0x7, v3;
	v4 =	vand.u32 $0xFFFFFFC0, v62  }
0x4f: {  	v3 =	vor.u32 v3, v4  }
0x50: {  	v4 =	vperm.xlane v3, v0;
	_ =	sdelay $0x1  }
0x51: {  	v4 =	vadd.s32 v1, v4;
	_ =	sdelay $0x3  }
0x52: {  	s31 =	simm.s32 $0x8100  }
0x53: {  	[tilespmem:s31], [sflag:$0x1] =	stream.indirect_vreg.gather [hbm4b:s3+s2], $0x80, v4, vm0, $0xb8;
	[tilespmem:$0x10100] =	vst v63  }
0x54: {  	v3 =	vperm.xlane v3, v2  }
0x55: {  	[tilespmem:s5], [sflag:$0x1] =	stream.indirect_vreg.gather [hbm4b:s6+s2], $0x80, v4, vm0, $0xb8;
	[tilespmem:$0x10100] =	vst v63  }
0x56: {  	v3 =	vadd.s32 v1, v3  }
0x57: {  	[tilespmem:s15], [sflag:$0x1] =	stream.indirect_vreg.gather [hbm4b:s7+s2], $0x80, v4, vm0, $0xb8;
	[tilespmem:$0x10100] =	vst v63  }
0x58: {  	_ = 	snop  }
0x59: {  	[tilespmem:s17], [sflag:$0x1] =	stream.indirect_vreg.gather [hbm4b:s8+s2], $0x80, v4, vm0, $0xb8;
	[tilespmem:$0x10100] =	vst v63  }
0x5a: {  	_ = 	snop  }
0x5b: {  	[tilespmem:s18], [sflag:$0x1] =	stream.indirect_vreg.gather [hbm4b:s3+s2], $0x80, v3, vm0, $0xb8;
	[tilespmem:$0x10100] =	vst v63  }
0x5c: {  	_ = 	snop  }
0x5d: {  	[tilespmem:s19], [sflag:$0x1] =	stream.indirect_vreg.gather [hbm4b:s6+s2], $0x80, v3, vm0, $0xb8;
	[tilespmem:$0x10100] =	vst v63  }
0x5e: {  	_ = 	snop  }
0x5f: {  	[tilespmem:s20], [sflag:$0x1] =	stream.indirect_vreg.gather [hbm4b:s7+s2], $0x80, v3, vm0, $0xb8;
	[tilespmem:$0x10100] =	vst v63  }
0x60: {  	_ = 	snop  }
0x61: {  	[tilespmem:s9], [sflag:$0x1] =	stream.indirect_vreg.gather [hbm4b:s8+s2], $0x80, v3, vm0, $0xb8;
	[tilespmem:$0x10100] =	vst v63  }
0x62: {  	v3 =	vld [tilespmem:$0x90];
	_ =	sdelay $0x4  }
0x63: {  	v63 =	vshll.u32 v3, $0x3  }
0x64: {  	v3 =	vand.u32 $0x7, v3;
	v4 =	vand.u32 $0xFFFFFFC0, v63  }
0x65: {  	v3 =	vor.u32 v3, v4  }
0x66: {  	v4 =	vperm.xlane v3, v0;
	_ =	sdelay $0x1  }
0x67: {  	v4 =	vadd.s32 v1, v4;
	_ =	sdelay $0x4  }
0x68: {  	[tilespmem:s21], [sflag:$0x1] =	stream.indirect_vreg.gather [hbm4b:s3+s2], $0x80, v4, vm0, $0xb8;
	[tilespmem:$0x10100] =	vst v63  }
0x69: {  	v3 =	vperm.xlane v3, v2  }
0x6a: {  	[tilespmem:s10], [sflag:$0x1] =	stream.indirect_vreg.gather [hbm4b:s6+s2], $0x80, v4, vm0, $0xb8;
	[tilespmem:$0x10100] =	vst v63  }
0x6b: {  	v3 =	vadd.s32 v1, v3  }
0x6c: {  	[tilespmem:s22], [sflag:$0x1] =	stream.indirect_vreg.gather [hbm4b:s7+s2], $0x80, v4, vm0, $0xb8;
	[tilespmem:$0x10100] =	vst v63  }
0x6d: {  	_ = 	snop  }
0x6e: {  	[tilespmem:s23], [sflag:$0x1] =	stream.indirect_vreg.gather [hbm4b:s8+s2], $0x80, v4, vm0, $0xb8;
	[tilespmem:$0x10100] =	vst v63  }
0x6f: {  	_ = 	snop  }
0x70: {  	[tilespmem:s11], [sflag:$0x1] =	stream.indirect_vreg.gather [hbm4b:s3+s2], $0x80, v3, vm0, $0xb8;
	[tilespmem:$0x10100] =	vst v63  }
0x71: {  	_ = 	snop  }
0x72: {  	[tilespmem:s24], [sflag:$0x1] =	stream.indirect_vreg.gather [hbm4b:s6+s2], $0x80, v3, vm0, $0xb8;
	[tilespmem:$0x10100] =	vst v63  }
0x73: {  	_ = 	snop  }
0x74: {  	[tilespmem:s12], [sflag:$0x1] =	stream.indirect_vreg.gather [hbm4b:s7+s2], $0x80, v3, vm0, $0xb8;
	[tilespmem:$0x10100] =	vst v63  }
0x75: {  	_ = 	snop  }
0x76: {  	[tilespmem:s25], [sflag:$0x1] =	stream.indirect_vreg.gather [hbm4b:s8+s2], $0x80, v3, vm0, $0xb8;
	[tilespmem:$0x10100] =	vst v63  }
0x77: {  	_ =	swait.ge [sflag:s1], $0x8000  }
0x78: {  	s28 =	simm.s32 $0x0;
	s29 =	simm.s32 $0x0;
	[sflag:s1] =	ssyncset.done $0x0  }
0x79: {  	s30 =	simm.s32 $0x0;
	s26 =	simm.s32 $0xFFFF8000;
	[sflag:s1] =	ssyncadd.s32 $0xFFFF8000  }
.LBB2_2:
0x7a: {  	s31 =	sadd.s32 $0x8000, s26  }
0x7b: {  	s0 =	sand.u32 $0x380, s30;
	s31 =	sand.u32 $0x6000, s31  }
0x7c: {  	s31 =	sor.u32 s0, s31  }
0x7d: {  	v3 =	vld [tilespmem:s31+$0x100]  }
0x7e: {  	v4 =	vld [tilespmem:s31+$0x8100]  }
0x7f: {  	v5 =	vld [tilespmem:s31+$0x110]  }
0x80: {  	v6 =	vld [tilespmem:s31+$0x8110]  }
0x81: {  	v7 =	vld [tilespmem:s31+$0x120]  }
0x82: {  	v8 =	vld [tilespmem:s31+$0x8120]  }
0x83: {  	v9 =	vld [tilespmem:s31+$0x130]  }
0x84: {  	v10 =	vld [tilespmem:s31+$0x8130]  }
0x85: {  	v11 =	vld [tilespmem:s31+$0x140]  }
0x86: {  	v12 =	vld [tilespmem:s31+$0x8140]  }
0x87: {  	v13 =	vld [tilespmem:s31+$0x150]  }
0x88: {  	v14 =	vld [tilespmem:s31+$0x8150]  }
0x89: {  	v15 =	vld [tilespmem:s31+$0x160]  }
0x8a: {  	v16 =	vld [tilespmem:s31+$0x8160]  }
0x8b: {  	v17 =	vld [tilespmem:s31+$0x170]  }
0x8c: {  	v18 =	vld [tilespmem:s31+$0x8170]  }
0x8d: {  	v19 =	vld [tilespmem:s31+$0x500]  }
0x8e: {  	v20 =	vld [tilespmem:s31+$0x8500]  }
0x8f: {  	v21 =	vld [tilespmem:s31+$0x510]  }
0x90: {  	v22 =	vld [tilespmem:s31+$0x8510]  }
0x91: {  	v23 =	vld [tilespmem:s31+$0x520]  }
0x92: {  	v24 =	vld [tilespmem:s31+$0x8520]  }
0x93: {  	v25 =	vld [tilespmem:s31+$0x530]  }
0x94: {  	v26 =	vld [tilespmem:s31+$0x8530]  }
0x95: {  	v27 =	vld [tilespmem:s31+$0x540]  }
0x96: {  	v28 =	vld [tilespmem:s31+$0x8540]  }
0x97: {  	v29 =	vld [tilespmem:s31+$0x550]  }
0x98: {  	v30 =	vld [tilespmem:s31+$0x8550]  }
0x99: {  	v31 =	vld [tilespmem:s31+$0x560]  }
0x9a: {  	v32 =	vld [tilespmem:s31+$0x8560]  }
0x9b: {  	v33 =	vld [tilespmem:s31+$0x570]  }
0x9c: {  	v34 =	vld [tilespmem:s31+$0x8570]  }
0x9d: {  	v35 =	vld [tilespmem:s31+$0x900]  }
0x9e: {  	v36 =	vld [tilespmem:s31+$0x8900]  }
0x9f: {  	v37 =	vld [tilespmem:s31+$0x910]  }
0xa0: {  	v38 =	vld [tilespmem:s31+$0x8910]  }
0xa1: {  	v39 =	vld [tilespmem:s31+$0x920]  }
0xa2: {  	v40 =	vld [tilespmem:s31+$0x8920]  }
0xa3: {  	v41 =	vld [tilespmem:s31+$0x930]  }
0xa4: {  	v42 =	vld [tilespmem:s31+$0x8930]  }
0xa5: {  	v43 =	vld [tilespmem:s31+$0x940]  }
0xa6: {  	v44 =	vld [tilespmem:s31+$0x8940]  }
0xa7: {  	v45 =	vld [tilespmem:s31+$0x950]  }
0xa8: {  	v46 =	vld [tilespmem:s31+$0x8950]  }
0xa9: {  	v47 =	vld [tilespmem:s31+$0x960]  }
0xaa: {  	v48 =	vld [tilespmem:s31+$0x8960]  }
0xab: {  	v49 =	vld [tilespmem:s31+$0x970]  }
0xac: {  	v50 =	vld [tilespmem:s31+$0x8970]  }
0xad: {  	v51 =	vld [tilespmem:s31+$0xD00]  }
0xae: {  	v52 =	vld [tilespmem:s31+$0x8D00]  }
0xaf: {  	v53 =	vld [tilespmem:s31+$0xD10]  }
0xb0: {  	v54 =	vld [tilespmem:s31+$0x8D10]  }
0xb1: {  	v55 =	vld [tilespmem:s31+$0xD20]  }
0xb2: {  	v56 =	vld [tilespmem:s31+$0x8D20]  }
0xb3: {  	v57 =	vld [tilespmem:s31+$0xD30]  }
0xb4: {  	v58 =	vld [tilespmem:s31+$0x8D30]  }
0xb5: {  	v59 =	vld [tilespmem:s31+$0xD40]  }
0xb6: {  	v60 =	vld [tilespmem:s31+$0x8D40]  }
0xb7: {  	v61 =	vld [tilespmem:s31+$0xD50]  }
0xb8: {  	v62 =	vld [tilespmem:s31+$0x8D50]  }
0xb9: {  	v63 =	vld [tilespmem:s31+$0xD60]  }
0xba: {  	v3 =	vadd.f32 v4, v3;
	v4 =	vld [tilespmem:s31+$0x8D60]  }
0xbb: {  	v5 =	vadd.f32 v6, v5;
	v6 =	vld [tilespmem:s31+$0xD70]  }
0xbc: {  	v14 =	vadd.f32 v14, v13;
	v13 =	vld [tilespmem:s31+$0x9120];
	[tilespmem:s31+$0x100] =	vst v3;
	v3 =	vadd.f32 v8, v7  }
0xbd: {  	v18 =	vadd.f32 v18, v17;
	v17 =	vld [tilespmem:s31+$0x9140];
	[tilespmem:s31+$0x110] =	vst v5  }
0xbe: {  	v22 =	vadd.f32 v22, v21;
	v21 =	vld [tilespmem:s31+$0x9160];
	[tilespmem:s31+$0x120] =	vst v3;
	v3 =	vadd.f32 v12, v11  }
0xbf: {  	v7 =	vld [tilespmem:s31+$0x8D70];
	[tilespmem:s31+$0x150] =	vst v14  }
0xc0: {  	v8 =	vld [tilespmem:s31+$0x1100];
	[tilespmem:s31+$0x140] =	vst v3;
	v3 =	vadd.f32 v16, v15  }
0xc1: {  	v5 =	vadd.f32 v10, v9;
	v9 =	vld [tilespmem:s31+$0x9100];
	[tilespmem:s31+$0x170] =	vst v18  }
0xc2: {  	v10 =	vld [tilespmem:s31+$0x1110];
	[tilespmem:s31+$0x160] =	vst v3;
	v3 =	vadd.f32 v20, v19  }
0xc3: {  	v26 =	vadd.f32 v26, v25;
	v14 =	vld [tilespmem:s31+$0x1130];
	[tilespmem:s31+$0x510] =	vst v22  }
0xc4: {  	v18 =	vld [tilespmem:s31+$0x1150];
	[tilespmem:s31+$0x500] =	vst v3;
	v3 =	vadd.f32 v24, v23  }
0xc5: {  	v30 =	vadd.f32 v30, v29;
	[tilespmem:s31+$0x530] =	vst v26;
	v22 =	vld [tilespmem:s31+$0x1170]  }
0xc6: {  	v19 =	vld [tilespmem:s31+$0x9150];
	[tilespmem:s31+$0x520] =	vst v3;
	v3 =	vadd.f32 v28, v27  }
0xc7: {  	v34 =	vadd.f32 v34, v33;
	[tilespmem:s31+$0x550] =	vst v30;
	v11 =	vld [tilespmem:s31+$0x9110]  }
0xc8: {  	v12 =	vld [tilespmem:s31+$0x1120];
	[tilespmem:s31+$0x540] =	vst v3;
	v3 =	vadd.f32 v32, v31  }
0xc9: {  	[tilespmem:s31+$0x570] =	vst v34;
	v15 =	vld [tilespmem:s31+$0x9130]  }
0xca: {  	v16 =	vld [tilespmem:s31+$0x1140];
	[tilespmem:s31+$0x560] =	vst v3;
	v3 =	vadd.f32 v36, v35  }
0xcb: {  	[tilespmem:s31+$0x130] =	vst v5;
	v20 =	vld [tilespmem:s31+$0x1160];
	v19 =	vadd.f32 v19, v18  }
0xcc: {  	v24 =	vld [tilespmem:s31+$0x1500];
	[tilespmem:s31+$0x900] =	vst v3;
	v3 =	vadd.f32 v40, v39  }
0xcd: {  	[tilespmem:s31+$0x1150] =	vst v19;
	v36 =	vadd.f32 v38, v37;
	v37 =	vld [tilespmem:s31+$0x9170]  }
0xce: {  	v38 =	vadd.f32 v42, v41;
	v41 =	vld [tilespmem:s31+$0x1510];
	[tilespmem:s31+$0x920] =	vst v3;
	v3 =	vadd.f32 v44, v43  }
0xcf: {  	v42 =	vld [tilespmem:s31+$0x9510];
	[tilespmem:s31+$0x910] =	vst v36  }
0xd0: {  	v35 =	vld [tilespmem:s31+$0x1910];
	[tilespmem:s31+$0x940] =	vst v3;
	v3 =	vadd.f32 v48, v47  }
0xd1: {  	v39 =	vld [tilespmem:s31+$0x9500];
	[tilespmem:s31+$0x930] =	vst v38;
	v40 =	vadd.f32 v46, v45  }
0xd2: {  	v45 =	vld [tilespmem:s31+$0x9520];
	[tilespmem:s31+$0x960] =	vst v3;
	v3 =	vadd.f32 v52, v51  }
0xd3: {  	v46 =	vadd.f32 v54, v53;
	v53 =	vld [tilespmem:s31+$0x1550];
	[tilespmem:s31+$0x950] =	vst v40  }
0xd4: {  	v54 =	vld [tilespmem:s31+$0x9550];
	[tilespmem:s31+$0xD00] =	vst v3;
	v3 =	vadd.f32 v56, v55  }
0xd5: {  	v36 =	vld [tilespmem:s31+$0x9910];
	v43 =	vadd.f32 v50, v49;
	[tilespmem:s31+$0xD10] =	vst v46  }
0xd6: {  	v38 =	vld [tilespmem:s31+$0x1920];
	[tilespmem:s31+$0xD20] =	vst v3;
	v3 =	vadd.f32 v60, v59  }
0xd7: {  	v44 =	vld [tilespmem:s31+$0x1520];
	v49 =	vadd.f32 v58, v57;
	[tilespmem:s31+$0x970] =	vst v43  }
0xd8: {  	v50 =	vld [tilespmem:s31+$0x1540];
	[tilespmem:s31+$0xD40] =	vst v3;
	v3 =	vadd.f32 v4, v63  }
0xd9: {  	v57 =	vld [tilespmem:s31+$0x9560];
	v58 =	vadd.f32 v11, v10;
	[tilespmem:s31+$0xD30] =	vst v49  }
0xda: {  	v46 =	vld [tilespmem:s31+$0x9950];
	[tilespmem:s31+$0xD60] =	vst v3;
	v3 =	vadd.f32 v9, v8  }
0xdb: {  	v37 =	vadd.f32 v37, v22;
	v40 =	vadd.f32 v42, v41;
	v41 =	vld [tilespmem:s31+$0x1930];
	[tilespmem:s31+$0x1110] =	vst v58  }
0xdc: {  	v42 =	vld [tilespmem:s31+$0x9930];
	[tilespmem:s31+$0x1100] =	vst v3;
	v3 =	vadd.f32 v13, v12  }
0xdd: {  	v47 =	vld [tilespmem:s31+$0x1530];
	[tilespmem:s31+$0x1170] =	vst v37  }
0xde: {  	v48 =	vld [tilespmem:s31+$0x9530];
	[tilespmem:s31+$0x1120] =	vst v3;
	v3 =	vadd.f32 v17, v16  }
0xdf: {  	v49 =	vld [tilespmem:s31+$0x9960];
	[tilespmem:s31+$0x1510] =	vst v40;
	v52 =	vadd.f32 v62, v61  }
0xe0: {  	v51 =	vld [tilespmem:s31+$0x9540];
	[tilespmem:s31+$0x1140] =	vst v3;
	v3 =	vadd.f32 v21, v20  }
0xe1: {  	v61 =	vadd.f32 v15, v14;
	v62 =	vld [tilespmem:s31+$0x1900];
	[tilespmem:s31+$0xD50] =	vst v52  }
0xe2: {  	v56 =	vld [tilespmem:s31+$0x1560];
	[tilespmem:s31+$0x1160] =	vst v3;
	v3 =	vadd.f32 v39, v24  }
0xe3: {  	v55 =	vadd.f32 v7, v6;
	[tilespmem:s31+$0x1130] =	vst v61;
	v52 =	vld [tilespmem:s31+$0x9970]  }
0xe4: {  	v43 =	vadd.f32 v48, v47;
	v47 =	vld [tilespmem:s31+$0x1960];
	[tilespmem:s31+$0x1500] =	vst v3;
	v3 =	vadd.f32 v45, v44  }
0xe5: {  	[tilespmem:s31+$0xD70] =	vst v55;
	v63 =	vld [tilespmem:s31+$0x9900]  }
0xe6: {  	v59 =	vld [tilespmem:s31+$0x1570];
	[tilespmem:s31+$0x1520] =	vst v3;
	v3 =	vadd.f32 v51, v50  }
0xe7: {  	[tilespmem:s31+$0x1530] =	vst v43;
	v4 =	vadd.f32 v54, v53;
	v39 =	vld [tilespmem:s31+$0x9920]  }
0xe8: {  	v60 =	vld [tilespmem:s31+$0x9570];
	[tilespmem:s31+$0x1540] =	vst v3;
	v3 =	vadd.f32 v57, v56  }
0xe9: {  	v54 =	vadd.f32 v42, v41;
	[tilespmem:s31+$0x1550] =	vst v4;
	v45 =	vld [tilespmem:s31+$0x1950]  }
0xea: {  	v53 =	vld [tilespmem:s31+$0x9940];
	[tilespmem:s31+$0x1560] =	vst v3;
	v3 =	vadd.f32 v63, v62  }
0xeb: {  	[tilespmem:s31+$0x1930] =	vst v54;
	v55 =	vadd.f32 v49, v47;
	v50 =	vld [tilespmem:s31+$0x1970]  }
0xec: {  	v44 =	vld [tilespmem:s31+$0x1940];
	[tilespmem:s31+$0x1900] =	vst v3;
	v3 =	vadd.f32 v39, v38  }
0xed: {  	v48 =	vadd.f32 v60, v59;
	[tilespmem:s31+$0x1960] =	vst v55  }
0xee: {  	[tilespmem:s31+$0x1920] =	vst v3;
	v3 =	vadd.f32 v46, v45  }
0xef: {  	s4 =	sand.u32 $0x7, s28;
	[tilespmem:s31+$0x1570] =	vst v48;
	v51 =	vadd.f32 v36, v35  }
0xf0: {  	s0 =	sshll.u32 s4, $0x7;
	[tilespmem:s31+$0x1950] =	vst v3;
	v3 =	vadd.f32 v52, v50  }
0xf1: {  	s0 =	sadd.s32 s0, s29;
	[tilespmem:s31+$0x1910] =	vst v51;
	v56 =	vadd.f32 v53, v44  }
0xf2: {  	s4 =	sor.u32 $0x1C00, s0;
	[tilespmem:s31+$0x1970] =	vst v3  }
0xf3: {  	[tilespmem:s31+$0x1940] =	vst v56;
	v3 =	vld [tilespmem:s4+$0x100]  }
0xf4: {  	v4 =	vld [tilespmem:s4+$0x8100];
	_ =	sdelay $0x4  }
0xf5: {  	v3 =	vadd.f32 v4, v3;
	_ =	sdelay $0x1  }
0xf6: {  	s31 =	sor.u32 $0x1C10, s0;
	[tilespmem:s4+$0x100] =	vst v3  }
0xf7: {  	v3 =	vld [tilespmem:s31+$0x100]  }
0xf8: {  	v57 =	vld [tilespmem:s31+$0x8100];
	_ =	sdelay $0x4  }
0xf9: {  	v3 =	vadd.f32 v57, v3;
	_ =	sdelay $0x1  }
0xfa: {  	[tilespmem:s31+$0x100] =	vst v3;
	s31 =	sor.u32 $0x1C20, s0  }
0xfb: {  	v3 =	vld [tilespmem:s31+$0x100]  }
0xfc: {  	v58 =	vld [tilespmem:s31+$0x8100];
	_ =	sdelay $0x4  }
0xfd: {  	v3 =	vadd.f32 v58, v3;
	_ =	sdelay $0x1  }
0xfe: {  	[tilespmem:s31+$0x100] =	vst v3;
	s31 =	sor.u32 $0x1C30, s0  }
0xff: {  	v3 =	vld [tilespmem:s31+$0x100]  }
0x100: {  	v59 =	vld [tilespmem:s31+$0x8100];
	_ =	sdelay $0x4  }
0x101: {  	v3 =	vadd.f32 v59, v3;
	_ =	sdelay $0x1  }
0x102: {  	[tilespmem:s31+$0x100] =	vst v3;
	s31 =	sor.u32 $0x1C40, s0  }
0x103: {  	v3 =	vld [tilespmem:s31+$0x100]  }
0x104: {  	v60 =	vld [tilespmem:s31+$0x8100];
	_ =	sdelay $0x4  }
0x105: {  	v3 =	vadd.f32 v60, v3;
	_ =	sdelay $0x1  }
0x106: {  	[tilespmem:s31+$0x100] =	vst v3;
	s31 =	sor.u32 $0x1C50, s0  }
0x107: {  	v3 =	vld [tilespmem:s31+$0x100]  }
0x108: {  	v61 =	vld [tilespmem:s31+$0x8100];
	_ =	sdelay $0x4  }
0x109: {  	v3 =	vadd.f32 v61, v3;
	_ =	sdelay $0x1  }
0x10a: {  	[tilespmem:s31+$0x100] =	vst v3;
	s31 =	sor.u32 $0x1C60, s0  }
0x10b: {  	v3 =	vld [tilespmem:s31+$0x100]  }
0x10c: {  	v62 =	vld [tilespmem:s31+$0x8100];
	_ =	sdelay $0x4  }
0x10d: {  	v3 =	vadd.f32 v62, v3;
	_ =	sdelay $0x1  }
0x10e: {  	s0 =	sor.u32 $0x1C70, s0;
	[tilespmem:s31+$0x100] =	vst v3  }
0x10f: {  	v3 =	vld [tilespmem:s0+$0x100]  }
0x110: {  	v63 =	vld [tilespmem:s0+$0x8100];
	_ =	sdelay $0x1  }
0x111: {  	p0 =	sne.s32 s30, $0xF80  }
.Ltmp0:
0x112: {  	_ = 	snop;
	(pc) =	sbr.rel @p0 .LBB2_2-.Ltmp0, $4  }
0x113: {  	_ = 	snop  }
0x114: {  	v3 =	vadd.f32 v63, v3  }
0x115: {  	s28 =	sadd.s32 $0x1, s28  }
0x116: {  	s26 =	sadd.s32 $0x400, s26;
	s30 =	sadd.s32 $0x80, s30;
	s29 =	sadd.s32 $0x400, s29;
	[tilespmem:s0+$0x100] =	vst v3  }
0x117: {  	s26 =	simm.s32 $0x0;
	s0 =	rddreg [dreg:$0x5]  }
0x118: {  	[hbm4b:s0+s26] =	stream.linear.scatter [tilespmem:s16], [sflag:$0x2], $0x8000, $0x38;
	[tilespmem:$0x10100] =	vst v63  }
0x119: {  	_ =	swait.ge [sflag:s14], $0x8000  }
0x11a: {  	[sflag:s14] =	ssyncset.done $0x0  }
0x11b: {  	s4 =	rddreg [dreg:$0x6];
	[sflag:s14] =	ssyncadd.s32 $0xFFFF8000  }
0x11c: {  	[tilespmem:s26], [sflag:$0x2] =	stream.linear.gather [hbm4b:s4+s26], $0x20, $0x38;
	[tilespmem:$0x10100] =	vst v63  }
0x11d: {  	_ =	swait.ge [sflag:s14], $0x20  }
0x11e: {  	[sflag:s14] =	ssyncset.done $0x0  }
0x11f: {  	s4 =	simm.s32 $0x80;
	s31 =	rddreg [dreg:$0x7];
	[sflag:s14] =	ssyncadd.s32 $0xFFFFFFE0  }
0x120: {  	[tilespmem:s4], [sflag:$0x2] =	stream.linear.gather [hbm4b:s31+s26], $0x20, $0x38;
	[tilespmem:$0x10100] =	vst v63  }
0x121: {  	_ =	swait.ge [sflag:s14], $0x20  }
0x122: {  	[sflag:s14] =	ssyncset.done $0x0  }
0x123: {  	[sflag:s14] =	ssyncadd.s32 $0xFFFFFFE0  }
0x124: {  	v3 =	vld [tilespmem:$0x0];
	_ =	sdelay $0x4  }
0x125: {  	v4 =	vshll.u32 v3, $0x3  }
0x126: {  	v3 =	vand.u32 $0x7, v3;
	v4 =	vand.u32 $0xFFFFFFC0, v4  }
0x127: {  	v3 =	vor.u32 v3, v4  }
0x128: {  	v4 =	vperm.xlane v3, v0;
	_ =	sdelay $0x1  }
0x129: {  	v4 =	vadd.s32 v1, v4;
	_ =	sdelay $0x4  }
0x12a: {  	[tilespmem:s16], [sflag:$0x1] =	stream.indirect_vreg.gather [hbm4b:s3+s26], $0x80, v4, vm0, $0xb8;
	[tilespmem:$0x10100] =	vst v63  }
0x12b: {  	s4 =	simm.s32 $0x900;
	v3 =	vperm.xlane v3, v2  }
0x12c: {  	[tilespmem:s4], [sflag:$0x1] =	stream.indirect_vreg.gather [hbm4b:s6+s26], $0x80, v4, vm0, $0xb8;
	[tilespmem:$0x10100] =	vst v63  }
0x12d: {  	s31 =	simm.s32 $0x1100;
	v3 =	vadd.s32 v1, v3  }
0x12e: {  	[tilespmem:s31], [sflag:$0x1] =	stream.indirect_vreg.gather [hbm4b:s7+s26], $0x80, v4, vm0, $0xb8;
	[tilespmem:$0x10100] =	vst v63  }
0x12f: {  	s4 =	simm.s32 $0x1900  }
0x130: {  	[tilespmem:s4], [sflag:$0x1] =	stream.indirect_vreg.gather [hbm4b:s8+s26], $0x80, v4, vm0, $0xb8;
	[tilespmem:$0x10100] =	vst v63  }
0x131: {  	s31 =	simm.s32 $0x2100  }
0x132: {  	[tilespmem:s31], [sflag:$0x1] =	stream.indirect_vreg.gather [hbm4b:s3+s26], $0x80, v3, vm0, $0xb8;
	[tilespmem:$0x10100] =	vst v63  }
0x133: {  	s4 =	simm.s32 $0x2900  }
0x134: {  	[tilespmem:s4], [sflag:$0x1] =	stream.indirect_vreg.gather [hbm4b:s6+s26], $0x80, v3, vm0, $0xb8;
	[tilespmem:$0x10100] =	vst v63  }
0x135: {  	s31 =	simm.s32 $0x3100  }
0x136: {  	[tilespmem:s31], [sflag:$0x1] =	stream.indirect_vreg.gather [hbm4b:s7+s26], $0x80, v3, vm0, $0xb8;
	[tilespmem:$0x10100] =	vst v63  }
0x137: {  	s4 =	simm.s32 $0x3900  }
0x138: {  	[tilespmem:s4], [sflag:$0x1] =	stream.indirect_vreg.gather [hbm4b:s8+s26], $0x80, v3, vm0, $0xb8;
	[tilespmem:$0x10100] =	vst v63  }
0x139: {  	v3 =	vld [tilespmem:$0x10];
	_ =	sdelay $0x4  }
0x13a: {  	v61 =	vshll.u32 v3, $0x3  }
0x13b: {  	v3 =	vand.u32 $0x7, v3;
	v4 =	vand.u32 $0xFFFFFFC0, v61  }
0x13c: {  	v3 =	vor.u32 v3, v4  }
0x13d: {  	v4 =	vperm.xlane v3, v0;
	_ =	sdelay $0x1  }
0x13e: {  	v4 =	vadd.s32 v1, v4;
	_ =	sdelay $0x3  }
0x13f: {  	s31 =	simm.s32 $0x4100  }
0x140: {  	[tilespmem:s31], [sflag:$0x1] =	stream.indirect_vreg.gather [hbm4b:s3+s26], $0x80, v4, vm0, $0xb8;
	[tilespmem:$0x10100] =	vst v63  }
0x141: {  	s4 =	simm.s32 $0x4900;
	v3 =	vperm.xlane v3, v2  }
0x142: {  	[tilespmem:s4], [sflag:$0x1] =	stream.indirect_vreg.gather [hbm4b:s6+s26], $0x80, v4, vm0, $0xb8;
	[tilespmem:$0x10100] =	vst v63  }
0x143: {  	v3 =	vadd.s32 v1, v3;
	s31 =	simm.s32 $0x5100  }
0x144: {  	[tilespmem:s31], [sflag:$0x1] =	stream.indirect_vreg.gather [hbm4b:s7+s26], $0x80, v4, vm0, $0xb8;
	[tilespmem:$0x10100] =	vst v63  }
0x145: {  	s4 =	simm.s32 $0x5900  }
0x146: {  	[tilespmem:s4], [sflag:$0x1] =	stream.indirect_vreg.gather [hbm4b:s8+s26], $0x80, v4, vm0, $0xb8;
	[tilespmem:$0x10100] =	vst v63  }
0x147: {  	s31 =	simm.s32 $0x6100  }
0x148: {  	[tilespmem:s31], [sflag:$0x1] =	stream.indirect_vreg.gather [hbm4b:s3+s26], $0x80, v3, vm0, $0xb8;
	[tilespmem:$0x10100] =	vst v63  }
0x149: {  	s4 =	simm.s32 $0x6900  }
0x14a: {  	[tilespmem:s4], [sflag:$0x1] =	stream.indirect_vreg.gather [hbm4b:s6+s26], $0x80, v3, vm0, $0xb8;
	[tilespmem:$0x10100] =	vst v63  }
0x14b: {  	s31 =	simm.s32 $0x7100  }
0x14c: {  	[tilespmem:s31], [sflag:$0x1] =	stream.indirect_vreg.gather [hbm4b:s7+s26], $0x80, v3, vm0, $0xb8;
	[tilespmem:$0x10100] =	vst v63  }
0x14d: {  	s4 =	simm.s32 $0x7900  }
0x14e: {  	[tilespmem:s4], [sflag:$0x1] =	stream.indirect_vreg.gather [hbm4b:s8+s26], $0x80, v3, vm0, $0xb8;
	[tilespmem:$0x10100] =	vst v63  }
0x14f: {  	_ =	swait.ge [sflag:s1], $0x8000  }
0x150: {  	[sflag:s1] =	ssyncset.done $0x0  }
0x151: {  	[sflag:s1] =	ssyncadd.s32 $0xFFFF8000  }
0x152: {  	v3 =	vld [tilespmem:$0x80];
	_ =	sdelay $0x4  }
0x153: {  	v62 =	vshll.u32 v3, $0x3  }
0x154: {  	v3 =	vand.u32 $0x7, v3;
	v4 =	vand.u32 $0xFFFFFFC0, v62  }
0x155: {  	v3 =	vor.u32 v3, v4  }
0x156: {  	v4 =	vperm.xlane v3, v0;
	_ =	sdelay $0x1  }
0x157: {  	v4 =	vadd.s32 v1, v4;
	_ =	sdelay $0x3  }
0x158: {  	s31 =	simm.s32 $0x8100  }
0x159: {  	[tilespmem:s31], [sflag:$0x1] =	stream.indirect_vreg.gather [hbm4b:s3+s26], $0x80, v4, vm0, $0xb8;
	[tilespmem:$0x10100] =	vst v63  }
0x15a: {  	v3 =	vperm.xlane v3, v2  }
0x15b: {  	[tilespmem:s5], [sflag:$0x1] =	stream.indirect_vreg.gather [hbm4b:s6+s26], $0x80, v4, vm0, $0xb8;
	[tilespmem:$0x10100] =	vst v63  }
0x15c: {  	v3 =	vadd.s32 v1, v3  }
0x15d: {  	[tilespmem:s15], [sflag:$0x1] =	stream.indirect_vreg.gather [hbm4b:s7+s26], $0x80, v4, vm0, $0xb8;
	[tilespmem:$0x10100] =	vst v63  }
0x15e: {  	_ = 	snop  }
0x15f: {  	[tilespmem:s17], [sflag:$0x1] =	stream.indirect_vreg.gather [hbm4b:s8+s26], $0x80, v4, vm0, $0xb8;
	[tilespmem:$0x10100] =	vst v63  }
0x160: {  	_ = 	snop  }
0x161: {  	[tilespmem:s18], [sflag:$0x1] =	stream.indirect_vreg.gather [hbm4b:s3+s26], $0x80, v3, vm0, $0xb8;
	[tilespmem:$0x10100] =	vst v63  }
0x162: {  	_ = 	snop  }
0x163: {  	[tilespmem:s19], [sflag:$0x1] =	stream.indirect_vreg.gather [hbm4b:s6+s26], $0x80, v3, vm0, $0xb8;
	[tilespmem:$0x10100] =	vst v63  }
0x164: {  	_ = 	snop  }
0x165: {  	[tilespmem:s20], [sflag:$0x1] =	stream.indirect_vreg.gather [hbm4b:s7+s26], $0x80, v3, vm0, $0xb8;
	[tilespmem:$0x10100] =	vst v63  }
0x166: {  	_ = 	snop  }
0x167: {  	[tilespmem:s9], [sflag:$0x1] =	stream.indirect_vreg.gather [hbm4b:s8+s26], $0x80, v3, vm0, $0xb8;
	[tilespmem:$0x10100] =	vst v63  }
0x168: {  	v3 =	vld [tilespmem:$0x90];
	_ =	sdelay $0x4  }
0x169: {  	v63 =	vshll.u32 v3, $0x3  }
0x16a: {  	v3 =	vand.u32 $0x7, v3;
	v4 =	vand.u32 $0xFFFFFFC0, v63  }
0x16b: {  	v3 =	vor.u32 v3, v4  }
0x16c: {  	v4 =	vperm.xlane v3, v0;
	_ =	sdelay $0x1  }
0x16d: {  	v4 =	vadd.s32 v1, v4;
	_ =	sdelay $0x4  }
0x16e: {  	[tilespmem:s21], [sflag:$0x1] =	stream.indirect_vreg.gather [hbm4b:s3+s26], $0x80, v4, vm0, $0xb8;
	[tilespmem:$0x10100] =	vst v63  }
0x16f: {  	v3 =	vperm.xlane v3, v2  }
0x170: {  	[tilespmem:s10], [sflag:$0x1] =	stream.indirect_vreg.gather [hbm4b:s6+s26], $0x80, v4, vm0, $0xb8;
	[tilespmem:$0x10100] =	vst v63  }
0x171: {  	v3 =	vadd.s32 v1, v3  }
0x172: {  	[tilespmem:s22], [sflag:$0x1] =	stream.indirect_vreg.gather [hbm4b:s7+s26], $0x80, v4, vm0, $0xb8;
	[tilespmem:$0x10100] =	vst v63  }
0x173: {  	_ = 	snop  }
0x174: {  	[tilespmem:s23], [sflag:$0x1] =	stream.indirect_vreg.gather [hbm4b:s8+s26], $0x80, v4, vm0, $0xb8;
	[tilespmem:$0x10100] =	vst v63  }
0x175: {  	_ = 	snop  }
0x176: {  	[tilespmem:s11], [sflag:$0x1] =	stream.indirect_vreg.gather [hbm4b:s3+s26], $0x80, v3, vm0, $0xb8;
	[tilespmem:$0x10100] =	vst v63  }
0x177: {  	_ = 	snop  }
0x178: {  	[tilespmem:s24], [sflag:$0x1] =	stream.indirect_vreg.gather [hbm4b:s6+s26], $0x80, v3, vm0, $0xb8;
	[tilespmem:$0x10100] =	vst v63  }
0x179: {  	_ = 	snop  }
0x17a: {  	[tilespmem:s12], [sflag:$0x1] =	stream.indirect_vreg.gather [hbm4b:s7+s26], $0x80, v3, vm0, $0xb8;
	[tilespmem:$0x10100] =	vst v63  }
0x17b: {  	_ = 	snop  }
0x17c: {  	[tilespmem:s25], [sflag:$0x1] =	stream.indirect_vreg.gather [hbm4b:s8+s26], $0x80, v3, vm0, $0xb8;
	[tilespmem:$0x10100] =	vst v63  }
0x17d: {  	_ =	swait.ge [sflag:s1], $0x8000  }
0x17e: {  	s28 =	simm.s32 $0xFFFF8000;
	[sflag:s1] =	ssyncset.done $0x0  }
0x17f: {  	s29 =	simm.s32 $0x0;
	s30 =	simm.s32 $0x0;
	[sflag:s1] =	ssyncadd.s32 $0xFFFF8000  }
.LBB2_4:
0x180: {  	s0 =	sadd.s32 $0x8000, s28  }
0x181: {  	s4 =	sand.u32 $0x380, s30;
	s0 =	sand.u32 $0x6000, s0  }
0x182: {  	s31 =	sor.u32 s4, s0  }
0x183: {  	v3 =	vld [tilespmem:s31+$0x100]  }
0x184: {  	v4 =	vld [tilespmem:s31+$0x8100]  }
0x185: {  	v5 =	vld [tilespmem:s31+$0x110]  }
0x186: {  	v6 =	vld [tilespmem:s31+$0x8110]  }
0x187: {  	v7 =	vld [tilespmem:s31+$0x120]  }
0x188: {  	v8 =	vld [tilespmem:s31+$0x8120]  }
0x189: {  	v9 =	vld [tilespmem:s31+$0x130]  }
0x18a: {  	v10 =	vld [tilespmem:s31+$0x8130]  }
0x18b: {  	v11 =	vld [tilespmem:s31+$0x140]  }
0x18c: {  	v12 =	vld [tilespmem:s31+$0x8140]  }
0x18d: {  	v13 =	vld [tilespmem:s31+$0x150]  }
0x18e: {  	v14 =	vld [tilespmem:s31+$0x8150]  }
0x18f: {  	v15 =	vld [tilespmem:s31+$0x160]  }
0x190: {  	v16 =	vld [tilespmem:s31+$0x8160]  }
0x191: {  	v17 =	vld [tilespmem:s31+$0x170]  }
0x192: {  	v18 =	vld [tilespmem:s31+$0x8170]  }
0x193: {  	v19 =	vld [tilespmem:s31+$0x500]  }
0x194: {  	v20 =	vld [tilespmem:s31+$0x8500]  }
0x195: {  	v21 =	vld [tilespmem:s31+$0x510]  }
0x196: {  	v22 =	vld [tilespmem:s31+$0x8510]  }
0x197: {  	v23 =	vld [tilespmem:s31+$0x520]  }
0x198: {  	v24 =	vld [tilespmem:s31+$0x8520]  }
0x199: {  	v25 =	vld [tilespmem:s31+$0x530]  }
0x19a: {  	v26 =	vld [tilespmem:s31+$0x8530]  }
0x19b: {  	v27 =	vld [tilespmem:s31+$0x540]  }
0x19c: {  	v28 =	vld [tilespmem:s31+$0x8540]  }
0x19d: {  	v29 =	vld [tilespmem:s31+$0x550]  }
0x19e: {  	v30 =	vld [tilespmem:s31+$0x8550]  }
0x19f: {  	v31 =	vld [tilespmem:s31+$0x560]  }
0x1a0: {  	v32 =	vld [tilespmem:s31+$0x8560]  }
0x1a1: {  	v33 =	vld [tilespmem:s31+$0x570]  }
0x1a2: {  	v34 =	vld [tilespmem:s31+$0x8570]  }
0x1a3: {  	v35 =	vld [tilespmem:s31+$0x900]  }
0x1a4: {  	v36 =	vld [tilespmem:s31+$0x8900]  }
0x1a5: {  	v37 =	vld [tilespmem:s31+$0x910]  }
0x1a6: {  	v38 =	vld [tilespmem:s31+$0x8910]  }
0x1a7: {  	v39 =	vld [tilespmem:s31+$0x920]  }
0x1a8: {  	v40 =	vld [tilespmem:s31+$0x8920]  }
0x1a9: {  	v41 =	vld [tilespmem:s31+$0x930]  }
0x1aa: {  	v42 =	vld [tilespmem:s31+$0x8930]  }
0x1ab: {  	v43 =	vld [tilespmem:s31+$0x940]  }
0x1ac: {  	v44 =	vld [tilespmem:s31+$0x8940]  }
0x1ad: {  	v45 =	vld [tilespmem:s31+$0x950]  }
0x1ae: {  	v46 =	vld [tilespmem:s31+$0x8950]  }
0x1af: {  	v47 =	vld [tilespmem:s31+$0x960]  }
0x1b0: {  	v48 =	vld [tilespmem:s31+$0x8960]  }
0x1b1: {  	v49 =	vld [tilespmem:s31+$0x970]  }
0x1b2: {  	v50 =	vld [tilespmem:s31+$0x8970]  }
0x1b3: {  	v51 =	vld [tilespmem:s31+$0xD00]  }
0x1b4: {  	v52 =	vld [tilespmem:s31+$0x8D00]  }
0x1b5: {  	v53 =	vld [tilespmem:s31+$0xD10]  }
0x1b6: {  	v54 =	vld [tilespmem:s31+$0x8D10]  }
0x1b7: {  	v55 =	vld [tilespmem:s31+$0xD20]  }
0x1b8: {  	v56 =	vld [tilespmem:s31+$0x8D20]  }
0x1b9: {  	v57 =	vld [tilespmem:s31+$0xD30]  }
0x1ba: {  	v58 =	vld [tilespmem:s31+$0x8D30]  }
0x1bb: {  	v59 =	vld [tilespmem:s31+$0xD40]  }
0x1bc: {  	v60 =	vld [tilespmem:s31+$0x8D40]  }
0x1bd: {  	v61 =	vld [tilespmem:s31+$0xD50]  }
0x1be: {  	v62 =	vld [tilespmem:s31+$0x8D50]  }
0x1bf: {  	v63 =	vld [tilespmem:s31+$0xD60]  }
0x1c0: {  	v3 =	vadd.f32 v4, v3;
	v4 =	vld [tilespmem:s31+$0x8D60]  }
0x1c1: {  	v5 =	vadd.f32 v6, v5;
	v6 =	vld [tilespmem:s31+$0xD70]  }
0x1c2: {  	v14 =	vadd.f32 v14, v13;
	v13 =	vld [tilespmem:s31+$0x9120];
	[tilespmem:s31+$0x100] =	vst v3;
	v3 =	vadd.f32 v8, v7  }
0x1c3: {  	v18 =	vadd.f32 v18, v17;
	v17 =	vld [tilespmem:s31+$0x9140];
	[tilespmem:s31+$0x110] =	vst v5  }
0x1c4: {  	v22 =	vadd.f32 v22, v21;
	v21 =	vld [tilespmem:s31+$0x9160];
	[tilespmem:s31+$0x120] =	vst v3;
	v3 =	vadd.f32 v12, v11  }
0x1c5: {  	v7 =	vld [tilespmem:s31+$0x8D70];
	[tilespmem:s31+$0x150] =	vst v14  }
0x1c6: {  	v8 =	vld [tilespmem:s31+$0x1100];
	[tilespmem:s31+$0x140] =	vst v3;
	v3 =	vadd.f32 v16, v15  }
0x1c7: {  	v5 =	vadd.f32 v10, v9;
	v9 =	vld [tilespmem:s31+$0x9100];
	[tilespmem:s31+$0x170] =	vst v18  }
0x1c8: {  	v10 =	vld [tilespmem:s31+$0x1110];
	[tilespmem:s31+$0x160] =	vst v3;
	v3 =	vadd.f32 v20, v19  }
0x1c9: {  	v26 =	vadd.f32 v26, v25;
	v14 =	vld [tilespmem:s31+$0x1130];
	[tilespmem:s31+$0x510] =	vst v22  }
0x1ca: {  	v18 =	vld [tilespmem:s31+$0x1150];
	[tilespmem:s31+$0x500] =	vst v3;
	v3 =	vadd.f32 v24, v23  }
0x1cb: {  	v30 =	vadd.f32 v30, v29;
	[tilespmem:s31+$0x530] =	vst v26;
	v22 =	vld [tilespmem:s31+$0x1170]  }
0x1cc: {  	v19 =	vld [tilespmem:s31+$0x9150];
	[tilespmem:s31+$0x520] =	vst v3;
	v3 =	vadd.f32 v28, v27  }
0x1cd: {  	v34 =	vadd.f32 v34, v33;
	[tilespmem:s31+$0x550] =	vst v30;
	v11 =	vld [tilespmem:s31+$0x9110]  }
0x1ce: {  	v12 =	vld [tilespmem:s31+$0x1120];
	[tilespmem:s31+$0x540] =	vst v3;
	v3 =	vadd.f32 v32, v31  }
0x1cf: {  	[tilespmem:s31+$0x570] =	vst v34;
	v15 =	vld [tilespmem:s31+$0x9130]  }
0x1d0: {  	v16 =	vld [tilespmem:s31+$0x1140];
	[tilespmem:s31+$0x560] =	vst v3;
	v3 =	vadd.f32 v36, v35  }
0x1d1: {  	[tilespmem:s31+$0x130] =	vst v5;
	v20 =	vld [tilespmem:s31+$0x1160];
	v19 =	vadd.f32 v19, v18  }
0x1d2: {  	v24 =	vld [tilespmem:s31+$0x1500];
	[tilespmem:s31+$0x900] =	vst v3;
	v3 =	vadd.f32 v40, v39  }
0x1d3: {  	[tilespmem:s31+$0x1150] =	vst v19;
	v36 =	vadd.f32 v38, v37;
	v37 =	vld [tilespmem:s31+$0x9170]  }
0x1d4: {  	v38 =	vadd.f32 v42, v41;
	v41 =	vld [tilespmem:s31+$0x1510];
	[tilespmem:s31+$0x920] =	vst v3;
	v3 =	vadd.f32 v44, v43  }
0x1d5: {  	v42 =	vld [tilespmem:s31+$0x9510];
	[tilespmem:s31+$0x910] =	vst v36  }
0x1d6: {  	v35 =	vld [tilespmem:s31+$0x1910];
	[tilespmem:s31+$0x940] =	vst v3;
	v3 =	vadd.f32 v48, v47  }
0x1d7: {  	v39 =	vld [tilespmem:s31+$0x9500];
	[tilespmem:s31+$0x930] =	vst v38;
	v40 =	vadd.f32 v46, v45  }
0x1d8: {  	v45 =	vld [tilespmem:s31+$0x9520];
	[tilespmem:s31+$0x960] =	vst v3;
	v3 =	vadd.f32 v52, v51  }
0x1d9: {  	v46 =	vadd.f32 v54, v53;
	v53 =	vld [tilespmem:s31+$0x1550];
	[tilespmem:s31+$0x950] =	vst v40  }
0x1da: {  	v54 =	vld [tilespmem:s31+$0x9550];
	[tilespmem:s31+$0xD00] =	vst v3;
	v3 =	vadd.f32 v56, v55  }
0x1db: {  	v36 =	vld [tilespmem:s31+$0x9910];
	v43 =	vadd.f32 v50, v49;
	[tilespmem:s31+$0xD10] =	vst v46  }
0x1dc: {  	v38 =	vld [tilespmem:s31+$0x1920];
	[tilespmem:s31+$0xD20] =	vst v3;
	v3 =	vadd.f32 v60, v59  }
0x1dd: {  	v44 =	vld [tilespmem:s31+$0x1520];
	v49 =	vadd.f32 v58, v57;
	[tilespmem:s31+$0x970] =	vst v43  }
0x1de: {  	v50 =	vld [tilespmem:s31+$0x1540];
	[tilespmem:s31+$0xD40] =	vst v3;
	v3 =	vadd.f32 v4, v63  }
0x1df: {  	v57 =	vld [tilespmem:s31+$0x9560];
	v58 =	vadd.f32 v11, v10;
	[tilespmem:s31+$0xD30] =	vst v49  }
0x1e0: {  	v46 =	vld [tilespmem:s31+$0x9950];
	[tilespmem:s31+$0xD60] =	vst v3;
	v3 =	vadd.f32 v9, v8  }
0x1e1: {  	v37 =	vadd.f32 v37, v22;
	v40 =	vadd.f32 v42, v41;
	v41 =	vld [tilespmem:s31+$0x1930];
	[tilespmem:s31+$0x1110] =	vst v58  }
0x1e2: {  	v42 =	vld [tilespmem:s31+$0x9930];
	[tilespmem:s31+$0x1100] =	vst v3;
	v3 =	vadd.f32 v13, v12  }
0x1e3: {  	v47 =	vld [tilespmem:s31+$0x1530];
	[tilespmem:s31+$0x1170] =	vst v37  }
0x1e4: {  	v48 =	vld [tilespmem:s31+$0x9530];
	[tilespmem:s31+$0x1120] =	vst v3;
	v3 =	vadd.f32 v17, v16  }
0x1e5: {  	v49 =	vld [tilespmem:s31+$0x9960];
	[tilespmem:s31+$0x1510] =	vst v40;
	v52 =	vadd.f32 v62, v61  }
0x1e6: {  	v51 =	vld [tilespmem:s31+$0x9540];
	[tilespmem:s31+$0x1140] =	vst v3;
	v3 =	vadd.f32 v21, v20  }
0x1e7: {  	v61 =	vadd.f32 v15, v14;
	v62 =	vld [tilespmem:s31+$0x1900];
	[tilespmem:s31+$0xD50] =	vst v52  }
0x1e8: {  	v56 =	vld [tilespmem:s31+$0x1560];
	[tilespmem:s31+$0x1160] =	vst v3;
	v3 =	vadd.f32 v39, v24  }
0x1e9: {  	v55 =	vadd.f32 v7, v6;
	[tilespmem:s31+$0x1130] =	vst v61;
	v52 =	vld [tilespmem:s31+$0x9970]  }
0x1ea: {  	v43 =	vadd.f32 v48, v47;
	v47 =	vld [tilespmem:s31+$0x1960];
	[tilespmem:s31+$0x1500] =	vst v3;
	v3 =	vadd.f32 v45, v44  }
0x1eb: {  	[tilespmem:s31+$0xD70] =	vst v55;
	v63 =	vld [tilespmem:s31+$0x9900]  }
0x1ec: {  	v59 =	vld [tilespmem:s31+$0x1570];
	[tilespmem:s31+$0x1520] =	vst v3;
	v3 =	vadd.f32 v51, v50  }
0x1ed: {  	[tilespmem:s31+$0x1530] =	vst v43;
	v4 =	vadd.f32 v54, v53;
	v39 =	vld [tilespmem:s31+$0x9920]  }
0x1ee: {  	v60 =	vld [tilespmem:s31+$0x9570];
	[tilespmem:s31+$0x1540] =	vst v3;
	v3 =	vadd.f32 v57, v56  }
0x1ef: {  	v54 =	vadd.f32 v42, v41;
	[tilespmem:s31+$0x1550] =	vst v4;
	v45 =	vld [tilespmem:s31+$0x1950]  }
0x1f0: {  	v53 =	vld [tilespmem:s31+$0x9940];
	[tilespmem:s31+$0x1560] =	vst v3;
	v3 =	vadd.f32 v63, v62  }
0x1f1: {  	[tilespmem:s31+$0x1930] =	vst v54;
	v55 =	vadd.f32 v49, v47;
	v50 =	vld [tilespmem:s31+$0x1970]  }
0x1f2: {  	v44 =	vld [tilespmem:s31+$0x1940];
	[tilespmem:s31+$0x1900] =	vst v3;
	v3 =	vadd.f32 v39, v38  }
0x1f3: {  	v48 =	vadd.f32 v60, v59;
	[tilespmem:s31+$0x1960] =	vst v55  }
0x1f4: {  	[tilespmem:s31+$0x1920] =	vst v3;
	v3 =	vadd.f32 v46, v45  }
0x1f5: {  	s4 =	sand.u32 $0x7, s26;
	[tilespmem:s31+$0x1570] =	vst v48;
	v51 =	vadd.f32 v36, v35  }
0x1f6: {  	s0 =	sshll.u32 s4, $0x7;
	[tilespmem:s31+$0x1950] =	vst v3;
	v3 =	vadd.f32 v52, v50  }
0x1f7: {  	s0 =	sadd.s32 s0, s29;
	[tilespmem:s31+$0x1910] =	vst v51;
	v56 =	vadd.f32 v53, v44  }
0x1f8: {  	s4 =	sor.u32 $0x1C00, s0;
	[tilespmem:s31+$0x1970] =	vst v3  }
0x1f9: {  	[tilespmem:s31+$0x1940] =	vst v56;
	v3 =	vld [tilespmem:s4+$0x100]  }
0x1fa: {  	v4 =	vld [tilespmem:s4+$0x8100];
	_ =	sdelay $0x4  }
0x1fb: {  	v3 =	vadd.f32 v4, v3;
	_ =	sdelay $0x1  }
0x1fc: {  	s31 =	sor.u32 $0x1C10, s0;
	[tilespmem:s4+$0x100] =	vst v3  }
0x1fd: {  	v3 =	vld [tilespmem:s31+$0x100]  }
0x1fe: {  	v57 =	vld [tilespmem:s31+$0x8100];
	_ =	sdelay $0x4  }
0x1ff: {  	v3 =	vadd.f32 v57, v3;
	_ =	sdelay $0x1  }
0x200: {  	[tilespmem:s31+$0x100] =	vst v3;
	s31 =	sor.u32 $0x1C20, s0  }
0x201: {  	v3 =	vld [tilespmem:s31+$0x100]  }
0x202: {  	v58 =	vld [tilespmem:s31+$0x8100];
	_ =	sdelay $0x4  }
0x203: {  	v3 =	vadd.f32 v58, v3;
	_ =	sdelay $0x1  }
0x204: {  	[tilespmem:s31+$0x100] =	vst v3;
	s31 =	sor.u32 $0x1C30, s0  }
0x205: {  	v3 =	vld [tilespmem:s31+$0x100]  }
0x206: {  	v59 =	vld [tilespmem:s31+$0x8100];
	_ =	sdelay $0x4  }
0x207: {  	v3 =	vadd.f32 v59, v3;
	_ =	sdelay $0x1  }
0x208: {  	[tilespmem:s31+$0x100] =	vst v3;
	s31 =	sor.u32 $0x1C40, s0  }
0x209: {  	v3 =	vld [tilespmem:s31+$0x100]  }
0x20a: {  	v60 =	vld [tilespmem:s31+$0x8100];
	_ =	sdelay $0x4  }
0x20b: {  	v3 =	vadd.f32 v60, v3;
	_ =	sdelay $0x1  }
0x20c: {  	[tilespmem:s31+$0x100] =	vst v3;
	s31 =	sor.u32 $0x1C50, s0  }
0x20d: {  	v3 =	vld [tilespmem:s31+$0x100]  }
0x20e: {  	v61 =	vld [tilespmem:s31+$0x8100];
	_ =	sdelay $0x4  }
0x20f: {  	v3 =	vadd.f32 v61, v3;
	_ =	sdelay $0x1  }
0x210: {  	[tilespmem:s31+$0x100] =	vst v3;
	s31 =	sor.u32 $0x1C60, s0  }
0x211: {  	v3 =	vld [tilespmem:s31+$0x100]  }
0x212: {  	v62 =	vld [tilespmem:s31+$0x8100];
	_ =	sdelay $0x4  }
0x213: {  	v3 =	vadd.f32 v62, v3;
	_ =	sdelay $0x1  }
0x214: {  	s0 =	sor.u32 $0x1C70, s0;
	[tilespmem:s31+$0x100] =	vst v3  }
0x215: {  	v3 =	vld [tilespmem:s0+$0x100]  }
0x216: {  	v63 =	vld [tilespmem:s0+$0x8100];
	_ =	sdelay $0x1  }
0x217: {  	p0 =	sne.s32 s30, $0xF80  }
.Ltmp1:
0x218: {  	_ = 	snop;
	(pc) =	sbr.rel @p0 .LBB2_4-.Ltmp1, $4  }
0x219: {  	_ = 	snop  }
0x21a: {  	v3 =	vadd.f32 v63, v3  }
0x21b: {  	s28 =	sadd.s32 $0x400, s28  }
0x21c: {  	s30 =	sadd.s32 $0x80, s30;
	s26 =	sadd.s32 $0x1, s26;
	s29 =	sadd.s32 $0x400, s29;
	[tilespmem:s0+$0x100] =	vst v3  }
0x21d: {  	s0 =	rddreg [dreg:$0x8]  }
0x21e: {  	[hbm4b:s0+s2] =	stream.linear.scatter [tilespmem:s16], [sflag:$0x2], $0x8000, $0x38;
	[tilespmem:$0x10100] =	vst v63  }
0x21f: {  	_ =	swait.ge [sflag:s14], $0x8000  }
0x220: {  	s13 =	sadd.s32 $0x1, s13;
	s31 =	rddreg [dreg:$0x9]  }
0x221: {  	p0 =	sne.s32 s13, s31  }
.Ltmp2:
0x222: {  	_ = 	snop;
	(pc) =	sbr.rel @p0 .LBB2_1-.Ltmp2, $3  }
0x223: {  	_ =	sdelay $0x1  }
0x224: {  	[sflag:s14] =	ssyncset.done $0x0  }
0x225: {  	[sflag:s14] =	ssyncadd.s32 $0xFFFF8000  }
0x226: {  	_ =	sfence.sel $0x180000  }
0x227: {  	[bflag:$0x0] =	sbarrier.arrive $0xFFFF  }
0x228: {  	_ =	strace $0x9000004A  }
0x229: {  	s0 =	stileid.u32;
	[bflag:$0x2] =	sbarrier.arrive $0xFFFF  }
0x22a: {  	p0 =	sne.s32 s0, $0x0;
	s0 =	rddreg [dreg:$0x2]  }
0x22b: {  	s0 =	sadd.s32 @!p0 $0x100000, s0  }
0x22c: {  	[sflag:s0] =	ssyncadd.tile.s32 @!p0 $0x1;
	_ =	shalt  }
.Lfunc_end2:
_tile_overlayer_lowered:
.L_overlay_start_2:
0x22d: {  	(tag) =	ssettag $0x2  }
0x22e: {  	s0 =	rddreg [dreg:$0x0];
	s2 =	stileid.u32  }
0x22f: {  	s1 =	rddreg [dreg:$0x1];
	p0 =	sne.s32 s2, $0x0  }
0x230: {  	s3 =	rddreg [dreg:$0x2];
	[bflag:$0x3] =	sbarrier.arrive $0xFFFF;
	s2 =	simm.s32 @!p0 $0x1C02  }
0x231: {  	[timem:s3], [sflag:s2] =	dma.local @!p0 [hbm:s0], s1  }
0x232: {  	s0 =	simm.s32 @!p0 $0x2  }
0x233: {  	_ =	swait.ge @!p0 [sflag:s0], s1  }
0x234: {  	s1 =	ssub.s32 @!p0 $0x0, s1;
	[sflag:s0] =	ssyncset.done @!p0 $0x0  }
0x235: {  	[sflag:s0] =	ssyncadd.s32 @!p0 s1  }
0x236: {  	[bflag:$0x3] =	sbarrier.arrive $0xFFFF  }
0x237: {  	_ =	shalt  }

</sc_bundles>
